<compile_context>
chip_gen: v7x
topology: tpu7x:2x2x1
jax: 0.10.2.dev20260603
libtpu: 0.0.44.dev20260713+nightly
codegen_flags: <defaults>
</compile_context>

<pallas_src>
import functools

import jax
import jax.numpy as jnp
from jax import lax
from jax.experimental import pallas as pl
from jax.experimental.pallas import tpu as pltpu
from jax.experimental.pallas import tpu_sc as plsc

N = 10000
E = 320000
EMB = 128
R = 8
HID = 64
LAB = 16

NC = 2
NS = 16
NW = NC * NS
CH = 256
NCHUNK = 40
PW = NCHUNK * CH
E_PAD = PW * NW
S = R * N
S_PAD = 80128
SEG_DUMMY = S
N_PAD = 10112
ROWS_PT = N_PAD // NS

@functools.lru_cache(maxsize=None)
def _sc_mesh():
  return plsc.VectorSubcoreMesh(core_axis_name="c", subcore_axis_name="s",
                                num_cores=NC, num_subcores=NS)


def _worker(cid, sid):
  return sid * NC + cid


def _attn_tables_body(emb_ref, wvT_ref, bv_ref, owT_ref, bo_ref, w1_ref,
                      root1_ref, b1_ref, tab_ref, xroot_ref):
  x = emb_ref[0]
  v = jnp.dot(x, wvT_ref[...], preferred_element_type=jnp.float32) + bv_ref[...]
  xa = jnp.dot(v, owT_ref[...], preferred_element_type=jnp.float32) + bo_ref[...]
  for r in range(R):
    tab_ref[r] = jnp.dot(xa, w1_ref[r], preferred_element_type=jnp.float32)
  xroot_ref[...] = (
      jnp.dot(xa, root1_ref[...], preferred_element_type=jnp.float32)
      + b1_ref[...])


def _attn_tables(emb, wvT, bv, owT, bo, w1, root1, b1, interpret=False):
  blk = 1000
  grid = N // blk
  return pl.pallas_call(
      _attn_tables_body,
      grid=(grid,),
      in_specs=[
          pl.BlockSpec((1, blk, EMB), lambda i: (0, i, 0)),
          pl.BlockSpec((EMB, EMB), lambda i: (0, 0)),
          pl.BlockSpec((1, EMB), lambda i: (0, 0)),
          pl.BlockSpec((EMB, EMB), lambda i: (0, 0)),
          pl.BlockSpec((1, EMB), lambda i: (0, 0)),
          pl.BlockSpec((R, EMB, HID), lambda i: (0, 0, 0)),
          pl.BlockSpec((EMB, HID), lambda i: (0, 0)),
          pl.BlockSpec((1, HID), lambda i: (0, 0)),
      ],
      out_specs=[
          pl.BlockSpec((R, blk, HID), lambda i: (0, i, 0)),
          pl.BlockSpec((blk, HID), lambda i: (i, 0)),
      ],
      out_shape=[
          jax.ShapeDtypeStruct((R, N, HID), jnp.float32),
          jax.ShapeDtypeStruct((N, HID), jnp.float32),
      ],
      interpret=interpret,
  )(emb, wvT, bv, owT, bo, w1, root1, b1)


def _layer2_tables_body(p_ref, xroot_ref, w2_ref, root2_ref, b2_ref,
                        tab_ref, hroot_ref):
  h = jnp.maximum(p_ref[0] + p_ref[1] + xroot_ref[...], 0.0)
  for r in range(R):
    tab_ref[r] = jnp.dot(h, w2_ref[r], preferred_element_type=jnp.float32)
  hroot_ref[...] = (
      jnp.dot(h, root2_ref[...], preferred_element_type=jnp.float32)
      + b2_ref[...])


def _layer2_tables(partials, xroot1, w2, root2, b2, interpret=False):
  blk = 1000
  grid = N // blk
  return pl.pallas_call(
      _layer2_tables_body,
      grid=(grid,),
      in_specs=[
          pl.BlockSpec((2, blk, HID), lambda i: (0, i, 0)),
          pl.BlockSpec((blk, HID), lambda i: (i, 0)),
          pl.BlockSpec((R, HID, LAB), lambda i: (0, 0, 0)),
          pl.BlockSpec((HID, LAB), lambda i: (0, 0)),
          pl.BlockSpec((1, LAB), lambda i: (0, 0)),
      ],
      out_specs=[
          pl.BlockSpec((R, blk, LAB), lambda i: (0, i, 0)),
          pl.BlockSpec((blk, LAB), lambda i: (i, 0)),
      ],
      out_shape=[
          jax.ShapeDtypeStruct((R, N, LAB), jnp.float32),
          jax.ShapeDtypeStruct((N, LAB), jnp.float32),
      ],
      interpret=interpret,
  )(partials, xroot1, w2, root2, b2)


def _final_body(q_ref, hroot_ref, out_ref):
  out_ref[...] = jnp.maximum(q_ref[0] + q_ref[1] + hroot_ref[...], 0.0)


def _final(partials, hroot2, interpret=False):
  return pl.pallas_call(
      _final_body,
      out_shape=jax.ShapeDtypeStruct((N, LAB), jnp.float32),
      interpret=interpret,
  )(partials, hroot2)


EPT = E_PAD // NS
NCHB = EPT // CH


def _counts_body(seg_hbm, out_hbm, cnt_sh, zbuf, segL, segv, obuf, sem):
  cid = lax.axis_index("c")
  sid = lax.axis_index("s")
  base = sid * EPT

  seg_cp = pltpu.async_copy(seg_hbm.at[pl.ds(base, EPT)], segL, sem)

  zpt = S_PAD // NS
  zeros16 = jnp.zeros((16,), jnp.float32)

  def zinit(i, _):
    zbuf[pl.ds(i * 16, 16)] = zeros16
    return 0
  lax.fori_loop(0, zpt // 16, zinit, 0)
  pltpu.sync_copy(zbuf, cnt_sh.at[pl.ds(sid * zpt, zpt)])

  ones16 = jnp.ones((16,), jnp.float32)
  for k in range(CH // 16):
    obuf[pl.ds(k * 16, 16)] = ones16

  seg_cp.wait()
  plsc.subcore_barrier()

  def step(j, _):
    for k in range(CH // 16):
      segv[pl.ds(k * 16, 16)] = segL[pl.ds(j * CH + k * 16, 16)]
    pltpu.sync_copy(obuf, cnt_sh.at[segv], add=True)
    return 0
  lax.fori_loop(0, NCHB, step, 0)

  plsc.subcore_barrier()

  @pl.when(cid == 0)
  def _():
    pltpu.sync_copy(cnt_sh.at[pl.ds(sid * zpt, zpt)], zbuf)
    pltpu.sync_copy(zbuf, out_hbm.at[pl.ds(sid * zpt, zpt)])


def _counts(seg, interpret=False):
  return pl.kernel(
      _counts_body,
      out_type=jax.ShapeDtypeStruct((S_PAD,), jnp.float32),
      mesh=_sc_mesh(),
      scratch_types=[
          pltpu.VMEM_SHARED((S_PAD,), jnp.float32),
          pltpu.VMEM((S_PAD // NS,), jnp.float32),
          pltpu.VMEM((EPT,), jnp.int32),
          pltpu.VMEM((CH,), jnp.int32),
          pltpu.VMEM((CH,), jnp.float32),
          pltpu.SemaphoreType.DMA,
      ],
      interpret=interpret,
  )(seg)


def _edge1_body(tab_hbm, gix_hbm, dst_hbm, seg_hbm, cnt_hbm,
                out_hbm, inv_hbm, agg_sh, gixL, dstL, segL, invL,
                dstv, rowsa, rowsb, cnta, cntb, semi, sema, semb):
  cid = lax.axis_index("c")
  sid = lax.axis_index("s")
  base = _worker(cid, sid) * PW
  one16 = jnp.full((16,), 1.0, jnp.float32)

  g_cp = pltpu.async_copy(gix_hbm.at[pl.ds(base, PW)], gixL, semi)
  d_cp = pltpu.async_copy(dst_hbm.at[pl.ds(base, PW)], dstL, semi)
  s_cp = pltpu.async_copy(seg_hbm.at[pl.ds(base, PW)], segL, semi)

  zeros16 = jnp.zeros((16,), jnp.float32)
  ngrp = HID // 16

  def zinit(i, _):
    for k in range(ngrp):
      rowsa[i, pl.ds(k * 16, 16)] = zeros16
    return 0
  lax.fori_loop(0, CH, zinit, 0)
  for r in range((ROWS_PT + CH - 1) // CH):
    rn = min(CH, ROWS_PT - r * CH)
    pltpu.sync_copy(rowsa.at[pl.ds(0, rn), :],
                    agg_sh.at[pl.ds(sid * ROWS_PT + r * CH, rn), :])

  g_cp.wait()
  d_cp.wait()
  s_cp.wait()

  def gref(j):
    return tab_hbm.at[gixL.at[pl.ds(j * CH, CH)]]

  def sref(j):
    return segL.at[pl.ds(j * CH, CH)]

  def issue(j, rows, cx, sem):
    pltpu.async_copy(gref(j), rows, sem)
    pltpu.async_copy(cnt_hbm.at[sref(j)], cx, sem)

  def drain(j, rows, cx, sem):
    pltpu.make_async_copy(gref(j), rows, sem).wait()
    pltpu.make_async_copy(cnt_hbm.at[sref(j)], cx, sem).wait()

  issue(0, rowsa, cnta, sema)

  plsc.subcore_barrier()

  def process(j, rows, cx):
    for k in range(CH // 16):
      dstv[pl.ds(k * 16, 16)] = dstL[pl.ds(j * CH + k * 16, 16)]

    def scale(g, _):
      sl = pl.ds(g * 16, 16)
      inv16 = one16 / jnp.maximum(cx[sl], one16)
      invL[pl.ds(j * CH + g * 16, 16)] = inv16
      for l in range(16):
        i = g * 16 + l
        s = inv16[l]
        for k in range(ngrp):
          kl = pl.ds(k * 16, 16)
          rows[i, kl] = rows[i, kl] * s
      return 0
    lax.fori_loop(0, CH // 16, scale, 0)

    pltpu.sync_copy(rows, agg_sh.at[dstv], add=True)

  def step(i, _):
    j0 = 2 * i
    j1 = j0 + 1
    jn = jnp.minimum(j0 + 2, NCHUNK - 1)
    issue(j1, rowsb, cntb, semb)
    drain(j0, rowsa, cnta, sema)
    process(j0, rowsa, cnta)
    issue(jn, rowsa, cnta, sema)
    drain(j1, rowsb, cntb, semb)
    process(j1, rowsb, cntb)
    return 0
  lax.fori_loop(0, NCHUNK // 2, step, 0)

  drain(NCHUNK - 1, rowsa, cnta, sema)

  pltpu.sync_copy(invL, inv_hbm.at[pl.ds(base, PW)])

  plsc.subcore_barrier()
  for r in range((ROWS_PT + CH - 1) // CH):
    rn = min(CH, ROWS_PT - r * CH)
    pltpu.sync_copy(agg_sh.at[pl.ds(sid * ROWS_PT + r * CH, rn), :],
                    rowsa.at[pl.ds(0, rn), :])
    pltpu.sync_copy(rowsa.at[pl.ds(0, rn), :],
                    out_hbm.at[cid, pl.ds(sid * ROWS_PT + r * CH, rn), :])


def _edge_pass1(table, gix, dst, seg, cnt, interpret=False):
  return pl.kernel(
      _edge1_body,
      out_type=[
          jax.ShapeDtypeStruct((NC, N_PAD, HID), jnp.float32),
          jax.ShapeDtypeStruct((E_PAD,), jnp.float32),
      ],
      mesh=_sc_mesh(),
      compiler_params=pltpu.CompilerParams(use_tc_tiling_on_sc=False),
      scratch_types=[
          pltpu.VMEM_SHARED((N_PAD, HID), jnp.float32),
          pltpu.VMEM((PW,), jnp.int32),
          pltpu.VMEM((PW,), jnp.int32),
          pltpu.VMEM((PW,), jnp.int32),
          pltpu.VMEM((PW,), jnp.float32),
          pltpu.VMEM((CH,), jnp.int32),
          pltpu.VMEM((CH, HID), jnp.float32),
          pltpu.VMEM((CH, HID), jnp.float32),
          pltpu.VMEM((CH,), jnp.float32),
          pltpu.VMEM((CH,), jnp.float32),
          pltpu.SemaphoreType.DMA,
          pltpu.SemaphoreType.DMA,
          pltpu.SemaphoreType.DMA,
      ],
      interpret=interpret,
  )(table, gix, dst, seg, cnt)


def _edge_pass_body(dout, tab_hbm, gix_hbm, dst_hbm, inv_hbm, out_hbm,
                    agg_sh, zbuf, gixL, dstL, invL, dstv, rowsa, rowsb,
                    semi, sema, semb):
  cid = lax.axis_index("c")
  sid = lax.axis_index("s")
  base = _worker(cid, sid) * PW

  g_cp = pltpu.async_copy(gix_hbm.at[pl.ds(base, PW)], gixL, semi)
  d_cp = pltpu.async_copy(dst_hbm.at[pl.ds(base, PW)], dstL, semi)
  i_cp = pltpu.async_copy(inv_hbm.at[pl.ds(base, PW)], invL, semi)

  zeros16 = jnp.zeros((16,), jnp.float32)
  ngrp = dout // 16

  def zinit(i, _):
    for k in range(ngrp):
      zbuf[i, pl.ds(k * 16, 16)] = zeros16
    return 0
  lax.fori_loop(0, ROWS_PT, zinit, 0)
  pltpu.sync_copy(zbuf, agg_sh.at[pl.ds(sid * ROWS_PT, ROWS_PT), :])

  g_cp.wait()
  d_cp.wait()
  i_cp.wait()

  def gref(j):
    return tab_hbm.at[gixL.at[pl.ds(j * CH, CH)]]

  pltpu.async_copy(gref(0), rowsa, sema)

  plsc.subcore_barrier()

  def process(j, rows):
    for k in range(CH // 16):
      dstv[pl.ds(k * 16, 16)] = dstL[pl.ds(j * CH + k * 16, 16)]

    def scale(g, _):
      inv16 = invL[pl.ds(j * CH + g * 16, 16)]
      for l in range(16):
        i = g * 16 + l
        s = inv16[l]
        for k in range(ngrp):
          sl = pl.ds(k * 16, 16)
          rows[i, sl] = rows[i, sl] * s
      return 0
    lax.fori_loop(0, CH // 16, scale, 0)

    pltpu.sync_copy(rows, agg_sh.at[dstv], add=True)

  def step(i, _):
    j0 = 2 * i
    j1 = j0 + 1
    jn = jnp.minimum(j0 + 2, NCHUNK - 1)
    pltpu.async_copy(gref(j1), rowsb, semb)
    pltpu.make_async_copy(gref(j0), rowsa, sema).wait()
    process(j0, rowsa)
    pltpu.async_copy(gref(jn), rowsa, sema)
    pltpu.make_async_copy(gref(j1), rowsb, semb).wait()
    process(j1, rowsb)
    return 0
  lax.fori_loop(0, NCHUNK // 2, step, 0)

  pltpu.make_async_copy(gref(NCHUNK - 1), rowsa, sema).wait()

  plsc.subcore_barrier()
  pltpu.sync_copy(agg_sh.at[pl.ds(sid * ROWS_PT, ROWS_PT), :], zbuf)
  pltpu.sync_copy(zbuf, out_hbm.at[cid, pl.ds(sid * ROWS_PT, ROWS_PT), :])


def _edge_pass(table, gix, dst, inv, dout, interpret=False):
  body = functools.partial(_edge_pass_body, dout)
  return pl.kernel(
      body,
      out_type=jax.ShapeDtypeStruct((NC, N_PAD, dout), jnp.float32),
      mesh=_sc_mesh(),
      compiler_params=pltpu.CompilerParams(use_tc_tiling_on_sc=False),
      scratch_types=[
          pltpu.VMEM_SHARED((N_PAD, dout), jnp.float32),
          pltpu.VMEM((ROWS_PT, dout), jnp.float32),
          pltpu.VMEM((PW,), jnp.int32),
          pltpu.VMEM((PW,), jnp.int32),
          pltpu.VMEM((PW,), jnp.float32),
          pltpu.VMEM((CH,), jnp.int32),
          pltpu.VMEM((CH, dout), jnp.float32),
          pltpu.VMEM((CH, dout), jnp.float32),
          pltpu.SemaphoreType.DMA,
          pltpu.SemaphoreType.DMA,
          pltpu.SemaphoreType.DMA,
      ],
      interpret=interpret,
  )(table, gix, dst, inv)


def _run(embedding, edge_index, edge_type, in_proj_w, in_proj_b, out_proj_w,
         out_proj_b, w1, root1, b1, w2, root2, b2, interpret=False):
  wvT = in_proj_w[2 * EMB:3 * EMB].T
  bv = in_proj_b[2 * EMB:3 * EMB].reshape(1, EMB)
  owT = out_proj_w.T
  bo = out_proj_b.reshape(1, EMB)

  src = edge_index[0]
  dst = edge_index[1]
  pad = E_PAD - E
  gix = jnp.concatenate([edge_type * N + src,
                         jnp.zeros((pad,), jnp.int32)])
  seg = jnp.concatenate([edge_type * N + dst,
                         jnp.full((pad,), SEG_DUMMY, jnp.int32)])
  dstp = jnp.concatenate([dst, jnp.full((pad,), N, jnp.int32)])

  tab1, xroot1 = _attn_tables(embedding, wvT, bv, owT, bo, w1, root1,
                              b1.reshape(1, HID), interpret=interpret)
  cnt = _counts(seg, interpret=interpret)

  p1, inv = _edge_pass1(tab1.reshape(R * N, HID), gix, dstp, seg,
                        cnt, interpret=interpret)
  p1 = p1[:, :N, :]
  tab2, hroot2 = _layer2_tables(p1, xroot1, w2, root2, b2.reshape(1, LAB),
                                interpret=interpret)
  p2 = _edge_pass(tab2.reshape(R * N, LAB), gix, dstp, inv, LAB,
                  interpret=interpret)[:, :N, :]
  return _final(p2, hroot2, interpret=interpret)


@jax.jit
def kernel(embedding, edge_index, edge_type, in_proj_w, in_proj_b, out_proj_w,
           out_proj_b, w1, root1, b1, w2, root2, b2):
  return _run(embedding, edge_index, edge_type, in_proj_w, in_proj_b,
              out_proj_w, out_proj_b, w1, root1, b1, w2, root2, b2)

# --- scband reference (transcript-rebuilt; emitter-appended) ---
"""Pipeline reference for scband-emb-att-layers-45818711114145 (READ-ONLY COPY).

The authoritative reference and input builder live on the scoring server;
editing this copy changes nothing except your own understanding.
"""

import jax, jax.numpy as jnp
import numpy as np

N_NODES = 10000
N_EDGES = 320000
EMB = 128
HEADS = 8
N_REL = 8
HIDDEN = 64
N_LABELS = 16


def setup_inputs(seed: int = 0) -> dict:
    key = jax.random.key(seed)
    ks = jax.random.split(key, 16)
    s = 0.05
    embedding = jax.random.normal(ks[0], (1, N_NODES, EMB), dtype=jnp.float32)
    edge_index = jax.random.randint(ks[1], (2, N_EDGES), 0, N_NODES, dtype=jnp.int32)
    edge_type = jax.random.randint(ks[2], (N_EDGES,), 0, N_REL, dtype=jnp.int32)
    in_proj_w = jax.random.normal(ks[3], (3 * EMB, EMB), dtype=jnp.float32) * s
    in_proj_b = jnp.zeros((3 * EMB,), dtype=jnp.float32)
    out_proj_w = jax.random.normal(ks[4], (EMB, EMB), dtype=jnp.float32) * s
    out_proj_b = jnp.zeros((EMB,), dtype=jnp.float32)
    w1 = jax.random.normal(ks[5], (N_REL, EMB, HIDDEN), dtype=jnp.float32) * s
    root1 = jax.random.normal(ks[6], (EMB, HIDDEN), dtype=jnp.float32) * s
    b1 = jnp.zeros((HIDDEN,), dtype=jnp.float32)
    w2 = jax.random.normal(ks[7], (N_REL, HIDDEN, N_LABELS), dtype=jnp.float32) * s
    root2 = jax.random.normal(ks[8], (HIDDEN, N_LABELS), dtype=jnp.float32) * s
    b2 = jnp.zeros((N_LABELS,), dtype=jnp.float32)
    return {"embedding": embedding, "edge_index": edge_index, "edge_type": edge_type,
            "in_proj_w": in_proj_w, "in_proj_b": in_proj_b,
            "out_proj_w": out_proj_w, "out_proj_b": out_proj_b,
            "w1": w1, "root1": root1, "b1": b1,
            "w2": w2, "root2": root2, "b2": b2}


def _mha(x, in_w, in_b, out_w, out_b, num_heads):
    # torch nn.MultiheadAttention, batch_first=False, self-attention, eval (dropout off)
    L, N, E = x.shape
    dh = E // num_heads
    qkv = x @ in_w.T + in_b  # (L, N, 3E)
    q, k, v = jnp.split(qkv, 3, axis=-1)
    def split_heads(t):
        return t.reshape(L, N * num_heads, dh).transpose(1, 0, 2)  # (N*H, L, dh)
    q = split_heads(q) * (dh ** -0.5)
    k = split_heads(k)
    v = split_heads(v)
    attn = jax.nn.softmax(q @ k.transpose(0, 2, 1), axis=-1)  # (N*H, L, L)
    o = attn @ v  # (N*H, L, dh)
    o = o.transpose(1, 0, 2).reshape(L, N, E)
    return o @ out_w.T + out_b


def _rgcn(x, edge_index, edge_type, weight, root, bias):
    # PyG RGCNConv (num_bases=None, aggr='mean' per relation, summed over relations)
    R, Din, Dout = weight.shape
    N = x.shape[0]
    src = edge_index[0]
    dst = edge_index[1]
    xw = jnp.einsum('nd,rdo->rno', x, weight)  # (R, N, Dout)
    msg = xw[edge_type, src]                   # gather: (E, Dout)
    seg = edge_type * N + dst
    sums = jax.ops.segment_sum(msg, seg, num_segments=R * N)
    cnts = jax.ops.segment_sum(jnp.ones((msg.shape[0],), msg.dtype), seg, num_segments=R * N)
    mean = sums / jnp.clip(cnts, 1.0, None)[:, None]
    agg = mean.reshape(R, N, Dout).sum(axis=0)
    return agg + x @ root + bias


def reference(embedding, edge_index, edge_type, in_proj_w, in_proj_b, out_proj_w, out_proj_b,
              w1, root1, b1, w2, root2, b2):
    attn_out = _mha(embedding, in_proj_w, in_proj_b, out_proj_w, out_proj_b, HEADS)
    x = attn_out[0]  # (N_NODES, EMB)
    x = _rgcn(x, edge_index, edge_type, w1, root1, b1)
    x = jax.nn.relu(x)
    x = _rgcn(x, edge_index, edge_type, w2, root2, b2)
    x = jax.nn.relu(x)  # the `activation` callable, fixed to relu
    return x

if __name__ == "__main__":
    import jax
    _d = setup_inputs()
    print(jax.jit(kernel)(*tuple(_d.values())))

</pallas_src>

<mosaic_0001>
#map = affine_map<(d0, d1) -> (0)>
module attributes {stable_mosaic.version = 14 : i64} {
  func.func @_counts_body(%arg0: i32, %arg1: i32, %arg2: memref<327680xi32, #tpu.memory_space<hbm>>, %arg3: memref<80128xf32, #tpu.memory_space<hbm>>, %arg4: memref<80128xf32, #tpu.memory_space<vmem_shared>>, %arg5: memref<5008xf32, #tpu.memory_space<vmem>>, %arg6: memref<20480xi32, #tpu.memory_space<vmem>>, %arg7: memref<256xi32, #tpu.memory_space<vmem>>, %arg8: memref<256xf32, #tpu.memory_space<vmem>>, %arg9: memref<!tpu.dma_semaphore, #tpu.memory_space<semaphore_mem>>) attributes {dimension_semantics = [#tpu.dimension_semantics<core_parallel>, #tpu.dimension_semantics<subcore_parallel>], iteration_bounds = array<i64: 2, 16>, scalar_prefetch = 0 : i64, scratch_operands = 6 : i64, tpu.core_type = #tpu.core_type<sc_vector_subcore>, window_params = [{transform_indices = #map}, {transform_indices = #map}]} {
    %mul3A = arith.constant 20480 : i32
    %mul3A_0 = arith.muli %arg1, %mul3A : i32
    %dma_start3A = tpu.memref_slice %arg2[%mul3A_0] : memref<327680xi32, #tpu.memory_space<hbm>> -> memref<20480xi32, #tpu.memory_space<hbm>>
    %dma_start3A_1 = tpu.memref_slice %arg2[%mul3A_0] : memref<327680xi32, #tpu.memory_space<hbm>> -> memref<20480xi32, #tpu.memory_space<hbm>>
    tpu.enqueue_dma source(%dma_start3A_1 : memref<20480xi32, #tpu.memory_space<hbm>>) target(%arg6 : memref<20480xi32, #tpu.memory_space<vmem>>) target_semaphore(%arg9 : memref<!tpu.dma_semaphore, #tpu.memory_space<semaphore_mem>>)
    %broadcast_in_dim3A = arith.constant 0.000000e+00 : f32
    %broadcast_in_dim3A_2 = vector.broadcast %broadcast_in_dim3A : f32 to vector<16xf32>
    %scan3A = arith.constant 0 : i32
    %scan3A_3 = arith.constant 0 : i32
    %scan3A_4 = arith.constant 313 : i32
    %scan3A_5 = arith.addi %scan3A_3, %scan3A_4 : i32
    %scan3A_6 = arith.constant 1 : i32
    %scan3A_7 = scf.for %scan3A_87 = %scan3A_3 to %scan3A_5 step %scan3A_6 iter_args(%scan3A_88 = %scan3A) -> (i32)  : i32 {
      %mul3A_89 = arith.constant 16 : i32
      %mul3A_90 = arith.muli %scan3A_87, %mul3A_89 : i32
      %swap3A_91 = arith.index_cast %mul3A_90 : i32 to index
      %swap3A_92 = tpu.vector_load %arg5[%swap3A_91] {strides = array<i32>} : memref<5008xf32, #tpu.memory_space<vmem>>, vector<16xf32>,
      %swap3A_93 = vector.shape_cast %swap3A_92 : vector<16xf32> to vector<16xf32>
      %swap3A_94 = vector.shape_cast %broadcast_in_dim3A_2 : vector<16xf32> to vector<16xf32>
      tpu.vector_store %arg5[%swap3A_91], %swap3A_94 {strides = array<i32>} : memref<5008xf32, #tpu.memory_space<vmem>>, vector<16xf32>,
      %scan3A_95 = arith.constant 0 : i32
      scf.yield %scan3A_95 : i32
    }
    %scan3A_8 = arith.constant 313 : i32
    %mul3A_9 = arith.constant 5008 : i32
    %mul3A_10 = arith.muli %arg1, %mul3A_9 : i32
    "tpu.region"() ({
      %run_scoped3A = tpu.sem_alloc : memref<!tpu.dma_semaphore, #tpu.memory_space<semaphore_mem>>
      %dma_start3A_87 = tpu.memref_slice %arg4[%mul3A_10] : memref<80128xf32, #tpu.memory_space<vmem_shared>> -> memref<5008xf32, #tpu.memory_space<vmem_shared>>
      %dma_start3A_88 = tpu.memref_slice %arg4[%mul3A_10] : memref<80128xf32, #tpu.memory_space<vmem_shared>> -> memref<5008xf32, #tpu.memory_space<vmem_shared>>
      tpu.enqueue_dma source(%arg5 : memref<5008xf32, #tpu.memory_space<vmem>>) target(%dma_start3A_88 : memref<5008xf32, #tpu.memory_space<vmem_shared>>) target_semaphore(%run_scoped3A : memref<!tpu.dma_semaphore, #tpu.memory_space<semaphore_mem>>)
      %dma_wait3A_89 = tpu.memref_slice %arg4[%mul3A_10] : memref<80128xf32, #tpu.memory_space<vmem_shared>> -> memref<5008xf32, #tpu.memory_space<vmem_shared>>
      %dma_wait3A_90 = tpu.memref_slice %arg4[%mul3A_10] : memref<80128xf32, #tpu.memory_space<vmem_shared>> -> memref<5008xf32, #tpu.memory_space<vmem_shared>>
      tpu.wait_dma2 semaphore(%run_scoped3A : memref<!tpu.dma_semaphore, #tpu.memory_space<semaphore_mem>>) src(%arg5 : memref<5008xf32, #tpu.memory_space<vmem>>) dst(%dma_wait3A_90 : memref<5008xf32, #tpu.memory_space<vmem_shared>>)
      tpu.yield
    }) : () -> ()
    %broadcast_in_dim3A_11 = arith.constant 1.000000e+00 : f32
    %broadcast_in_dim3A_12 = vector.broadcast %broadcast_in_dim3A_11 : f32 to vector<16xf32>
    %swap3A = arith.constant 0 : index
    %swap3A_13 = tpu.vector_load %arg8[%swap3A] {strides = array<i32>} : memref<256xf32, #tpu.memory_space<vmem>>, vector<16xf32>,
    %swap3A_14 = vector.shape_cast %swap3A_13 : vector<16xf32> to vector<16xf32>
    %swap3A_15 = vector.shape_cast %broadcast_in_dim3A_12 : vector<16xf32> to vector<16xf32>
    tpu.vector_store %arg8[%swap3A], %swap3A_15 {strides = array<i32>} : memref<256xf32, #tpu.memory_space<vmem>>, vector<16xf32>,
    %swap3A_16 = arith.constant 16 : index
    %swap3A_17 = tpu.vector_load %arg8[%swap3A_16] {strides = array<i32>} : memref<256xf32, #tpu.memory_space<vmem>>, vector<16xf32>,
    %swap3A_18 = vector.shape_cast %swap3A_17 : vector<16xf32> to vector<16xf32>
    %swap3A_19 = vector.shape_cast %broadcast_in_dim3A_12 : vector<16xf32> to vector<16xf32>
    tpu.vector_store %arg8[%swap3A_16], %swap3A_19 {strides = array<i32>} : memref<256xf32, #tpu.memory_space<vmem>>, vector<16xf32>,
    %swap3A_20 = arith.constant 32 : index
    %swap3A_21 = tpu.vector_load %arg8[%swap3A_20] {strides = array<i32>} : memref<256xf32, #tpu.memory_space<vmem>>, vector<16xf32>,
    %swap3A_22 = vector.shape_cast %swap3A_21 : vector<16xf32> to vector<16xf32>
    %swap3A_23 = vector.shape_cast %broadcast_in_dim3A_12 : vector<16xf32> to vector<16xf32>
    tpu.vector_store %arg8[%swap3A_20], %swap3A_23 {strides = array<i32>} : memref<256xf32, #tpu.memory_space<vmem>>, vector<16xf32>,
    %swap3A_24 = arith.constant 48 : index
    %swap3A_25 = tpu.vector_load %arg8[%swap3A_24] {strides = array<i32>} : memref<256xf32, #tpu.memory_space<vmem>>, vector<16xf32>,
    %swap3A_26 = vector.shape_cast %swap3A_25 : vector<16xf32> to vector<16xf32>
    %swap3A_27 = vector.shape_cast %broadcast_in_dim3A_12 : vector<16xf32> to vector<16xf32>
    tpu.vector_store %arg8[%swap3A_24], %swap3A_27 {strides = array<i32>} : memref<256xf32, #tpu.memory_space<vmem>>, vector<16xf32>,
    %swap3A_28 = arith.constant 64 : index
    %swap3A_29 = tpu.vector_load %arg8[%swap3A_28] {strides = array<i32>} : memref<256xf32, #tpu.memory_space<vmem>>, vector<16xf32>,
    %swap3A_30 = vector.shape_cast %swap3A_29 : vector<16xf32> to vector<16xf32>
    %swap3A_31 = vector.shape_cast %broadcast_in_dim3A_12 : vector<16xf32> to vector<16xf32>
    tpu.vector_store %arg8[%swap3A_28], %swap3A_31 {strides = array<i32>} : memref<256xf32, #tpu.memory_space<vmem>>, vector<16xf32>,
    %swap3A_32 = arith.constant 80 : index
    %swap3A_33 = tpu.vector_load %arg8[%swap3A_32] {strides = array<i32>} : memref<256xf32, #tpu.memory_space<vmem>>, vector<16xf32>,
    %swap3A_34 = vector.shape_cast %swap3A_33 : vector<16xf32> to vector<16xf32>
    %swap3A_35 = vector.shape_cast %broadcast_in_dim3A_12 : vector<16xf32> to vector<16xf32>
    tpu.vector_store %arg8[%swap3A_32], %swap3A_35 {strides = array<i32>} : memref<256xf32, #tpu.memory_space<vmem>>, vector<16xf32>,
    %swap3A_36 = arith.constant 96 : index
    %swap3A_37 = tpu.vector_load %arg8[%swap3A_36] {strides = array<i32>} : memref<256xf32, #tpu.memory_space<vmem>>, vector<16xf32>,
    %swap3A_38 = vector.shape_cast %swap3A_37 : vector<16xf32> to vector<16xf32>
    %swap3A_39 = vector.shape_cast %broadcast_in_dim3A_12 : vector<16xf32> to vector<16xf32>
    tpu.vector_store %arg8[%swap3A_36], %swap3A_39 {strides = array<i32>} : memref<256xf32, #tpu.memory_space<vmem>>, vector<16xf32>,
    %swap3A_40 = arith.constant 112 : index
    %swap3A_41 = tpu.vector_load %arg8[%swap3A_40] {strides = array<i32>} : memref<256xf32, #tpu.memory_space<vmem>>, vector<16xf32>,
    %swap3A_42 = vector.shape_cast %swap3A_41 : vector<16xf32> to vector<16xf32>
    %swap3A_43 = vector.shape_cast %broadcast_in_dim3A_12 : vector<16xf32> to vector<16xf32>
    tpu.vector_store %arg8[%swap3A_40], %swap3A_43 {strides = array<i32>} : memref<256xf32, #tpu.memory_space<vmem>>, vector<16xf32>,
    %swap3A_44 = arith.constant 128 : index
    %swap3A_45 = tpu.vector_load %arg8[%swap3A_44] {strides = array<i32>} : memref<256xf32, #tpu.memory_space<vmem>>, vector<16xf32>,
    %swap3A_46 = vector.shape_cast %swap3A_45 : vector<16xf32> to vector<16xf32>
    %swap3A_47 = vector.shape_cast %broadcast_in_dim3A_12 : vector<16xf32> to vector<16xf32>
    tpu.vector_store %arg8[%swap3A_44], %swap3A_47 {strides = array<i32>} : memref<256xf32, #tpu.memory_space<vmem>>, vector<16xf32>,
    %swap3A_48 = arith.constant 144 : index
    %swap3A_49 = tpu.vector_load %arg8[%swap3A_48] {strides = array<i32>} : memref<256xf32, #tpu.memory_space<vmem>>, vector<16xf32>,
    %swap3A_50 = vector.shape_cast %swap3A_49 : vector<16xf32> to vector<16xf32>
    %swap3A_51 = vector.shape_cast %broadcast_in_dim3A_12 : vector<16xf32> to vector<16xf32>
    tpu.vector_store %arg8[%swap3A_48], %swap3A_51 {strides = array<i32>} : memref<256xf32, #tpu.memory_space<vmem>>, vector<16xf32>,
    %swap3A_52 = arith.constant 160 : index
    %swap3A_53 = tpu.vector_load %arg8[%swap3A_52] {strides = array<i32>} : memref<256xf32, #tpu.memory_space<vmem>>, vector<16xf32>,
    %swap3A_54 = vector.shape_cast %swap3A_53 : vector<16xf32> to vector<16xf32>
    %swap3A_55 = vector.shape_cast %broadcast_in_dim3A_12 : vector<16xf32> to vector<16xf32>
    tpu.vector_store %arg8[%swap3A_52], %swap3A_55 {strides = array<i32>} : memref<256xf32, #tpu.memory_space<vmem>>, vector<16xf32>,
    %swap3A_56 = arith.constant 176 : index
    %swap3A_57 = tpu.vector_load %arg8[%swap3A_56] {strides = array<i32>} : memref<256xf32, #tpu.memory_space<vmem>>, vector<16xf32>,
    %swap3A_58 = vector.shape_cast %swap3A_57 : vector<16xf32> to vector<16xf32>
    %swap3A_59 = vector.shape_cast %broadcast_in_dim3A_12 : vector<16xf32> to vector<16xf32>
    tpu.vector_store %arg8[%swap3A_56], %swap3A_59 {strides = array<i32>} : memref<256xf32, #tpu.memory_space<vmem>>, vector<16xf32>,
    %swap3A_60 = arith.constant 192 : index
    %swap3A_61 = tpu.vector_load %arg8[%swap3A_60] {strides = array<i32>} : memref<256xf32, #tpu.memory_space<vmem>>, vector<16xf32>,
    %swap3A_62 = vector.shape_cast %swap3A_61 : vector<16xf32> to vector<16xf32>
    %swap3A_63 = vector.shape_cast %broadcast_in_dim3A_12 : vector<16xf32> to vector<16xf32>
    tpu.vector_store %arg8[%swap3A_60], %swap3A_63 {strides = array<i32>} : memref<256xf32, #tpu.memory_space<vmem>>, vector<16xf32>,
    %swap3A_64 = arith.constant 208 : index
    %swap3A_65 = tpu.vector_load %arg8[%swap3A_64] {strides = array<i32>} : memref<256xf32, #tpu.memory_space<vmem>>, vector<16xf32>,
    %swap3A_66 = vector.shape_cast %swap3A_65 : vector<16xf32> to vector<16xf32>
    %swap3A_67 = vector.shape_cast %broadcast_in_dim3A_12 : vector<16xf32> to vector<16xf32>
    tpu.vector_store %arg8[%swap3A_64], %swap3A_67 {strides = array<i32>} : memref<256xf32, #tpu.memory_space<vmem>>, vector<16xf32>,
    %swap3A_68 = arith.constant 224 : index
    %swap3A_69 = tpu.vector_load %arg8[%swap3A_68] {strides = array<i32>} : memref<256xf32, #tpu.memory_space<vmem>>, vector<16xf32>,
    %swap3A_70 = vector.shape_cast %swap3A_69 : vector<16xf32> to vector<16xf32>
    %swap3A_71 = vector.shape_cast %broadcast_in_dim3A_12 : vector<16xf32> to vector<16xf32>
    tpu.vector_store %arg8[%swap3A_68], %swap3A_71 {strides = array<i32>} : memref<256xf32, #tpu.memory_space<vmem>>, vector<16xf32>,
    %swap3A_72 = arith.constant 240 : index
    %swap3A_73 = tpu.vector_load %arg8[%swap3A_72] {strides = array<i32>} : memref<256xf32, #tpu.memory_space<vmem>>, vector<16xf32>,
    %swap3A_74 = vector.shape_cast %swap3A_73 : vector<16xf32> to vector<16xf32>
    %swap3A_75 = vector.shape_cast %broadcast_in_dim3A_12 : vector<16xf32> to vector<16xf32>
    tpu.vector_store %arg8[%swap3A_72], %swap3A_75 {strides = array<i32>} : memref<256xf32, #tpu.memory_space<vmem>>, vector<16xf32>,
    %dma_wait3A = tpu.memref_slice %arg2[%mul3A_0] : memref<327680xi32, #tpu.memory_space<hbm>> -> memref<20480xi32, #tpu.memory_space<hbm>>
    %dma_wait3A_76 = tpu.memref_slice %arg2[%mul3A_0] : memref<327680xi32, #tpu.memory_space<hbm>> -> memref<20480xi32, #tpu.memory_space<hbm>>
    tpu.wait_dma2 semaphore(%arg9 : memref<!tpu.dma_semaphore, #tpu.memory_space<semaphore_mem>>) src(%dma_wait3A_76 : memref<20480xi32, #tpu.memory_space<hbm>>) dst(%arg6 : memref<20480xi32, #tpu.memory_space<vmem>>)
    %barrier3A = arith.constant 0 : index
    tpu.barrier barrier_id(%barrier3A)
    %scan3A_77 = arith.constant 0 : i32
    %scan3A_78 = arith.constant 0 : i32
    %scan3A_79 = arith.constant 80 : i32
    %scan3A_80 = arith.addi %scan3A_78, %scan3A_79 : i32
    %scan3A_81 = arith.constant 1 : i32
    %scan3A_82 = scf.for %scan3A_87 = %scan3A_78 to %scan3A_80 step %scan3A_81 iter_args(%scan3A_88 = %scan3A_77) -> (i32)  : i32 {
      %mul3A_89 = arith.constant 256 : i32
      %mul3A_90 = arith.muli %scan3A_87, %mul3A_89 : i32
      %add3A = arith.constant 0 : i32
      %add3A_91 = arith.addi %mul3A_90, %add3A : i32
      %get3A = arith.index_cast %add3A_91 : i32 to index
      %get3A_92 = tpu.vector_load %arg6[%get3A] {strides = array<i32>} : memref<20480xi32, #tpu.memory_space<vmem>>, vector<16xi32>,
      %get3A_93 = vector.shape_cast %get3A_92 : vector<16xi32> to vector<16xi32>
      %swap3A_94 = arith.constant 0 : index
      %swap3A_95 = tpu.vector_load %arg7[%swap3A_94] {strides = array<i32>} : memref<256xi32, #tpu.memory_space<vmem>>, vector<16xi32>,
      %swap3A_96 = vector.shape_cast %swap3A_95 : vector<16xi32> to vector<16xi32>
      %swap3A_97 = vector.shape_cast %get3A_93 : vector<16xi32> to vector<16xi32>
      tpu.vector_store %arg7[%swap3A_94], %swap3A_97 {strides = array<i32>} : memref<256xi32, #tpu.memory_space<vmem>>, vector<16xi32>,
      %mul3A_98 = arith.constant 256 : i32
      %mul3A_99 = arith.muli %scan3A_87, %mul3A_98 : i32
      %add3A_100 = arith.constant 16 : i32
      %add3A_101 = arith.addi %mul3A_99, %add3A_100 : i32
      %get3A_102 = arith.index_cast %add3A_101 : i32 to index
      %get3A_103 = tpu.vector_load %arg6[%get3A_102] {strides = array<i32>} : memref<20480xi32, #tpu.memory_space<vmem>>, vector<16xi32>,
      %get3A_104 = vector.shape_cast %get3A_103 : vector<16xi32> to vector<16xi32>
      %swap3A_105 = arith.constant 16 : index
      %swap3A_106 = tpu.vector_load %arg7[%swap3A_105] {strides = array<i32>} : memref<256xi32, #tpu.memory_space<vmem>>, vector<16xi32>,
      %swap3A_107 = vector.shape_cast %swap3A_106 : vector<16xi32> to vector<16xi32>
      %swap3A_108 = vector.shape_cast %get3A_104 : vector<16xi32> to vector<16xi32>
      tpu.vector_store %arg7[%swap3A_105], %swap3A_108 {strides = array<i32>} : memref<256xi32, #tpu.memory_space<vmem>>, vector<16xi32>,
      %mul3A_109 = arith.constant 256 : i32
      %mul3A_110 = arith.muli %scan3A_87, %mul3A_109 : i32
      %add3A_111 = arith.constant 32 : i32
      %add3A_112 = arith.addi %mul3A_110, %add3A_111 : i32
      %get3A_113 = arith.index_cast %add3A_112 : i32 to index
      %get3A_114 = tpu.vector_load %arg6[%get3A_113] {strides = array<i32>} : memref<20480xi32, #tpu.memory_space<vmem>>, vector<16xi32>,
      %get3A_115 = vector.shape_cast %get3A_114 : vector<16xi32> to vector<16xi32>
      %swap3A_116 = arith.constant 32 : index
      %swap3A_117 = tpu.vector_load %arg7[%swap3A_116] {strides = array<i32>} : memref<256xi32, #tpu.memory_space<vmem>>, vector<16xi32>,
      %swap3A_118 = vector.shape_cast %swap3A_117 : vector<16xi32> to vector<16xi32>
      %swap3A_119 = vector.shape_cast %get3A_115 : vector<16xi32> to vector<16xi32>
      tpu.vector_store %arg7[%swap3A_116], %swap3A_119 {strides = array<i32>} : memref<256xi32, #tpu.memory_space<vmem>>, vector<16xi32>,
      %mul3A_120 = arith.constant 256 : i32
      %mul3A_121 = arith.muli %scan3A_87, %mul3A_120 : i32
      %add3A_122 = arith.constant 48 : i32
      %add3A_123 = arith.addi %mul3A_121, %add3A_122 : i32
      %get3A_124 = arith.index_cast %add3A_123 : i32 to index
      %get3A_125 = tpu.vector_load %arg6[%get3A_124] {strides = array<i32>} : memref<20480xi32, #tpu.memory_space<vmem>>, vector<16xi32>,
      %get3A_126 = vector.shape_cast %get3A_125 : vector<16xi32> to vector<16xi32>
      %swap3A_127 = arith.constant 48 : index
      %swap3A_128 = tpu.vector_load %arg7[%swap3A_127] {strides = array<i32>} : memref<256xi32, #tpu.memory_space<vmem>>, vector<16xi32>,
      %swap3A_129 = vector.shape_cast %swap3A_128 : vector<16xi32> to vector<16xi32>
      %swap3A_130 = vector.shape_cast %get3A_126 : vector<16xi32> to vector<16xi32>
      tpu.vector_store %arg7[%swap3A_127], %swap3A_130 {strides = array<i32>} : memref<256xi32, #tpu.memory_space<vmem>>, vector<16xi32>,
      %mul3A_131 = arith.constant 256 : i32
      %mul3A_132 = arith.muli %scan3A_87, %mul3A_131 : i32
      %add3A_133 = arith.constant 64 : i32
      %add3A_134 = arith.addi %mul3A_132, %add3A_133 : i32
      %get3A_135 = arith.index_cast %add3A_134 : i32 to index
      %get3A_136 = tpu.vector_load %arg6[%get3A_135] {strides = array<i32>} : memref<20480xi32, #tpu.memory_space<vmem>>, vector<16xi32>,
      %get3A_137 = vector.shape_cast %get3A_136 : vector<16xi32> to vector<16xi32>
      %swap3A_138 = arith.constant 64 : index
      %swap3A_139 = tpu.vector_load %arg7[%swap3A_138] {strides = array<i32>} : memref<256xi32, #tpu.memory_space<vmem>>, vector<16xi32>,
      %swap3A_140 = vector.shape_cast %swap3A_139 : vector<16xi32> to vector<16xi32>
      %swap3A_141 = vector.shape_cast %get3A_137 : vector<16xi32> to vector<16xi32>
      tpu.vector_store %arg7[%swap3A_138], %swap3A_141 {strides = array<i32>} : memref<256xi32, #tpu.memory_space<vmem>>, vector<16xi32>,
      %mul3A_142 = arith.constant 256 : i32
      %mul3A_143 = arith.muli %scan3A_87, %mul3A_142 : i32
      %add3A_144 = arith.constant 80 : i32
      %add3A_145 = arith.addi %mul3A_143, %add3A_144 : i32
      %get3A_146 = arith.index_cast %add3A_145 : i32 to index
      %get3A_147 = tpu.vector_load %arg6[%get3A_146] {strides = array<i32>} : memref<20480xi32, #tpu.memory_space<vmem>>, vector<16xi32>,
      %get3A_148 = vector.shape_cast %get3A_147 : vector<16xi32> to vector<16xi32>
      %swap3A_149 = arith.constant 80 : index
      %swap3A_150 = tpu.vector_load %arg7[%swap3A_149] {strides = array<i32>} : memref<256xi32, #tpu.memory_space<vmem>>, vector<16xi32>,
      %swap3A_151 = vector.shape_cast %swap3A_150 : vector<16xi32> to vector<16xi32>
      %swap3A_152 = vector.shape_cast %get3A_148 : vector<16xi32> to vector<16xi32>
      tpu.vector_store %arg7[%swap3A_149], %swap3A_152 {strides = array<i32>} : memref<256xi32, #tpu.memory_space<vmem>>, vector<16xi32>,
      %mul3A_153 = arith.constant 256 : i32
      %mul3A_154 = arith.muli %scan3A_87, %mul3A_153 : i32
      %add3A_155 = arith.constant 96 : i32
      %add3A_156 = arith.addi %mul3A_154, %add3A_155 : i32
      %get3A_157 = arith.index_cast %add3A_156 : i32 to index
      %get3A_158 = tpu.vector_load %arg6[%get3A_157] {strides = array<i32>} : memref<20480xi32, #tpu.memory_space<vmem>>, vector<16xi32>,
      %get3A_159 = vector.shape_cast %get3A_158 : vector<16xi32> to vector<16xi32>
      %swap3A_160 = arith.constant 96 : index
      %swap3A_161 = tpu.vector_load %arg7[%swap3A_160] {strides = array<i32>} : memref<256xi32, #tpu.memory_space<vmem>>, vector<16xi32>,
      %swap3A_162 = vector.shape_cast %swap3A_161 : vector<16xi32> to vector<16xi32>
      %swap3A_163 = vector.shape_cast %get3A_159 : vector<16xi32> to vector<16xi32>
      tpu.vector_store %arg7[%swap3A_160], %swap3A_163 {strides = array<i32>} : memref<256xi32, #tpu.memory_space<vmem>>, vector<16xi32>,
      %mul3A_164 = arith.constant 256 : i32
      %mul3A_165 = arith.muli %scan3A_87, %mul3A_164 : i32
      %add3A_166 = arith.constant 112 : i32
      %add3A_167 = arith.addi %mul3A_165, %add3A_166 : i32
      %get3A_168 = arith.index_cast %add3A_167 : i32 to index
      %get3A_169 = tpu.vector_load %arg6[%get3A_168] {strides = array<i32>} : memref<20480xi32, #tpu.memory_space<vmem>>, vector<16xi32>,
      %get3A_170 = vector.shape_cast %get3A_169 : vector<16xi32> to vector<16xi32>
      %swap3A_171 = arith.constant 112 : index
      %swap3A_172 = tpu.vector_load %arg7[%swap3A_171] {strides = array<i32>} : memref<256xi32, #tpu.memory_space<vmem>>, vector<16xi32>,
      %swap3A_173 = vector.shape_cast %swap3A_172 : vector<16xi32> to vector<16xi32>
      %swap3A_174 = vector.shape_cast %get3A_170 : vector<16xi32> to vector<16xi32>
      tpu.vector_store %arg7[%swap3A_171], %swap3A_174 {strides = array<i32>} : memref<256xi32, #tpu.memory_space<vmem>>, vector<16xi32>,
      %mul3A_175 = arith.constant 256 : i32
      %mul3A_176 = arith.muli %scan3A_87, %mul3A_175 : i32
      %add3A_177 = arith.constant 128 : i32
      %add3A_178 = arith.addi %mul3A_176, %add3A_177 : i32
      %get3A_179 = arith.index_cast %add3A_178 : i32 to index
      %get3A_180 = tpu.vector_load %arg6[%get3A_179] {strides = array<i32>} : memref<20480xi32, #tpu.memory_space<vmem>>, vector<16xi32>,
      %get3A_181 = vector.shape_cast %get3A_180 : vector<16xi32> to vector<16xi32>
      %swap3A_182 = arith.constant 128 : index
      %swap3A_183 = tpu.vector_load %arg7[%swap3A_182] {strides = array<i32>} : memref<256xi32, #tpu.memory_space<vmem>>, vector<16xi32>,
      %swap3A_184 = vector.shape_cast %swap3A_183 : vector<16xi32> to vector<16xi32>
      %swap3A_185 = vector.shape_cast %get3A_181 : vector<16xi32> to vector<16xi32>
      tpu.vector_store %arg7[%swap3A_182], %swap3A_185 {strides = array<i32>} : memref<256xi32, #tpu.memory_space<vmem>>, vector<16xi32>,
      %mul3A_186 = arith.constant 256 : i32
      %mul3A_187 = arith.muli %scan3A_87, %mul3A_186 : i32
      %add3A_188 = arith.constant 144 : i32
      %add3A_189 = arith.addi %mul3A_187, %add3A_188 : i32
      %get3A_190 = arith.index_cast %add3A_189 : i32 to index
      %get3A_191 = tpu.vector_load %arg6[%get3A_190] {strides = array<i32>} : memref<20480xi32, #tpu.memory_space<vmem>>, vector<16xi32>,
      %get3A_192 = vector.shape_cast %get3A_191 : vector<16xi32> to vector<16xi32>
      %swap3A_193 = arith.constant 144 : index
      %swap3A_194 = tpu.vector_load %arg7[%swap3A_193] {strides = array<i32>} : memref<256xi32, #tpu.memory_space<vmem>>, vector<16xi32>,
      %swap3A_195 = vector.shape_cast %swap3A_194 : vector<16xi32> to vector<16xi32>
      %swap3A_196 = vector.shape_cast %get3A_192 : vector<16xi32> to vector<16xi32>
      tpu.vector_store %arg7[%swap3A_193], %swap3A_196 {strides = array<i32>} : memref<256xi32, #tpu.memory_space<vmem>>, vector<16xi32>,
      %mul3A_197 = arith.constant 256 : i32
      %mul3A_198 = arith.muli %scan3A_87, %mul3A_197 : i32
      %add3A_199 = arith.constant 160 : i32
      %add3A_200 = arith.addi %mul3A_198, %add3A_199 : i32
      %get3A_201 = arith.index_cast %add3A_200 : i32 to index
      %get3A_202 = tpu.vector_load %arg6[%get3A_201] {strides = array<i32>} : memref<20480xi32, #tpu.memory_space<vmem>>, vector<16xi32>,
      %get3A_203 = vector.shape_cast %get3A_202 : vector<16xi32> to vector<16xi32>
      %swap3A_204 = arith.constant 160 : index
      %swap3A_205 = tpu.vector_load %arg7[%swap3A_204] {strides = array<i32>} : memref<256xi32, #tpu.memory_space<vmem>>, vector<16xi32>,
      %swap3A_206 = vector.shape_cast %swap3A_205 : vector<16xi32> to vector<16xi32>
      %swap3A_207 = vector.shape_cast %get3A_203 : vector<16xi32> to vector<16xi32>
      tpu.vector_store %arg7[%swap3A_204], %swap3A_207 {strides = array<i32>} : memref<256xi32, #tpu.memory_space<vmem>>, vector<16xi32>,
      %mul3A_208 = arith.constant 256 : i32
      %mul3A_209 = arith.muli %scan3A_87, %mul3A_208 : i32
      %add3A_210 = arith.constant 176 : i32
      %add3A_211 = arith.addi %mul3A_209, %add3A_210 : i32
      %get3A_212 = arith.index_cast %add3A_211 : i32 to index
      %get3A_213 = tpu.vector_load %arg6[%get3A_212] {strides = array<i32>} : memref<20480xi32, #tpu.memory_space<vmem>>, vector<16xi32>,
      %get3A_214 = vector.shape_cast %get3A_213 : vector<16xi32> to vector<16xi32>
      %swap3A_215 = arith.constant 176 : index
      %swap3A_216 = tpu.vector_load %arg7[%swap3A_215] {strides = array<i32>} : memref<256xi32, #tpu.memory_space<vmem>>, vector<16xi32>,
      %swap3A_217 = vector.shape_cast %swap3A_216 : vector<16xi32> to vector<16xi32>
      %swap3A_218 = vector.shape_cast %get3A_214 : vector<16xi32> to vector<16xi32>
      tpu.vector_store %arg7[%swap3A_215], %swap3A_218 {strides = array<i32>} : memref<256xi32, #tpu.memory_space<vmem>>, vector<16xi32>,
      %mul3A_219 = arith.constant 256 : i32
      %mul3A_220 = arith.muli %scan3A_87, %mul3A_219 : i32
      %add3A_221 = arith.constant 192 : i32
      %add3A_222 = arith.addi %mul3A_220, %add3A_221 : i32
      %get3A_223 = arith.index_cast %add3A_222 : i32 to index
      %get3A_224 = tpu.vector_load %arg6[%get3A_223] {strides = array<i32>} : memref<20480xi32, #tpu.memory_space<vmem>>, vector<16xi32>,
      %get3A_225 = vector.shape_cast %get3A_224 : vector<16xi32> to vector<16xi32>
      %swap3A_226 = arith.constant 192 : index
      %swap3A_227 = tpu.vector_load %arg7[%swap3A_226] {strides = array<i32>} : memref<256xi32, #tpu.memory_space<vmem>>, vector<16xi32>,
      %swap3A_228 = vector.shape_cast %swap3A_227 : vector<16xi32> to vector<16xi32>
      %swap3A_229 = vector.shape_cast %get3A_225 : vector<16xi32> to vector<16xi32>
      tpu.vector_store %arg7[%swap3A_226], %swap3A_229 {strides = array<i32>} : memref<256xi32, #tpu.memory_space<vmem>>, vector<16xi32>,
      %mul3A_230 = arith.constant 256 : i32
      %mul3A_231 = arith.muli %scan3A_87, %mul3A_230 : i32
      %add3A_232 = arith.constant 208 : i32
      %add3A_233 = arith.addi %mul3A_231, %add3A_232 : i32
      %get3A_234 = arith.index_cast %add3A_233 : i32 to index
      %get3A_235 = tpu.vector_load %arg6[%get3A_234] {strides = array<i32>} : memref<20480xi32, #tpu.memory_space<vmem>>, vector<16xi32>,
      %get3A_236 = vector.shape_cast %get3A_235 : vector<16xi32> to vector<16xi32>
      %swap3A_237 = arith.constant 208 : index
      %swap3A_238 = tpu.vector_load %arg7[%swap3A_237] {strides = array<i32>} : memref<256xi32, #tpu.memory_space<vmem>>, vector<16xi32>,
      %swap3A_239 = vector.shape_cast %swap3A_238 : vector<16xi32> to vector<16xi32>
      %swap3A_240 = vector.shape_cast %get3A_236 : vector<16xi32> to vector<16xi32>
      tpu.vector_store %arg7[%swap3A_237], %swap3A_240 {strides = array<i32>} : memref<256xi32, #tpu.memory_space<vmem>>, vector<16xi32>,
      %mul3A_241 = arith.constant 256 : i32
      %mul3A_242 = arith.muli %scan3A_87, %mul3A_241 : i32
      %add3A_243 = arith.constant 224 : i32
      %add3A_244 = arith.addi %mul3A_242, %add3A_243 : i32
      %get3A_245 = arith.index_cast %add3A_244 : i32 to index
      %get3A_246 = tpu.vector_load %arg6[%get3A_245] {strides = array<i32>} : memref<20480xi32, #tpu.memory_space<vmem>>, vector<16xi32>,
      %get3A_247 = vector.shape_cast %get3A_246 : vector<16xi32> to vector<16xi32>
      %swap3A_248 = arith.constant 224 : index
      %swap3A_249 = tpu.vector_load %arg7[%swap3A_248] {strides = array<i32>} : memref<256xi32, #tpu.memory_space<vmem>>, vector<16xi32>,
      %swap3A_250 = vector.shape_cast %swap3A_249 : vector<16xi32> to vector<16xi32>
      %swap3A_251 = vector.shape_cast %get3A_247 : vector<16xi32> to vector<16xi32>
      tpu.vector_store %arg7[%swap3A_248], %swap3A_251 {strides = array<i32>} : memref<256xi32, #tpu.memory_space<vmem>>, vector<16xi32>,
      %mul3A_252 = arith.constant 256 : i32
      %mul3A_253 = arith.muli %scan3A_87, %mul3A_252 : i32
      %add3A_254 = arith.constant 240 : i32
      %add3A_255 = arith.addi %mul3A_253, %add3A_254 : i32
      %get3A_256 = arith.index_cast %add3A_255 : i32 to index
      %get3A_257 = tpu.vector_load %arg6[%get3A_256] {strides = array<i32>} : memref<20480xi32, #tpu.memory_space<vmem>>, vector<16xi32>,
      %get3A_258 = vector.shape_cast %get3A_257 : vector<16xi32> to vector<16xi32>
      %swap3A_259 = arith.constant 240 : index
      %swap3A_260 = tpu.vector_load %arg7[%swap3A_259] {strides = array<i32>} : memref<256xi32, #tpu.memory_space<vmem>>, vector<16xi32>,
      %swap3A_261 = vector.shape_cast %swap3A_260 : vector<16xi32> to vector<16xi32>
      %swap3A_262 = vector.shape_cast %get3A_258 : vector<16xi32> to vector<16xi32>
      tpu.vector_store %arg7[%swap3A_259], %swap3A_262 {strides = array<i32>} : memref<256xi32, #tpu.memory_space<vmem>>, vector<16xi32>,
      "tpu.region"() ({
        %run_scoped3A = tpu.sem_alloc : memref<!tpu.dma_semaphore, #tpu.memory_space<semaphore_mem>>
        %dma_start3A_264 = arith.constant 0 : i32
        %dma_start3A_265 = tpu.memref_slice %arg4[%dma_start3A_264] : memref<80128xf32, #tpu.memory_space<vmem_shared>> -> memref<80128xf32, #tpu.memory_space<vmem_shared>>
        tpu.enqueue_indirect_dma source(%arg8 : memref<256xf32, #tpu.memory_space<vmem>>) target(%dma_start3A_265 : memref<80128xf32, #tpu.memory_space<vmem_shared>>) offsets(%arg7 : memref<256xi32, #tpu.memory_space<vmem>>) semaphore(%run_scoped3A : memref<!tpu.dma_semaphore, #tpu.memory_space<semaphore_mem>>) {add = true}
        %dma_wait3A_266 = arith.constant 0 : i32
        %dma_wait3A_267 = tpu.memref_slice %arg4[%dma_wait3A_266] : memref<80128xf32, #tpu.memory_space<vmem_shared>> -> memref<80128xf32, #tpu.memory_space<vmem_shared>>
        tpu.wait_indirect_dma semaphore(%run_scoped3A : memref<!tpu.dma_semaphore, #tpu.memory_space<semaphore_mem>>) src(%arg8 : memref<256xf32, #tpu.memory_space<vmem>>) dst(%dma_wait3A_267 : memref<80128xf32, #tpu.memory_space<vmem_shared>>)
        tpu.yield
      }) : () -> ()
      %scan3A_263 = arith.constant 0 : i32
      scf.yield %scan3A_263 : i32
    }
    %scan3A_83 = arith.constant 80 : i32
    %barrier3A_84 = arith.constant 0 : index
    tpu.barrier barrier_id(%barrier3A_84)
    %eq3A = arith.constant 0 : i32
    %eq3A_85 = arith.cmpi eq, %arg0, %eq3A : i32
    %convert_element_type3A = arith.extui %eq3A_85 : i1 to i32
    %cond3A = arith.constant 0 : i32
    %cond3A_86 = arith.cmpi ne, %convert_element_type3A, %cond3A : i32
    scf.if %cond3A_86 {
      %mul3A_87 = arith.constant 5008 : i32
      %mul3A_88 = arith.muli %arg1, %mul3A_87 : i32
      "tpu.region"() ({
        %run_scoped3A = tpu.sem_alloc : memref<!tpu.dma_semaphore, #tpu.memory_space<semaphore_mem>>
        %dma_start3A_91 = tpu.memref_slice %arg4[%mul3A_88] : memref<80128xf32, #tpu.memory_space<vmem_shared>> -> memref<5008xf32, #tpu.memory_space<vmem_shared>>
        %dma_start3A_92 = tpu.memref_slice %arg4[%mul3A_88] : memref<80128xf32, #tpu.memory_space<vmem_shared>> -> memref<5008xf32, #tpu.memory_space<vmem_shared>>
        tpu.enqueue_dma source(%dma_start3A_92 : memref<5008xf32, #tpu.memory_space<vmem_shared>>) target(%arg5 : memref<5008xf32, #tpu.memory_space<vmem>>) target_semaphore(%run_scoped3A : memref<!tpu.dma_semaphore, #tpu.memory_space<semaphore_mem>>)
        %dma_wait3A_93 = tpu.memref_slice %arg4[%mul3A_88] : memref<80128xf32, #tpu.memory_space<vmem_shared>> -> memref<5008xf32, #tpu.memory_space<vmem_shared>>
        %dma_wait3A_94 = tpu.memref_slice %arg4[%mul3A_88] : memref<80128xf32, #tpu.memory_space<vmem_shared>> -> memref<5008xf32, #tpu.memory_space<vmem_shared>>
        tpu.wait_dma2 semaphore(%run_scoped3A : memref<!tpu.dma_semaphore, #tpu.memory_space<semaphore_mem>>) src(%dma_wait3A_94 : memref<5008xf32, #tpu.memory_space<vmem_shared>>) dst(%arg5 : memref<5008xf32, #tpu.memory_space<vmem>>)
        tpu.yield
      }) : () -> ()
      %mul3A_89 = arith.constant 5008 : i32
      %mul3A_90 = arith.muli %arg1, %mul3A_89 : i32
      "tpu.region"() ({
        %run_scoped3A = tpu.sem_alloc : memref<!tpu.dma_semaphore, #tpu.memory_space<semaphore_mem>>
        %dma_start3A_91 = tpu.memref_slice %arg3[%mul3A_90] : memref<80128xf32, #tpu.memory_space<hbm>> -> memref<5008xf32, #tpu.memory_space<hbm>>
        %dma_start3A_92 = tpu.memref_slice %arg3[%mul3A_90] : memref<80128xf32, #tpu.memory_space<hbm>> -> memref<5008xf32, #tpu.memory_space<hbm>>
        tpu.enqueue_dma source(%arg5 : memref<5008xf32, #tpu.memory_space<vmem>>) target(%dma_start3A_92 : memref<5008xf32, #tpu.memory_space<hbm>>) target_semaphore(%run_scoped3A : memref<!tpu.dma_semaphore, #tpu.memory_space<semaphore_mem>>)
        %dma_wait3A_93 = tpu.memref_slice %arg3[%mul3A_90] : memref<80128xf32, #tpu.memory_space<hbm>> -> memref<5008xf32, #tpu.memory_space<hbm>>
        %dma_wait3A_94 = tpu.memref_slice %arg3[%mul3A_90] : memref<80128xf32, #tpu.memory_space<hbm>> -> memref<5008xf32, #tpu.memory_space<hbm>>
        tpu.wait_dma2 semaphore(%run_scoped3A : memref<!tpu.dma_semaphore, #tpu.memory_space<semaphore_mem>>) src(%arg5 : memref<5008xf32, #tpu.memory_space<vmem>>) dst(%dma_wait3A_94 : memref<5008xf32, #tpu.memory_space<hbm>>)
        tpu.yield
      }) : () -> ()
    } else {
    }
    return
  }
}

#map = affine_map<(d0, d1) -> (0, 0)>
#map1 = affine_map<(d0, d1) -> (0)>
#map2 = affine_map<(d0, d1) -> (0, 0, 0)>
module attributes {stable_mosaic.version = 14 : i64} {
  func.func @_edge_pass_body(%arg0: i32, %arg1: i32, %arg2: memref<80000x16xf32, #tpu.memory_space<hbm>>, %arg3: memref<327680xi32, #tpu.memory_space<hbm>>, %arg4: memref<327680xi32, #tpu.memory_space<hbm>>, %arg5: memref<327680xf32, #tpu.memory_space<hbm>>, %arg6: memref<2x10112x16xf32, #tpu.memory_space<hbm>>, %arg7: memref<10112x16xf32, #tpu.memory_space<vmem_shared>>, %arg8: memref<632x16xf32, #tpu.memory_space<vmem>>, %arg9: memref<10240xi32, #tpu.memory_space<vmem>>, %arg10: memref<10240xi32, #tpu.memory_space<vmem>>, %arg11: memref<10240xf32, #tpu.memory_space<vmem>>, %arg12: memref<256xi32, #tpu.memory_space<vmem>>, %arg13: memref<256x16xf32, #tpu.memory_space<vmem>>, %arg14: memref<256x16xf32, #tpu.memory_space<vmem>>, %arg15: memref<!tpu.dma_semaphore, #tpu.memory_space<semaphore_mem>>, %arg16: memref<!tpu.dma_semaphore, #tpu.memory_space<semaphore_mem>>, %arg17: memref<!tpu.dma_semaphore, #tpu.memory_space<semaphore_mem>>) attributes {dimension_semantics = [#tpu.dimension_semantics<core_parallel>, #tpu.dimension_semantics<subcore_parallel>], iteration_bounds = array<i64: 2, 16>, scalar_prefetch = 0 : i64, scratch_operands = 11 : i64, tpu.core_type = #tpu.core_type<sc_vector_subcore>, window_params = [{transform_indices = #map}, {transform_indices = #map1}, {transform_indices = #map1}, {transform_indices = #map1}, {transform_indices = #map2}]} {
    %mul3A = arith.constant 2 : i32
    %mul3A_0 = arith.muli %arg1, %mul3A : i32
    %add3A = arith.addi %mul3A_0, %arg0 : i32
    %mul3A_1 = arith.constant 10240 : i32
    %mul3A_2 = arith.muli %add3A, %mul3A_1 : i32
    %dma_start3A = tpu.memref_slice %arg3[%mul3A_2] : memref<327680xi32, #tpu.memory_space<hbm>> -> memref<10240xi32, #tpu.memory_space<hbm>>
    %dma_start3A_3 = tpu.memref_slice %arg3[%mul3A_2] : memref<327680xi32, #tpu.memory_space<hbm>> -> memref<10240xi32, #tpu.memory_space<hbm>>
    tpu.enqueue_dma source(%dma_start3A_3 : memref<10240xi32, #tpu.memory_space<hbm>>) target(%arg9 : memref<10240xi32, #tpu.memory_space<vmem>>) target_semaphore(%arg15 : memref<!tpu.dma_semaphore, #tpu.memory_space<semaphore_mem>>)
    %dma_start3A_4 = tpu.memref_slice %arg4[%mul3A_2] : memref<327680xi32, #tpu.memory_space<hbm>> -> memref<10240xi32, #tpu.memory_space<hbm>>
    %dma_start3A_5 = tpu.memref_slice %arg4[%mul3A_2] : memref<327680xi32, #tpu.memory_space<hbm>> -> memref<10240xi32, #tpu.memory_space<hbm>>
    tpu.enqueue_dma source(%dma_start3A_5 : memref<10240xi32, #tpu.memory_space<hbm>>) target(%arg10 : memref<10240xi32, #tpu.memory_space<vmem>>) target_semaphore(%arg15 : memref<!tpu.dma_semaphore, #tpu.memory_space<semaphore_mem>>)
    %dma_start3A_6 = tpu.memref_slice %arg5[%mul3A_2] : memref<327680xf32, #tpu.memory_space<hbm>> -> memref<10240xf32, #tpu.memory_space<hbm>>
    %dma_start3A_7 = tpu.memref_slice %arg5[%mul3A_2] : memref<327680xf32, #tpu.memory_space<hbm>> -> memref<10240xf32, #tpu.memory_space<hbm>>
    tpu.enqueue_dma source(%dma_start3A_7 : memref<10240xf32, #tpu.memory_space<hbm>>) target(%arg11 : memref<10240xf32, #tpu.memory_space<vmem>>) target_semaphore(%arg15 : memref<!tpu.dma_semaphore, #tpu.memory_space<semaphore_mem>>)
    %broadcast_in_dim3A = arith.constant 0.000000e+00 : f32
    %broadcast_in_dim3A_8 = vector.broadcast %broadcast_in_dim3A : f32 to vector<16xf32>
    %scan3A = arith.constant 0 : i32
    %scan3A_9 = arith.constant 0 : i32
    %scan3A_10 = arith.constant 632 : i32
    %scan3A_11 = arith.addi %scan3A_9, %scan3A_10 : i32
    %scan3A_12 = arith.constant 1 : i32
    %scan3A_13 = scf.for %scan3A_44 = %scan3A_9 to %scan3A_11 step %scan3A_12 iter_args(%scan3A_45 = %scan3A) -> (i32)  : i32 {
      %swap3A = arith.index_cast %scan3A_44 : i32 to index
      %swap3A_46 = arith.constant 0 : index
      %swap3A_47 = tpu.vector_load %arg8[%swap3A, %swap3A_46] {strides = array<i32>} : memref<632x16xf32, #tpu.memory_space<vmem>>, vector<1x16xf32>,
      %swap3A_48 = vector.shape_cast %swap3A_47 : vector<1x16xf32> to vector<16xf32>
      %swap3A_49 = vector.shape_cast %broadcast_in_dim3A_8 : vector<16xf32> to vector<1x16xf32>
      tpu.vector_store %arg8[%swap3A, %swap3A_46], %swap3A_49 {strides = array<i32>} : memref<632x16xf32, #tpu.memory_space<vmem>>, vector<1x16xf32>,
      %scan3A_50 = arith.constant 0 : i32
      scf.yield %scan3A_50 : i32
    }
    %scan3A_14 = arith.constant 632 : i32
    %mul3A_15 = arith.constant 632 : i32
    %mul3A_16 = arith.muli %arg1, %mul3A_15 : i32
    "tpu.region"() ({
      %run_scoped3A = tpu.sem_alloc : memref<!tpu.dma_semaphore, #tpu.memory_space<semaphore_mem>>
      %dma_start3A_44 = arith.constant 0 : i32
      %dma_start3A_45 = tpu.memref_slice %arg7[%mul3A_16, %dma_start3A_44] : memref<10112x16xf32, #tpu.memory_space<vmem_shared>> -> memref<632x16xf32, #tpu.memory_space<vmem_shared>>
      %dma_start3A_46 = arith.constant 0 : i32
      %dma_start3A_47 = tpu.memref_slice %arg7[%mul3A_16, %dma_start3A_46] : memref<10112x16xf32, #tpu.memory_space<vmem_shared>> -> memref<632x16xf32, #tpu.memory_space<vmem_shared>>
      tpu.enqueue_dma source(%arg8 : memref<632x16xf32, #tpu.memory_space<vmem>>) target(%dma_start3A_47 : memref<632x16xf32, #tpu.memory_space<vmem_shared>>) target_semaphore(%run_scoped3A : memref<!tpu.dma_semaphore, #tpu.memory_space<semaphore_mem>>)
      %dma_wait3A_48 = arith.constant 0 : i32
      %dma_wait3A_49 = tpu.memref_slice %arg7[%mul3A_16, %dma_wait3A_48] : memref<10112x16xf32, #tpu.memory_space<vmem_shared>> -> memref<632x16xf32, #tpu.memory_space<vmem_shared>>
      %dma_wait3A_50 = arith.constant 0 : i32
      %dma_wait3A_51 = tpu.memref_slice %arg7[%mul3A_16, %dma_wait3A_50] : memref<10112x16xf32, #tpu.memory_space<vmem_shared>> -> memref<632x16xf32, #tpu.memory_space<vmem_shared>>
      tpu.wait_dma2 semaphore(%run_scoped3A : memref<!tpu.dma_semaphore, #tpu.memory_space<semaphore_mem>>) src(%arg8 : memref<632x16xf32, #tpu.memory_space<vmem>>) dst(%dma_wait3A_51 : memref<632x16xf32, #tpu.memory_space<vmem_shared>>)
      tpu.yield
    }) : () -> ()
    %dma_wait3A = tpu.memref_slice %arg3[%mul3A_2] : memref<327680xi32, #tpu.memory_space<hbm>> -> memref<10240xi32, #tpu.memory_space<hbm>>
    %dma_wait3A_17 = tpu.memref_slice %arg3[%mul3A_2] : memref<327680xi32, #tpu.memory_space<hbm>> -> memref<10240xi32, #tpu.memory_space<hbm>>
    tpu.wait_dma2 semaphore(%arg15 : memref<!tpu.dma_semaphore, #tpu.memory_space<semaphore_mem>>) src(%dma_wait3A_17 : memref<10240xi32, #tpu.memory_space<hbm>>) dst(%arg9 : memref<10240xi32, #tpu.memory_space<vmem>>)
    %dma_wait3A_18 = tpu.memref_slice %arg4[%mul3A_2] : memref<327680xi32, #tpu.memory_space<hbm>> -> memref<10240xi32, #tpu.memory_space<hbm>>
    %dma_wait3A_19 = tpu.memref_slice %arg4[%mul3A_2] : memref<327680xi32, #tpu.memory_space<hbm>> -> memref<10240xi32, #tpu.memory_space<hbm>>
    tpu.wait_dma2 semaphore(%arg15 : memref<!tpu.dma_semaphore, #tpu.memory_space<semaphore_mem>>) src(%dma_wait3A_19 : memref<10240xi32, #tpu.memory_space<hbm>>) dst(%arg10 : memref<10240xi32, #tpu.memory_space<vmem>>)
    %dma_wait3A_20 = tpu.memref_slice %arg5[%mul3A_2] : memref<327680xf32, #tpu.memory_space<hbm>> -> memref<10240xf32, #tpu.memory_space<hbm>>
    %dma_wait3A_21 = tpu.memref_slice %arg5[%mul3A_2] : memref<327680xf32, #tpu.memory_space<hbm>> -> memref<10240xf32, #tpu.memory_space<hbm>>
    tpu.wait_dma2 semaphore(%arg15 : memref<!tpu.dma_semaphore, #tpu.memory_space<semaphore_mem>>) src(%dma_wait3A_21 : memref<10240xf32, #tpu.memory_space<hbm>>) dst(%arg11 : memref<10240xf32, #tpu.memory_space<vmem>>)
    %dma_start3A_22 = arith.constant 0 : i32
    %dma_start3A_23 = tpu.memref_slice %arg9[%dma_start3A_22] : memref<10240xi32, #tpu.memory_space<vmem>> -> memref<256xi32, #tpu.memory_space<vmem>>
    %dma_start3A_24 = arith.constant 0 : i32
    %dma_start3A_25 = arith.constant 0 : i32
    %dma_start3A_26 = tpu.memref_slice %arg2[%dma_start3A_24, %dma_start3A_25] : memref<80000x16xf32, #tpu.memory_space<hbm>> -> memref<80000x16xf32, #tpu.memory_space<hbm>>
    tpu.enqueue_indirect_dma source(%dma_start3A_26 : memref<80000x16xf32, #tpu.memory_space<hbm>>) target(%arg13 : memref<256x16xf32, #tpu.memory_space<vmem>>) offsets(%dma_start3A_23 : memref<256xi32, #tpu.memory_space<vmem>>) semaphore(%arg16 : memref<!tpu.dma_semaphore, #tpu.memory_space<semaphore_mem>>)
    %barrier3A = arith.constant 0 : index
    tpu.barrier barrier_id(%barrier3A)
    %scan3A_27 = arith.constant 0 : i32
    %scan3A_28 = arith.constant 0 : i32
    %scan3A_29 = arith.constant 20 : i32
    %scan3A_30 = arith.addi %scan3A_28, %scan3A_29 : i32
    %scan3A_31 = arith.constant 1 : i32
    %scan3A_32 = scf.for %scan3A_44 = %scan3A_28 to %scan3A_30 step %scan3A_31 iter_args(%scan3A_45 = %scan3A_27) -> (i32)  : i32 {
      %mul3A_46 = arith.constant 2 : i32
      %mul3A_47 = arith.muli %mul3A_46, %scan3A_44 : i32
      %add3A_48 = arith.constant 1 : i32
      %add3A_49 = arith.addi %mul3A_47, %add3A_48 : i32
      %add3A_50 = arith.constant 2 : i32
      %add3A_51 = arith.addi %mul3A_47, %add3A_50 : i32
      %min3A = arith.constant 39 : i32
      %min3A_52 = arith.minsi %add3A_51, %min3A : i32
      %mul3A_53 = arith.constant 256 : i32
      %mul3A_54 = arith.muli %add3A_49, %mul3A_53 : i32
      %dma_start3A_55 = tpu.memref_slice %arg9[%mul3A_54] : memref<10240xi32, #tpu.memory_space<vmem>> -> memref<256xi32, #tpu.memory_space<vmem>>
      %dma_start3A_56 = arith.constant 0 : i32
      %dma_start3A_57 = arith.constant 0 : i32
      %dma_start3A_58 = tpu.memref_slice %arg2[%dma_start3A_56, %dma_start3A_57] : memref<80000x16xf32, #tpu.memory_space<hbm>> -> memref<80000x16xf32, #tpu.memory_space<hbm>>
      tpu.enqueue_indirect_dma source(%dma_start3A_58 : memref<80000x16xf32, #tpu.memory_space<hbm>>) target(%arg14 : memref<256x16xf32, #tpu.memory_space<vmem>>) offsets(%dma_start3A_55 : memref<256xi32, #tpu.memory_space<vmem>>) semaphore(%arg17 : memref<!tpu.dma_semaphore, #tpu.memory_space<semaphore_mem>>)
      %mul3A_59 = arith.constant 256 : i32
      %mul3A_60 = arith.muli %mul3A_47, %mul3A_59 : i32
      %dma_wait3A_61 = tpu.memref_slice %arg9[%mul3A_60] : memref<10240xi32, #tpu.memory_space<vmem>> -> memref<256xi32, #tpu.memory_space<vmem>>
      %dma_wait3A_62 = arith.constant 0 : i32
      %dma_wait3A_63 = arith.constant 0 : i32
      %dma_wait3A_64 = tpu.memref_slice %arg2[%dma_wait3A_62, %dma_wait3A_63] : memref<80000x16xf32, #tpu.memory_space<hbm>> -> memref<80000x16xf32, #tpu.memory_space<hbm>>
      tpu.wait_indirect_dma semaphore(%arg16 : memref<!tpu.dma_semaphore, #tpu.memory_space<semaphore_mem>>) src(%dma_wait3A_64 : memref<80000x16xf32, #tpu.memory_space<hbm>>) dst(%arg13 : memref<256x16xf32, #tpu.memory_space<vmem>>)
      %mul3A_65 = arith.constant 256 : i32
      %mul3A_66 = arith.muli %mul3A_47, %mul3A_65 : i32
      %add3A_67 = arith.constant 0 : i32
      %add3A_68 = arith.addi %mul3A_66, %add3A_67 : i32
      %get3A = arith.index_cast %add3A_68 : i32 to index
      %get3A_69 = tpu.vector_load %arg10[%get3A] {strides = array<i32>} : memref<10240xi32, #tpu.memory_space<vmem>>, vector<16xi32>,
      %get3A_70 = vector.shape_cast %get3A_69 : vector<16xi32> to vector<16xi32>
      %swap3A = arith.constant 0 : index
      %swap3A_71 = tpu.vector_load %arg12[%swap3A] {strides = array<i32>} : memref<256xi32, #tpu.memory_space<vmem>>, vector<16xi32>,
      %swap3A_72 = vector.shape_cast %swap3A_71 : vector<16xi32> to vector<16xi32>
      %swap3A_73 = vector.shape_cast %get3A_70 : vector<16xi32> to vector<16xi32>
      tpu.vector_store %arg12[%swap3A], %swap3A_73 {strides = array<i32>} : memref<256xi32, #tpu.memory_space<vmem>>, vector<16xi32>,
      %mul3A_74 = arith.constant 256 : i32
      %mul3A_75 = arith.muli %mul3A_47, %mul3A_74 : i32
      %add3A_76 = arith.constant 16 : i32
      %add3A_77 = arith.addi %mul3A_75, %add3A_76 : i32
      %get3A_78 = arith.index_cast %add3A_77 : i32 to index
      %get3A_79 = tpu.vector_load %arg10[%get3A_78] {strides = array<i32>} : memref<10240xi32, #tpu.memory_space<vmem>>, vector<16xi32>,
      %get3A_80 = vector.shape_cast %get3A_79 : vector<16xi32> to vector<16xi32>
      %swap3A_81 = arith.constant 16 : index
      %swap3A_82 = tpu.vector_load %arg12[%swap3A_81] {strides = array<i32>} : memref<256xi32, #tpu.memory_space<vmem>>, vector<16xi32>,
      %swap3A_83 = vector.shape_cast %swap3A_82 : vector<16xi32> to vector<16xi32>
      %swap3A_84 = vector.shape_cast %get3A_80 : vector<16xi32> to vector<16xi32>
      tpu.vector_store %arg12[%swap3A_81], %swap3A_84 {strides = array<i32>} : memref<256xi32, #tpu.memory_space<vmem>>, vector<16xi32>,
      %mul3A_85 = arith.constant 256 : i32
      %mul3A_86 = arith.muli %mul3A_47, %mul3A_85 : i32
      %add3A_87 = arith.constant 32 : i32
      %add3A_88 = arith.addi %mul3A_86, %add3A_87 : i32
      %get3A_89 = arith.index_cast %add3A_88 : i32 to index
      %get3A_90 = tpu.vector_load %arg10[%get3A_89] {strides = array<i32>} : memref<10240xi32, #tpu.memory_space<vmem>>, vector<16xi32>,
      %get3A_91 = vector.shape_cast %get3A_90 : vector<16xi32> to vector<16xi32>
      %swap3A_92 = arith.constant 32 : index
      %swap3A_93 = tpu.vector_load %arg12[%swap3A_92] {strides = array<i32>} : memref<256xi32, #tpu.memory_space<vmem>>, vector<16xi32>,
      %swap3A_94 = vector.shape_cast %swap3A_93 : vector<16xi32> to vector<16xi32>
      %swap3A_95 = vector.shape_cast %get3A_91 : vector<16xi32> to vector<16xi32>
      tpu.vector_store %arg12[%swap3A_92], %swap3A_95 {strides = array<i32>} : memref<256xi32, #tpu.memory_space<vmem>>, vector<16xi32>,
      %mul3A_96 = arith.constant 256 : i32
      %mul3A_97 = arith.muli %mul3A_47, %mul3A_96 : i32
      %add3A_98 = arith.constant 48 : i32
      %add3A_99 = arith.addi %mul3A_97, %add3A_98 : i32
      %get3A_100 = arith.index_cast %add3A_99 : i32 to index
      %get3A_101 = tpu.vector_load %arg10[%get3A_100] {strides = array<i32>} : memref<10240xi32, #tpu.memory_space<vmem>>, vector<16xi32>,
      %get3A_102 = vector.shape_cast %get3A_101 : vector<16xi32> to vector<16xi32>
      %swap3A_103 = arith.constant 48 : index
      %swap3A_104 = tpu.vector_load %arg12[%swap3A_103] {strides = array<i32>} : memref<256xi32, #tpu.memory_space<vmem>>, vector<16xi32>,
      %swap3A_105 = vector.shape_cast %swap3A_104 : vector<16xi32> to vector<16xi32>
      %swap3A_106 = vector.shape_cast %get3A_102 : vector<16xi32> to vector<16xi32>
      tpu.vector_store %arg12[%swap3A_103], %swap3A_106 {strides = array<i32>} : memref<256xi32, #tpu.memory_space<vmem>>, vector<16xi32>,
      %mul3A_107 = arith.constant 256 : i32
      %mul3A_108 = arith.muli %mul3A_47, %mul3A_107 : i32
      %add3A_109 = arith.constant 64 : i32
      %add3A_110 = arith.addi %mul3A_108, %add3A_109 : i32
      %get3A_111 = arith.index_cast %add3A_110 : i32 to index
      %get3A_112 = tpu.vector_load %arg10[%get3A_111] {strides = array<i32>} : memref<10240xi32, #tpu.memory_space<vmem>>, vector<16xi32>,
      %get3A_113 = vector.shape_cast %get3A_112 : vector<16xi32> to vector<16xi32>
      %swap3A_114 = arith.constant 64 : index
      %swap3A_115 = tpu.vector_load %arg12[%swap3A_114] {strides = array<i32>} : memref<256xi32, #tpu.memory_space<vmem>>, vector<16xi32>,
      %swap3A_116 = vector.shape_cast %swap3A_115 : vector<16xi32> to vector<16xi32>
      %swap3A_117 = vector.shape_cast %get3A_113 : vector<16xi32> to vector<16xi32>
      tpu.vector_store %arg12[%swap3A_114], %swap3A_117 {strides = array<i32>} : memref<256xi32, #tpu.memory_space<vmem>>, vector<16xi32>,
      %mul3A_118 = arith.constant 256 : i32
      %mul3A_119 = arith.muli %mul3A_47, %mul3A_118 : i32
      %add3A_120 = arith.constant 80 : i32
      %add3A_121 = arith.addi %mul3A_119, %add3A_120 : i32
      %get3A_122 = arith.index_cast %add3A_121 : i32 to index
      %get3A_123 = tpu.vector_load %arg10[%get3A_122] {strides = array<i32>} : memref<10240xi32, #tpu.memory_space<vmem>>, vector<16xi32>,
      %get3A_124 = vector.shape_cast %get3A_123 : vector<16xi32> to vector<16xi32>
      %swap3A_125 = arith.constant 80 : index
      %swap3A_126 = tpu.vector_load %arg12[%swap3A_125] {strides = array<i32>} : memref<256xi32, #tpu.memory_space<vmem>>, vector<16xi32>,
      %swap3A_127 = vector.shape_cast %swap3A_126 : vector<16xi32> to vector<16xi32>
      %swap3A_128 = vector.shape_cast %get3A_124 : vector<16xi32> to vector<16xi32>
      tpu.vector_store %arg12[%swap3A_125], %swap3A_128 {strides = array<i32>} : memref<256xi32, #tpu.memory_space<vmem>>, vector<16xi32>,
      %mul3A_129 = arith.constant 256 : i32
      %mul3A_130 = arith.muli %mul3A_47, %mul3A_129 : i32
      %add3A_131 = arith.constant 96 : i32
      %add3A_132 = arith.addi %mul3A_130, %add3A_131 : i32
      %get3A_133 = arith.index_cast %add3A_132 : i32 to index
      %get3A_134 = tpu.vector_load %arg10[%get3A_133] {strides = array<i32>} : memref<10240xi32, #tpu.memory_space<vmem>>, vector<16xi32>,
      %get3A_135 = vector.shape_cast %get3A_134 : vector<16xi32> to vector<16xi32>
      %swap3A_136 = arith.constant 96 : index
      %swap3A_137 = tpu.vector_load %arg12[%swap3A_136] {strides = array<i32>} : memref<256xi32, #tpu.memory_space<vmem>>, vector<16xi32>,
      %swap3A_138 = vector.shape_cast %swap3A_137 : vector<16xi32> to vector<16xi32>
      %swap3A_139 = vector.shape_cast %get3A_135 : vector<16xi32> to vector<16xi32>
      tpu.vector_store %arg12[%swap3A_136], %swap3A_139 {strides = array<i32>} : memref<256xi32, #tpu.memory_space<vmem>>, vector<16xi32>,
      %mul3A_140 = arith.constant 256 : i32
      %mul3A_141 = arith.muli %mul3A_47, %mul3A_140 : i32
      %add3A_142 = arith.constant 112 : i32
      %add3A_143 = arith.addi %mul3A_141, %add3A_142 : i32
      %get3A_144 = arith.index_cast %add3A_143 : i32 to index
      %get3A_145 = tpu.vector_load %arg10[%get3A_144] {strides = array<i32>} : memref<10240xi32, #tpu.memory_space<vmem>>, vector<16xi32>,
      %get3A_146 = vector.shape_cast %get3A_145 : vector<16xi32> to vector<16xi32>
      %swap3A_147 = arith.constant 112 : index
      %swap3A_148 = tpu.vector_load %arg12[%swap3A_147] {strides = array<i32>} : memref<256xi32, #tpu.memory_space<vmem>>, vector<16xi32>,
      %swap3A_149 = vector.shape_cast %swap3A_148 : vector<16xi32> to vector<16xi32>
      %swap3A_150 = vector.shape_cast %get3A_146 : vector<16xi32> to vector<16xi32>
      tpu.vector_store %arg12[%swap3A_147], %swap3A_150 {strides = array<i32>} : memref<256xi32, #tpu.memory_space<vmem>>, vector<16xi32>,
      %mul3A_151 = arith.constant 256 : i32
      %mul3A_152 = arith.muli %mul3A_47, %mul3A_151 : i32
      %add3A_153 = arith.constant 128 : i32
      %add3A_154 = arith.addi %mul3A_152, %add3A_153 : i32
      %get3A_155 = arith.index_cast %add3A_154 : i32 to index
      %get3A_156 = tpu.vector_load %arg10[%get3A_155] {strides = array<i32>} : memref<10240xi32, #tpu.memory_space<vmem>>, vector<16xi32>,
      %get3A_157 = vector.shape_cast %get3A_156 : vector<16xi32> to vector<16xi32>
      %swap3A_158 = arith.constant 128 : index
      %swap3A_159 = tpu.vector_load %arg12[%swap3A_158] {strides = array<i32>} : memref<256xi32, #tpu.memory_space<vmem>>, vector<16xi32>,
      %swap3A_160 = vector.shape_cast %swap3A_159 : vector<16xi32> to vector<16xi32>
      %swap3A_161 = vector.shape_cast %get3A_157 : vector<16xi32> to vector<16xi32>
      tpu.vector_store %arg12[%swap3A_158], %swap3A_161 {strides = array<i32>} : memref<256xi32, #tpu.memory_space<vmem>>, vector<16xi32>,
      %mul3A_162 = arith.constant 256 : i32
      %mul3A_163 = arith.muli %mul3A_47, %mul3A_162 : i32
      %add3A_164 = arith.constant 144 : i32
      %add3A_165 = arith.addi %mul3A_163, %add3A_164 : i32
      %get3A_166 = arith.index_cast %add3A_165 : i32 to index
      %get3A_167 = tpu.vector_load %arg10[%get3A_166] {strides = array<i32>} : memref<10240xi32, #tpu.memory_space<vmem>>, vector<16xi32>,
      %get3A_168 = vector.shape_cast %get3A_167 : vector<16xi32> to vector<16xi32>
      %swap3A_169 = arith.constant 144 : index
      %swap3A_170 = tpu.vector_load %arg12[%swap3A_169] {strides = array<i32>} : memref<256xi32, #tpu.memory_space<vmem>>, vector<16xi32>,
      %swap3A_171 = vector.shape_cast %swap3A_170 : vector<16xi32> to vector<16xi32>
      %swap3A_172 = vector.shape_cast %get3A_168 : vector<16xi32> to vector<16xi32>
      tpu.vector_store %arg12[%swap3A_169], %swap3A_172 {strides = array<i32>} : memref<256xi32, #tpu.memory_space<vmem>>, vector<16xi32>,
      %mul3A_173 = arith.constant 256 : i32
      %mul3A_174 = arith.muli %mul3A_47, %mul3A_173 : i32
      %add3A_175 = arith.constant 160 : i32
      %add3A_176 = arith.addi %mul3A_174, %add3A_175 : i32
      %get3A_177 = arith.index_cast %add3A_176 : i32 to index
      %get3A_178 = tpu.vector_load %arg10[%get3A_177] {strides = array<i32>} : memref<10240xi32, #tpu.memory_space<vmem>>, vector<16xi32>,
      %get3A_179 = vector.shape_cast %get3A_178 : vector<16xi32> to vector<16xi32>
      %swap3A_180 = arith.constant 160 : index
      %swap3A_181 = tpu.vector_load %arg12[%swap3A_180] {strides = array<i32>} : memref<256xi32, #tpu.memory_space<vmem>>, vector<16xi32>,
      %swap3A_182 = vector.shape_cast %swap3A_181 : vector<16xi32> to vector<16xi32>
      %swap3A_183 = vector.shape_cast %get3A_179 : vector<16xi32> to vector<16xi32>
      tpu.vector_store %arg12[%swap3A_180], %swap3A_183 {strides = array<i32>} : memref<256xi32, #tpu.memory_space<vmem>>, vector<16xi32>,
      %mul3A_184 = arith.constant 256 : i32
      %mul3A_185 = arith.muli %mul3A_47, %mul3A_184 : i32
      %add3A_186 = arith.constant 176 : i32
      %add3A_187 = arith.addi %mul3A_185, %add3A_186 : i32
      %get3A_188 = arith.index_cast %add3A_187 : i32 to index
      %get3A_189 = tpu.vector_load %arg10[%get3A_188] {strides = array<i32>} : memref<10240xi32, #tpu.memory_space<vmem>>, vector<16xi32>,
      %get3A_190 = vector.shape_cast %get3A_189 : vector<16xi32> to vector<16xi32>
      %swap3A_191 = arith.constant 176 : index
      %swap3A_192 = tpu.vector_load %arg12[%swap3A_191] {strides = array<i32>} : memref<256xi32, #tpu.memory_space<vmem>>, vector<16xi32>,
      %swap3A_193 = vector.shape_cast %swap3A_192 : vector<16xi32> to vector<16xi32>
      %swap3A_194 = vector.shape_cast %get3A_190 : vector<16xi32> to vector<16xi32>
      tpu.vector_store %arg12[%swap3A_191], %swap3A_194 {strides = array<i32>} : memref<256xi32, #tpu.memory_space<vmem>>, vector<16xi32>,
      %mul3A_195 = arith.constant 256 : i32
      %mul3A_196 = arith.muli %mul3A_47, %mul3A_195 : i32
      %add3A_197 = arith.constant 192 : i32
      %add3A_198 = arith.addi %mul3A_196, %add3A_197 : i32
      %get3A_199 = arith.index_cast %add3A_198 : i32 to index
      %get3A_200 = tpu.vector_load %arg10[%get3A_199] {strides = array<i32>} : memref<10240xi32, #tpu.memory_space<vmem>>, vector<16xi32>,
      %get3A_201 = vector.shape_cast %get3A_200 : vector<16xi32> to vector<16xi32>
      %swap3A_202 = arith.constant 192 : index
      %swap3A_203 = tpu.vector_load %arg12[%swap3A_202] {strides = array<i32>} : memref<256xi32, #tpu.memory_space<vmem>>, vector<16xi32>,
      %swap3A_204 = vector.shape_cast %swap3A_203 : vector<16xi32> to vector<16xi32>
      %swap3A_205 = vector.shape_cast %get3A_201 : vector<16xi32> to vector<16xi32>
      tpu.vector_store %arg12[%swap3A_202], %swap3A_205 {strides = array<i32>} : memref<256xi32, #tpu.memory_space<vmem>>, vector<16xi32>,
      %mul3A_206 = arith.constant 256 : i32
      %mul3A_207 = arith.muli %mul3A_47, %mul3A_206 : i32
      %add3A_208 = arith.constant 208 : i32
      %add3A_209 = arith.addi %mul3A_207, %add3A_208 : i32
      %get3A_210 = arith.index_cast %add3A_209 : i32 to index
      %get3A_211 = tpu.vector_load %arg10[%get3A_210] {strides = array<i32>} : memref<10240xi32, #tpu.memory_space<vmem>>, vector<16xi32>,
      %get3A_212 = vector.shape_cast %get3A_211 : vector<16xi32> to vector<16xi32>
      %swap3A_213 = arith.constant 208 : index
      %swap3A_214 = tpu.vector_load %arg12[%swap3A_213] {strides = array<i32>} : memref<256xi32, #tpu.memory_space<vmem>>, vector<16xi32>,
      %swap3A_215 = vector.shape_cast %swap3A_214 : vector<16xi32> to vector<16xi32>
      %swap3A_216 = vector.shape_cast %get3A_212 : vector<16xi32> to vector<16xi32>
      tpu.vector_store %arg12[%swap3A_213], %swap3A_216 {strides = array<i32>} : memref<256xi32, #tpu.memory_space<vmem>>, vector<16xi32>,
      %mul3A_217 = arith.constant 256 : i32
      %mul3A_218 = arith.muli %mul3A_47, %mul3A_217 : i32
      %add3A_219 = arith.constant 224 : i32
      %add3A_220 = arith.addi %mul3A_218, %add3A_219 : i32
      %get3A_221 = arith.index_cast %add3A_220 : i32 to index
      %get3A_222 = tpu.vector_load %arg10[%get3A_221] {strides = array<i32>} : memref<10240xi32, #tpu.memory_space<vmem>>, vector<16xi32>,
      %get3A_223 = vector.shape_cast %get3A_222 : vector<16xi32> to vector<16xi32>
      %swap3A_224 = arith.constant 224 : index
      %swap3A_225 = tpu.vector_load %arg12[%swap3A_224] {strides = array<i32>} : memref<256xi32, #tpu.memory_space<vmem>>, vector<16xi32>,
      %swap3A_226 = vector.shape_cast %swap3A_225 : vector<16xi32> to vector<16xi32>
      %swap3A_227 = vector.shape_cast %get3A_223 : vector<16xi32> to vector<16xi32>
      tpu.vector_store %arg12[%swap3A_224], %swap3A_227 {strides = array<i32>} : memref<256xi32, #tpu.memory_space<vmem>>, vector<16xi32>,
      %mul3A_228 = arith.constant 256 : i32
      %mul3A_229 = arith.muli %mul3A_47, %mul3A_228 : i32
      %add3A_230 = arith.constant 240 : i32
      %add3A_231 = arith.addi %mul3A_229, %add3A_230 : i32
      %get3A_232 = arith.index_cast %add3A_231 : i32 to index
      %get3A_233 = tpu.vector_load %arg10[%get3A_232] {strides = array<i32>} : memref<10240xi32, #tpu.memory_space<vmem>>, vector<16xi32>,
      %get3A_234 = vector.shape_cast %get3A_233 : vector<16xi32> to vector<16xi32>
      %swap3A_235 = arith.constant 240 : index
      %swap3A_236 = tpu.vector_load %arg12[%swap3A_235] {strides = array<i32>} : memref<256xi32, #tpu.memory_space<vmem>>, vector<16xi32>,
      %swap3A_237 = vector.shape_cast %swap3A_236 : vector<16xi32> to vector<16xi32>
      %swap3A_238 = vector.shape_cast %get3A_234 : vector<16xi32> to vector<16xi32>
      tpu.vector_store %arg12[%swap3A_235], %swap3A_238 {strides = array<i32>} : memref<256xi32, #tpu.memory_space<vmem>>, vector<16xi32>,
      %scan3A_239 = arith.constant 0 : i32
      %scan3A_240 = arith.constant 0 : i32
      %scan3A_241 = arith.constant 16 : i32
      %scan3A_242 = arith.addi %scan3A_240, %scan3A_241 : i32
      %scan3A_243 = arith.constant 1 : i32
      %scan3A_244 = scf.for %scan3A_442 = %scan3A_240 to %scan3A_242 step %scan3A_243 iter_args(%scan3A_443 = %scan3A_239) -> (i32)  : i32 {
        %mul3A_444 = arith.constant 256 : i32
        %mul3A_445 = arith.muli %mul3A_47, %mul3A_444 : i32
        %mul3A_446 = arith.constant 16 : i32
        %mul3A_447 = arith.muli %scan3A_442, %mul3A_446 : i32
        %add3A_448 = arith.addi %mul3A_445, %mul3A_447 : i32
        %get3A_449 = arith.index_cast %add3A_448 : i32 to index
        %get3A_450 = tpu.vector_load %arg11[%get3A_449] {strides = array<i32>} : memref<10240xf32, #tpu.memory_space<vmem>>, vector<16xf32>,
        %get3A_451 = vector.shape_cast %get3A_450 : vector<16xf32> to vector<16xf32>
        %mul3A_452 = arith.constant 16 : i32
        %mul3A_453 = arith.muli %scan3A_442, %mul3A_452 : i32
        %add3A_454 = arith.constant 0 : i32
        %add3A_455 = arith.addi %mul3A_453, %add3A_454 : i32
        %slice3A = vector.extract_strided_slice %get3A_451 {offsets = [0], sizes = [1], strides = [1]} : vector<16xf32> to vector<1xf32>
        %squeeze3A = vector.extract %slice3A[0] : f32 from vector<1xf32>
        %get3A_456 = arith.index_cast %add3A_455 : i32 to index
        %get3A_457 = arith.constant 0 : index
        %get3A_458 = tpu.vector_load %arg13[%get3A_456, %get3A_457] {strides = array<i32>} : memref<256x16xf32, #tpu.memory_space<vmem>>, vector<1x16xf32>,
        %get3A_459 = vector.shape_cast %get3A_458 : vector<1x16xf32> to vector<16xf32>
        %mul3A_460 = vector.broadcast %squeeze3A : f32 to vector<16xf32>
        %mul3A_461 = arith.mulf %get3A_459, %mul3A_460 : vector<16xf32>
        %swap3A_462 = arith.index_cast %add3A_455 : i32 to index
        %swap3A_463 = arith.constant 0 : index
        %swap3A_464 = tpu.vector_load %arg13[%swap3A_462, %swap3A_463] {strides = array<i32>} : memref<256x16xf32, #tpu.memory_space<vmem>>, vector<1x16xf32>,
        %swap3A_465 = vector.shape_cast %swap3A_464 : vector<1x16xf32> to vector<16xf32>
        %swap3A_466 = vector.shape_cast %mul3A_461 : vector<16xf32> to vector<1x16xf32>
        tpu.vector_store %arg13[%swap3A_462, %swap3A_463], %swap3A_466 {strides = array<i32>} : memref<256x16xf32, #tpu.memory_space<vmem>>, vector<1x16xf32>,
        %mul3A_467 = arith.constant 16 : i32
        %mul3A_468 = arith.muli %scan3A_442, %mul3A_467 : i32
        %add3A_469 = arith.constant 1 : i32
        %add3A_470 = arith.addi %mul3A_468, %add3A_469 : i32
        %slice3A_471 = vector.extract_strided_slice %get3A_451 {offsets = [1], sizes = [1], strides = [1]} : vector<16xf32> to vector<1xf32>
        %squeeze3A_472 = vector.extract %slice3A_471[0] : f32 from vector<1xf32>
        %get3A_473 = arith.index_cast %add3A_470 : i32 to index
        %get3A_474 = arith.constant 0 : index
        %get3A_475 = tpu.vector_load %arg13[%get3A_473, %get3A_474] {strides = array<i32>} : memref<256x16xf32, #tpu.memory_space<vmem>>, vector<1x16xf32>,
        %get3A_476 = vector.shape_cast %get3A_475 : vector<1x16xf32> to vector<16xf32>
        %mul3A_477 = vector.broadcast %squeeze3A_472 : f32 to vector<16xf32>
        %mul3A_478 = arith.mulf %get3A_476, %mul3A_477 : vector<16xf32>
        %swap3A_479 = arith.index_cast %add3A_470 : i32 to index
        %swap3A_480 = arith.constant 0 : index
        %swap3A_481 = tpu.vector_load %arg13[%swap3A_479, %swap3A_480] {strides = array<i32>} : memref<256x16xf32, #tpu.memory_space<vmem>>, vector<1x16xf32>,
        %swap3A_482 = vector.shape_cast %swap3A_481 : vector<1x16xf32> to vector<16xf32>
        %swap3A_483 = vector.shape_cast %mul3A_478 : vector<16xf32> to vector<1x16xf32>
        tpu.vector_store %arg13[%swap3A_479, %swap3A_480], %swap3A_483 {strides = array<i32>} : memref<256x16xf32, #tpu.memory_space<vmem>>, vector<1x16xf32>,
        %mul3A_484 = arith.constant 16 : i32
        %mul3A_485 = arith.muli %scan3A_442, %mul3A_484 : i32
        %add3A_486 = arith.constant 2 : i32
        %add3A_487 = arith.addi %mul3A_485, %add3A_486 : i32
        %slice3A_488 = vector.extract_strided_slice %get3A_451 {offsets = [2], sizes = [1], strides = [1]} : vector<16xf32> to vector<1xf32>
        %squeeze3A_489 = vector.extract %slice3A_488[0] : f32 from vector<1xf32>
        %get3A_490 = arith.index_cast %add3A_487 : i32 to index
        %get3A_491 = arith.constant 0 : index
        %get3A_492 = tpu.vector_load %arg13[%get3A_490, %get3A_491] {strides = array<i32>} : memref<256x16xf32, #tpu.memory_space<vmem>>, vector<1x16xf32>,
        %get3A_493 = vector.shape_cast %get3A_492 : vector<1x16xf32> to vector<16xf32>
        %mul3A_494 = vector.broadcast %squeeze3A_489 : f32 to vector<16xf32>
        %mul3A_495 = arith.mulf %get3A_493, %mul3A_494 : vector<16xf32>
        %swap3A_496 = arith.index_cast %add3A_487 : i32 to index
        %swap3A_497 = arith.constant 0 : index
        %swap3A_498 = tpu.vector_load %arg13[%swap3A_496, %swap3A_497] {strides = array<i32>} : memref<256x16xf32, #tpu.memory_space<vmem>>, vector<1x16xf32>,
        %swap3A_499 = vector.shape_cast %swap3A_498 : vector<1x16xf32> to vector<16xf32>
        %swap3A_500 = vector.shape_cast %mul3A_495 : vector<16xf32> to vector<1x16xf32>
        tpu.vector_store %arg13[%swap3A_496, %swap3A_497], %swap3A_500 {strides = array<i32>} : memref<256x16xf32, #tpu.memory_space<vmem>>, vector<1x16xf32>,
        %mul3A_501 = arith.constant 16 : i32
        %mul3A_502 = arith.muli %scan3A_442, %mul3A_501 : i32
        %add3A_503 = arith.constant 3 : i32
        %add3A_504 = arith.addi %mul3A_502, %add3A_503 : i32
        %slice3A_505 = vector.extract_strided_slice %get3A_451 {offsets = [3], sizes = [1], strides = [1]} : vector<16xf32> to vector<1xf32>
        %squeeze3A_506 = vector.extract %slice3A_505[0] : f32 from vector<1xf32>
        %get3A_507 = arith.index_cast %add3A_504 : i32 to index
        %get3A_508 = arith.constant 0 : index
        %get3A_509 = tpu.vector_load %arg13[%get3A_507, %get3A_508] {strides = array<i32>} : memref<256x16xf32, #tpu.memory_space<vmem>>, vector<1x16xf32>,
        %get3A_510 = vector.shape_cast %get3A_509 : vector<1x16xf32> to vector<16xf32>
        %mul3A_511 = vector.broadcast %squeeze3A_506 : f32 to vector<16xf32>
        %mul3A_512 = arith.mulf %get3A_510, %mul3A_511 : vector<16xf32>
        %swap3A_513 = arith.index_cast %add3A_504 : i32 to index
        %swap3A_514 = arith.constant 0 : index
        %swap3A_515 = tpu.vector_load %arg13[%swap3A_513, %swap3A_514] {strides = array<i32>} : memref<256x16xf32, #tpu.memory_space<vmem>>, vector<1x16xf32>,
        %swap3A_516 = vector.shape_cast %swap3A_515 : vector<1x16xf32> to vector<16xf32>
        %swap3A_517 = vector.shape_cast %mul3A_512 : vector<16xf32> to vector<1x16xf32>
        tpu.vector_store %arg13[%swap3A_513, %swap3A_514], %swap3A_517 {strides = array<i32>} : memref<256x16xf32, #tpu.memory_space<vmem>>, vector<1x16xf32>,
        %mul3A_518 = arith.constant 16 : i32
        %mul3A_519 = arith.muli %scan3A_442, %mul3A_518 : i32
        %add3A_520 = arith.constant 4 : i32
        %add3A_521 = arith.addi %mul3A_519, %add3A_520 : i32
        %slice3A_522 = vector.extract_strided_slice %get3A_451 {offsets = [4], sizes = [1], strides = [1]} : vector<16xf32> to vector<1xf32>
        %squeeze3A_523 = vector.extract %slice3A_522[0] : f32 from vector<1xf32>
        %get3A_524 = arith.index_cast %add3A_521 : i32 to index
        %get3A_525 = arith.constant 0 : index
        %get3A_526 = tpu.vector_load %arg13[%get3A_524, %get3A_525] {strides = array<i32>} : memref<256x16xf32, #tpu.memory_space<vmem>>, vector<1x16xf32>,
        %get3A_527 = vector.shape_cast %get3A_526 : vector<1x16xf32> to vector<16xf32>
        %mul3A_528 = vector.broadcast %squeeze3A_523 : f32 to vector<16xf32>
        %mul3A_529 = arith.mulf %get3A_527, %mul3A_528 : vector<16xf32>
        %swap3A_530 = arith.index_cast %add3A_521 : i32 to index
        %swap3A_531 = arith.constant 0 : index
        %swap3A_532 = tpu.vector_load %arg13[%swap3A_530, %swap3A_531] {strides = array<i32>} : memref<256x16xf32, #tpu.memory_space<vmem>>, vector<1x16xf32>,
        %swap3A_533 = vector.shape_cast %swap3A_532 : vector<1x16xf32> to vector<16xf32>
        %swap3A_534 = vector.shape_cast %mul3A_529 : vector<16xf32> to vector<1x16xf32>
        tpu.vector_store %arg13[%swap3A_530, %swap3A_531], %swap3A_534 {strides = array<i32>} : memref<256x16xf32, #tpu.memory_space<vmem>>, vector<1x16xf32>,
        %mul3A_535 = arith.constant 16 : i32
        %mul3A_536 = arith.muli %scan3A_442, %mul3A_535 : i32
        %add3A_537 = arith.constant 5 : i32
        %add3A_538 = arith.addi %mul3A_536, %add3A_537 : i32
        %slice3A_539 = vector.extract_strided_slice %get3A_451 {offsets = [5], sizes = [1], strides = [1]} : vector<16xf32> to vector<1xf32>
        %squeeze3A_540 = vector.extract %slice3A_539[0] : f32 from vector<1xf32>
        %get3A_541 = arith.index_cast %add3A_538 : i32 to index
        %get3A_542 = arith.constant 0 : index
        %get3A_543 = tpu.vector_load %arg13[%get3A_541, %get3A_542] {strides = array<i32>} : memref<256x16xf32, #tpu.memory_space<vmem>>, vector<1x16xf32>,
        %get3A_544 = vector.shape_cast %get3A_543 : vector<1x16xf32> to vector<16xf32>
        %mul3A_545 = vector.broadcast %squeeze3A_540 : f32 to vector<16xf32>
        %mul3A_546 = arith.mulf %get3A_544, %mul3A_545 : vector<16xf32>
        %swap3A_547 = arith.index_cast %add3A_538 : i32 to index
        %swap3A_548 = arith.constant 0 : index
        %swap3A_549 = tpu.vector_load %arg13[%swap3A_547, %swap3A_548] {strides = array<i32>} : memref<256x16xf32, #tpu.memory_space<vmem>>, vector<1x16xf32>,
        %swap3A_550 = vector.shape_cast %swap3A_549 : vector<1x16xf32> to vector<16xf32>
        %swap3A_551 = vector.shape_cast %mul3A_546 : vector<16xf32> to vector<1x16xf32>
        tpu.vector_store %arg13[%swap3A_547, %swap3A_548], %swap3A_551 {strides = array<i32>} : memref<256x16xf32, #tpu.memory_space<vmem>>, vector<1x16xf32>,
        %mul3A_552 = arith.constant 16 : i32
        %mul3A_553 = arith.muli %scan3A_442, %mul3A_552 : i32
        %add3A_554 = arith.constant 6 : i32
        %add3A_555 = arith.addi %mul3A_553, %add3A_554 : i32
        %slice3A_556 = vector.extract_strided_slice %get3A_451 {offsets = [6], sizes = [1], strides = [1]} : vector<16xf32> to vector<1xf32>
        %squeeze3A_557 = vector.extract %slice3A_556[0] : f32 from vector<1xf32>
        %get3A_558 = arith.index_cast %add3A_555 : i32 to index
        %get3A_559 = arith.constant 0 : index
        %get3A_560 = tpu.vector_load %arg13[%get3A_558, %get3A_559] {strides = array<i32>} : memref<256x16xf32, #tpu.memory_space<vmem>>, vector<1x16xf32>,
        %get3A_561 = vector.shape_cast %get3A_560 : vector<1x16xf32> to vector<16xf32>
        %mul3A_562 = vector.broadcast %squeeze3A_557 : f32 to vector<16xf32>
        %mul3A_563 = arith.mulf %get3A_561, %mul3A_562 : vector<16xf32>
        %swap3A_564 = arith.index_cast %add3A_555 : i32 to index
        %swap3A_565 = arith.constant 0 : index
        %swap3A_566 = tpu.vector_load %arg13[%swap3A_564, %swap3A_565] {strides = array<i32>} : memref<256x16xf32, #tpu.memory_space<vmem>>, vector<1x16xf32>,
        %swap3A_567 = vector.shape_cast %swap3A_566 : vector<1x16xf32> to vector<16xf32>
        %swap3A_568 = vector.shape_cast %mul3A_563 : vector<16xf32> to vector<1x16xf32>
        tpu.vector_store %arg13[%swap3A_564, %swap3A_565], %swap3A_568 {strides = array<i32>} : memref<256x16xf32, #tpu.memory_space<vmem>>, vector<1x16xf32>,
        %mul3A_569 = arith.constant 16 : i32
        %mul3A_570 = arith.muli %scan3A_442, %mul3A_569 : i32
        %add3A_571 = arith.constant 7 : i32
        %add3A_572 = arith.addi %mul3A_570, %add3A_571 : i32
        %slice3A_573 = vector.extract_strided_slice %get3A_451 {offsets = [7], sizes = [1], strides = [1]} : vector<16xf32> to vector<1xf32>
        %squeeze3A_574 = vector.extract %slice3A_573[0] : f32 from vector<1xf32>
        %get3A_575 = arith.index_cast %add3A_572 : i32 to index
        %get3A_576 = arith.constant 0 : index
        %get3A_577 = tpu.vector_load %arg13[%get3A_575, %get3A_576] {strides = array<i32>} : memref<256x16xf32, #tpu.memory_space<vmem>>, vector<1x16xf32>,
        %get3A_578 = vector.shape_cast %get3A_577 : vector<1x16xf32> to vector<16xf32>
        %mul3A_579 = vector.broadcast %squeeze3A_574 : f32 to vector<16xf32>
        %mul3A_580 = arith.mulf %get3A_578, %mul3A_579 : vector<16xf32>
        %swap3A_581 = arith.index_cast %add3A_572 : i32 to index
        %swap3A_582 = arith.constant 0 : index
        %swap3A_583 = tpu.vector_load %arg13[%swap3A_581, %swap3A_582] {strides = array<i32>} : memref<256x16xf32, #tpu.memory_space<vmem>>, vector<1x16xf32>,
        %swap3A_584 = vector.shape_cast %swap3A_583 : vector<1x16xf32> to vector<16xf32>
        %swap3A_585 = vector.shape_cast %mul3A_580 : vector<16xf32> to vector<1x16xf32>
        tpu.vector_store %arg13[%swap3A_581, %swap3A_582], %swap3A_585 {strides = array<i32>} : memref<256x16xf32, #tpu.memory_space<vmem>>, vector<1x16xf32>,
        %mul3A_586 = arith.constant 16 : i32
        %mul3A_587 = arith.muli %scan3A_442, %mul3A_586 : i32
        %add3A_588 = arith.constant 8 : i32
        %add3A_589 = arith.addi %mul3A_587, %add3A_588 : i32
        %slice3A_590 = vector.extract_strided_slice %get3A_451 {offsets = [8], sizes = [1], strides = [1]} : vector<16xf32> to vector<1xf32>
        %squeeze3A_591 = vector.extract %slice3A_590[0] : f32 from vector<1xf32>
        %get3A_592 = arith.index_cast %add3A_589 : i32 to index
        %get3A_593 = arith.constant 0 : index
        %get3A_594 = tpu.vector_load %arg13[%get3A_592, %get3A_593] {strides = array<i32>} : memref<256x16xf32, #tpu.memory_space<vmem>>, vector<1x16xf32>,
        %get3A_595 = vector.shape_cast %get3A_594 : vector<1x16xf32> to vector<16xf32>
        %mul3A_596 = vector.broadcast %squeeze3A_591 : f32 to vector<16xf32>
        %mul3A_597 = arith.mulf %get3A_595, %mul3A_596 : vector<16xf32>
        %swap3A_598 = arith.index_cast %add3A_589 : i32 to index
        %swap3A_599 = arith.constant 0 : index
        %swap3A_600 = tpu.vector_load %arg13[%swap3A_598, %swap3A_599] {strides = array<i32>} : memref<256x16xf32, #tpu.memory_space<vmem>>, vector<1x16xf32>,
        %swap3A_601 = vector.shape_cast %swap3A_600 : vector<1x16xf32> to vector<16xf32>
        %swap3A_602 = vector.shape_cast %mul3A_597 : vector<16xf32> to vector<1x16xf32>
        tpu.vector_store %arg13[%swap3A_598, %swap3A_599], %swap3A_602 {strides = array<i32>} : memref<256x16xf32, #tpu.memory_space<vmem>>, vector<1x16xf32>,
        %mul3A_603 = arith.constant 16 : i32
        %mul3A_604 = arith.muli %scan3A_442, %mul3A_603 : i32
        %add3A_605 = arith.constant 9 : i32
        %add3A_606 = arith.addi %mul3A_604, %add3A_605 : i32
        %slice3A_607 = vector.extract_strided_slice %get3A_451 {offsets = [9], sizes = [1], strides = [1]} : vector<16xf32> to vector<1xf32>
        %squeeze3A_608 = vector.extract %slice3A_607[0] : f32 from vector<1xf32>
        %get3A_609 = arith.index_cast %add3A_606 : i32 to index
        %get3A_610 = arith.constant 0 : index
        %get3A_611 = tpu.vector_load %arg13[%get3A_609, %get3A_610] {strides = array<i32>} : memref<256x16xf32, #tpu.memory_space<vmem>>, vector<1x16xf32>,
        %get3A_612 = vector.shape_cast %get3A_611 : vector<1x16xf32> to vector<16xf32>
        %mul3A_613 = vector.broadcast %squeeze3A_608 : f32 to vector<16xf32>
        %mul3A_614 = arith.mulf %get3A_612, %mul3A_613 : vector<16xf32>
        %swap3A_615 = arith.index_cast %add3A_606 : i32 to index
        %swap3A_616 = arith.constant 0 : index
        %swap3A_617 = tpu.vector_load %arg13[%swap3A_615, %swap3A_616] {strides = array<i32>} : memref<256x16xf32, #tpu.memory_space<vmem>>, vector<1x16xf32>,
        %swap3A_618 = vector.shape_cast %swap3A_617 : vector<1x16xf32> to vector<16xf32>
        %swap3A_619 = vector.shape_cast %mul3A_614 : vector<16xf32> to vector<1x16xf32>
        tpu.vector_store %arg13[%swap3A_615, %swap3A_616], %swap3A_619 {strides = array<i32>} : memref<256x16xf32, #tpu.memory_space<vmem>>, vector<1x16xf32>,
        %mul3A_620 = arith.constant 16 : i32
        %mul3A_621 = arith.muli %scan3A_442, %mul3A_620 : i32
        %add3A_622 = arith.constant 10 : i32
        %add3A_623 = arith.addi %mul3A_621, %add3A_622 : i32
        %slice3A_624 = vector.extract_strided_slice %get3A_451 {offsets = [10], sizes = [1], strides = [1]} : vector<16xf32> to vector<1xf32>
        %squeeze3A_625 = vector.extract %slice3A_624[0] : f32 from vector<1xf32>
        %get3A_626 = arith.index_cast %add3A_623 : i32 to index
        %get3A_627 = arith.constant 0 : index
        %get3A_628 = tpu.vector_load %arg13[%get3A_626, %get3A_627] {strides = array<i32>} : memref<256x16xf32, #tpu.memory_space<vmem>>, vector<1x16xf32>,
        %get3A_629 = vector.shape_cast %get3A_628 : vector<1x16xf32> to vector<16xf32>
        %mul3A_630 = vector.broadcast %squeeze3A_625 : f32 to vector<16xf32>
        %mul3A_631 = arith.mulf %get3A_629, %mul3A_630 : vector<16xf32>
        %swap3A_632 = arith.index_cast %add3A_623 : i32 to index
        %swap3A_633 = arith.constant 0 : index
        %swap3A_634 = tpu.vector_load %arg13[%swap3A_632, %swap3A_633] {strides = array<i32>} : memref<256x16xf32, #tpu.memory_space<vmem>>, vector<1x16xf32>,
        %swap3A_635 = vector.shape_cast %swap3A_634 : vector<1x16xf32> to vector<16xf32>
        %swap3A_636 = vector.shape_cast %mul3A_631 : vector<16xf32> to vector<1x16xf32>
        tpu.vector_store %arg13[%swap3A_632, %swap3A_633], %swap3A_636 {strides = array<i32>} : memref<256x16xf32, #tpu.memory_space<vmem>>, vector<1x16xf32>,
        %mul3A_637 = arith.constant 16 : i32
        %mul3A_638 = arith.muli %scan3A_442, %mul3A_637 : i32
        %add3A_639 = arith.constant 11 : i32
        %add3A_640 = arith.addi %mul3A_638, %add3A_639 : i32
        %slice3A_641 = vector.extract_strided_slice %get3A_451 {offsets = [11], sizes = [1], strides = [1]} : vector<16xf32> to vector<1xf32>
        %squeeze3A_642 = vector.extract %slice3A_641[0] : f32 from vector<1xf32>
        %get3A_643 = arith.index_cast %add3A_640 : i32 to index
        %get3A_644 = arith.constant 0 : index
        %get3A_645 = tpu.vector_load %arg13[%get3A_643, %get3A_644] {strides = array<i32>} : memref<256x16xf32, #tpu.memory_space<vmem>>, vector<1x16xf32>,
        %get3A_646 = vector.shape_cast %get3A_645 : vector<1x16xf32> to vector<16xf32>
        %mul3A_647 = vector.broadcast %squeeze3A_642 : f32 to vector<16xf32>
        %mul3A_648 = arith.mulf %get3A_646, %mul3A_647 : vector<16xf32>
        %swap3A_649 = arith.index_cast %add3A_640 : i32 to index
        %swap3A_650 = arith.constant 0 : index
        %swap3A_651 = tpu.vector_load %arg13[%swap3A_649, %swap3A_650] {strides = array<i32>} : memref<256x16xf32, #tpu.memory_space<vmem>>, vector<1x16xf32>,
        %swap3A_652 = vector.shape_cast %swap3A_651 : vector<1x16xf32> to vector<16xf32>
        %swap3A_653 = vector.shape_cast %mul3A_648 : vector<16xf32> to vector<1x16xf32>
        tpu.vector_store %arg13[%swap3A_649, %swap3A_650], %swap3A_653 {strides = array<i32>} : memref<256x16xf32, #tpu.memory_space<vmem>>, vector<1x16xf32>,
        %mul3A_654 = arith.constant 16 : i32
        %mul3A_655 = arith.muli %scan3A_442, %mul3A_654 : i32
        %add3A_656 = arith.constant 12 : i32
        %add3A_657 = arith.addi %mul3A_655, %add3A_656 : i32
        %slice3A_658 = vector.extract_strided_slice %get3A_451 {offsets = [12], sizes = [1], strides = [1]} : vector<16xf32> to vector<1xf32>
        %squeeze3A_659 = vector.extract %slice3A_658[0] : f32 from vector<1xf32>
        %get3A_660 = arith.index_cast %add3A_657 : i32 to index
        %get3A_661 = arith.constant 0 : index
        %get3A_662 = tpu.vector_load %arg13[%get3A_660, %get3A_661] {strides = array<i32>} : memref<256x16xf32, #tpu.memory_space<vmem>>, vector<1x16xf32>,
        %get3A_663 = vector.shape_cast %get3A_662 : vector<1x16xf32> to vector<16xf32>
        %mul3A_664 = vector.broadcast %squeeze3A_659 : f32 to vector<16xf32>
        %mul3A_665 = arith.mulf %get3A_663, %mul3A_664 : vector<16xf32>
        %swap3A_666 = arith.index_cast %add3A_657 : i32 to index
        %swap3A_667 = arith.constant 0 : index
        %swap3A_668 = tpu.vector_load %arg13[%swap3A_666, %swap3A_667] {strides = array<i32>} : memref<256x16xf32, #tpu.memory_space<vmem>>, vector<1x16xf32>,
        %swap3A_669 = vector.shape_cast %swap3A_668 : vector<1x16xf32> to vector<16xf32>
        %swap3A_670 = vector.shape_cast %mul3A_665 : vector<16xf32> to vector<1x16xf32>
        tpu.vector_store %arg13[%swap3A_666, %swap3A_667], %swap3A_670 {strides = array<i32>} : memref<256x16xf32, #tpu.memory_space<vmem>>, vector<1x16xf32>,
        %mul3A_671 = arith.constant 16 : i32
        %mul3A_672 = arith.muli %scan3A_442, %mul3A_671 : i32
        %add3A_673 = arith.constant 13 : i32
        %add3A_674 = arith.addi %mul3A_672, %add3A_673 : i32
        %slice3A_675 = vector.extract_strided_slice %get3A_451 {offsets = [13], sizes = [1], strides = [1]} : vector<16xf32> to vector<1xf32>
        %squeeze3A_676 = vector.extract %slice3A_675[0] : f32 from vector<1xf32>
        %get3A_677 = arith.index_cast %add3A_674 : i32 to index
        %get3A_678 = arith.constant 0 : index
        %get3A_679 = tpu.vector_load %arg13[%get3A_677, %get3A_678] {strides = array<i32>} : memref<256x16xf32, #tpu.memory_space<vmem>>, vector<1x16xf32>,
        %get3A_680 = vector.shape_cast %get3A_679 : vector<1x16xf32> to vector<16xf32>
        %mul3A_681 = vector.broadcast %squeeze3A_676 : f32 to vector<16xf32>
        %mul3A_682 = arith.mulf %get3A_680, %mul3A_681 : vector<16xf32>
        %swap3A_683 = arith.index_cast %add3A_674 : i32 to index
        %swap3A_684 = arith.constant 0 : index
        %swap3A_685 = tpu.vector_load %arg13[%swap3A_683, %swap3A_684] {strides = array<i32>} : memref<256x16xf32, #tpu.memory_space<vmem>>, vector<1x16xf32>,
        %swap3A_686 = vector.shape_cast %swap3A_685 : vector<1x16xf32> to vector<16xf32>
        %swap3A_687 = vector.shape_cast %mul3A_682 : vector<16xf32> to vector<1x16xf32>
        tpu.vector_store %arg13[%swap3A_683, %swap3A_684], %swap3A_687 {strides = array<i32>} : memref<256x16xf32, #tpu.memory_space<vmem>>, vector<1x16xf32>,
        %mul3A_688 = arith.constant 16 : i32
        %mul3A_689 = arith.muli %scan3A_442, %mul3A_688 : i32
        %add3A_690 = arith.constant 14 : i32
        %add3A_691 = arith.addi %mul3A_689, %add3A_690 : i32
        %slice3A_692 = vector.extract_strided_slice %get3A_451 {offsets = [14], sizes = [1], strides = [1]} : vector<16xf32> to vector<1xf32>
        %squeeze3A_693 = vector.extract %slice3A_692[0] : f32 from vector<1xf32>
        %get3A_694 = arith.index_cast %add3A_691 : i32 to index
        %get3A_695 = arith.constant 0 : index
        %get3A_696 = tpu.vector_load %arg13[%get3A_694, %get3A_695] {strides = array<i32>} : memref<256x16xf32, #tpu.memory_space<vmem>>, vector<1x16xf32>,
        %get3A_697 = vector.shape_cast %get3A_696 : vector<1x16xf32> to vector<16xf32>
        %mul3A_698 = vector.broadcast %squeeze3A_693 : f32 to vector<16xf32>
        %mul3A_699 = arith.mulf %get3A_697, %mul3A_698 : vector<16xf32>
        %swap3A_700 = arith.index_cast %add3A_691 : i32 to index
        %swap3A_701 = arith.constant 0 : index
        %swap3A_702 = tpu.vector_load %arg13[%swap3A_700, %swap3A_701] {strides = array<i32>} : memref<256x16xf32, #tpu.memory_space<vmem>>, vector<1x16xf32>,
        %swap3A_703 = vector.shape_cast %swap3A_702 : vector<1x16xf32> to vector<16xf32>
        %swap3A_704 = vector.shape_cast %mul3A_699 : vector<16xf32> to vector<1x16xf32>
        tpu.vector_store %arg13[%swap3A_700, %swap3A_701], %swap3A_704 {strides = array<i32>} : memref<256x16xf32, #tpu.memory_space<vmem>>, vector<1x16xf32>,
        %mul3A_705 = arith.constant 16 : i32
        %mul3A_706 = arith.muli %scan3A_442, %mul3A_705 : i32
        %add3A_707 = arith.constant 15 : i32
        %add3A_708 = arith.addi %mul3A_706, %add3A_707 : i32
        %slice3A_709 = vector.extract_strided_slice %get3A_451 {offsets = [15], sizes = [1], strides = [1]} : vector<16xf32> to vector<1xf32>
        %squeeze3A_710 = vector.extract %slice3A_709[0] : f32 from vector<1xf32>
        %get3A_711 = arith.index_cast %add3A_708 : i32 to index
        %get3A_712 = arith.constant 0 : index
        %get3A_713 = tpu.vector_load %arg13[%get3A_711, %get3A_712] {strides = array<i32>} : memref<256x16xf32, #tpu.memory_space<vmem>>, vector<1x16xf32>,
        %get3A_714 = vector.shape_cast %get3A_713 : vector<1x16xf32> to vector<16xf32>
        %mul3A_715 = vector.broadcast %squeeze3A_710 : f32 to vector<16xf32>
        %mul3A_716 = arith.mulf %get3A_714, %mul3A_715 : vector<16xf32>
        %swap3A_717 = arith.index_cast %add3A_708 : i32 to index
        %swap3A_718 = arith.constant 0 : index
        %swap3A_719 = tpu.vector_load %arg13[%swap3A_717, %swap3A_718] {strides = array<i32>} : memref<256x16xf32, #tpu.memory_space<vmem>>, vector<1x16xf32>,
        %swap3A_720 = vector.shape_cast %swap3A_719 : vector<1x16xf32> to vector<16xf32>
        %swap3A_721 = vector.shape_cast %mul3A_716 : vector<16xf32> to vector<1x16xf32>
        tpu.vector_store %arg13[%swap3A_717, %swap3A_718], %swap3A_721 {strides = array<i32>} : memref<256x16xf32, #tpu.memory_space<vmem>>, vector<1x16xf32>,
        %scan3A_722 = arith.constant 0 : i32
        scf.yield %scan3A_722 : i32
      }
      %scan3A_245 = arith.constant 16 : i32
      "tpu.region"() ({
        %run_scoped3A = tpu.sem_alloc : memref<!tpu.dma_semaphore, #tpu.memory_space<semaphore_mem>>
        %dma_start3A_442 = arith.constant 0 : i32
        %dma_start3A_443 = arith.constant 0 : i32
        %dma_start3A_444 = tpu.memref_slice %arg7[%dma_start3A_442, %dma_start3A_443] : memref<10112x16xf32, #tpu.memory_space<vmem_shared>> -> memref<10112x16xf32, #tpu.memory_space<vmem_shared>>
        tpu.enqueue_indirect_dma source(%arg13 : memref<256x16xf32, #tpu.memory_space<vmem>>) target(%dma_start3A_444 : memref<10112x16xf32, #tpu.memory_space<vmem_shared>>) offsets(%arg12 : memref<256xi32, #tpu.memory_space<vmem>>) semaphore(%run_scoped3A : memref<!tpu.dma_semaphore, #tpu.memory_space<semaphore_mem>>) {add = true}
        %dma_wait3A_445 = arith.constant 0 : i32
        %dma_wait3A_446 = arith.constant 0 : i32
        %dma_wait3A_447 = tpu.memref_slice %arg7[%dma_wait3A_445, %dma_wait3A_446] : memref<10112x16xf32, #tpu.memory_space<vmem_shared>> -> memref<10112x16xf32, #tpu.memory_space<vmem_shared>>
        tpu.wait_indirect_dma semaphore(%run_scoped3A : memref<!tpu.dma_semaphore, #tpu.memory_space<semaphore_mem>>) src(%arg13 : memref<256x16xf32, #tpu.memory_space<vmem>>) dst(%dma_wait3A_447 : memref<10112x16xf32, #tpu.memory_space<vmem_shared>>)
        tpu.yield
      }) : () -> ()
      %mul3A_246 = arith.constant 256 : i32
      %mul3A_247 = arith.muli %min3A_52, %mul3A_246 : i32
      %dma_start3A_248 = tpu.memref_slice %arg9[%mul3A_247] : memref<10240xi32, #tpu.memory_space<vmem>> -> memref<256xi32, #tpu.memory_space<vmem>>
      %dma_start3A_249 = arith.constant 0 : i32
      %dma_start3A_250 = arith.constant 0 : i32
      %dma_start3A_251 = tpu.memref_slice %arg2[%dma_start3A_249, %dma_start3A_250] : memref<80000x16xf32, #tpu.memory_space<hbm>> -> memref<80000x16xf32, #tpu.memory_space<hbm>>
      tpu.enqueue_indirect_dma source(%dma_start3A_251 : memref<80000x16xf32, #tpu.memory_space<hbm>>) target(%arg13 : memref<256x16xf32, #tpu.memory_space<vmem>>) offsets(%dma_start3A_248 : memref<256xi32, #tpu.memory_space<vmem>>) semaphore(%arg16 : memref<!tpu.dma_semaphore, #tpu.memory_space<semaphore_mem>>)
      %mul3A_252 = arith.constant 256 : i32
      %mul3A_253 = arith.muli %add3A_49, %mul3A_252 : i32
      %dma_wait3A_254 = tpu.memref_slice %arg9[%mul3A_253] : memref<10240xi32, #tpu.memory_space<vmem>> -> memref<256xi32, #tpu.memory_space<vmem>>
      %dma_wait3A_255 = arith.constant 0 : i32
      %dma_wait3A_256 = arith.constant 0 : i32
      %dma_wait3A_257 = tpu.memref_slice %arg2[%dma_wait3A_255, %dma_wait3A_256] : memref<80000x16xf32, #tpu.memory_space<hbm>> -> memref<80000x16xf32, #tpu.memory_space<hbm>>
      tpu.wait_indirect_dma semaphore(%arg17 : memref<!tpu.dma_semaphore, #tpu.memory_space<semaphore_mem>>) src(%dma_wait3A_257 : memref<80000x16xf32, #tpu.memory_space<hbm>>) dst(%arg14 : memref<256x16xf32, #tpu.memory_space<vmem>>)
      %mul3A_258 = arith.constant 256 : i32
      %mul3A_259 = arith.muli %add3A_49, %mul3A_258 : i32
      %add3A_260 = arith.constant 0 : i32
      %add3A_261 = arith.addi %mul3A_259, %add3A_260 : i32
      %get3A_262 = arith.index_cast %add3A_261 : i32 to index
      %get3A_263 = tpu.vector_load %arg10[%get3A_262] {strides = array<i32>} : memref<10240xi32, #tpu.memory_space<vmem>>, vector<16xi32>,
      %get3A_264 = vector.shape_cast %get3A_263 : vector<16xi32> to vector<16xi32>
      %swap3A_265 = arith.constant 0 : index
      %swap3A_266 = tpu.vector_load %arg12[%swap3A_265] {strides = array<i32>} : memref<256xi32, #tpu.memory_space<vmem>>, vector<16xi32>,
      %swap3A_267 = vector.shape_cast %swap3A_266 : vector<16xi32> to vector<16xi32>
      %swap3A_268 = vector.shape_cast %get3A_264 : vector<16xi32> to vector<16xi32>
      tpu.vector_store %arg12[%swap3A_265], %swap3A_268 {strides = array<i32>} : memref<256xi32, #tpu.memory_space<vmem>>, vector<16xi32>,
      %mul3A_269 = arith.constant 256 : i32
      %mul3A_270 = arith.muli %add3A_49, %mul3A_269 : i32
      %add3A_271 = arith.constant 16 : i32
      %add3A_272 = arith.addi %mul3A_270, %add3A_271 : i32
      %get3A_273 = arith.index_cast %add3A_272 : i32 to index
      %get3A_274 = tpu.vector_load %arg10[%get3A_273] {strides = array<i32>} : memref<10240xi32, #tpu.memory_space<vmem>>, vector<16xi32>,
      %get3A_275 = vector.shape_cast %get3A_274 : vector<16xi32> to vector<16xi32>
      %swap3A_276 = arith.constant 16 : index
      %swap3A_277 = tpu.vector_load %arg12[%swap3A_276] {strides = array<i32>} : memref<256xi32, #tpu.memory_space<vmem>>, vector<16xi32>,
      %swap3A_278 = vector.shape_cast %swap3A_277 : vector<16xi32> to vector<16xi32>
      %swap3A_279 = vector.shape_cast %get3A_275 : vector<16xi32> to vector<16xi32>
      tpu.vector_store %arg12[%swap3A_276], %swap3A_279 {strides = array<i32>} : memref<256xi32, #tpu.memory_space<vmem>>, vector<16xi32>,
      %mul3A_280 = arith.constant 256 : i32
      %mul3A_281 = arith.muli %add3A_49, %mul3A_280 : i32
      %add3A_282 = arith.constant 32 : i32
      %add3A_283 = arith.addi %mul3A_281, %add3A_282 : i32
      %get3A_284 = arith.index_cast %add3A_283 : i32 to index
      %get3A_285 = tpu.vector_load %arg10[%get3A_284] {strides = array<i32>} : memref<10240xi32, #tpu.memory_space<vmem>>, vector<16xi32>,
      %get3A_286 = vector.shape_cast %get3A_285 : vector<16xi32> to vector<16xi32>
      %swap3A_287 = arith.constant 32 : index
      %swap3A_288 = tpu.vector_load %arg12[%swap3A_287] {strides = array<i32>} : memref<256xi32, #tpu.memory_space<vmem>>, vector<16xi32>,
      %swap3A_289 = vector.shape_cast %swap3A_288 : vector<16xi32> to vector<16xi32>
      %swap3A_290 = vector.shape_cast %get3A_286 : vector<16xi32> to vector<16xi32>
      tpu.vector_store %arg12[%swap3A_287], %swap3A_290 {strides = array<i32>} : memref<256xi32, #tpu.memory_space<vmem>>, vector<16xi32>,
      %mul3A_291 = arith.constant 256 : i32
      %mul3A_292 = arith.muli %add3A_49, %mul3A_291 : i32
      %add3A_293 = arith.constant 48 : i32
      %add3A_294 = arith.addi %mul3A_292, %add3A_293 : i32
      %get3A_295 = arith.index_cast %add3A_294 : i32 to index
      %get3A_296 = tpu.vector_load %arg10[%get3A_295] {strides = array<i32>} : memref<10240xi32, #tpu.memory_space<vmem>>, vector<16xi32>,
      %get3A_297 = vector.shape_cast %get3A_296 : vector<16xi32> to vector<16xi32>
      %swap3A_298 = arith.constant 48 : index
      %swap3A_299 = tpu.vector_load %arg12[%swap3A_298] {strides = array<i32>} : memref<256xi32, #tpu.memory_space<vmem>>, vector<16xi32>,
      %swap3A_300 = vector.shape_cast %swap3A_299 : vector<16xi32> to vector<16xi32>
      %swap3A_301 = vector.shape_cast %get3A_297 : vector<16xi32> to vector<16xi32>
      tpu.vector_store %arg12[%swap3A_298], %swap3A_301 {strides = array<i32>} : memref<256xi32, #tpu.memory_space<vmem>>, vector<16xi32>,
      %mul3A_302 = arith.constant 256 : i32
      %mul3A_303 = arith.muli %add3A_49, %mul3A_302 : i32
      %add3A_304 = arith.constant 64 : i32
      %add3A_305 = arith.addi %mul3A_303, %add3A_304 : i32
      %get3A_306 = arith.index_cast %add3A_305 : i32 to index
      %get3A_307 = tpu.vector_load %arg10[%get3A_306] {strides = array<i32>} : memref<10240xi32, #tpu.memory_space<vmem>>, vector<16xi32>,
      %get3A_308 = vector.shape_cast %get3A_307 : vector<16xi32> to vector<16xi32>
      %swap3A_309 = arith.constant 64 : index
      %swap3A_310 = tpu.vector_load %arg12[%swap3A_309] {strides = array<i32>} : memref<256xi32, #tpu.memory_space<vmem>>, vector<16xi32>,
      %swap3A_311 = vector.shape_cast %swap3A_310 : vector<16xi32> to vector<16xi32>
      %swap3A_312 = vector.shape_cast %get3A_308 : vector<16xi32> to vector<16xi32>
      tpu.vector_store %arg12[%swap3A_309], %swap3A_312 {strides = array<i32>} : memref<256xi32, #tpu.memory_space<vmem>>, vector<16xi32>,
      %mul3A_313 = arith.constant 256 : i32
      %mul3A_314 = arith.muli %add3A_49, %mul3A_313 : i32
      %add3A_315 = arith.constant 80 : i32
      %add3A_316 = arith.addi %mul3A_314, %add3A_315 : i32
      %get3A_317 = arith.index_cast %add3A_316 : i32 to index
      %get3A_318 = tpu.vector_load %arg10[%get3A_317] {strides = array<i32>} : memref<10240xi32, #tpu.memory_space<vmem>>, vector<16xi32>,
      %get3A_319 = vector.shape_cast %get3A_318 : vector<16xi32> to vector<16xi32>
      %swap3A_320 = arith.constant 80 : index
      %swap3A_321 = tpu.vector_load %arg12[%swap3A_320] {strides = array<i32>} : memref<256xi32, #tpu.memory_space<vmem>>, vector<16xi32>,
      %swap3A_322 = vector.shape_cast %swap3A_321 : vector<16xi32> to vector<16xi32>
      %swap3A_323 = vector.shape_cast %get3A_319 : vector<16xi32> to vector<16xi32>
      tpu.vector_store %arg12[%swap3A_320], %swap3A_323 {strides = array<i32>} : memref<256xi32, #tpu.memory_space<vmem>>, vector<16xi32>,
      %mul3A_324 = arith.constant 256 : i32
      %mul3A_325 = arith.muli %add3A_49, %mul3A_324 : i32
      %add3A_326 = arith.constant 96 : i32
      %add3A_327 = arith.addi %mul3A_325, %add3A_326 : i32
      %get3A_328 = arith.index_cast %add3A_327 : i32 to index
      %get3A_329 = tpu.vector_load %arg10[%get3A_328] {strides = array<i32>} : memref<10240xi32, #tpu.memory_space<vmem>>, vector<16xi32>,
      %get3A_330 = vector.shape_cast %get3A_329 : vector<16xi32> to vector<16xi32>
      %swap3A_331 = arith.constant 96 : index
      %swap3A_332 = tpu.vector_load %arg12[%swap3A_331] {strides = array<i32>} : memref<256xi32, #tpu.memory_space<vmem>>, vector<16xi32>,
      %swap3A_333 = vector.shape_cast %swap3A_332 : vector<16xi32> to vector<16xi32>
      %swap3A_334 = vector.shape_cast %get3A_330 : vector<16xi32> to vector<16xi32>
      tpu.vector_store %arg12[%swap3A_331], %swap3A_334 {strides = array<i32>} : memref<256xi32, #tpu.memory_space<vmem>>, vector<16xi32>,
      %mul3A_335 = arith.constant 256 : i32
      %mul3A_336 = arith.muli %add3A_49, %mul3A_335 : i32
      %add3A_337 = arith.constant 112 : i32
      %add3A_338 = arith.addi %mul3A_336, %add3A_337 : i32
      %get3A_339 = arith.index_cast %add3A_338 : i32 to index
      %get3A_340 = tpu.vector_load %arg10[%get3A_339] {strides = array<i32>} : memref<10240xi32, #tpu.memory_space<vmem>>, vector<16xi32>,
      %get3A_341 = vector.shape_cast %get3A_340 : vector<16xi32> to vector<16xi32>
      %swap3A_342 = arith.constant 112 : index
      %swap3A_343 = tpu.vector_load %arg12[%swap3A_342] {strides = array<i32>} : memref<256xi32, #tpu.memory_space<vmem>>, vector<16xi32>,
      %swap3A_344 = vector.shape_cast %swap3A_343 : vector<16xi32> to vector<16xi32>
      %swap3A_345 = vector.shape_cast %get3A_341 : vector<16xi32> to vector<16xi32>
      tpu.vector_store %arg12[%swap3A_342], %swap3A_345 {strides = array<i32>} : memref<256xi32, #tpu.memory_space<vmem>>, vector<16xi32>,
      %mul3A_346 = arith.constant 256 : i32
      %mul3A_347 = arith.muli %add3A_49, %mul3A_346 : i32
      %add3A_348 = arith.constant 128 : i32
      %add3A_349 = arith.addi %mul3A_347, %add3A_348 : i32
      %get3A_350 = arith.index_cast %add3A_349 : i32 to index
      %get3A_351 = tpu.vector_load %arg10[%get3A_350] {strides = array<i32>} : memref<10240xi32, #tpu.memory_space<vmem>>, vector<16xi32>,
      %get3A_352 = vector.shape_cast %get3A_351 : vector<16xi32> to vector<16xi32>
      %swap3A_353 = arith.constant 128 : index
      %swap3A_354 = tpu.vector_load %arg12[%swap3A_353] {strides = array<i32>} : memref<256xi32, #tpu.memory_space<vmem>>, vector<16xi32>,
      %swap3A_355 = vector.shape_cast %swap3A_354 : vector<16xi32> to vector<16xi32>
      %swap3A_356 = vector.shape_cast %get3A_352 : vector<16xi32> to vector<16xi32>
      tpu.vector_store %arg12[%swap3A_353], %swap3A_356 {strides = array<i32>} : memref<256xi32, #tpu.memory_space<vmem>>, vector<16xi32>,
      %mul3A_357 = arith.constant 256 : i32
      %mul3A_358 = arith.muli %add3A_49, %mul3A_357 : i32
      %add3A_359 = arith.constant 144 : i32
      %add3A_360 = arith.addi %mul3A_358, %add3A_359 : i32
      %get3A_361 = arith.index_cast %add3A_360 : i32 to index
      %get3A_362 = tpu.vector_load %arg10[%get3A_361] {strides = array<i32>} : memref<10240xi32, #tpu.memory_space<vmem>>, vector<16xi32>,
      %get3A_363 = vector.shape_cast %get3A_362 : vector<16xi32> to vector<16xi32>
      %swap3A_364 = arith.constant 144 : index
      %swap3A_365 = tpu.vector_load %arg12[%swap3A_364] {strides = array<i32>} : memref<256xi32, #tpu.memory_space<vmem>>, vector<16xi32>,
      %swap3A_366 = vector.shape_cast %swap3A_365 : vector<16xi32> to vector<16xi32>
      %swap3A_367 = vector.shape_cast %get3A_363 : vector<16xi32> to vector<16xi32>
      tpu.vector_store %arg12[%swap3A_364], %swap3A_367 {strides = array<i32>} : memref<256xi32, #tpu.memory_space<vmem>>, vector<16xi32>,
      %mul3A_368 = arith.constant 256 : i32
      %mul3A_369 = arith.muli %add3A_49, %mul3A_368 : i32
      %add3A_370 = arith.constant 160 : i32
      %add3A_371 = arith.addi %mul3A_369, %add3A_370 : i32
      %get3A_372 = arith.index_cast %add3A_371 : i32 to index
      %get3A_373 = tpu.vector_load %arg10[%get3A_372] {strides = array<i32>} : memref<10240xi32, #tpu.memory_space<vmem>>, vector<16xi32>,
      %get3A_374 = vector.shape_cast %get3A_373 : vector<16xi32> to vector<16xi32>
      %swap3A_375 = arith.constant 160 : index
      %swap3A_376 = tpu.vector_load %arg12[%swap3A_375] {strides = array<i32>} : memref<256xi32, #tpu.memory_space<vmem>>, vector<16xi32>,
      %swap3A_377 = vector.shape_cast %swap3A_376 : vector<16xi32> to vector<16xi32>
      %swap3A_378 = vector.shape_cast %get3A_374 : vector<16xi32> to vector<16xi32>
      tpu.vector_store %arg12[%swap3A_375], %swap3A_378 {strides = array<i32>} : memref<256xi32, #tpu.memory_space<vmem>>, vector<16xi32>,
      %mul3A_379 = arith.constant 256 : i32
      %mul3A_380 = arith.muli %add3A_49, %mul3A_379 : i32
      %add3A_381 = arith.constant 176 : i32
      %add3A_382 = arith.addi %mul3A_380, %add3A_381 : i32
      %get3A_383 = arith.index_cast %add3A_382 : i32 to index
      %get3A_384 = tpu.vector_load %arg10[%get3A_383] {strides = array<i32>} : memref<10240xi32, #tpu.memory_space<vmem>>, vector<16xi32>,
      %get3A_385 = vector.shape_cast %get3A_384 : vector<16xi32> to vector<16xi32>
      %swap3A_386 = arith.constant 176 : index
      %swap3A_387 = tpu.vector_load %arg12[%swap3A_386] {strides = array<i32>} : memref<256xi32, #tpu.memory_space<vmem>>, vector<16xi32>,
      %swap3A_388 = vector.shape_cast %swap3A_387 : vector<16xi32> to vector<16xi32>
      %swap3A_389 = vector.shape_cast %get3A_385 : vector<16xi32> to vector<16xi32>
      tpu.vector_store %arg12[%swap3A_386], %swap3A_389 {strides = array<i32>} : memref<256xi32, #tpu.memory_space<vmem>>, vector<16xi32>,
      %mul3A_390 = arith.constant 256 : i32
      %mul3A_391 = arith.muli %add3A_49, %mul3A_390 : i32
      %add3A_392 = arith.constant 192 : i32
      %add3A_393 = arith.addi %mul3A_391, %add3A_392 : i32
      %get3A_394 = arith.index_cast %add3A_393 : i32 to index
      %get3A_395 = tpu.vector_load %arg10[%get3A_394] {strides = array<i32>} : memref<10240xi32, #tpu.memory_space<vmem>>, vector<16xi32>,
      %get3A_396 = vector.shape_cast %get3A_395 : vector<16xi32> to vector<16xi32>
      %swap3A_397 = arith.constant 192 : index
      %swap3A_398 = tpu.vector_load %arg12[%swap3A_397] {strides = array<i32>} : memref<256xi32, #tpu.memory_space<vmem>>, vector<16xi32>,
      %swap3A_399 = vector.shape_cast %swap3A_398 : vector<16xi32> to vector<16xi32>
      %swap3A_400 = vector.shape_cast %get3A_396 : vector<16xi32> to vector<16xi32>
      tpu.vector_store %arg12[%swap3A_397], %swap3A_400 {strides = array<i32>} : memref<256xi32, #tpu.memory_space<vmem>>, vector<16xi32>,
      %mul3A_401 = arith.constant 256 : i32
      %mul3A_402 = arith.muli %add3A_49, %mul3A_401 : i32
      %add3A_403 = arith.constant 208 : i32
      %add3A_404 = arith.addi %mul3A_402, %add3A_403 : i32
      %get3A_405 = arith.index_cast %add3A_404 : i32 to index
      %get3A_406 = tpu.vector_load %arg10[%get3A_405] {strides = array<i32>} : memref<10240xi32, #tpu.memory_space<vmem>>, vector<16xi32>,
      %get3A_407 = vector.shape_cast %get3A_406 : vector<16xi32> to vector<16xi32>
      %swap3A_408 = arith.constant 208 : index
      %swap3A_409 = tpu.vector_load %arg12[%swap3A_408] {strides = array<i32>} : memref<256xi32, #tpu.memory_space<vmem>>, vector<16xi32>,
      %swap3A_410 = vector.shape_cast %swap3A_409 : vector<16xi32> to vector<16xi32>
      %swap3A_411 = vector.shape_cast %get3A_407 : vector<16xi32> to vector<16xi32>
      tpu.vector_store %arg12[%swap3A_408], %swap3A_411 {strides = array<i32>} : memref<256xi32, #tpu.memory_space<vmem>>, vector<16xi32>,
      %mul3A_412 = arith.constant 256 : i32
      %mul3A_413 = arith.muli %add3A_49, %mul3A_412 : i32
      %add3A_414 = arith.constant 224 : i32
      %add3A_415 = arith.addi %mul3A_413, %add3A_414 : i32
      %get3A_416 = arith.index_cast %add3A_415 : i32 to index
      %get3A_417 = tpu.vector_load %arg10[%get3A_416] {strides = array<i32>} : memref<10240xi32, #tpu.memory_space<vmem>>, vector<16xi32>,
      %get3A_418 = vector.shape_cast %get3A_417 : vector<16xi32> to vector<16xi32>
      %swap3A_419 = arith.constant 224 : index
      %swap3A_420 = tpu.vector_load %arg12[%swap3A_419] {strides = array<i32>} : memref<256xi32, #tpu.memory_space<vmem>>, vector<16xi32>,
      %swap3A_421 = vector.shape_cast %swap3A_420 : vector<16xi32> to vector<16xi32>
      %swap3A_422 = vector.shape_cast %get3A_418 : vector<16xi32> to vector<16xi32>
      tpu.vector_store %arg12[%swap3A_419], %swap3A_422 {strides = array<i32>} : memref<256xi32, #tpu.memory_space<vmem>>, vector<16xi32>,
      %mul3A_423 = arith.constant 256 : i32
      %mul3A_424 = arith.muli %add3A_49, %mul3A_423 : i32
      %add3A_425 = arith.constant 240 : i32
      %add3A_426 = arith.addi %mul3A_424, %add3A_425 : i32
      %get3A_427 = arith.index_cast %add3A_426 : i32 to index
      %get3A_428 = tpu.vector_load %arg10[%get3A_427] {strides = array<i32>} : memref<10240xi32, #tpu.memory_space<vmem>>, vector<16xi32>,
      %get3A_429 = vector.shape_cast %get3A_428 : vector<16xi32> to vector<16xi32>
      %swap3A_430 = arith.constant 240 : index
      %swap3A_431 = tpu.vector_load %arg12[%swap3A_430] {strides = array<i32>} : memref<256xi32, #tpu.memory_space<vmem>>, vector<16xi32>,
      %swap3A_432 = vector.shape_cast %swap3A_431 : vector<16xi32> to vector<16xi32>
      %swap3A_433 = vector.shape_cast %get3A_429 : vector<16xi32> to vector<16xi32>
      tpu.vector_store %arg12[%swap3A_430], %swap3A_433 {strides = array<i32>} : memref<256xi32, #tpu.memory_space<vmem>>, vector<16xi32>,
      %scan3A_434 = arith.constant 0 : i32
      %scan3A_435 = arith.constant 0 : i32
      %scan3A_436 = arith.constant 16 : i32
      %scan3A_437 = arith.addi %scan3A_435, %scan3A_436 : i32
      %scan3A_438 = arith.constant 1 : i32
      %scan3A_439 = scf.for %scan3A_442 = %scan3A_435 to %scan3A_437 step %scan3A_438 iter_args(%scan3A_443 = %scan3A_434) -> (i32)  : i32 {
        %mul3A_444 = arith.constant 256 : i32
        %mul3A_445 = arith.muli %add3A_49, %mul3A_444 : i32
        %mul3A_446 = arith.constant 16 : i32
        %mul3A_447 = arith.muli %scan3A_442, %mul3A_446 : i32
        %add3A_448 = arith.addi %mul3A_445, %mul3A_447 : i32
        %get3A_449 = arith.index_cast %add3A_448 : i32 to index
        %get3A_450 = tpu.vector_load %arg11[%get3A_449] {strides = array<i32>} : memref<10240xf32, #tpu.memory_space<vmem>>, vector<16xf32>,
        %get3A_451 = vector.shape_cast %get3A_450 : vector<16xf32> to vector<16xf32>
        %mul3A_452 = arith.constant 16 : i32
        %mul3A_453 = arith.muli %scan3A_442, %mul3A_452 : i32
        %add3A_454 = arith.constant 0 : i32
        %add3A_455 = arith.addi %mul3A_453, %add3A_454 : i32
        %slice3A = vector.extract_strided_slice %get3A_451 {offsets = [0], sizes = [1], strides = [1]} : vector<16xf32> to vector<1xf32>
        %squeeze3A = vector.extract %slice3A[0] : f32 from vector<1xf32>
        %get3A_456 = arith.index_cast %add3A_455 : i32 to index
        %get3A_457 = arith.constant 0 : index
        %get3A_458 = tpu.vector_load %arg14[%get3A_456, %get3A_457] {strides = array<i32>} : memref<256x16xf32, #tpu.memory_space<vmem>>, vector<1x16xf32>,
        %get3A_459 = vector.shape_cast %get3A_458 : vector<1x16xf32> to vector<16xf32>
        %mul3A_460 = vector.broadcast %squeeze3A : f32 to vector<16xf32>
        %mul3A_461 = arith.mulf %get3A_459, %mul3A_460 : vector<16xf32>
        %swap3A_462 = arith.index_cast %add3A_455 : i32 to index
        %swap3A_463 = arith.constant 0 : index
        %swap3A_464 = tpu.vector_load %arg14[%swap3A_462, %swap3A_463] {strides = array<i32>} : memref<256x16xf32, #tpu.memory_space<vmem>>, vector<1x16xf32>,
        %swap3A_465 = vector.shape_cast %swap3A_464 : vector<1x16xf32> to vector<16xf32>
        %swap3A_466 = vector.shape_cast %mul3A_461 : vector<16xf32> to vector<1x16xf32>
        tpu.vector_store %arg14[%swap3A_462, %swap3A_463], %swap3A_466 {strides = array<i32>} : memref<256x16xf32, #tpu.memory_space<vmem>>, vector<1x16xf32>,
        %mul3A_467 = arith.constant 16 : i32
        %mul3A_468 = arith.muli %scan3A_442, %mul3A_467 : i32
        %add3A_469 = arith.constant 1 : i32
        %add3A_470 = arith.addi %mul3A_468, %add3A_469 : i32
        %slice3A_471 = vector.extract_strided_slice %get3A_451 {offsets = [1], sizes = [1], strides = [1]} : vector<16xf32> to vector<1xf32>
        %squeeze3A_472 = vector.extract %slice3A_471[0] : f32 from vector<1xf32>
        %get3A_473 = arith.index_cast %add3A_470 : i32 to index
        %get3A_474 = arith.constant 0 : index
        %get3A_475 = tpu.vector_load %arg14[%get3A_473, %get3A_474] {strides = array<i32>} : memref<256x16xf32, #tpu.memory_space<vmem>>, vector<1x16xf32>,
        %get3A_476 = vector.shape_cast %get3A_475 : vector<1x16xf32> to vector<16xf32>
        %mul3A_477 = vector.broadcast %squeeze3A_472 : f32 to vector<16xf32>
        %mul3A_478 = arith.mulf %get3A_476, %mul3A_477 : vector<16xf32>
        %swap3A_479 = arith.index_cast %add3A_470 : i32 to index
        %swap3A_480 = arith.constant 0 : index
        %swap3A_481 = tpu.vector_load %arg14[%swap3A_479, %swap3A_480] {strides = array<i32>} : memref<256x16xf32, #tpu.memory_space<vmem>>, vector<1x16xf32>,
        %swap3A_482 = vector.shape_cast %swap3A_481 : vector<1x16xf32> to vector<16xf32>
        %swap3A_483 = vector.shape_cast %mul3A_478 : vector<16xf32> to vector<1x16xf32>
        tpu.vector_store %arg14[%swap3A_479, %swap3A_480], %swap3A_483 {strides = array<i32>} : memref<256x16xf32, #tpu.memory_space<vmem>>, vector<1x16xf32>,
        %mul3A_484 = arith.constant 16 : i32
        %mul3A_485 = arith.muli %scan3A_442, %mul3A_484 : i32
        %add3A_486 = arith.constant 2 : i32
        %add3A_487 = arith.addi %mul3A_485, %add3A_486 : i32
        %slice3A_488 = vector.extract_strided_slice %get3A_451 {offsets = [2], sizes = [1], strides = [1]} : vector<16xf32> to vector<1xf32>
        %squeeze3A_489 = vector.extract %slice3A_488[0] : f32 from vector<1xf32>
        %get3A_490 = arith.index_cast %add3A_487 : i32 to index
        %get3A_491 = arith.constant 0 : index
        %get3A_492 = tpu.vector_load %arg14[%get3A_490, %get3A_491] {strides = array<i32>} : memref<256x16xf32, #tpu.memory_space<vmem>>, vector<1x16xf32>,
        %get3A_493 = vector.shape_cast %get3A_492 : vector<1x16xf32> to vector<16xf32>
        %mul3A_494 = vector.broadcast %squeeze3A_489 : f32 to vector<16xf32>
        %mul3A_495 = arith.mulf %get3A_493, %mul3A_494 : vector<16xf32>
        %swap3A_496 = arith.index_cast %add3A_487 : i32 to index
        %swap3A_497 = arith.constant 0 : index
        %swap3A_498 = tpu.vector_load %arg14[%swap3A_496, %swap3A_497] {strides = array<i32>} : memref<256x16xf32, #tpu.memory_space<vmem>>, vector<1x16xf32>,
        %swap3A_499 = vector.shape_cast %swap3A_498 : vector<1x16xf32> to vector<16xf32>
        %swap3A_500 = vector.shape_cast %mul3A_495 : vector<16xf32> to vector<1x16xf32>
        tpu.vector_store %arg14[%swap3A_496, %swap3A_497], %swap3A_500 {strides = array<i32>} : memref<256x16xf32, #tpu.memory_space<vmem>>, vector<1x16xf32>,
        %mul3A_501 = arith.constant 16 : i32
        %mul3A_502 = arith.muli %scan3A_442, %mul3A_501 : i32
        %add3A_503 = arith.constant 3 : i32
        %add3A_504 = arith.addi %mul3A_502, %add3A_503 : i32
        %slice3A_505 = vector.extract_strided_slice %get3A_451 {offsets = [3], sizes = [1], strides = [1]} : vector<16xf32> to vector<1xf32>
        %squeeze3A_506 = vector.extract %slice3A_505[0] : f32 from vector<1xf32>
        %get3A_507 = arith.index_cast %add3A_504 : i32 to index
        %get3A_508 = arith.constant 0 : index
        %get3A_509 = tpu.vector_load %arg14[%get3A_507, %get3A_508] {strides = array<i32>} : memref<256x16xf32, #tpu.memory_space<vmem>>, vector<1x16xf32>,
        %get3A_510 = vector.shape_cast %get3A_509 : vector<1x16xf32> to vector<16xf32>
        %mul3A_511 = vector.broadcast %squeeze3A_506 : f32 to vector<16xf32>
        %mul3A_512 = arith.mulf %get3A_510, %mul3A_511 : vector<16xf32>
        %swap3A_513 = arith.index_cast %add3A_504 : i32 to index
        %swap3A_514 = arith.constant 0 : index
        %swap3A_515 = tpu.vector_load %arg14[%swap3A_513, %swap3A_514] {strides = array<i32>} : memref<256x16xf32, #tpu.memory_space<vmem>>, vector<1x16xf32>,
        %swap3A_516 = vector.shape_cast %swap3A_515 : vector<1x16xf32> to vector<16xf32>
        %swap3A_517 = vector.shape_cast %mul3A_512 : vector<16xf32> to vector<1x16xf32>
        tpu.vector_store %arg14[%swap3A_513, %swap3A_514], %swap3A_517 {strides = array<i32>} : memref<256x16xf32, #tpu.memory_space<vmem>>, vector<1x16xf32>,
        %mul3A_518 = arith.constant 16 : i32
        %mul3A_519 = arith.muli %scan3A_442, %mul3A_518 : i32
        %add3A_520 = arith.constant 4 : i32
        %add3A_521 = arith.addi %mul3A_519, %add3A_520 : i32
        %slice3A_522 = vector.extract_strided_slice %get3A_451 {offsets = [4], sizes = [1], strides = [1]} : vector<16xf32> to vector<1xf32>
        %squeeze3A_523 = vector.extract %slice3A_522[0] : f32 from vector<1xf32>
        %get3A_524 = arith.index_cast %add3A_521 : i32 to index
        %get3A_525 = arith.constant 0 : index
        %get3A_526 = tpu.vector_load %arg14[%get3A_524, %get3A_525] {strides = array<i32>} : memref<256x16xf32, #tpu.memory_space<vmem>>, vector<1x16xf32>,
        %get3A_527 = vector.shape_cast %get3A_526 : vector<1x16xf32> to vector<16xf32>
        %mul3A_528 = vector.broadcast %squeeze3A_523 : f32 to vector<16xf32>
        %mul3A_529 = arith.mulf %get3A_527, %mul3A_528 : vector<16xf32>
        %swap3A_530 = arith.index_cast %add3A_521 : i32 to index
        %swap3A_531 = arith.constant 0 : index
        %swap3A_532 = tpu.vector_load %arg14[%swap3A_530, %swap3A_531] {strides = array<i32>} : memref<256x16xf32, #tpu.memory_space<vmem>>, vector<1x16xf32>,
        %swap3A_533 = vector.shape_cast %swap3A_532 : vector<1x16xf32> to vector<16xf32>
        %swap3A_534 = vector.shape_cast %mul3A_529 : vector<16xf32> to vector<1x16xf32>
        tpu.vector_store %arg14[%swap3A_530, %swap3A_531], %swap3A_534 {strides = array<i32>} : memref<256x16xf32, #tpu.memory_space<vmem>>, vector<1x16xf32>,
        %mul3A_535 = arith.constant 16 : i32
        %mul3A_536 = arith.muli %scan3A_442, %mul3A_535 : i32
        %add3A_537 = arith.constant 5 : i32
        %add3A_538 = arith.addi %mul3A_536, %add3A_537 : i32
        %slice3A_539 = vector.extract_strided_slice %get3A_451 {offsets = [5], sizes = [1], strides = [1]} : vector<16xf32> to vector<1xf32>
        %squeeze3A_540 = vector.extract %slice3A_539[0] : f32 from vector<1xf32>
        %get3A_541 = arith.index_cast %add3A_538 : i32 to index
        %get3A_542 = arith.constant 0 : index
        %get3A_543 = tpu.vector_load %arg14[%get3A_541, %get3A_542] {strides = array<i32>} : memref<256x16xf32, #tpu.memory_space<vmem>>, vector<1x16xf32>,
        %get3A_544 = vector.shape_cast %get3A_543 : vector<1x16xf32> to vector<16xf32>
        %mul3A_545 = vector.broadcast %squeeze3A_540 : f32 to vector<16xf32>
        %mul3A_546 = arith.mulf %get3A_544, %mul3A_545 : vector<16xf32>
        %swap3A_547 = arith.index_cast %add3A_538 : i32 to index
        %swap3A_548 = arith.constant 0 : index
        %swap3A_549 = tpu.vector_load %arg14[%swap3A_547, %swap3A_548] {strides = array<i32>} : memref<256x16xf32, #tpu.memory_space<vmem>>, vector<1x16xf32>,
        %swap3A_550 = vector.shape_cast %swap3A_549 : vector<1x16xf32> to vector<16xf32>
        %swap3A_551 = vector.shape_cast %mul3A_546 : vector<16xf32> to vector<1x16xf32>
        tpu.vector_store %arg14[%swap3A_547, %swap3A_548], %swap3A_551 {strides = array<i32>} : memref<256x16xf32, #tpu.memory_space<vmem>>, vector<1x16xf32>,
        %mul3A_552 = arith.constant 16 : i32
        %mul3A_553 = arith.muli %scan3A_442, %mul3A_552 : i32
        %add3A_554 = arith.constant 6 : i32
        %add3A_555 = arith.addi %mul3A_553, %add3A_554 : i32
        %slice3A_556 = vector.extract_strided_slice %get3A_451 {offsets = [6], sizes = [1], strides = [1]} : vector<16xf32> to vector<1xf32>
        %squeeze3A_557 = vector.extract %slice3A_556[0] : f32 from vector<1xf32>
        %get3A_558 = arith.index_cast %add3A_555 : i32 to index
        %get3A_559 = arith.constant 0 : index
        %get3A_560 = tpu.vector_load %arg14[%get3A_558, %get3A_559] {strides = array<i32>} : memref<256x16xf32, #tpu.memory_space<vmem>>, vector<1x16xf32>,
        %get3A_561 = vector.shape_cast %get3A_560 : vector<1x16xf32> to vector<16xf32>
        %mul3A_562 = vector.broadcast %squeeze3A_557 : f32 to vector<16xf32>
        %mul3A_563 = arith.mulf %get3A_561, %mul3A_562 : vector<16xf32>
        %swap3A_564 = arith.index_cast %add3A_555 : i32 to index
        %swap3A_565 = arith.constant 0 : index
        %swap3A_566 = tpu.vector_load %arg14[%swap3A_564, %swap3A_565] {strides = array<i32>} : memref<256x16xf32, #tpu.memory_space<vmem>>, vector<1x16xf32>,
        %swap3A_567 = vector.shape_cast %swap3A_566 : vector<1x16xf32> to vector<16xf32>
        %swap3A_568 = vector.shape_cast %mul3A_563 : vector<16xf32> to vector<1x16xf32>
        tpu.vector_store %arg14[%swap3A_564, %swap3A_565], %swap3A_568 {strides = array<i32>} : memref<256x16xf32, #tpu.memory_space<vmem>>, vector<1x16xf32>,
        %mul3A_569 = arith.constant 16 : i32
        %mul3A_570 = arith.muli %scan3A_442, %mul3A_569 : i32
        %add3A_571 = arith.constant 7 : i32
        %add3A_572 = arith.addi %mul3A_570, %add3A_571 : i32
        %slice3A_573 = vector.extract_strided_slice %get3A_451 {offsets = [7], sizes = [1], strides = [1]} : vector<16xf32> to vector<1xf32>
        %squeeze3A_574 = vector.extract %slice3A_573[0] : f32 from vector<1xf32>
        %get3A_575 = arith.index_cast %add3A_572 : i32 to index
        %get3A_576 = arith.constant 0 : index
        %get3A_577 = tpu.vector_load %arg14[%get3A_575, %get3A_576] {strides = array<i32>} : memref<256x16xf32, #tpu.memory_space<vmem>>, vector<1x16xf32>,
        %get3A_578 = vector.shape_cast %get3A_577 : vector<1x16xf32> to vector<16xf32>
        %mul3A_579 = vector.broadcast %squeeze3A_574 : f32 to vector<16xf32>
        %mul3A_580 = arith.mulf %get3A_578, %mul3A_579 : vector<16xf32>
        %swap3A_581 = arith.index_cast %add3A_572 : i32 to index
        %swap3A_582 = arith.constant 0 : index
        %swap3A_583 = tpu.vector_load %arg14[%swap3A_581, %swap3A_582] {strides = array<i32>} : memref<256x16xf32, #tpu.memory_space<vmem>>, vector<1x16xf32>,
        %swap3A_584 = vector.shape_cast %swap3A_583 : vector<1x16xf32> to vector<16xf32>
        %swap3A_585 = vector.shape_cast %mul3A_580 : vector<16xf32> to vector<1x16xf32>
        tpu.vector_store %arg14[%swap3A_581, %swap3A_582], %swap3A_585 {strides = array<i32>} : memref<256x16xf32, #tpu.memory_space<vmem>>, vector<1x16xf32>,
        %mul3A_586 = arith.constant 16 : i32
        %mul3A_587 = arith.muli %scan3A_442, %mul3A_586 : i32
        %add3A_588 = arith.constant 8 : i32
        %add3A_589 = arith.addi %mul3A_587, %add3A_588 : i32
        %slice3A_590 = vector.extract_strided_slice %get3A_451 {offsets = [8], sizes = [1], strides = [1]} : vector<16xf32> to vector<1xf32>
        %squeeze3A_591 = vector.extract %slice3A_590[0] : f32 from vector<1xf32>
        %get3A_592 = arith.index_cast %add3A_589 : i32 to index
        %get3A_593 = arith.constant 0 : index
        %get3A_594 = tpu.vector_load %arg14[%get3A_592, %get3A_593] {strides = array<i32>} : memref<256x16xf32, #tpu.memory_space<vmem>>, vector<1x16xf32>,
        %get3A_595 = vector.shape_cast %get3A_594 : vector<1x16xf32> to vector<16xf32>
        %mul3A_596 = vector.broadcast %squeeze3A_591 : f32 to vector<16xf32>
        %mul3A_597 = arith.mulf %get3A_595, %mul3A_596 : vector<16xf32>
        %swap3A_598 = arith.index_cast %add3A_589 : i32 to index
        %swap3A_599 = arith.constant 0 : index
        %swap3A_600 = tpu.vector_load %arg14[%swap3A_598, %swap3A_599] {strides = array<i32>} : memref<256x16xf32, #tpu.memory_space<vmem>>, vector<1x16xf32>,
        %swap3A_601 = vector.shape_cast %swap3A_600 : vector<1x16xf32> to vector<16xf32>
        %swap3A_602 = vector.shape_cast %mul3A_597 : vector<16xf32> to vector<1x16xf32>
        tpu.vector_store %arg14[%swap3A_598, %swap3A_599], %swap3A_602 {strides = array<i32>} : memref<256x16xf32, #tpu.memory_space<vmem>>, vector<1x16xf32>,
        %mul3A_603 = arith.constant 16 : i32
        %mul3A_604 = arith.muli %scan3A_442, %mul3A_603 : i32
        %add3A_605 = arith.constant 9 : i32
        %add3A_606 = arith.addi %mul3A_604, %add3A_605 : i32
        %slice3A_607 = vector.extract_strided_slice %get3A_451 {offsets = [9], sizes = [1], strides = [1]} : vector<16xf32> to vector<1xf32>
        %squeeze3A_608 = vector.extract %slice3A_607[0] : f32 from vector<1xf32>
        %get3A_609 = arith.index_cast %add3A_606 : i32 to index
        %get3A_610 = arith.constant 0 : index
        %get3A_611 = tpu.vector_load %arg14[%get3A_609, %get3A_610] {strides = array<i32>} : memref<256x16xf32, #tpu.memory_space<vmem>>, vector<1x16xf32>,
        %get3A_612 = vector.shape_cast %get3A_611 : vector<1x16xf32> to vector<16xf32>
        %mul3A_613 = vector.broadcast %squeeze3A_608 : f32 to vector<16xf32>
        %mul3A_614 = arith.mulf %get3A_612, %mul3A_613 : vector<16xf32>
        %swap3A_615 = arith.index_cast %add3A_606 : i32 to index
        %swap3A_616 = arith.constant 0 : index
        %swap3A_617 = tpu.vector_load %arg14[%swap3A_615, %swap3A_616] {strides = array<i32>} : memref<256x16xf32, #tpu.memory_space<vmem>>, vector<1x16xf32>,
        %swap3A_618 = vector.shape_cast %swap3A_617 : vector<1x16xf32> to vector<16xf32>
        %swap3A_619 = vector.shape_cast %mul3A_614 : vector<16xf32> to vector<1x16xf32>
        tpu.vector_store %arg14[%swap3A_615, %swap3A_616], %swap3A_619 {strides = array<i32>} : memref<256x16xf32, #tpu.memory_space<vmem>>, vector<1x16xf32>,
        %mul3A_620 = arith.constant 16 : i32
        %mul3A_621 = arith.muli %scan3A_442, %mul3A_620 : i32
        %add3A_622 = arith.constant 10 : i32
        %add3A_623 = arith.addi %mul3A_621, %add3A_622 : i32
        %slice3A_624 = vector.extract_strided_slice %get3A_451 {offsets = [10], sizes = [1], strides = [1]} : vector<16xf32> to vector<1xf32>
        %squeeze3A_625 = vector.extract %slice3A_624[0] : f32 from vector<1xf32>
        %get3A_626 = arith.index_cast %add3A_623 : i32 to index
        %get3A_627 = arith.constant 0 : index
        %get3A_628 = tpu.vector_load %arg14[%get3A_626, %get3A_627] {strides = array<i32>} : memref<256x16xf32, #tpu.memory_space<vmem>>, vector<1x16xf32>,
        %get3A_629 = vector.shape_cast %get3A_628 : vector<1x16xf32> to vector<16xf32>
        %mul3A_630 = vector.broadcast %squeeze3A_625 : f32 to vector<16xf32>
        %mul3A_631 = arith.mulf %get3A_629, %mul3A_630 : vector<16xf32>
        %swap3A_632 = arith.index_cast %add3A_623 : i32 to index
        %swap3A_633 = arith.constant 0 : index
        %swap3A_634 = tpu.vector_load %arg14[%swap3A_632, %swap3A_633] {strides = array<i32>} : memref<256x16xf32, #tpu.memory_space<vmem>>, vector<1x16xf32>,
        %swap3A_635 = vector.shape_cast %swap3A_634 : vector<1x16xf32> to vector<16xf32>
        %swap3A_636 = vector.shape_cast %mul3A_631 : vector<16xf32> to vector<1x16xf32>
        tpu.vector_store %arg14[%swap3A_632, %swap3A_633], %swap3A_636 {strides = array<i32>} : memref<256x16xf32, #tpu.memory_space<vmem>>, vector<1x16xf32>,
        %mul3A_637 = arith.constant 16 : i32
        %mul3A_638 = arith.muli %scan3A_442, %mul3A_637 : i32
        %add3A_639 = arith.constant 11 : i32
        %add3A_640 = arith.addi %mul3A_638, %add3A_639 : i32
        %slice3A_641 = vector.extract_strided_slice %get3A_451 {offsets = [11], sizes = [1], strides = [1]} : vector<16xf32> to vector<1xf32>
        %squeeze3A_642 = vector.extract %slice3A_641[0] : f32 from vector<1xf32>
        %get3A_643 = arith.index_cast %add3A_640 : i32 to index
        %get3A_644 = arith.constant 0 : index
        %get3A_645 = tpu.vector_load %arg14[%get3A_643, %get3A_644] {strides = array<i32>} : memref<256x16xf32, #tpu.memory_space<vmem>>, vector<1x16xf32>,
        %get3A_646 = vector.shape_cast %get3A_645 : vector<1x16xf32> to vector<16xf32>
        %mul3A_647 = vector.broadcast %squeeze3A_642 : f32 to vector<16xf32>
        %mul3A_648 = arith.mulf %get3A_646, %mul3A_647 : vector<16xf32>
        %swap3A_649 = arith.index_cast %add3A_640 : i32 to index
        %swap3A_650 = arith.constant 0 : index
        %swap3A_651 = tpu.vector_load %arg14[%swap3A_649, %swap3A_650] {strides = array<i32>} : memref<256x16xf32, #tpu.memory_space<vmem>>, vector<1x16xf32>,
        %swap3A_652 = vector.shape_cast %swap3A_651 : vector<1x16xf32> to vector<16xf32>
        %swap3A_653 = vector.shape_cast %mul3A_648 : vector<16xf32> to vector<1x16xf32>
        tpu.vector_store %arg14[%swap3A_649, %swap3A_650], %swap3A_653 {strides = array<i32>} : memref<256x16xf32, #tpu.memory_space<vmem>>, vector<1x16xf32>,
        %mul3A_654 = arith.constant 16 : i32
        %mul3A_655 = arith.muli %scan3A_442, %mul3A_654 : i32
        %add3A_656 = arith.constant 12 : i32
        %add3A_657 = arith.addi %mul3A_655, %add3A_656 : i32
        %slice3A_658 = vector.extract_strided_slice %get3A_451 {offsets = [12], sizes = [1], strides = [1]} : vector<16xf32> to vector<1xf32>
        %squeeze3A_659 = vector.extract %slice3A_658[0] : f32 from vector<1xf32>
        %get3A_660 = arith.index_cast %add3A_657 : i32 to index
        %get3A_661 = arith.constant 0 : index
        %get3A_662 = tpu.vector_load %arg14[%get3A_660, %get3A_661] {strides = array<i32>} : memref<256x16xf32, #tpu.memory_space<vmem>>, vector<1x16xf32>,
        %get3A_663 = vector.shape_cast %get3A_662 : vector<1x16xf32> to vector<16xf32>
        %mul3A_664 = vector.broadcast %squeeze3A_659 : f32 to vector<16xf32>
        %mul3A_665 = arith.mulf %get3A_663, %mul3A_664 : vector<16xf32>
        %swap3A_666 = arith.index_cast %add3A_657 : i32 to index
        %swap3A_667 = arith.constant 0 : index
        %swap3A_668 = tpu.vector_load %arg14[%swap3A_666, %swap3A_667] {strides = array<i32>} : memref<256x16xf32, #tpu.memory_space<vmem>>, vector<1x16xf32>,
        %swap3A_669 = vector.shape_cast %swap3A_668 : vector<1x16xf32> to vector<16xf32>
        %swap3A_670 = vector.shape_cast %mul3A_665 : vector<16xf32> to vector<1x16xf32>
        tpu.vector_store %arg14[%swap3A_666, %swap3A_667], %swap3A_670 {strides = array<i32>} : memref<256x16xf32, #tpu.memory_space<vmem>>, vector<1x16xf32>,
        %mul3A_671 = arith.constant 16 : i32
        %mul3A_672 = arith.muli %scan3A_442, %mul3A_671 : i32
        %add3A_673 = arith.constant 13 : i32
        %add3A_674 = arith.addi %mul3A_672, %add3A_673 : i32
        %slice3A_675 = vector.extract_strided_slice %get3A_451 {offsets = [13], sizes = [1], strides = [1]} : vector<16xf32> to vector<1xf32>
        %squeeze3A_676 = vector.extract %slice3A_675[0] : f32 from vector<1xf32>
        %get3A_677 = arith.index_cast %add3A_674 : i32 to index
        %get3A_678 = arith.constant 0 : index
        %get3A_679 = tpu.vector_load %arg14[%get3A_677, %get3A_678] {strides = array<i32>} : memref<256x16xf32, #tpu.memory_space<vmem>>, vector<1x16xf32>,
        %get3A_680 = vector.shape_cast %get3A_679 : vector<1x16xf32> to vector<16xf32>
        %mul3A_681 = vector.broadcast %squeeze3A_676 : f32 to vector<16xf32>
        %mul3A_682 = arith.mulf %get3A_680, %mul3A_681 : vector<16xf32>
        %swap3A_683 = arith.index_cast %add3A_674 : i32 to index
        %swap3A_684 = arith.constant 0 : index
        %swap3A_685 = tpu.vector_load %arg14[%swap3A_683, %swap3A_684] {strides = array<i32>} : memref<256x16xf32, #tpu.memory_space<vmem>>, vector<1x16xf32>,
        %swap3A_686 = vector.shape_cast %swap3A_685 : vector<1x16xf32> to vector<16xf32>
        %swap3A_687 = vector.shape_cast %mul3A_682 : vector<16xf32> to vector<1x16xf32>
        tpu.vector_store %arg14[%swap3A_683, %swap3A_684], %swap3A_687 {strides = array<i32>} : memref<256x16xf32, #tpu.memory_space<vmem>>, vector<1x16xf32>,
        %mul3A_688 = arith.constant 16 : i32
        %mul3A_689 = arith.muli %scan3A_442, %mul3A_688 : i32
        %add3A_690 = arith.constant 14 : i32
        %add3A_691 = arith.addi %mul3A_689, %add3A_690 : i32
        %slice3A_692 = vector.extract_strided_slice %get3A_451 {offsets = [14], sizes = [1], strides = [1]} : vector<16xf32> to vector<1xf32>
        %squeeze3A_693 = vector.extract %slice3A_692[0] : f32 from vector<1xf32>
        %get3A_694 = arith.index_cast %add3A_691 : i32 to index
        %get3A_695 = arith.constant 0 : index
        %get3A_696 = tpu.vector_load %arg14[%get3A_694, %get3A_695] {strides = array<i32>} : memref<256x16xf32, #tpu.memory_space<vmem>>, vector<1x16xf32>,
        %get3A_697 = vector.shape_cast %get3A_696 : vector<1x16xf32> to vector<16xf32>
        %mul3A_698 = vector.broadcast %squeeze3A_693 : f32 to vector<16xf32>
        %mul3A_699 = arith.mulf %get3A_697, %mul3A_698 : vector<16xf32>
        %swap3A_700 = arith.index_cast %add3A_691 : i32 to index
        %swap3A_701 = arith.constant 0 : index
        %swap3A_702 = tpu.vector_load %arg14[%swap3A_700, %swap3A_701] {strides = array<i32>} : memref<256x16xf32, #tpu.memory_space<vmem>>, vector<1x16xf32>,
        %swap3A_703 = vector.shape_cast %swap3A_702 : vector<1x16xf32> to vector<16xf32>
        %swap3A_704 = vector.shape_cast %mul3A_699 : vector<16xf32> to vector<1x16xf32>
        tpu.vector_store %arg14[%swap3A_700, %swap3A_701], %swap3A_704 {strides = array<i32>} : memref<256x16xf32, #tpu.memory_space<vmem>>, vector<1x16xf32>,
        %mul3A_705 = arith.constant 16 : i32
        %mul3A_706 = arith.muli %scan3A_442, %mul3A_705 : i32
        %add3A_707 = arith.constant 15 : i32
        %add3A_708 = arith.addi %mul3A_706, %add3A_707 : i32
        %slice3A_709 = vector.extract_strided_slice %get3A_451 {offsets = [15], sizes = [1], strides = [1]} : vector<16xf32> to vector<1xf32>
        %squeeze3A_710 = vector.extract %slice3A_709[0] : f32 from vector<1xf32>
        %get3A_711 = arith.index_cast %add3A_708 : i32 to index
        %get3A_712 = arith.constant 0 : index
        %get3A_713 = tpu.vector_load %arg14[%get3A_711, %get3A_712] {strides = array<i32>} : memref<256x16xf32, #tpu.memory_space<vmem>>, vector<1x16xf32>,
        %get3A_714 = vector.shape_cast %get3A_713 : vector<1x16xf32> to vector<16xf32>
        %mul3A_715 = vector.broadcast %squeeze3A_710 : f32 to vector<16xf32>
        %mul3A_716 = arith.mulf %get3A_714, %mul3A_715 : vector<16xf32>
        %swap3A_717 = arith.index_cast %add3A_708 : i32 to index
        %swap3A_718 = arith.constant 0 : index
        %swap3A_719 = tpu.vector_load %arg14[%swap3A_717, %swap3A_718] {strides = array<i32>} : memref<256x16xf32, #tpu.memory_space<vmem>>, vector<1x16xf32>,
        %swap3A_720 = vector.shape_cast %swap3A_719 : vector<1x16xf32> to vector<16xf32>
        %swap3A_721 = vector.shape_cast %mul3A_716 : vector<16xf32> to vector<1x16xf32>
        tpu.vector_store %arg14[%swap3A_717, %swap3A_718], %swap3A_721 {strides = array<i32>} : memref<256x16xf32, #tpu.memory_space<vmem>>, vector<1x16xf32>,
        %scan3A_722 = arith.constant 0 : i32
        scf.yield %scan3A_722 : i32
      }
      %scan3A_440 = arith.constant 16 : i32
      "tpu.region"() ({
        %run_scoped3A = tpu.sem_alloc : memref<!tpu.dma_semaphore, #tpu.memory_space<semaphore_mem>>
        %dma_start3A_442 = arith.constant 0 : i32
        %dma_start3A_443 = arith.constant 0 : i32
        %dma_start3A_444 = tpu.memref_slice %arg7[%dma_start3A_442, %dma_start3A_443] : memref<10112x16xf32, #tpu.memory_space<vmem_shared>> -> memref<10112x16xf32, #tpu.memory_space<vmem_shared>>
        tpu.enqueue_indirect_dma source(%arg14 : memref<256x16xf32, #tpu.memory_space<vmem>>) target(%dma_start3A_444 : memref<10112x16xf32, #tpu.memory_space<vmem_shared>>) offsets(%arg12 : memref<256xi32, #tpu.memory_space<vmem>>) semaphore(%run_scoped3A : memref<!tpu.dma_semaphore, #tpu.memory_space<semaphore_mem>>) {add = true}
        %dma_wait3A_445 = arith.constant 0 : i32
        %dma_wait3A_446 = arith.constant 0 : i32
        %dma_wait3A_447 = tpu.memref_slice %arg7[%dma_wait3A_445, %dma_wait3A_446] : memref<10112x16xf32, #tpu.memory_space<vmem_shared>> -> memref<10112x16xf32, #tpu.memory_space<vmem_shared>>
        tpu.wait_indirect_dma semaphore(%run_scoped3A : memref<!tpu.dma_semaphore, #tpu.memory_space<semaphore_mem>>) src(%arg14 : memref<256x16xf32, #tpu.memory_space<vmem>>) dst(%dma_wait3A_447 : memref<10112x16xf32, #tpu.memory_space<vmem_shared>>)
        tpu.yield
      }) : () -> ()
      %scan3A_441 = arith.constant 0 : i32
      scf.yield %scan3A_441 : i32
    }
    %scan3A_33 = arith.constant 20 : i32
    %dma_wait3A_34 = arith.constant 9984 : i32
    %dma_wait3A_35 = tpu.memref_slice %arg9[%dma_wait3A_34] : memref<10240xi32, #tpu.memory_space<vmem>> -> memref<256xi32, #tpu.memory_space<vmem>>
    %dma_wait3A_36 = arith.constant 0 : i32
    %dma_wait3A_37 = arith.constant 0 : i32
    %dma_wait3A_38 = tpu.memref_slice %arg2[%dma_wait3A_36, %dma_wait3A_37] : memref<80000x16xf32, #tpu.memory_space<hbm>> -> memref<80000x16xf32, #tpu.memory_space<hbm>>
    tpu.wait_indirect_dma semaphore(%arg16 : memref<!tpu.dma_semaphore, #tpu.memory_space<semaphore_mem>>) src(%dma_wait3A_38 : memref<80000x16xf32, #tpu.memory_space<hbm>>) dst(%arg13 : memref<256x16xf32, #tpu.memory_space<vmem>>)
    %barrier3A_39 = arith.constant 0 : index
    tpu.barrier barrier_id(%barrier3A_39)
    %mul3A_40 = arith.constant 632 : i32
    %mul3A_41 = arith.muli %arg1, %mul3A_40 : i32
    "tpu.region"() ({
      %run_scoped3A = tpu.sem_alloc : memref<!tpu.dma_semaphore, #tpu.memory_space<semaphore_mem>>
      %dma_start3A_44 = arith.constant 0 : i32
      %dma_start3A_45 = tpu.memref_slice %arg7[%mul3A_41, %dma_start3A_44] : memref<10112x16xf32, #tpu.memory_space<vmem_shared>> -> memref<632x16xf32, #tpu.memory_space<vmem_shared>>
      %dma_start3A_46 = arith.constant 0 : i32
      %dma_start3A_47 = tpu.memref_slice %arg7[%mul3A_41, %dma_start3A_46] : memref<10112x16xf32, #tpu.memory_space<vmem_shared>> -> memref<632x16xf32, #tpu.memory_space<vmem_shared>>
      tpu.enqueue_dma source(%dma_start3A_47 : memref<632x16xf32, #tpu.memory_space<vmem_shared>>) target(%arg8 : memref<632x16xf32, #tpu.memory_space<vmem>>) target_semaphore(%run_scoped3A : memref<!tpu.dma_semaphore, #tpu.memory_space<semaphore_mem>>)
      %dma_wait3A_48 = arith.constant 0 : i32
      %dma_wait3A_49 = tpu.memref_slice %arg7[%mul3A_41, %dma_wait3A_48] : memref<10112x16xf32, #tpu.memory_space<vmem_shared>> -> memref<632x16xf32, #tpu.memory_space<vmem_shared>>
      %dma_wait3A_50 = arith.constant 0 : i32
      %dma_wait3A_51 = tpu.memref_slice %arg7[%mul3A_41, %dma_wait3A_50] : memref<10112x16xf32, #tpu.memory_space<vmem_shared>> -> memref<632x16xf32, #tpu.memory_space<vmem_shared>>
      tpu.wait_dma2 semaphore(%run_scoped3A : memref<!tpu.dma_semaphore, #tpu.memory_space<semaphore_mem>>) src(%dma_wait3A_51 : memref<632x16xf32, #tpu.memory_space<vmem_shared>>) dst(%arg8 : memref<632x16xf32, #tpu.memory_space<vmem>>)
      tpu.yield
    }) : () -> ()
    %mul3A_42 = arith.constant 632 : i32
    %mul3A_43 = arith.muli %arg1, %mul3A_42 : i32
    "tpu.region"() ({
      %run_scoped3A = tpu.sem_alloc : memref<!tpu.dma_semaphore, #tpu.memory_space<semaphore_mem>>
      %dma_start3A_44 = arith.constant 0 : i32
      %dma_start3A_45 = tpu.memref_slice %arg6[%arg0, %mul3A_43, %dma_start3A_44] : memref<2x10112x16xf32, #tpu.memory_space<hbm>> -> memref<1x632x16xf32, #tpu.memory_space<hbm>>
      %dma_start3A_46 = tpu.memref_squeeze %dma_start3A_45 : memref<1x632x16xf32, #tpu.memory_space<hbm>> -> memref<632x16xf32, #tpu.memory_space<hbm>>
      %dma_start3A_47 = arith.constant 0 : i32
      %dma_start3A_48 = tpu.memref_slice %arg6[%arg0, %mul3A_43, %dma_start3A_47] : memref<2x10112x16xf32, #tpu.memory_space<hbm>> -> memref<1x632x16xf32, #tpu.memory_space<hbm>>
      %dma_start3A_49 = tpu.memref_squeeze %dma_start3A_48 : memref<1x632x16xf32, #tpu.memory_space<hbm>> -> memref<632x16xf32, #tpu.memory_space<hbm>>
      tpu.enqueue_dma source(%arg8 : memref<632x16xf32, #tpu.memory_space<vmem>>) target(%dma_start3A_49 : memref<632x16xf32, #tpu.memory_space<hbm>>) target_semaphore(%run_scoped3A : memref<!tpu.dma_semaphore, #tpu.memory_space<semaphore_mem>>)
      %dma_wait3A_50 = arith.constant 0 : i32
      %dma_wait3A_51 = tpu.memref_slice %arg6[%arg0, %mul3A_43, %dma_wait3A_50] : memref<2x10112x16xf32, #tpu.memory_space<hbm>> -> memref<1x632x16xf32, #tpu.memory_space<hbm>>
      %dma_wait3A_52 = tpu.memref_squeeze %dma_wait3A_51 : memref<1x632x16xf32, #tpu.memory_space<hbm>> -> memref<632x16xf32, #tpu.memory_space<hbm>>
      %dma_wait3A_53 = arith.constant 0 : i32
      %dma_wait3A_54 = tpu.memref_slice %arg6[%arg0, %mul3A_43, %dma_wait3A_53] : memref<2x10112x16xf32, #tpu.memory_space<hbm>> -> memref<1x632x16xf32, #tpu.memory_space<hbm>>
      %dma_wait3A_55 = tpu.memref_squeeze %dma_wait3A_54 : memref<1x632x16xf32, #tpu.memory_space<hbm>> -> memref<632x16xf32, #tpu.memory_space<hbm>>
      tpu.wait_dma2 semaphore(%run_scoped3A : memref<!tpu.dma_semaphore, #tpu.memory_space<semaphore_mem>>) src(%arg8 : memref<632x16xf32, #tpu.memory_space<vmem>>) dst(%dma_wait3A_55 : memref<632x16xf32, #tpu.memory_space<hbm>>)
      tpu.yield
    }) : () -> ()
    return
  }
}

#map = affine_map<(d0, d1) -> (0, 0)>
#map1 = affine_map<(d0, d1) -> (0)>
#map2 = affine_map<(d0, d1) -> (0, 0, 0)>
module attributes {stable_mosaic.version = 14 : i64} {
  func.func @_edge1_body(%arg0: i32, %arg1: i32, %arg2: memref<80000x64xf32, #tpu.memory_space<hbm>>, %arg3: memref<327680xi32, #tpu.memory_space<hbm>>, %arg4: memref<327680xi32, #tpu.memory_space<hbm>>, %arg5: memref<327680xi32, #tpu.memory_space<hbm>>, %arg6: memref<80128xf32, #tpu.memory_space<hbm>>, %arg7: memref<2x10112x64xf32, #tpu.memory_space<hbm>>, %arg8: memref<327680xf32, #tpu.memory_space<hbm>>, %arg9: memref<10112x64xf32, #tpu.memory_space<vmem_shared>>, %arg10: memref<10240xi32, #tpu.memory_space<vmem>>, %arg11: memref<10240xi32, #tpu.memory_space<vmem>>, %arg12: memref<10240xi32, #tpu.memory_space<vmem>>, %arg13: memref<10240xf32, #tpu.memory_space<vmem>>, %arg14: memref<256xi32, #tpu.memory_space<vmem>>, %arg15: memref<256x64xf32, #tpu.memory_space<vmem>>, %arg16: memref<256x64xf32, #tpu.memory_space<vmem>>, %arg17: memref<256xf32, #tpu.memory_space<vmem>>, %arg18: memref<256xf32, #tpu.memory_space<vmem>>, %arg19: memref<!tpu.dma_semaphore, #tpu.memory_space<semaphore_mem>>, %arg20: memref<!tpu.dma_semaphore, #tpu.memory_space<semaphore_mem>>, %arg21: memref<!tpu.dma_semaphore, #tpu.memory_space<semaphore_mem>>) attributes {dimension_semantics = [#tpu.dimension_semantics<core_parallel>, #tpu.dimension_semantics<subcore_parallel>], iteration_bounds = array<i64: 2, 16>, scalar_prefetch = 0 : i64, scratch_operands = 13 : i64, tpu.core_type = #tpu.core_type<sc_vector_subcore>, window_params = [{transform_indices = #map}, {transform_indices = #map1}, {transform_indices = #map1}, {transform_indices = #map1}, {transform_indices = #map1}, {transform_indices = #map2}, {transform_indices = #map1}]} {
    %mul3A = arith.constant 2 : i32
    %mul3A_0 = arith.muli %arg1, %mul3A : i32
    %add3A = arith.addi %mul3A_0, %arg0 : i32
    %mul3A_1 = arith.constant 10240 : i32
    %mul3A_2 = arith.muli %add3A, %mul3A_1 : i32
    %broadcast_in_dim3A = arith.constant 1.000000e+00 : f32
    %broadcast_in_dim3A_3 = vector.broadcast %broadcast_in_dim3A : f32 to vector<16xf32>
    %dma_start3A = tpu.memref_slice %arg3[%mul3A_2] : memref<327680xi32, #tpu.memory_space<hbm>> -> memref<10240xi32, #tpu.memory_space<hbm>>
    %dma_start3A_4 = tpu.memref_slice %arg3[%mul3A_2] : memref<327680xi32, #tpu.memory_space<hbm>> -> memref<10240xi32, #tpu.memory_space<hbm>>
    tpu.enqueue_dma source(%dma_start3A_4 : memref<10240xi32, #tpu.memory_space<hbm>>) target(%arg10 : memref<10240xi32, #tpu.memory_space<vmem>>) target_semaphore(%arg19 : memref<!tpu.dma_semaphore, #tpu.memory_space<semaphore_mem>>)
    %dma_start3A_5 = tpu.memref_slice %arg4[%mul3A_2] : memref<327680xi32, #tpu.memory_space<hbm>> -> memref<10240xi32, #tpu.memory_space<hbm>>
    %dma_start3A_6 = tpu.memref_slice %arg4[%mul3A_2] : memref<327680xi32, #tpu.memory_space<hbm>> -> memref<10240xi32, #tpu.memory_space<hbm>>
    tpu.enqueue_dma source(%dma_start3A_6 : memref<10240xi32, #tpu.memory_space<hbm>>) target(%arg11 : memref<10240xi32, #tpu.memory_space<vmem>>) target_semaphore(%arg19 : memref<!tpu.dma_semaphore, #tpu.memory_space<semaphore_mem>>)
    %dma_start3A_7 = tpu.memref_slice %arg5[%mul3A_2] : memref<327680xi32, #tpu.memory_space<hbm>> -> memref<10240xi32, #tpu.memory_space<hbm>>
    %dma_start3A_8 = tpu.memref_slice %arg5[%mul3A_2] : memref<327680xi32, #tpu.memory_space<hbm>> -> memref<10240xi32, #tpu.memory_space<hbm>>
    tpu.enqueue_dma source(%dma_start3A_8 : memref<10240xi32, #tpu.memory_space<hbm>>) target(%arg12 : memref<10240xi32, #tpu.memory_space<vmem>>) target_semaphore(%arg19 : memref<!tpu.dma_semaphore, #tpu.memory_space<semaphore_mem>>)
    %broadcast_in_dim3A_9 = arith.constant 0.000000e+00 : f32
    %broadcast_in_dim3A_10 = vector.broadcast %broadcast_in_dim3A_9 : f32 to vector<16xf32>
    %scan3A = arith.constant 0 : i32
    %scan3A_11 = arith.constant 0 : i32
    %scan3A_12 = arith.constant 256 : i32
    %scan3A_13 = arith.addi %scan3A_11, %scan3A_12 : i32
    %scan3A_14 = arith.constant 1 : i32
    %scan3A_15 = scf.for %scan3A_84 = %scan3A_11 to %scan3A_13 step %scan3A_14 iter_args(%scan3A_85 = %scan3A) -> (i32)  : i32 {
      %swap3A = arith.index_cast %scan3A_84 : i32 to index
      %swap3A_86 = arith.constant 0 : index
      %swap3A_87 = tpu.vector_load %arg15[%swap3A, %swap3A_86] {strides = array<i32>} : memref<256x64xf32, #tpu.memory_space<vmem>>, vector<1x16xf32>,
      %swap3A_88 = vector.shape_cast %swap3A_87 : vector<1x16xf32> to vector<16xf32>
      %swap3A_89 = vector.shape_cast %broadcast_in_dim3A_10 : vector<16xf32> to vector<1x16xf32>
      tpu.vector_store %arg15[%swap3A, %swap3A_86], %swap3A_89 {strides = array<i32>} : memref<256x64xf32, #tpu.memory_space<vmem>>, vector<1x16xf32>,
      %swap3A_90 = arith.index_cast %scan3A_84 : i32 to index
      %swap3A_91 = arith.constant 16 : index
      %swap3A_92 = tpu.vector_load %arg15[%swap3A_90, %swap3A_91] {strides = array<i32>} : memref<256x64xf32, #tpu.memory_space<vmem>>, vector<1x16xf32>,
      %swap3A_93 = vector.shape_cast %swap3A_92 : vector<1x16xf32> to vector<16xf32>
      %swap3A_94 = vector.shape_cast %broadcast_in_dim3A_10 : vector<16xf32> to vector<1x16xf32>
      tpu.vector_store %arg15[%swap3A_90, %swap3A_91], %swap3A_94 {strides = array<i32>} : memref<256x64xf32, #tpu.memory_space<vmem>>, vector<1x16xf32>,
      %swap3A_95 = arith.index_cast %scan3A_84 : i32 to index
      %swap3A_96 = arith.constant 32 : index
      %swap3A_97 = tpu.vector_load %arg15[%swap3A_95, %swap3A_96] {strides = array<i32>} : memref<256x64xf32, #tpu.memory_space<vmem>>, vector<1x16xf32>,
      %swap3A_98 = vector.shape_cast %swap3A_97 : vector<1x16xf32> to vector<16xf32>
      %swap3A_99 = vector.shape_cast %broadcast_in_dim3A_10 : vector<16xf32> to vector<1x16xf32>
      tpu.vector_store %arg15[%swap3A_95, %swap3A_96], %swap3A_99 {strides = array<i32>} : memref<256x64xf32, #tpu.memory_space<vmem>>, vector<1x16xf32>,
      %swap3A_100 = arith.index_cast %scan3A_84 : i32 to index
      %swap3A_101 = arith.constant 48 : index
      %swap3A_102 = tpu.vector_load %arg15[%swap3A_100, %swap3A_101] {strides = array<i32>} : memref<256x64xf32, #tpu.memory_space<vmem>>, vector<1x16xf32>,
      %swap3A_103 = vector.shape_cast %swap3A_102 : vector<1x16xf32> to vector<16xf32>
      %swap3A_104 = vector.shape_cast %broadcast_in_dim3A_10 : vector<16xf32> to vector<1x16xf32>
      tpu.vector_store %arg15[%swap3A_100, %swap3A_101], %swap3A_104 {strides = array<i32>} : memref<256x64xf32, #tpu.memory_space<vmem>>, vector<1x16xf32>,
      %scan3A_105 = arith.constant 0 : i32
      scf.yield %scan3A_105 : i32
    }
    %scan3A_16 = arith.constant 256 : i32
    %mul3A_17 = arith.constant 632 : i32
    %mul3A_18 = arith.muli %arg1, %mul3A_17 : i32
    %add3A_19 = arith.constant 0 : i32
    %add3A_20 = arith.addi %mul3A_18, %add3A_19 : i32
    "tpu.region"() ({
      %run_scoped3A = tpu.sem_alloc : memref<!tpu.dma_semaphore, #tpu.memory_space<semaphore_mem>>
      %dma_start3A_84 = arith.constant 0 : i32
      %dma_start3A_85 = arith.constant 0 : i32
      %dma_start3A_86 = tpu.memref_slice %arg15[%dma_start3A_84, %dma_start3A_85] : memref<256x64xf32, #tpu.memory_space<vmem>> -> memref<256x64xf32, #tpu.memory_space<vmem>>
      %dma_start3A_87 = arith.constant 0 : i32
      %dma_start3A_88 = tpu.memref_slice %arg9[%add3A_20, %dma_start3A_87] : memref<10112x64xf32, #tpu.memory_space<vmem_shared>> -> memref<256x64xf32, #tpu.memory_space<vmem_shared>>
      %dma_start3A_89 = arith.constant 0 : i32
      %dma_start3A_90 = tpu.memref_slice %arg9[%add3A_20, %dma_start3A_89] : memref<10112x64xf32, #tpu.memory_space<vmem_shared>> -> memref<256x64xf32, #tpu.memory_space<vmem_shared>>
      %dma_start3A_91 = arith.constant 0 : i32
      %dma_start3A_92 = arith.constant 0 : i32
      %dma_start3A_93 = tpu.memref_slice %arg15[%dma_start3A_91, %dma_start3A_92] : memref<256x64xf32, #tpu.memory_space<vmem>> -> memref<256x64xf32, #tpu.memory_space<vmem>>
      tpu.enqueue_dma source(%dma_start3A_93 : memref<256x64xf32, #tpu.memory_space<vmem>>) target(%dma_start3A_90 : memref<256x64xf32, #tpu.memory_space<vmem_shared>>) target_semaphore(%run_scoped3A : memref<!tpu.dma_semaphore, #tpu.memory_space<semaphore_mem>>)
      %dma_wait3A_94 = arith.constant 0 : i32
      %dma_wait3A_95 = arith.constant 0 : i32
      %dma_wait3A_96 = tpu.memref_slice %arg15[%dma_wait3A_94, %dma_wait3A_95] : memref<256x64xf32, #tpu.memory_space<vmem>> -> memref<256x64xf32, #tpu.memory_space<vmem>>
      %dma_wait3A_97 = arith.constant 0 : i32
      %dma_wait3A_98 = tpu.memref_slice %arg9[%add3A_20, %dma_wait3A_97] : memref<10112x64xf32, #tpu.memory_space<vmem_shared>> -> memref<256x64xf32, #tpu.memory_space<vmem_shared>>
      %dma_wait3A_99 = arith.constant 0 : i32
      %dma_wait3A_100 = tpu.memref_slice %arg9[%add3A_20, %dma_wait3A_99] : memref<10112x64xf32, #tpu.memory_space<vmem_shared>> -> memref<256x64xf32, #tpu.memory_space<vmem_shared>>
      %dma_wait3A_101 = arith.constant 0 : i32
      %dma_wait3A_102 = arith.constant 0 : i32
      %dma_wait3A_103 = tpu.memref_slice %arg15[%dma_wait3A_101, %dma_wait3A_102] : memref<256x64xf32, #tpu.memory_space<vmem>> -> memref<256x64xf32, #tpu.memory_space<vmem>>
      tpu.wait_dma2 semaphore(%run_scoped3A : memref<!tpu.dma_semaphore, #tpu.memory_space<semaphore_mem>>) src(%dma_wait3A_103 : memref<256x64xf32, #tpu.memory_space<vmem>>) dst(%dma_wait3A_100 : memref<256x64xf32, #tpu.memory_space<vmem_shared>>)
      tpu.yield
    }) : () -> ()
    %mul3A_21 = arith.constant 632 : i32
    %mul3A_22 = arith.muli %arg1, %mul3A_21 : i32
    %add3A_23 = arith.constant 256 : i32
    %add3A_24 = arith.addi %mul3A_22, %add3A_23 : i32
    "tpu.region"() ({
      %run_scoped3A = tpu.sem_alloc : memref<!tpu.dma_semaphore, #tpu.memory_space<semaphore_mem>>
      %dma_start3A_84 = arith.constant 0 : i32
      %dma_start3A_85 = arith.constant 0 : i32
      %dma_start3A_86 = tpu.memref_slice %arg15[%dma_start3A_84, %dma_start3A_85] : memref<256x64xf32, #tpu.memory_space<vmem>> -> memref<256x64xf32, #tpu.memory_space<vmem>>
      %dma_start3A_87 = arith.constant 0 : i32
      %dma_start3A_88 = tpu.memref_slice %arg9[%add3A_24, %dma_start3A_87] : memref<10112x64xf32, #tpu.memory_space<vmem_shared>> -> memref<256x64xf32, #tpu.memory_space<vmem_shared>>
      %dma_start3A_89 = arith.constant 0 : i32
      %dma_start3A_90 = tpu.memref_slice %arg9[%add3A_24, %dma_start3A_89] : memref<10112x64xf32, #tpu.memory_space<vmem_shared>> -> memref<256x64xf32, #tpu.memory_space<vmem_shared>>
      %dma_start3A_91 = arith.constant 0 : i32
      %dma_start3A_92 = arith.constant 0 : i32
      %dma_start3A_93 = tpu.memref_slice %arg15[%dma_start3A_91, %dma_start3A_92] : memref<256x64xf32, #tpu.memory_space<vmem>> -> memref<256x64xf32, #tpu.memory_space<vmem>>
      tpu.enqueue_dma source(%dma_start3A_93 : memref<256x64xf32, #tpu.memory_space<vmem>>) target(%dma_start3A_90 : memref<256x64xf32, #tpu.memory_space<vmem_shared>>) target_semaphore(%run_scoped3A : memref<!tpu.dma_semaphore, #tpu.memory_space<semaphore_mem>>)
      %dma_wait3A_94 = arith.constant 0 : i32
      %dma_wait3A_95 = arith.constant 0 : i32
      %dma_wait3A_96 = tpu.memref_slice %arg15[%dma_wait3A_94, %dma_wait3A_95] : memref<256x64xf32, #tpu.memory_space<vmem>> -> memref<256x64xf32, #tpu.memory_space<vmem>>
      %dma_wait3A_97 = arith.constant 0 : i32
      %dma_wait3A_98 = tpu.memref_slice %arg9[%add3A_24, %dma_wait3A_97] : memref<10112x64xf32, #tpu.memory_space<vmem_shared>> -> memref<256x64xf32, #tpu.memory_space<vmem_shared>>
      %dma_wait3A_99 = arith.constant 0 : i32
      %dma_wait3A_100 = tpu.memref_slice %arg9[%add3A_24, %dma_wait3A_99] : memref<10112x64xf32, #tpu.memory_space<vmem_shared>> -> memref<256x64xf32, #tpu.memory_space<vmem_shared>>
      %dma_wait3A_101 = arith.constant 0 : i32
      %dma_wait3A_102 = arith.constant 0 : i32
      %dma_wait3A_103 = tpu.memref_slice %arg15[%dma_wait3A_101, %dma_wait3A_102] : memref<256x64xf32, #tpu.memory_space<vmem>> -> memref<256x64xf32, #tpu.memory_space<vmem>>
      tpu.wait_dma2 semaphore(%run_scoped3A : memref<!tpu.dma_semaphore, #tpu.memory_space<semaphore_mem>>) src(%dma_wait3A_103 : memref<256x64xf32, #tpu.memory_space<vmem>>) dst(%dma_wait3A_100 : memref<256x64xf32, #tpu.memory_space<vmem_shared>>)
      tpu.yield
    }) : () -> ()
    %mul3A_25 = arith.constant 632 : i32
    %mul3A_26 = arith.muli %arg1, %mul3A_25 : i32
    %add3A_27 = arith.constant 512 : i32
    %add3A_28 = arith.addi %mul3A_26, %add3A_27 : i32
    "tpu.region"() ({
      %run_scoped3A = tpu.sem_alloc : memref<!tpu.dma_semaphore, #tpu.memory_space<semaphore_mem>>
      %dma_start3A_84 = arith.constant 0 : i32
      %dma_start3A_85 = arith.constant 0 : i32
      %dma_start3A_86 = tpu.memref_slice %arg15[%dma_start3A_84, %dma_start3A_85] : memref<256x64xf32, #tpu.memory_space<vmem>> -> memref<120x64xf32, #tpu.memory_space<vmem>>
      %dma_start3A_87 = arith.constant 0 : i32
      %dma_start3A_88 = tpu.memref_slice %arg9[%add3A_28, %dma_start3A_87] : memref<10112x64xf32, #tpu.memory_space<vmem_shared>> -> memref<120x64xf32, #tpu.memory_space<vmem_shared>>
      %dma_start3A_89 = arith.constant 0 : i32
      %dma_start3A_90 = tpu.memref_slice %arg9[%add3A_28, %dma_start3A_89] : memref<10112x64xf32, #tpu.memory_space<vmem_shared>> -> memref<120x64xf32, #tpu.memory_space<vmem_shared>>
      %dma_start3A_91 = arith.constant 0 : i32
      %dma_start3A_92 = arith.constant 0 : i32
      %dma_start3A_93 = tpu.memref_slice %arg15[%dma_start3A_91, %dma_start3A_92] : memref<256x64xf32, #tpu.memory_space<vmem>> -> memref<120x64xf32, #tpu.memory_space<vmem>>
      tpu.enqueue_dma source(%dma_start3A_93 : memref<120x64xf32, #tpu.memory_space<vmem>>) target(%dma_start3A_90 : memref<120x64xf32, #tpu.memory_space<vmem_shared>>) target_semaphore(%run_scoped3A : memref<!tpu.dma_semaphore, #tpu.memory_space<semaphore_mem>>)
      %dma_wait3A_94 = arith.constant 0 : i32
      %dma_wait3A_95 = arith.constant 0 : i32
      %dma_wait3A_96 = tpu.memref_slice %arg15[%dma_wait3A_94, %dma_wait3A_95] : memref<256x64xf32, #tpu.memory_space<vmem>> -> memref<120x64xf32, #tpu.memory_space<vmem>>
      %dma_wait3A_97 = arith.constant 0 : i32
      %dma_wait3A_98 = tpu.memref_slice %arg9[%add3A_28, %dma_wait3A_97] : memref<10112x64xf32, #tpu.memory_space<vmem_shared>> -> memref<120x64xf32, #tpu.memory_space<vmem_shared>>
      %dma_wait3A_99 = arith.constant 0 : i32
      %dma_wait3A_100 = tpu.memref_slice %arg9[%add3A_28, %dma_wait3A_99] : memref<10112x64xf32, #tpu.memory_space<vmem_shared>> -> memref<120x64xf32, #tpu.memory_space<vmem_shared>>
      %dma_wait3A_101 = arith.constant 0 : i32
      %dma_wait3A_102 = arith.constant 0 : i32
      %dma_wait3A_103 = tpu.memref_slice %arg15[%dma_wait3A_101, %dma_wait3A_102] : memref<256x64xf32, #tpu.memory_space<vmem>> -> memref<120x64xf32, #tpu.memory_space<vmem>>
      tpu.wait_dma2 semaphore(%run_scoped3A : memref<!tpu.dma_semaphore, #tpu.memory_space<semaphore_mem>>) src(%dma_wait3A_103 : memref<120x64xf32, #tpu.memory_space<vmem>>) dst(%dma_wait3A_100 : memref<120x64xf32, #tpu.memory_space<vmem_shared>>)
      tpu.yield
    }) : () -> ()
    %dma_wait3A = tpu.memref_slice %arg3[%mul3A_2] : memref<327680xi32, #tpu.memory_space<hbm>> -> memref<10240xi32, #tpu.memory_space<hbm>>
    %dma_wait3A_29 = tpu.memref_slice %arg3[%mul3A_2] : memref<327680xi32, #tpu.memory_space<hbm>> -> memref<10240xi32, #tpu.memory_space<hbm>>
    tpu.wait_dma2 semaphore(%arg19 : memref<!tpu.dma_semaphore, #tpu.memory_space<semaphore_mem>>) src(%dma_wait3A_29 : memref<10240xi32, #tpu.memory_space<hbm>>) dst(%arg10 : memref<10240xi32, #tpu.memory_space<vmem>>)
    %dma_wait3A_30 = tpu.memref_slice %arg4[%mul3A_2] : memref<327680xi32, #tpu.memory_space<hbm>> -> memref<10240xi32, #tpu.memory_space<hbm>>
    %dma_wait3A_31 = tpu.memref_slice %arg4[%mul3A_2] : memref<327680xi32, #tpu.memory_space<hbm>> -> memref<10240xi32, #tpu.memory_space<hbm>>
    tpu.wait_dma2 semaphore(%arg19 : memref<!tpu.dma_semaphore, #tpu.memory_space<semaphore_mem>>) src(%dma_wait3A_31 : memref<10240xi32, #tpu.memory_space<hbm>>) dst(%arg11 : memref<10240xi32, #tpu.memory_space<vmem>>)
    %dma_wait3A_32 = tpu.memref_slice %arg5[%mul3A_2] : memref<327680xi32, #tpu.memory_space<hbm>> -> memref<10240xi32, #tpu.memory_space<hbm>>
    %dma_wait3A_33 = tpu.memref_slice %arg5[%mul3A_2] : memref<327680xi32, #tpu.memory_space<hbm>> -> memref<10240xi32, #tpu.memory_space<hbm>>
    tpu.wait_dma2 semaphore(%arg19 : memref<!tpu.dma_semaphore, #tpu.memory_space<semaphore_mem>>) src(%dma_wait3A_33 : memref<10240xi32, #tpu.memory_space<hbm>>) dst(%arg12 : memref<10240xi32, #tpu.memory_space<vmem>>)
    %dma_start3A_34 = arith.constant 0 : i32
    %dma_start3A_35 = tpu.memref_slice %arg10[%dma_start3A_34] : memref<10240xi32, #tpu.memory_space<vmem>> -> memref<256xi32, #tpu.memory_space<vmem>>
    %dma_start3A_36 = arith.constant 0 : i32
    %dma_start3A_37 = arith.constant 0 : i32
    %dma_start3A_38 = tpu.memref_slice %arg2[%dma_start3A_36, %dma_start3A_37] : memref<80000x64xf32, #tpu.memory_space<hbm>> -> memref<80000x64xf32, #tpu.memory_space<hbm>>
    tpu.enqueue_indirect_dma source(%dma_start3A_38 : memref<80000x64xf32, #tpu.memory_space<hbm>>) target(%arg15 : memref<256x64xf32, #tpu.memory_space<vmem>>) offsets(%dma_start3A_35 : memref<256xi32, #tpu.memory_space<vmem>>) semaphore(%arg20 : memref<!tpu.dma_semaphore, #tpu.memory_space<semaphore_mem>>)
    %dma_start3A_39 = arith.constant 0 : i32
    %dma_start3A_40 = tpu.memref_slice %arg12[%dma_start3A_39] : memref<10240xi32, #tpu.memory_space<vmem>> -> memref<256xi32, #tpu.memory_space<vmem>>
    %dma_start3A_41 = arith.constant 0 : i32
    %dma_start3A_42 = tpu.memref_slice %arg6[%dma_start3A_41] : memref<80128xf32, #tpu.memory_space<hbm>> -> memref<80128xf32, #tpu.memory_space<hbm>>
    tpu.enqueue_indirect_dma source(%dma_start3A_42 : memref<80128xf32, #tpu.memory_space<hbm>>) target(%arg17 : memref<256xf32, #tpu.memory_space<vmem>>) offsets(%dma_start3A_40 : memref<256xi32, #tpu.memory_space<vmem>>) semaphore(%arg20 : memref<!tpu.dma_semaphore, #tpu.memory_space<semaphore_mem>>)
    %barrier3A = arith.constant 0 : index
    tpu.barrier barrier_id(%barrier3A)
    %scan3A_43 = arith.constant 0 : i32
    %scan3A_44 = arith.constant 0 : i32
    %scan3A_45 = arith.constant 20 : i32
    %scan3A_46 = arith.addi %scan3A_44, %scan3A_45 : i32
    %scan3A_47 = arith.constant 1 : i32
    %scan3A_48 = scf.for %scan3A_84 = %scan3A_44 to %scan3A_46 step %scan3A_47 iter_args(%scan3A_85 = %scan3A_43) -> (i32)  : i32 {
      %mul3A_86 = arith.constant 2 : i32
      %mul3A_87 = arith.muli %mul3A_86, %scan3A_84 : i32
      %add3A_88 = arith.constant 1 : i32
      %add3A_89 = arith.addi %mul3A_87, %add3A_88 : i32
      %add3A_90 = arith.constant 2 : i32
      %add3A_91 = arith.addi %mul3A_87, %add3A_90 : i32
      %min3A = arith.constant 39 : i32
      %min3A_92 = arith.minsi %add3A_91, %min3A : i32
      %mul3A_93 = arith.constant 256 : i32
      %mul3A_94 = arith.muli %add3A_89, %mul3A_93 : i32
      %dma_start3A_95 = tpu.memref_slice %arg10[%mul3A_94] : memref<10240xi32, #tpu.memory_space<vmem>> -> memref<256xi32, #tpu.memory_space<vmem>>
      %dma_start3A_96 = arith.constant 0 : i32
      %dma_start3A_97 = arith.constant 0 : i32
      %dma_start3A_98 = tpu.memref_slice %arg2[%dma_start3A_96, %dma_start3A_97] : memref<80000x64xf32, #tpu.memory_space<hbm>> -> memref<80000x64xf32, #tpu.memory_space<hbm>>
      tpu.enqueue_indirect_dma source(%dma_start3A_98 : memref<80000x64xf32, #tpu.memory_space<hbm>>) target(%arg16 : memref<256x64xf32, #tpu.memory_space<vmem>>) offsets(%dma_start3A_95 : memref<256xi32, #tpu.memory_space<vmem>>) semaphore(%arg21 : memref<!tpu.dma_semaphore, #tpu.memory_space<semaphore_mem>>)
      %mul3A_99 = arith.constant 256 : i32
      %mul3A_100 = arith.muli %add3A_89, %mul3A_99 : i32
      %dma_start3A_101 = tpu.memref_slice %arg12[%mul3A_100] : memref<10240xi32, #tpu.memory_space<vmem>> -> memref<256xi32, #tpu.memory_space<vmem>>
      %dma_start3A_102 = arith.constant 0 : i32
      %dma_start3A_103 = tpu.memref_slice %arg6[%dma_start3A_102] : memref<80128xf32, #tpu.memory_space<hbm>> -> memref<80128xf32, #tpu.memory_space<hbm>>
      tpu.enqueue_indirect_dma source(%dma_start3A_103 : memref<80128xf32, #tpu.memory_space<hbm>>) target(%arg18 : memref<256xf32, #tpu.memory_space<vmem>>) offsets(%dma_start3A_101 : memref<256xi32, #tpu.memory_space<vmem>>) semaphore(%arg21 : memref<!tpu.dma_semaphore, #tpu.memory_space<semaphore_mem>>)
      %mul3A_104 = arith.constant 256 : i32
      %mul3A_105 = arith.muli %mul3A_87, %mul3A_104 : i32
      %dma_wait3A_106 = tpu.memref_slice %arg10[%mul3A_105] : memref<10240xi32, #tpu.memory_space<vmem>> -> memref<256xi32, #tpu.memory_space<vmem>>
      %dma_wait3A_107 = arith.constant 0 : i32
      %dma_wait3A_108 = arith.constant 0 : i32
      %dma_wait3A_109 = tpu.memref_slice %arg2[%dma_wait3A_107, %dma_wait3A_108] : memref<80000x64xf32, #tpu.memory_space<hbm>> -> memref<80000x64xf32, #tpu.memory_space<hbm>>
      tpu.wait_indirect_dma semaphore(%arg20 : memref<!tpu.dma_semaphore, #tpu.memory_space<semaphore_mem>>) src(%dma_wait3A_109 : memref<80000x64xf32, #tpu.memory_space<hbm>>) dst(%arg15 : memref<256x64xf32, #tpu.memory_space<vmem>>)
      %mul3A_110 = arith.constant 256 : i32
      %mul3A_111 = arith.muli %mul3A_87, %mul3A_110 : i32
      %dma_wait3A_112 = tpu.memref_slice %arg12[%mul3A_111] : memref<10240xi32, #tpu.memory_space<vmem>> -> memref<256xi32, #tpu.memory_space<vmem>>
      %dma_wait3A_113 = arith.constant 0 : i32
      %dma_wait3A_114 = tpu.memref_slice %arg6[%dma_wait3A_113] : memref<80128xf32, #tpu.memory_space<hbm>> -> memref<80128xf32, #tpu.memory_space<hbm>>
      tpu.wait_indirect_dma semaphore(%arg20 : memref<!tpu.dma_semaphore, #tpu.memory_space<semaphore_mem>>) src(%dma_wait3A_114 : memref<80128xf32, #tpu.memory_space<hbm>>) dst(%arg17 : memref<256xf32, #tpu.memory_space<vmem>>)
      %mul3A_115 = arith.constant 256 : i32
      %mul3A_116 = arith.muli %mul3A_87, %mul3A_115 : i32
      %add3A_117 = arith.constant 0 : i32
      %add3A_118 = arith.addi %mul3A_116, %add3A_117 : i32
      %get3A = arith.index_cast %add3A_118 : i32 to index
      %get3A_119 = tpu.vector_load %arg11[%get3A] {strides = array<i32>} : memref<10240xi32, #tpu.memory_space<vmem>>, vector<16xi32>,
      %get3A_120 = vector.shape_cast %get3A_119 : vector<16xi32> to vector<16xi32>
      %swap3A = arith.constant 0 : index
      %swap3A_121 = tpu.vector_load %arg14[%swap3A] {strides = array<i32>} : memref<256xi32, #tpu.memory_space<vmem>>, vector<16xi32>,
      %swap3A_122 = vector.shape_cast %swap3A_121 : vector<16xi32> to vector<16xi32>
      %swap3A_123 = vector.shape_cast %get3A_120 : vector<16xi32> to vector<16xi32>
      tpu.vector_store %arg14[%swap3A], %swap3A_123 {strides = array<i32>} : memref<256xi32, #tpu.memory_space<vmem>>, vector<16xi32>,
      %mul3A_124 = arith.constant 256 : i32
      %mul3A_125 = arith.muli %mul3A_87, %mul3A_124 : i32
      %add3A_126 = arith.constant 16 : i32
      %add3A_127 = arith.addi %mul3A_125, %add3A_126 : i32
      %get3A_128 = arith.index_cast %add3A_127 : i32 to index
      %get3A_129 = tpu.vector_load %arg11[%get3A_128] {strides = array<i32>} : memref<10240xi32, #tpu.memory_space<vmem>>, vector<16xi32>,
      %get3A_130 = vector.shape_cast %get3A_129 : vector<16xi32> to vector<16xi32>
      %swap3A_131 = arith.constant 16 : index
      %swap3A_132 = tpu.vector_load %arg14[%swap3A_131] {strides = array<i32>} : memref<256xi32, #tpu.memory_space<vmem>>, vector<16xi32>,
      %swap3A_133 = vector.shape_cast %swap3A_132 : vector<16xi32> to vector<16xi32>
      %swap3A_134 = vector.shape_cast %get3A_130 : vector<16xi32> to vector<16xi32>
      tpu.vector_store %arg14[%swap3A_131], %swap3A_134 {strides = array<i32>} : memref<256xi32, #tpu.memory_space<vmem>>, vector<16xi32>,
      %mul3A_135 = arith.constant 256 : i32
      %mul3A_136 = arith.muli %mul3A_87, %mul3A_135 : i32
      %add3A_137 = arith.constant 32 : i32
      %add3A_138 = arith.addi %mul3A_136, %add3A_137 : i32
      %get3A_139 = arith.index_cast %add3A_138 : i32 to index
      %get3A_140 = tpu.vector_load %arg11[%get3A_139] {strides = array<i32>} : memref<10240xi32, #tpu.memory_space<vmem>>, vector<16xi32>,
      %get3A_141 = vector.shape_cast %get3A_140 : vector<16xi32> to vector<16xi32>
      %swap3A_142 = arith.constant 32 : index
      %swap3A_143 = tpu.vector_load %arg14[%swap3A_142] {strides = array<i32>} : memref<256xi32, #tpu.memory_space<vmem>>, vector<16xi32>,
      %swap3A_144 = vector.shape_cast %swap3A_143 : vector<16xi32> to vector<16xi32>
      %swap3A_145 = vector.shape_cast %get3A_141 : vector<16xi32> to vector<16xi32>
      tpu.vector_store %arg14[%swap3A_142], %swap3A_145 {strides = array<i32>} : memref<256xi32, #tpu.memory_space<vmem>>, vector<16xi32>,
      %mul3A_146 = arith.constant 256 : i32
      %mul3A_147 = arith.muli %mul3A_87, %mul3A_146 : i32
      %add3A_148 = arith.constant 48 : i32
      %add3A_149 = arith.addi %mul3A_147, %add3A_148 : i32
      %get3A_150 = arith.index_cast %add3A_149 : i32 to index
      %get3A_151 = tpu.vector_load %arg11[%get3A_150] {strides = array<i32>} : memref<10240xi32, #tpu.memory_space<vmem>>, vector<16xi32>,
      %get3A_152 = vector.shape_cast %get3A_151 : vector<16xi32> to vector<16xi32>
      %swap3A_153 = arith.constant 48 : index
      %swap3A_154 = tpu.vector_load %arg14[%swap3A_153] {strides = array<i32>} : memref<256xi32, #tpu.memory_space<vmem>>, vector<16xi32>,
      %swap3A_155 = vector.shape_cast %swap3A_154 : vector<16xi32> to vector<16xi32>
      %swap3A_156 = vector.shape_cast %get3A_152 : vector<16xi32> to vector<16xi32>
      tpu.vector_store %arg14[%swap3A_153], %swap3A_156 {strides = array<i32>} : memref<256xi32, #tpu.memory_space<vmem>>, vector<16xi32>,
      %mul3A_157 = arith.constant 256 : i32
      %mul3A_158 = arith.muli %mul3A_87, %mul3A_157 : i32
      %add3A_159 = arith.constant 64 : i32
      %add3A_160 = arith.addi %mul3A_158, %add3A_159 : i32
      %get3A_161 = arith.index_cast %add3A_160 : i32 to index
      %get3A_162 = tpu.vector_load %arg11[%get3A_161] {strides = array<i32>} : memref<10240xi32, #tpu.memory_space<vmem>>, vector<16xi32>,
      %get3A_163 = vector.shape_cast %get3A_162 : vector<16xi32> to vector<16xi32>
      %swap3A_164 = arith.constant 64 : index
      %swap3A_165 = tpu.vector_load %arg14[%swap3A_164] {strides = array<i32>} : memref<256xi32, #tpu.memory_space<vmem>>, vector<16xi32>,
      %swap3A_166 = vector.shape_cast %swap3A_165 : vector<16xi32> to vector<16xi32>
      %swap3A_167 = vector.shape_cast %get3A_163 : vector<16xi32> to vector<16xi32>
      tpu.vector_store %arg14[%swap3A_164], %swap3A_167 {strides = array<i32>} : memref<256xi32, #tpu.memory_space<vmem>>, vector<16xi32>,
      %mul3A_168 = arith.constant 256 : i32
      %mul3A_169 = arith.muli %mul3A_87, %mul3A_168 : i32
      %add3A_170 = arith.constant 80 : i32
      %add3A_171 = arith.addi %mul3A_169, %add3A_170 : i32
      %get3A_172 = arith.index_cast %add3A_171 : i32 to index
      %get3A_173 = tpu.vector_load %arg11[%get3A_172] {strides = array<i32>} : memref<10240xi32, #tpu.memory_space<vmem>>, vector<16xi32>,
      %get3A_174 = vector.shape_cast %get3A_173 : vector<16xi32> to vector<16xi32>
      %swap3A_175 = arith.constant 80 : index
      %swap3A_176 = tpu.vector_load %arg14[%swap3A_175] {strides = array<i32>} : memref<256xi32, #tpu.memory_space<vmem>>, vector<16xi32>,
      %swap3A_177 = vector.shape_cast %swap3A_176 : vector<16xi32> to vector<16xi32>
      %swap3A_178 = vector.shape_cast %get3A_174 : vector<16xi32> to vector<16xi32>
      tpu.vector_store %arg14[%swap3A_175], %swap3A_178 {strides = array<i32>} : memref<256xi32, #tpu.memory_space<vmem>>, vector<16xi32>,
      %mul3A_179 = arith.constant 256 : i32
      %mul3A_180 = arith.muli %mul3A_87, %mul3A_179 : i32
      %add3A_181 = arith.constant 96 : i32
      %add3A_182 = arith.addi %mul3A_180, %add3A_181 : i32
      %get3A_183 = arith.index_cast %add3A_182 : i32 to index
      %get3A_184 = tpu.vector_load %arg11[%get3A_183] {strides = array<i32>} : memref<10240xi32, #tpu.memory_space<vmem>>, vector<16xi32>,
      %get3A_185 = vector.shape_cast %get3A_184 : vector<16xi32> to vector<16xi32>
      %swap3A_186 = arith.constant 96 : index
      %swap3A_187 = tpu.vector_load %arg14[%swap3A_186] {strides = array<i32>} : memref<256xi32, #tpu.memory_space<vmem>>, vector<16xi32>,
      %swap3A_188 = vector.shape_cast %swap3A_187 : vector<16xi32> to vector<16xi32>
      %swap3A_189 = vector.shape_cast %get3A_185 : vector<16xi32> to vector<16xi32>
      tpu.vector_store %arg14[%swap3A_186], %swap3A_189 {strides = array<i32>} : memref<256xi32, #tpu.memory_space<vmem>>, vector<16xi32>,
      %mul3A_190 = arith.constant 256 : i32
      %mul3A_191 = arith.muli %mul3A_87, %mul3A_190 : i32
      %add3A_192 = arith.constant 112 : i32
      %add3A_193 = arith.addi %mul3A_191, %add3A_192 : i32
      %get3A_194 = arith.index_cast %add3A_193 : i32 to index
      %get3A_195 = tpu.vector_load %arg11[%get3A_194] {strides = array<i32>} : memref<10240xi32, #tpu.memory_space<vmem>>, vector<16xi32>,
      %get3A_196 = vector.shape_cast %get3A_195 : vector<16xi32> to vector<16xi32>
      %swap3A_197 = arith.constant 112 : index
      %swap3A_198 = tpu.vector_load %arg14[%swap3A_197] {strides = array<i32>} : memref<256xi32, #tpu.memory_space<vmem>>, vector<16xi32>,
      %swap3A_199 = vector.shape_cast %swap3A_198 : vector<16xi32> to vector<16xi32>
      %swap3A_200 = vector.shape_cast %get3A_196 : vector<16xi32> to vector<16xi32>
      tpu.vector_store %arg14[%swap3A_197], %swap3A_200 {strides = array<i32>} : memref<256xi32, #tpu.memory_space<vmem>>, vector<16xi32>,
      %mul3A_201 = arith.constant 256 : i32
      %mul3A_202 = arith.muli %mul3A_87, %mul3A_201 : i32
      %add3A_203 = arith.constant 128 : i32
      %add3A_204 = arith.addi %mul3A_202, %add3A_203 : i32
      %get3A_205 = arith.index_cast %add3A_204 : i32 to index
      %get3A_206 = tpu.vector_load %arg11[%get3A_205] {strides = array<i32>} : memref<10240xi32, #tpu.memory_space<vmem>>, vector<16xi32>,
      %get3A_207 = vector.shape_cast %get3A_206 : vector<16xi32> to vector<16xi32>
      %swap3A_208 = arith.constant 128 : index
      %swap3A_209 = tpu.vector_load %arg14[%swap3A_208] {strides = array<i32>} : memref<256xi32, #tpu.memory_space<vmem>>, vector<16xi32>,
      %swap3A_210 = vector.shape_cast %swap3A_209 : vector<16xi32> to vector<16xi32>
      %swap3A_211 = vector.shape_cast %get3A_207 : vector<16xi32> to vector<16xi32>
      tpu.vector_store %arg14[%swap3A_208], %swap3A_211 {strides = array<i32>} : memref<256xi32, #tpu.memory_space<vmem>>, vector<16xi32>,
      %mul3A_212 = arith.constant 256 : i32
      %mul3A_213 = arith.muli %mul3A_87, %mul3A_212 : i32
      %add3A_214 = arith.constant 144 : i32
      %add3A_215 = arith.addi %mul3A_213, %add3A_214 : i32
      %get3A_216 = arith.index_cast %add3A_215 : i32 to index
      %get3A_217 = tpu.vector_load %arg11[%get3A_216] {strides = array<i32>} : memref<10240xi32, #tpu.memory_space<vmem>>, vector<16xi32>,
      %get3A_218 = vector.shape_cast %get3A_217 : vector<16xi32> to vector<16xi32>
      %swap3A_219 = arith.constant 144 : index
      %swap3A_220 = tpu.vector_load %arg14[%swap3A_219] {strides = array<i32>} : memref<256xi32, #tpu.memory_space<vmem>>, vector<16xi32>,
      %swap3A_221 = vector.shape_cast %swap3A_220 : vector<16xi32> to vector<16xi32>
      %swap3A_222 = vector.shape_cast %get3A_218 : vector<16xi32> to vector<16xi32>
      tpu.vector_store %arg14[%swap3A_219], %swap3A_222 {strides = array<i32>} : memref<256xi32, #tpu.memory_space<vmem>>, vector<16xi32>,
      %mul3A_223 = arith.constant 256 : i32
      %mul3A_224 = arith.muli %mul3A_87, %mul3A_223 : i32
      %add3A_225 = arith.constant 160 : i32
      %add3A_226 = arith.addi %mul3A_224, %add3A_225 : i32
      %get3A_227 = arith.index_cast %add3A_226 : i32 to index
      %get3A_228 = tpu.vector_load %arg11[%get3A_227] {strides = array<i32>} : memref<10240xi32, #tpu.memory_space<vmem>>, vector<16xi32>,
      %get3A_229 = vector.shape_cast %get3A_228 : vector<16xi32> to vector<16xi32>
      %swap3A_230 = arith.constant 160 : index
      %swap3A_231 = tpu.vector_load %arg14[%swap3A_230] {strides = array<i32>} : memref<256xi32, #tpu.memory_space<vmem>>, vector<16xi32>,
      %swap3A_232 = vector.shape_cast %swap3A_231 : vector<16xi32> to vector<16xi32>
      %swap3A_233 = vector.shape_cast %get3A_229 : vector<16xi32> to vector<16xi32>
      tpu.vector_store %arg14[%swap3A_230], %swap3A_233 {strides = array<i32>} : memref<256xi32, #tpu.memory_space<vmem>>, vector<16xi32>,
      %mul3A_234 = arith.constant 256 : i32
      %mul3A_235 = arith.muli %mul3A_87, %mul3A_234 : i32
      %add3A_236 = arith.constant 176 : i32
      %add3A_237 = arith.addi %mul3A_235, %add3A_236 : i32
      %get3A_238 = arith.index_cast %add3A_237 : i32 to index
      %get3A_239 = tpu.vector_load %arg11[%get3A_238] {strides = array<i32>} : memref<10240xi32, #tpu.memory_space<vmem>>, vector<16xi32>,
      %get3A_240 = vector.shape_cast %get3A_239 : vector<16xi32> to vector<16xi32>
      %swap3A_241 = arith.constant 176 : index
      %swap3A_242 = tpu.vector_load %arg14[%swap3A_241] {strides = array<i32>} : memref<256xi32, #tpu.memory_space<vmem>>, vector<16xi32>,
      %swap3A_243 = vector.shape_cast %swap3A_242 : vector<16xi32> to vector<16xi32>
      %swap3A_244 = vector.shape_cast %get3A_240 : vector<16xi32> to vector<16xi32>
      tpu.vector_store %arg14[%swap3A_241], %swap3A_244 {strides = array<i32>} : memref<256xi32, #tpu.memory_space<vmem>>, vector<16xi32>,
      %mul3A_245 = arith.constant 256 : i32
      %mul3A_246 = arith.muli %mul3A_87, %mul3A_245 : i32
      %add3A_247 = arith.constant 192 : i32
      %add3A_248 = arith.addi %mul3A_246, %add3A_247 : i32
      %get3A_249 = arith.index_cast %add3A_248 : i32 to index
      %get3A_250 = tpu.vector_load %arg11[%get3A_249] {strides = array<i32>} : memref<10240xi32, #tpu.memory_space<vmem>>, vector<16xi32>,
      %get3A_251 = vector.shape_cast %get3A_250 : vector<16xi32> to vector<16xi32>
      %swap3A_252 = arith.constant 192 : index
      %swap3A_253 = tpu.vector_load %arg14[%swap3A_252] {strides = array<i32>} : memref<256xi32, #tpu.memory_space<vmem>>, vector<16xi32>,
      %swap3A_254 = vector.shape_cast %swap3A_253 : vector<16xi32> to vector<16xi32>
      %swap3A_255 = vector.shape_cast %get3A_251 : vector<16xi32> to vector<16xi32>
      tpu.vector_store %arg14[%swap3A_252], %swap3A_255 {strides = array<i32>} : memref<256xi32, #tpu.memory_space<vmem>>, vector<16xi32>,
      %mul3A_256 = arith.constant 256 : i32
      %mul3A_257 = arith.muli %mul3A_87, %mul3A_256 : i32
      %add3A_258 = arith.constant 208 : i32
      %add3A_259 = arith.addi %mul3A_257, %add3A_258 : i32
      %get3A_260 = arith.index_cast %add3A_259 : i32 to index
      %get3A_261 = tpu.vector_load %arg11[%get3A_260] {strides = array<i32>} : memref<10240xi32, #tpu.memory_space<vmem>>, vector<16xi32>,
      %get3A_262 = vector.shape_cast %get3A_261 : vector<16xi32> to vector<16xi32>
      %swap3A_263 = arith.constant 208 : index
      %swap3A_264 = tpu.vector_load %arg14[%swap3A_263] {strides = array<i32>} : memref<256xi32, #tpu.memory_space<vmem>>, vector<16xi32>,
      %swap3A_265 = vector.shape_cast %swap3A_264 : vector<16xi32> to vector<16xi32>
      %swap3A_266 = vector.shape_cast %get3A_262 : vector<16xi32> to vector<16xi32>
      tpu.vector_store %arg14[%swap3A_263], %swap3A_266 {strides = array<i32>} : memref<256xi32, #tpu.memory_space<vmem>>, vector<16xi32>,
      %mul3A_267 = arith.constant 256 : i32
      %mul3A_268 = arith.muli %mul3A_87, %mul3A_267 : i32
      %add3A_269 = arith.constant 224 : i32
      %add3A_270 = arith.addi %mul3A_268, %add3A_269 : i32
      %get3A_271 = arith.index_cast %add3A_270 : i32 to index
      %get3A_272 = tpu.vector_load %arg11[%get3A_271] {strides = array<i32>} : memref<10240xi32, #tpu.memory_space<vmem>>, vector<16xi32>,
      %get3A_273 = vector.shape_cast %get3A_272 : vector<16xi32> to vector<16xi32>
      %swap3A_274 = arith.constant 224 : index
      %swap3A_275 = tpu.vector_load %arg14[%swap3A_274] {strides = array<i32>} : memref<256xi32, #tpu.memory_space<vmem>>, vector<16xi32>,
      %swap3A_276 = vector.shape_cast %swap3A_275 : vector<16xi32> to vector<16xi32>
      %swap3A_277 = vector.shape_cast %get3A_273 : vector<16xi32> to vector<16xi32>
      tpu.vector_store %arg14[%swap3A_274], %swap3A_277 {strides = array<i32>} : memref<256xi32, #tpu.memory_space<vmem>>, vector<16xi32>,
      %mul3A_278 = arith.constant 256 : i32
      %mul3A_279 = arith.muli %mul3A_87, %mul3A_278 : i32
      %add3A_280 = arith.constant 240 : i32
      %add3A_281 = arith.addi %mul3A_279, %add3A_280 : i32
      %get3A_282 = arith.index_cast %add3A_281 : i32 to index
      %get3A_283 = tpu.vector_load %arg11[%get3A_282] {strides = array<i32>} : memref<10240xi32, #tpu.memory_space<vmem>>, vector<16xi32>,
      %get3A_284 = vector.shape_cast %get3A_283 : vector<16xi32> to vector<16xi32>
      %swap3A_285 = arith.constant 240 : index
      %swap3A_286 = tpu.vector_load %arg14[%swap3A_285] {strides = array<i32>} : memref<256xi32, #tpu.memory_space<vmem>>, vector<16xi32>,
      %swap3A_287 = vector.shape_cast %swap3A_286 : vector<16xi32> to vector<16xi32>
      %swap3A_288 = vector.shape_cast %get3A_284 : vector<16xi32> to vector<16xi32>
      tpu.vector_store %arg14[%swap3A_285], %swap3A_288 {strides = array<i32>} : memref<256xi32, #tpu.memory_space<vmem>>, vector<16xi32>,
      %scan3A_289 = arith.constant 0 : i32
      %scan3A_290 = arith.constant 0 : i32
      %scan3A_291 = arith.constant 16 : i32
      %scan3A_292 = arith.addi %scan3A_290, %scan3A_291 : i32
      %scan3A_293 = arith.constant 1 : i32
      %scan3A_294 = scf.for %scan3A_502 = %scan3A_290 to %scan3A_292 step %scan3A_293 iter_args(%scan3A_503 = %scan3A_289) -> (i32)  : i32 {
        %mul3A_504 = arith.constant 16 : i32
        %mul3A_505 = arith.muli %scan3A_502, %mul3A_504 : i32
        %get3A_506 = arith.index_cast %mul3A_505 : i32 to index
        %get3A_507 = tpu.vector_load %arg17[%get3A_506] {strides = array<i32>} : memref<256xf32, #tpu.memory_space<vmem>>, vector<16xf32>,
        %get3A_508 = vector.shape_cast %get3A_507 : vector<16xf32> to vector<16xf32>
        %max3A = arith.maximumf %get3A_508, %broadcast_in_dim3A_3 : vector<16xf32>
        %div3A = arith.divf %broadcast_in_dim3A_3, %max3A : vector<16xf32>
        %mul3A_509 = arith.constant 256 : i32
        %mul3A_510 = arith.muli %mul3A_87, %mul3A_509 : i32
        %mul3A_511 = arith.constant 16 : i32
        %mul3A_512 = arith.muli %scan3A_502, %mul3A_511 : i32
        %add3A_513 = arith.addi %mul3A_510, %mul3A_512 : i32
        %swap3A_514 = arith.index_cast %add3A_513 : i32 to index
        %swap3A_515 = tpu.vector_load %arg13[%swap3A_514] {strides = array<i32>} : memref<10240xf32, #tpu.memory_space<vmem>>, vector<16xf32>,
        %swap3A_516 = vector.shape_cast %swap3A_515 : vector<16xf32> to vector<16xf32>
        %swap3A_517 = vector.shape_cast %div3A : vector<16xf32> to vector<16xf32>
        tpu.vector_store %arg13[%swap3A_514], %swap3A_517 {strides = array<i32>} : memref<10240xf32, #tpu.memory_space<vmem>>, vector<16xf32>,
        %mul3A_518 = arith.constant 16 : i32
        %mul3A_519 = arith.muli %scan3A_502, %mul3A_518 : i32
        %add3A_520 = arith.constant 0 : i32
        %add3A_521 = arith.addi %mul3A_519, %add3A_520 : i32
        %slice3A = vector.extract_strided_slice %div3A {offsets = [0], sizes = [1], strides = [1]} : vector<16xf32> to vector<1xf32>
        %squeeze3A = vector.extract %slice3A[0] : f32 from vector<1xf32>
        %get3A_522 = arith.index_cast %add3A_521 : i32 to index
        %get3A_523 = arith.constant 0 : index
        %get3A_524 = tpu.vector_load %arg15[%get3A_522, %get3A_523] {strides = array<i32>} : memref<256x64xf32, #tpu.memory_space<vmem>>, vector<1x16xf32>,
        %get3A_525 = vector.shape_cast %get3A_524 : vector<1x16xf32> to vector<16xf32>
        %mul3A_526 = vector.broadcast %squeeze3A : f32 to vector<16xf32>
        %mul3A_527 = arith.mulf %get3A_525, %mul3A_526 : vector<16xf32>
        %swap3A_528 = arith.index_cast %add3A_521 : i32 to index
        %swap3A_529 = arith.constant 0 : index
        %swap3A_530 = tpu.vector_load %arg15[%swap3A_528, %swap3A_529] {strides = array<i32>} : memref<256x64xf32, #tpu.memory_space<vmem>>, vector<1x16xf32>,
        %swap3A_531 = vector.shape_cast %swap3A_530 : vector<1x16xf32> to vector<16xf32>
        %swap3A_532 = vector.shape_cast %mul3A_527 : vector<16xf32> to vector<1x16xf32>
        tpu.vector_store %arg15[%swap3A_528, %swap3A_529], %swap3A_532 {strides = array<i32>} : memref<256x64xf32, #tpu.memory_space<vmem>>, vector<1x16xf32>,
        %get3A_533 = arith.index_cast %add3A_521 : i32 to index
        %get3A_534 = arith.constant 16 : index
        %get3A_535 = tpu.vector_load %arg15[%get3A_533, %get3A_534] {strides = array<i32>} : memref<256x64xf32, #tpu.memory_space<vmem>>, vector<1x16xf32>,
        %get3A_536 = vector.shape_cast %get3A_535 : vector<1x16xf32> to vector<16xf32>
        %mul3A_537 = vector.broadcast %squeeze3A : f32 to vector<16xf32>
        %mul3A_538 = arith.mulf %get3A_536, %mul3A_537 : vector<16xf32>
        %swap3A_539 = arith.index_cast %add3A_521 : i32 to index
        %swap3A_540 = arith.constant 16 : index
        %swap3A_541 = tpu.vector_load %arg15[%swap3A_539, %swap3A_540] {strides = array<i32>} : memref<256x64xf32, #tpu.memory_space<vmem>>, vector<1x16xf32>,
        %swap3A_542 = vector.shape_cast %swap3A_541 : vector<1x16xf32> to vector<16xf32>
        %swap3A_543 = vector.shape_cast %mul3A_538 : vector<16xf32> to vector<1x16xf32>
        tpu.vector_store %arg15[%swap3A_539, %swap3A_540], %swap3A_543 {strides = array<i32>} : memref<256x64xf32, #tpu.memory_space<vmem>>, vector<1x16xf32>,
        %get3A_544 = arith.index_cast %add3A_521 : i32 to index
        %get3A_545 = arith.constant 32 : index
        %get3A_546 = tpu.vector_load %arg15[%get3A_544, %get3A_545] {strides = array<i32>} : memref<256x64xf32, #tpu.memory_space<vmem>>, vector<1x16xf32>,
        %get3A_547 = vector.shape_cast %get3A_546 : vector<1x16xf32> to vector<16xf32>
        %mul3A_548 = vector.broadcast %squeeze3A : f32 to vector<16xf32>
        %mul3A_549 = arith.mulf %get3A_547, %mul3A_548 : vector<16xf32>
        %swap3A_550 = arith.index_cast %add3A_521 : i32 to index
        %swap3A_551 = arith.constant 32 : index
        %swap3A_552 = tpu.vector_load %arg15[%swap3A_550, %swap3A_551] {strides = array<i32>} : memref<256x64xf32, #tpu.memory_space<vmem>>, vector<1x16xf32>,
        %swap3A_553 = vector.shape_cast %swap3A_552 : vector<1x16xf32> to vector<16xf32>
        %swap3A_554 = vector.shape_cast %mul3A_549 : vector<16xf32> to vector<1x16xf32>
        tpu.vector_store %arg15[%swap3A_550, %swap3A_551], %swap3A_554 {strides = array<i32>} : memref<256x64xf32, #tpu.memory_space<vmem>>, vector<1x16xf32>,
        %get3A_555 = arith.index_cast %add3A_521 : i32 to index
        %get3A_556 = arith.constant 48 : index
        %get3A_557 = tpu.vector_load %arg15[%get3A_555, %get3A_556] {strides = array<i32>} : memref<256x64xf32, #tpu.memory_space<vmem>>, vector<1x16xf32>,
        %get3A_558 = vector.shape_cast %get3A_557 : vector<1x16xf32> to vector<16xf32>
        %mul3A_559 = vector.broadcast %squeeze3A : f32 to vector<16xf32>
        %mul3A_560 = arith.mulf %get3A_558, %mul3A_559 : vector<16xf32>
        %swap3A_561 = arith.index_cast %add3A_521 : i32 to index
        %swap3A_562 = arith.constant 48 : index
        %swap3A_563 = tpu.vector_load %arg15[%swap3A_561, %swap3A_562] {strides = array<i32>} : memref<256x64xf32, #tpu.memory_space<vmem>>, vector<1x16xf32>,
        %swap3A_564 = vector.shape_cast %swap3A_563 : vector<1x16xf32> to vector<16xf32>
        %swap3A_565 = vector.shape_cast %mul3A_560 : vector<16xf32> to vector<1x16xf32>
        tpu.vector_store %arg15[%swap3A_561, %swap3A_562], %swap3A_565 {strides = array<i32>} : memref<256x64xf32, #tpu.memory_space<vmem>>, vector<1x16xf32>,
        %mul3A_566 = arith.constant 16 : i32
        %mul3A_567 = arith.muli %scan3A_502, %mul3A_566 : i32
        %add3A_568 = arith.constant 1 : i32
        %add3A_569 = arith.addi %mul3A_567, %add3A_568 : i32
        %slice3A_570 = vector.extract_strided_slice %div3A {offsets = [1], sizes = [1], strides = [1]} : vector<16xf32> to vector<1xf32>
        %squeeze3A_571 = vector.extract %slice3A_570[0] : f32 from vector<1xf32>
        %get3A_572 = arith.index_cast %add3A_569 : i32 to index
        %get3A_573 = arith.constant 0 : index
        %get3A_574 = tpu.vector_load %arg15[%get3A_572, %get3A_573] {strides = array<i32>} : memref<256x64xf32, #tpu.memory_space<vmem>>, vector<1x16xf32>,
        %get3A_575 = vector.shape_cast %get3A_574 : vector<1x16xf32> to vector<16xf32>
        %mul3A_576 = vector.broadcast %squeeze3A_571 : f32 to vector<16xf32>
        %mul3A_577 = arith.mulf %get3A_575, %mul3A_576 : vector<16xf32>
        %swap3A_578 = arith.index_cast %add3A_569 : i32 to index
        %swap3A_579 = arith.constant 0 : index
        %swap3A_580 = tpu.vector_load %arg15[%swap3A_578, %swap3A_579] {strides = array<i32>} : memref<256x64xf32, #tpu.memory_space<vmem>>, vector<1x16xf32>,
        %swap3A_581 = vector.shape_cast %swap3A_580 : vector<1x16xf32> to vector<16xf32>
        %swap3A_582 = vector.shape_cast %mul3A_577 : vector<16xf32> to vector<1x16xf32>
        tpu.vector_store %arg15[%swap3A_578, %swap3A_579], %swap3A_582 {strides = array<i32>} : memref<256x64xf32, #tpu.memory_space<vmem>>, vector<1x16xf32>,
        %get3A_583 = arith.index_cast %add3A_569 : i32 to index
        %get3A_584 = arith.constant 16 : index
        %get3A_585 = tpu.vector_load %arg15[%get3A_583, %get3A_584] {strides = array<i32>} : memref<256x64xf32, #tpu.memory_space<vmem>>, vector<1x16xf32>,
        %get3A_586 = vector.shape_cast %get3A_585 : vector<1x16xf32> to vector<16xf32>
        %mul3A_587 = vector.broadcast %squeeze3A_571 : f32 to vector<16xf32>
        %mul3A_588 = arith.mulf %get3A_586, %mul3A_587 : vector<16xf32>
        %swap3A_589 = arith.index_cast %add3A_569 : i32 to index
        %swap3A_590 = arith.constant 16 : index
        %swap3A_591 = tpu.vector_load %arg15[%swap3A_589, %swap3A_590] {strides = array<i32>} : memref<256x64xf32, #tpu.memory_space<vmem>>, vector<1x16xf32>,
        %swap3A_592 = vector.shape_cast %swap3A_591 : vector<1x16xf32> to vector<16xf32>
        %swap3A_593 = vector.shape_cast %mul3A_588 : vector<16xf32> to vector<1x16xf32>
        tpu.vector_store %arg15[%swap3A_589, %swap3A_590], %swap3A_593 {strides = array<i32>} : memref<256x64xf32, #tpu.memory_space<vmem>>, vector<1x16xf32>,
        %get3A_594 = arith.index_cast %add3A_569 : i32 to index
        %get3A_595 = arith.constant 32 : index
        %get3A_596 = tpu.vector_load %arg15[%get3A_594, %get3A_595] {strides = array<i32>} : memref<256x64xf32, #tpu.memory_space<vmem>>, vector<1x16xf32>,
        %get3A_597 = vector.shape_cast %get3A_596 : vector<1x16xf32> to vector<16xf32>
        %mul3A_598 = vector.broadcast %squeeze3A_571 : f32 to vector<16xf32>
        %mul3A_599 = arith.mulf %get3A_597, %mul3A_598 : vector<16xf32>
        %swap3A_600 = arith.index_cast %add3A_569 : i32 to index
        %swap3A_601 = arith.constant 32 : index
        %swap3A_602 = tpu.vector_load %arg15[%swap3A_600, %swap3A_601] {strides = array<i32>} : memref<256x64xf32, #tpu.memory_space<vmem>>, vector<1x16xf32>,
        %swap3A_603 = vector.shape_cast %swap3A_602 : vector<1x16xf32> to vector<16xf32>
        %swap3A_604 = vector.shape_cast %mul3A_599 : vector<16xf32> to vector<1x16xf32>
        tpu.vector_store %arg15[%swap3A_600, %swap3A_601], %swap3A_604 {strides = array<i32>} : memref<256x64xf32, #tpu.memory_space<vmem>>, vector<1x16xf32>,
        %get3A_605 = arith.index_cast %add3A_569 : i32 to index
        %get3A_606 = arith.constant 48 : index
        %get3A_607 = tpu.vector_load %arg15[%get3A_605, %get3A_606] {strides = array<i32>} : memref<256x64xf32, #tpu.memory_space<vmem>>, vector<1x16xf32>,
        %get3A_608 = vector.shape_cast %get3A_607 : vector<1x16xf32> to vector<16xf32>
        %mul3A_609 = vector.broadcast %squeeze3A_571 : f32 to vector<16xf32>
        %mul3A_610 = arith.mulf %get3A_608, %mul3A_609 : vector<16xf32>
        %swap3A_611 = arith.index_cast %add3A_569 : i32 to index
        %swap3A_612 = arith.constant 48 : index
        %swap3A_613 = tpu.vector_load %arg15[%swap3A_611, %swap3A_612] {strides = array<i32>} : memref<256x64xf32, #tpu.memory_space<vmem>>, vector<1x16xf32>,
        %swap3A_614 = vector.shape_cast %swap3A_613 : vector<1x16xf32> to vector<16xf32>
        %swap3A_615 = vector.shape_cast %mul3A_610 : vector<16xf32> to vector<1x16xf32>
        tpu.vector_store %arg15[%swap3A_611, %swap3A_612], %swap3A_615 {strides = array<i32>} : memref<256x64xf32, #tpu.memory_space<vmem>>, vector<1x16xf32>,
        %mul3A_616 = arith.constant 16 : i32
        %mul3A_617 = arith.muli %scan3A_502, %mul3A_616 : i32
        %add3A_618 = arith.constant 2 : i32
        %add3A_619 = arith.addi %mul3A_617, %add3A_618 : i32
        %slice3A_620 = vector.extract_strided_slice %div3A {offsets = [2], sizes = [1], strides = [1]} : vector<16xf32> to vector<1xf32>
        %squeeze3A_621 = vector.extract %slice3A_620[0] : f32 from vector<1xf32>
        %get3A_622 = arith.index_cast %add3A_619 : i32 to index
        %get3A_623 = arith.constant 0 : index
        %get3A_624 = tpu.vector_load %arg15[%get3A_622, %get3A_623] {strides = array<i32>} : memref<256x64xf32, #tpu.memory_space<vmem>>, vector<1x16xf32>,
        %get3A_625 = vector.shape_cast %get3A_624 : vector<1x16xf32> to vector<16xf32>
        %mul3A_626 = vector.broadcast %squeeze3A_621 : f32 to vector<16xf32>
        %mul3A_627 = arith.mulf %get3A_625, %mul3A_626 : vector<16xf32>
        %swap3A_628 = arith.index_cast %add3A_619 : i32 to index
        %swap3A_629 = arith.constant 0 : index
        %swap3A_630 = tpu.vector_load %arg15[%swap3A_628, %swap3A_629] {strides = array<i32>} : memref<256x64xf32, #tpu.memory_space<vmem>>, vector<1x16xf32>,
        %swap3A_631 = vector.shape_cast %swap3A_630 : vector<1x16xf32> to vector<16xf32>
        %swap3A_632 = vector.shape_cast %mul3A_627 : vector<16xf32> to vector<1x16xf32>
        tpu.vector_store %arg15[%swap3A_628, %swap3A_629], %swap3A_632 {strides = array<i32>} : memref<256x64xf32, #tpu.memory_space<vmem>>, vector<1x16xf32>,
        %get3A_633 = arith.index_cast %add3A_619 : i32 to index
        %get3A_634 = arith.constant 16 : index
        %get3A_635 = tpu.vector_load %arg15[%get3A_633, %get3A_634] {strides = array<i32>} : memref<256x64xf32, #tpu.memory_space<vmem>>, vector<1x16xf32>,
        %get3A_636 = vector.shape_cast %get3A_635 : vector<1x16xf32> to vector<16xf32>
        %mul3A_637 = vector.broadcast %squeeze3A_621 : f32 to vector<16xf32>
        %mul3A_638 = arith.mulf %get3A_636, %mul3A_637 : vector<16xf32>
        %swap3A_639 = arith.index_cast %add3A_619 : i32 to index
        %swap3A_640 = arith.constant 16 : index
        %swap3A_641 = tpu.vector_load %arg15[%swap3A_639, %swap3A_640] {strides = array<i32>} : memref<256x64xf32, #tpu.memory_space<vmem>>, vector<1x16xf32>,
        %swap3A_642 = vector.shape_cast %swap3A_641 : vector<1x16xf32> to vector<16xf32>
        %swap3A_643 = vector.shape_cast %mul3A_638 : vector<16xf32> to vector<1x16xf32>
        tpu.vector_store %arg15[%swap3A_639, %swap3A_640], %swap3A_643 {strides = array<i32>} : memref<256x64xf32, #tpu.memory_space<vmem>>, vector<1x16xf32>,
        %get3A_644 = arith.index_cast %add3A_619 : i32 to index
        %get3A_645 = arith.constant 32 : index
        %get3A_646 = tpu.vector_load %arg15[%get3A_644, %get3A_645] {strides = array<i32>} : memref<256x64xf32, #tpu.memory_space<vmem>>, vector<1x16xf32>,
        %get3A_647 = vector.shape_cast %get3A_646 : vector<1x16xf32> to vector<16xf32>
        %mul3A_648 = vector.broadcast %squeeze3A_621 : f32 to vector<16xf32>
        %mul3A_649 = arith.mulf %get3A_647, %mul3A_648 : vector<16xf32>
        %swap3A_650 = arith.index_cast %add3A_619 : i32 to index
        %swap3A_651 = arith.constant 32 : index
        %swap3A_652 = tpu.vector_load %arg15[%swap3A_650, %swap3A_651] {strides = array<i32>} : memref<256x64xf32, #tpu.memory_space<vmem>>, vector<1x16xf32>,
        %swap3A_653 = vector.shape_cast %swap3A_652 : vector<1x16xf32> to vector<16xf32>
        %swap3A_654 = vector.shape_cast %mul3A_649 : vector<16xf32> to vector<1x16xf32>
        tpu.vector_store %arg15[%swap3A_650, %swap3A_651], %swap3A_654 {strides = array<i32>} : memref<256x64xf32, #tpu.memory_space<vmem>>, vector<1x16xf32>,
        %get3A_655 = arith.index_cast %add3A_619 : i32 to index
        %get3A_656 = arith.constant 48 : index
        %get3A_657 = tpu.vector_load %arg15[%get3A_655, %get3A_656] {strides = array<i32>} : memref<256x64xf32, #tpu.memory_space<vmem>>, vector<1x16xf32>,
        %get3A_658 = vector.shape_cast %get3A_657 : vector<1x16xf32> to vector<16xf32>
        %mul3A_659 = vector.broadcast %squeeze3A_621 : f32 to vector<16xf32>
        %mul3A_660 = arith.mulf %get3A_658, %mul3A_659 : vector<16xf32>
        %swap3A_661 = arith.index_cast %add3A_619 : i32 to index
        %swap3A_662 = arith.constant 48 : index
        %swap3A_663 = tpu.vector_load %arg15[%swap3A_661, %swap3A_662] {strides = array<i32>} : memref<256x64xf32, #tpu.memory_space<vmem>>, vector<1x16xf32>,
        %swap3A_664 = vector.shape_cast %swap3A_663 : vector<1x16xf32> to vector<16xf32>
        %swap3A_665 = vector.shape_cast %mul3A_660 : vector<16xf32> to vector<1x16xf32>
        tpu.vector_store %arg15[%swap3A_661, %swap3A_662], %swap3A_665 {strides = array<i32>} : memref<256x64xf32, #tpu.memory_space<vmem>>, vector<1x16xf32>,
        %mul3A_666 = arith.constant 16 : i32
        %mul3A_667 = arith.muli %scan3A_502, %mul3A_666 : i32
        %add3A_668 = arith.constant 3 : i32
        %add3A_669 = arith.addi %mul3A_667, %add3A_668 : i32
        %slice3A_670 = vector.extract_strided_slice %div3A {offsets = [3], sizes = [1], strides = [1]} : vector<16xf32> to vector<1xf32>
        %squeeze3A_671 = vector.extract %slice3A_670[0] : f32 from vector<1xf32>
        %get3A_672 = arith.index_cast %add3A_669 : i32 to index
        %get3A_673 = arith.constant 0 : index
        %get3A_674 = tpu.vector_load %arg15[%get3A_672, %get3A_673] {strides = array<i32>} : memref<256x64xf32, #tpu.memory_space<vmem>>, vector<1x16xf32>,
        %get3A_675 = vector.shape_cast %get3A_674 : vector<1x16xf32> to vector<16xf32>
        %mul3A_676 = vector.broadcast %squeeze3A_671 : f32 to vector<16xf32>
        %mul3A_677 = arith.mulf %get3A_675, %mul3A_676 : vector<16xf32>
        %swap3A_678 = arith.index_cast %add3A_669 : i32 to index
        %swap3A_679 = arith.constant 0 : index
        %swap3A_680 = tpu.vector_load %arg15[%swap3A_678, %swap3A_679] {strides = array<i32>} : memref<256x64xf32, #tpu.memory_space<vmem>>, vector<1x16xf32>,
        %swap3A_681 = vector.shape_cast %swap3A_680 : vector<1x16xf32> to vector<16xf32>
        %swap3A_682 = vector.shape_cast %mul3A_677 : vector<16xf32> to vector<1x16xf32>
        tpu.vector_store %arg15[%swap3A_678, %swap3A_679], %swap3A_682 {strides = array<i32>} : memref<256x64xf32, #tpu.memory_space<vmem>>, vector<1x16xf32>,
        %get3A_683 = arith.index_cast %add3A_669 : i32 to index
        %get3A_684 = arith.constant 16 : index
        %get3A_685 = tpu.vector_load %arg15[%get3A_683, %get3A_684] {strides = array<i32>} : memref<256x64xf32, #tpu.memory_space<vmem>>, vector<1x16xf32>,
        %get3A_686 = vector.shape_cast %get3A_685 : vector<1x16xf32> to vector<16xf32>
        %mul3A_687 = vector.broadcast %squeeze3A_671 : f32 to vector<16xf32>
        %mul3A_688 = arith.mulf %get3A_686, %mul3A_687 : vector<16xf32>
        %swap3A_689 = arith.index_cast %add3A_669 : i32 to index
        %swap3A_690 = arith.constant 16 : index
        %swap3A_691 = tpu.vector_load %arg15[%swap3A_689, %swap3A_690] {strides = array<i32>} : memref<256x64xf32, #tpu.memory_space<vmem>>, vector<1x16xf32>,
        %swap3A_692 = vector.shape_cast %swap3A_691 : vector<1x16xf32> to vector<16xf32>
        %swap3A_693 = vector.shape_cast %mul3A_688 : vector<16xf32> to vector<1x16xf32>
        tpu.vector_store %arg15[%swap3A_689, %swap3A_690], %swap3A_693 {strides = array<i32>} : memref<256x64xf32, #tpu.memory_space<vmem>>, vector<1x16xf32>,
        %get3A_694 = arith.index_cast %add3A_669 : i32 to index
        %get3A_695 = arith.constant 32 : index
        %get3A_696 = tpu.vector_load %arg15[%get3A_694, %get3A_695] {strides = array<i32>} : memref<256x64xf32, #tpu.memory_space<vmem>>, vector<1x16xf32>,
        %get3A_697 = vector.shape_cast %get3A_696 : vector<1x16xf32> to vector<16xf32>
        %mul3A_698 = vector.broadcast %squeeze3A_671 : f32 to vector<16xf32>
        %mul3A_699 = arith.mulf %get3A_697, %mul3A_698 : vector<16xf32>
        %swap3A_700 = arith.index_cast %add3A_669 : i32 to index
        %swap3A_701 = arith.constant 32 : index
        %swap3A_702 = tpu.vector_load %arg15[%swap3A_700, %swap3A_701] {strides = array<i32>} : memref<256x64xf32, #tpu.memory_space<vmem>>, vector<1x16xf32>,
        %swap3A_703 = vector.shape_cast %swap3A_702 : vector<1x16xf32> to vector<16xf32>
        %swap3A_704 = vector.shape_cast %mul3A_699 : vector<16xf32> to vector<1x16xf32>
        tpu.vector_store %arg15[%swap3A_700, %swap3A_701], %swap3A_704 {strides = array<i32>} : memref<256x64xf32, #tpu.memory_space<vmem>>, vector<1x16xf32>,
        %get3A_705 = arith.index_cast %add3A_669 : i32 to index
        %get3A_706 = arith.constant 48 : index
        %get3A_707 = tpu.vector_load %arg15[%get3A_705, %get3A_706] {strides = array<i32>} : memref<256x64xf32, #tpu.memory_space<vmem>>, vector<1x16xf32>,
        %get3A_708 = vector.shape_cast %get3A_707 : vector<1x16xf32> to vector<16xf32>
        %mul3A_709 = vector.broadcast %squeeze3A_671 : f32 to vector<16xf32>
        %mul3A_710 = arith.mulf %get3A_708, %mul3A_709 : vector<16xf32>
        %swap3A_711 = arith.index_cast %add3A_669 : i32 to index
        %swap3A_712 = arith.constant 48 : index
        %swap3A_713 = tpu.vector_load %arg15[%swap3A_711, %swap3A_712] {strides = array<i32>} : memref<256x64xf32, #tpu.memory_space<vmem>>, vector<1x16xf32>,
        %swap3A_714 = vector.shape_cast %swap3A_713 : vector<1x16xf32> to vector<16xf32>
        %swap3A_715 = vector.shape_cast %mul3A_710 : vector<16xf32> to vector<1x16xf32>
        tpu.vector_store %arg15[%swap3A_711, %swap3A_712], %swap3A_715 {strides = array<i32>} : memref<256x64xf32, #tpu.memory_space<vmem>>, vector<1x16xf32>,
        %mul3A_716 = arith.constant 16 : i32
        %mul3A_717 = arith.muli %scan3A_502, %mul3A_716 : i32
        %add3A_718 = arith.constant 4 : i32
        %add3A_719 = arith.addi %mul3A_717, %add3A_718 : i32
        %slice3A_720 = vector.extract_strided_slice %div3A {offsets = [4], sizes = [1], strides = [1]} : vector<16xf32> to vector<1xf32>
        %squeeze3A_721 = vector.extract %slice3A_720[0] : f32 from vector<1xf32>
        %get3A_722 = arith.index_cast %add3A_719 : i32 to index
        %get3A_723 = arith.constant 0 : index
        %get3A_724 = tpu.vector_load %arg15[%get3A_722, %get3A_723] {strides = array<i32>} : memref<256x64xf32, #tpu.memory_space<vmem>>, vector<1x16xf32>,
        %get3A_725 = vector.shape_cast %get3A_724 : vector<1x16xf32> to vector<16xf32>
        %mul3A_726 = vector.broadcast %squeeze3A_721 : f32 to vector<16xf32>
        %mul3A_727 = arith.mulf %get3A_725, %mul3A_726 : vector<16xf32>
        %swap3A_728 = arith.index_cast %add3A_719 : i32 to index
        %swap3A_729 = arith.constant 0 : index
        %swap3A_730 = tpu.vector_load %arg15[%swap3A_728, %swap3A_729] {strides = array<i32>} : memref<256x64xf32, #tpu.memory_space<vmem>>, vector<1x16xf32>,
        %swap3A_731 = vector.shape_cast %swap3A_730 : vector<1x16xf32> to vector<16xf32>
        %swap3A_732 = vector.shape_cast %mul3A_727 : vector<16xf32> to vector<1x16xf32>
        tpu.vector_store %arg15[%swap3A_728, %swap3A_729], %swap3A_732 {strides = array<i32>} : memref<256x64xf32, #tpu.memory_space<vmem>>, vector<1x16xf32>,
        %get3A_733 = arith.index_cast %add3A_719 : i32 to index
        %get3A_734 = arith.constant 16 : index
        %get3A_735 = tpu.vector_load %arg15[%get3A_733, %get3A_734] {strides = array<i32>} : memref<256x64xf32, #tpu.memory_space<vmem>>, vector<1x16xf32>,
        %get3A_736 = vector.shape_cast %get3A_735 : vector<1x16xf32> to vector<16xf32>
        %mul3A_737 = vector.broadcast %squeeze3A_721 : f32 to vector<16xf32>
        %mul3A_738 = arith.mulf %get3A_736, %mul3A_737 : vector<16xf32>
        %swap3A_739 = arith.index_cast %add3A_719 : i32 to index
        %swap3A_740 = arith.constant 16 : index
        %swap3A_741 = tpu.vector_load %arg15[%swap3A_739, %swap3A_740] {strides = array<i32>} : memref<256x64xf32, #tpu.memory_space<vmem>>, vector<1x16xf32>,
        %swap3A_742 = vector.shape_cast %swap3A_741 : vector<1x16xf32> to vector<16xf32>
        %swap3A_743 = vector.shape_cast %mul3A_738 : vector<16xf32> to vector<1x16xf32>
        tpu.vector_store %arg15[%swap3A_739, %swap3A_740], %swap3A_743 {strides = array<i32>} : memref<256x64xf32, #tpu.memory_space<vmem>>, vector<1x16xf32>,
        %get3A_744 = arith.index_cast %add3A_719 : i32 to index
        %get3A_745 = arith.constant 32 : index
        %get3A_746 = tpu.vector_load %arg15[%get3A_744, %get3A_745] {strides = array<i32>} : memref<256x64xf32, #tpu.memory_space<vmem>>, vector<1x16xf32>,
        %get3A_747 = vector.shape_cast %get3A_746 : vector<1x16xf32> to vector<16xf32>
        %mul3A_748 = vector.broadcast %squeeze3A_721 : f32 to vector<16xf32>
        %mul3A_749 = arith.mulf %get3A_747, %mul3A_748 : vector<16xf32>
        %swap3A_750 = arith.index_cast %add3A_719 : i32 to index
        %swap3A_751 = arith.constant 32 : index
        %swap3A_752 = tpu.vector_load %arg15[%swap3A_750, %swap3A_751] {strides = array<i32>} : memref<256x64xf32, #tpu.memory_space<vmem>>, vector<1x16xf32>,
        %swap3A_753 = vector.shape_cast %swap3A_752 : vector<1x16xf32> to vector<16xf32>
        %swap3A_754 = vector.shape_cast %mul3A_749 : vector<16xf32> to vector<1x16xf32>
        tpu.vector_store %arg15[%swap3A_750, %swap3A_751], %swap3A_754 {strides = array<i32>} : memref<256x64xf32, #tpu.memory_space<vmem>>, vector<1x16xf32>,
        %get3A_755 = arith.index_cast %add3A_719 : i32 to index
        %get3A_756 = arith.constant 48 : index
        %get3A_757 = tpu.vector_load %arg15[%get3A_755, %get3A_756] {strides = array<i32>} : memref<256x64xf32, #tpu.memory_space<vmem>>, vector<1x16xf32>,
        %get3A_758 = vector.shape_cast %get3A_757 : vector<1x16xf32> to vector<16xf32>
        %mul3A_759 = vector.broadcast %squeeze3A_721 : f32 to vector<16xf32>
        %mul3A_760 = arith.mulf %get3A_758, %mul3A_759 : vector<16xf32>
        %swap3A_761 = arith.index_cast %add3A_719 : i32 to index
        %swap3A_762 = arith.constant 48 : index
        %swap3A_763 = tpu.vector_load %arg15[%swap3A_761, %swap3A_762] {strides = array<i32>} : memref<256x64xf32, #tpu.memory_space<vmem>>, vector<1x16xf32>,
        %swap3A_764 = vector.shape_cast %swap3A_763 : vector<1x16xf32> to vector<16xf32>
        %swap3A_765 = vector.shape_cast %mul3A_760 : vector<16xf32> to vector<1x16xf32>
        tpu.vector_store %arg15[%swap3A_761, %swap3A_762], %swap3A_765 {strides = array<i32>} : memref<256x64xf32, #tpu.memory_space<vmem>>, vector<1x16xf32>,
        %mul3A_766 = arith.constant 16 : i32
        %mul3A_767 = arith.muli %scan3A_502, %mul3A_766 : i32
        %add3A_768 = arith.constant 5 : i32
        %add3A_769 = arith.addi %mul3A_767, %add3A_768 : i32
        %slice3A_770 = vector.extract_strided_slice %div3A {offsets = [5], sizes = [1], strides = [1]} : vector<16xf32> to vector<1xf32>
        %squeeze3A_771 = vector.extract %slice3A_770[0] : f32 from vector<1xf32>
        %get3A_772 = arith.index_cast %add3A_769 : i32 to index
        %get3A_773 = arith.constant 0 : index
        %get3A_774 = tpu.vector_load %arg15[%get3A_772, %get3A_773] {strides = array<i32>} : memref<256x64xf32, #tpu.memory_space<vmem>>, vector<1x16xf32>,
        %get3A_775 = vector.shape_cast %get3A_774 : vector<1x16xf32> to vector<16xf32>
        %mul3A_776 = vector.broadcast %squeeze3A_771 : f32 to vector<16xf32>
        %mul3A_777 = arith.mulf %get3A_775, %mul3A_776 : vector<16xf32>
        %swap3A_778 = arith.index_cast %add3A_769 : i32 to index
        %swap3A_779 = arith.constant 0 : index
        %swap3A_780 = tpu.vector_load %arg15[%swap3A_778, %swap3A_779] {strides = array<i32>} : memref<256x64xf32, #tpu.memory_space<vmem>>, vector<1x16xf32>,
        %swap3A_781 = vector.shape_cast %swap3A_780 : vector<1x16xf32> to vector<16xf32>
        %swap3A_782 = vector.shape_cast %mul3A_777 : vector<16xf32> to vector<1x16xf32>
        tpu.vector_store %arg15[%swap3A_778, %swap3A_779], %swap3A_782 {strides = array<i32>} : memref<256x64xf32, #tpu.memory_space<vmem>>, vector<1x16xf32>,
        %get3A_783 = arith.index_cast %add3A_769 : i32 to index
        %get3A_784 = arith.constant 16 : index
        %get3A_785 = tpu.vector_load %arg15[%get3A_783, %get3A_784] {strides = array<i32>} : memref<256x64xf32, #tpu.memory_space<vmem>>, vector<1x16xf32>,
        %get3A_786 = vector.shape_cast %get3A_785 : vector<1x16xf32> to vector<16xf32>
        %mul3A_787 = vector.broadcast %squeeze3A_771 : f32 to vector<16xf32>
        %mul3A_788 = arith.mulf %get3A_786, %mul3A_787 : vector<16xf32>
        %swap3A_789 = arith.index_cast %add3A_769 : i32 to index
        %swap3A_790 = arith.constant 16 : index
        %swap3A_791 = tpu.vector_load %arg15[%swap3A_789, %swap3A_790] {strides = array<i32>} : memref<256x64xf32, #tpu.memory_space<vmem>>, vector<1x16xf32>,
        %swap3A_792 = vector.shape_cast %swap3A_791 : vector<1x16xf32> to vector<16xf32>
        %swap3A_793 = vector.shape_cast %mul3A_788 : vector<16xf32> to vector<1x16xf32>
        tpu.vector_store %arg15[%swap3A_789, %swap3A_790], %swap3A_793 {strides = array<i32>} : memref<256x64xf32, #tpu.memory_space<vmem>>, vector<1x16xf32>,
        %get3A_794 = arith.index_cast %add3A_769 : i32 to index
        %get3A_795 = arith.constant 32 : index
        %get3A_796 = tpu.vector_load %arg15[%get3A_794, %get3A_795] {strides = array<i32>} : memref<256x64xf32, #tpu.memory_space<vmem>>, vector<1x16xf32>,
        %get3A_797 = vector.shape_cast %get3A_796 : vector<1x16xf32> to vector<16xf32>
        %mul3A_798 = vector.broadcast %squeeze3A_771 : f32 to vector<16xf32>
        %mul3A_799 = arith.mulf %get3A_797, %mul3A_798 : vector<16xf32>
        %swap3A_800 = arith.index_cast %add3A_769 : i32 to index
        %swap3A_801 = arith.constant 32 : index
        %swap3A_802 = tpu.vector_load %arg15[%swap3A_800, %swap3A_801] {strides = array<i32>} : memref<256x64xf32, #tpu.memory_space<vmem>>, vector<1x16xf32>,
        %swap3A_803 = vector.shape_cast %swap3A_802 : vector<1x16xf32> to vector<16xf32>
        %swap3A_804 = vector.shape_cast %mul3A_799 : vector<16xf32> to vector<1x16xf32>
        tpu.vector_store %arg15[%swap3A_800, %swap3A_801], %swap3A_804 {strides = array<i32>} : memref<256x64xf32, #tpu.memory_space<vmem>>, vector<1x16xf32>,
        %get3A_805 = arith.index_cast %add3A_769 : i32 to index
        %get3A_806 = arith.constant 48 : index
        %get3A_807 = tpu.vector_load %arg15[%get3A_805, %get3A_806] {strides = array<i32>} : memref<256x64xf32, #tpu.memory_space<vmem>>, vector<1x16xf32>,
        %get3A_808 = vector.shape_cast %get3A_807 : vector<1x16xf32> to vector<16xf32>
        %mul3A_809 = vector.broadcast %squeeze3A_771 : f32 to vector<16xf32>
        %mul3A_810 = arith.mulf %get3A_808, %mul3A_809 : vector<16xf32>
        %swap3A_811 = arith.index_cast %add3A_769 : i32 to index
        %swap3A_812 = arith.constant 48 : index
        %swap3A_813 = tpu.vector_load %arg15[%swap3A_811, %swap3A_812] {strides = array<i32>} : memref<256x64xf32, #tpu.memory_space<vmem>>, vector<1x16xf32>,
        %swap3A_814 = vector.shape_cast %swap3A_813 : vector<1x16xf32> to vector<16xf32>
        %swap3A_815 = vector.shape_cast %mul3A_810 : vector<16xf32> to vector<1x16xf32>
        tpu.vector_store %arg15[%swap3A_811, %swap3A_812], %swap3A_815 {strides = array<i32>} : memref<256x64xf32, #tpu.memory_space<vmem>>, vector<1x16xf32>,
        %mul3A_816 = arith.constant 16 : i32
        %mul3A_817 = arith.muli %scan3A_502, %mul3A_816 : i32
        %add3A_818 = arith.constant 6 : i32
        %add3A_819 = arith.addi %mul3A_817, %add3A_818 : i32
        %slice3A_820 = vector.extract_strided_slice %div3A {offsets = [6], sizes = [1], strides = [1]} : vector<16xf32> to vector<1xf32>
        %squeeze3A_821 = vector.extract %slice3A_820[0] : f32 from vector<1xf32>
        %get3A_822 = arith.index_cast %add3A_819 : i32 to index
        %get3A_823 = arith.constant 0 : index
        %get3A_824 = tpu.vector_load %arg15[%get3A_822, %get3A_823] {strides = array<i32>} : memref<256x64xf32, #tpu.memory_space<vmem>>, vector<1x16xf32>,
        %get3A_825 = vector.shape_cast %get3A_824 : vector<1x16xf32> to vector<16xf32>
        %mul3A_826 = vector.broadcast %squeeze3A_821 : f32 to vector<16xf32>
        %mul3A_827 = arith.mulf %get3A_825, %mul3A_826 : vector<16xf32>
        %swap3A_828 = arith.index_cast %add3A_819 : i32 to index
        %swap3A_829 = arith.constant 0 : index
        %swap3A_830 = tpu.vector_load %arg15[%swap3A_828, %swap3A_829] {strides = array<i32>} : memref<256x64xf32, #tpu.memory_space<vmem>>, vector<1x16xf32>,
        %swap3A_831 = vector.shape_cast %swap3A_830 : vector<1x16xf32> to vector<16xf32>
        %swap3A_832 = vector.shape_cast %mul3A_827 : vector<16xf32> to vector<1x16xf32>
        tpu.vector_store %arg15[%swap3A_828, %swap3A_829], %swap3A_832 {strides = array<i32>} : memref<256x64xf32, #tpu.memory_space<vmem>>, vector<1x16xf32>,
        %get3A_833 = arith.index_cast %add3A_819 : i32 to index
        %get3A_834 = arith.constant 16 : index
        %get3A_835 = tpu.vector_load %arg15[%get3A_833, %get3A_834] {strides = array<i32>} : memref<256x64xf32, #tpu.memory_space<vmem>>, vector<1x16xf32>,
        %get3A_836 = vector.shape_cast %get3A_835 : vector<1x16xf32> to vector<16xf32>
        %mul3A_837 = vector.broadcast %squeeze3A_821 : f32 to vector<16xf32>
        %mul3A_838 = arith.mulf %get3A_836, %mul3A_837 : vector<16xf32>
        %swap3A_839 = arith.index_cast %add3A_819 : i32 to index
        %swap3A_840 = arith.constant 16 : index
        %swap3A_841 = tpu.vector_load %arg15[%swap3A_839, %swap3A_840] {strides = array<i32>} : memref<256x64xf32, #tpu.memory_space<vmem>>, vector<1x16xf32>,
        %swap3A_842 = vector.shape_cast %swap3A_841 : vector<1x16xf32> to vector<16xf32>
        %swap3A_843 = vector.shape_cast %mul3A_838 : vector<16xf32> to vector<1x16xf32>
        tpu.vector_store %arg15[%swap3A_839, %swap3A_840], %swap3A_843 {strides = array<i32>} : memref<256x64xf32, #tpu.memory_space<vmem>>, vector<1x16xf32>,
        %get3A_844 = arith.index_cast %add3A_819 : i32 to index
        %get3A_845 = arith.constant 32 : index
        %get3A_846 = tpu.vector_load %arg15[%get3A_844, %get3A_845] {strides = array<i32>} : memref<256x64xf32, #tpu.memory_space<vmem>>, vector<1x16xf32>,
        %get3A_847 = vector.shape_cast %get3A_846 : vector<1x16xf32> to vector<16xf32>
        %mul3A_848 = vector.broadcast %squeeze3A_821 : f32 to vector<16xf32>
        %mul3A_849 = arith.mulf %get3A_847, %mul3A_848 : vector<16xf32>
        %swap3A_850 = arith.index_cast %add3A_819 : i32 to index
        %swap3A_851 = arith.constant 32 : index
        %swap3A_852 = tpu.vector_load %arg15[%swap3A_850, %swap3A_851] {strides = array<i32>} : memref<256x64xf32, #tpu.memory_space<vmem>>, vector<1x16xf32>,
        %swap3A_853 = vector.shape_cast %swap3A_852 : vector<1x16xf32> to vector<16xf32>
        %swap3A_854 = vector.shape_cast %mul3A_849 : vector<16xf32> to vector<1x16xf32>
        tpu.vector_store %arg15[%swap3A_850, %swap3A_851], %swap3A_854 {strides = array<i32>} : memref<256x64xf32, #tpu.memory_space<vmem>>, vector<1x16xf32>,
        %get3A_855 = arith.index_cast %add3A_819 : i32 to index
        %get3A_856 = arith.constant 48 : index
        %get3A_857 = tpu.vector_load %arg15[%get3A_855, %get3A_856] {strides = array<i32>} : memref<256x64xf32, #tpu.memory_space<vmem>>, vector<1x16xf32>,
        %get3A_858 = vector.shape_cast %get3A_857 : vector<1x16xf32> to vector<16xf32>
        %mul3A_859 = vector.broadcast %squeeze3A_821 : f32 to vector<16xf32>
        %mul3A_860 = arith.mulf %get3A_858, %mul3A_859 : vector<16xf32>
        %swap3A_861 = arith.index_cast %add3A_819 : i32 to index
        %swap3A_862 = arith.constant 48 : index
        %swap3A_863 = tpu.vector_load %arg15[%swap3A_861, %swap3A_862] {strides = array<i32>} : memref<256x64xf32, #tpu.memory_space<vmem>>, vector<1x16xf32>,
        %swap3A_864 = vector.shape_cast %swap3A_863 : vector<1x16xf32> to vector<16xf32>
        %swap3A_865 = vector.shape_cast %mul3A_860 : vector<16xf32> to vector<1x16xf32>
        tpu.vector_store %arg15[%swap3A_861, %swap3A_862], %swap3A_865 {strides = array<i32>} : memref<256x64xf32, #tpu.memory_space<vmem>>, vector<1x16xf32>,
        %mul3A_866 = arith.constant 16 : i32
        %mul3A_867 = arith.muli %scan3A_502, %mul3A_866 : i32
        %add3A_868 = arith.constant 7 : i32
        %add3A_869 = arith.addi %mul3A_867, %add3A_868 : i32
        %slice3A_870 = vector.extract_strided_slice %div3A {offsets = [7], sizes = [1], strides = [1]} : vector<16xf32> to vector<1xf32>
        %squeeze3A_871 = vector.extract %slice3A_870[0] : f32 from vector<1xf32>
        %get3A_872 = arith.index_cast %add3A_869 : i32 to index
        %get3A_873 = arith.constant 0 : index
        %get3A_874 = tpu.vector_load %arg15[%get3A_872, %get3A_873] {strides = array<i32>} : memref<256x64xf32, #tpu.memory_space<vmem>>, vector<1x16xf32>,
        %get3A_875 = vector.shape_cast %get3A_874 : vector<1x16xf32> to vector<16xf32>
        %mul3A_876 = vector.broadcast %squeeze3A_871 : f32 to vector<16xf32>
        %mul3A_877 = arith.mulf %get3A_875, %mul3A_876 : vector<16xf32>
        %swap3A_878 = arith.index_cast %add3A_869 : i32 to index
        %swap3A_879 = arith.constant 0 : index
        %swap3A_880 = tpu.vector_load %arg15[%swap3A_878, %swap3A_879] {strides = array<i32>} : memref<256x64xf32, #tpu.memory_space<vmem>>, vector<1x16xf32>,
        %swap3A_881 = vector.shape_cast %swap3A_880 : vector<1x16xf32> to vector<16xf32>
        %swap3A_882 = vector.shape_cast %mul3A_877 : vector<16xf32> to vector<1x16xf32>
        tpu.vector_store %arg15[%swap3A_878, %swap3A_879], %swap3A_882 {strides = array<i32>} : memref<256x64xf32, #tpu.memory_space<vmem>>, vector<1x16xf32>,
        %get3A_883 = arith.index_cast %add3A_869 : i32 to index
        %get3A_884 = arith.constant 16 : index
        %get3A_885 = tpu.vector_load %arg15[%get3A_883, %get3A_884] {strides = array<i32>} : memref<256x64xf32, #tpu.memory_space<vmem>>, vector<1x16xf32>,
        %get3A_886 = vector.shape_cast %get3A_885 : vector<1x16xf32> to vector<16xf32>
        %mul3A_887 = vector.broadcast %squeeze3A_871 : f32 to vector<16xf32>
        %mul3A_888 = arith.mulf %get3A_886, %mul3A_887 : vector<16xf32>
        %swap3A_889 = arith.index_cast %add3A_869 : i32 to index
        %swap3A_890 = arith.constant 16 : index
        %swap3A_891 = tpu.vector_load %arg15[%swap3A_889, %swap3A_890] {strides = array<i32>} : memref<256x64xf32, #tpu.memory_space<vmem>>, vector<1x16xf32>,
        %swap3A_892 = vector.shape_cast %swap3A_891 : vector<1x16xf32> to vector<16xf32>
        %swap3A_893 = vector.shape_cast %mul3A_888 : vector<16xf32> to vector<1x16xf32>
        tpu.vector_store %arg15[%swap3A_889, %swap3A_890], %swap3A_893 {strides = array<i32>} : memref<256x64xf32, #tpu.memory_space<vmem>>, vector<1x16xf32>,
        %get3A_894 = arith.index_cast %add3A_869 : i32 to index
        %get3A_895 = arith.constant 32 : index
        %get3A_896 = tpu.vector_load %arg15[%get3A_894, %get3A_895] {strides = array<i32>} : memref<256x64xf32, #tpu.memory_space<vmem>>, vector<1x16xf32>,
        %get3A_897 = vector.shape_cast %get3A_896 : vector<1x16xf32> to vector<16xf32>
        %mul3A_898 = vector.broadcast %squeeze3A_871 : f32 to vector<16xf32>
        %mul3A_899 = arith.mulf %get3A_897, %mul3A_898 : vector<16xf32>
        %swap3A_900 = arith.index_cast %add3A_869 : i32 to index
        %swap3A_901 = arith.constant 32 : index
        %swap3A_902 = tpu.vector_load %arg15[%swap3A_900, %swap3A_901] {strides = array<i32>} : memref<256x64xf32, #tpu.memory_space<vmem>>, vector<1x16xf32>,
        %swap3A_903 = vector.shape_cast %swap3A_902 : vector<1x16xf32> to vector<16xf32>
        %swap3A_904 = vector.shape_cast %mul3A_899 : vector<16xf32> to vector<1x16xf32>
        tpu.vector_store %arg15[%swap3A_900, %swap3A_901], %swap3A_904 {strides = array<i32>} : memref<256x64xf32, #tpu.memory_space<vmem>>, vector<1x16xf32>,
        %get3A_905 = arith.index_cast %add3A_869 : i32 to index
        %get3A_906 = arith.constant 48 : index
        %get3A_907 = tpu.vector_load %arg15[%get3A_905, %get3A_906] {strides = array<i32>} : memref<256x64xf32, #tpu.memory_space<vmem>>, vector<1x16xf32>,
        %get3A_908 = vector.shape_cast %get3A_907 : vector<1x16xf32> to vector<16xf32>
        %mul3A_909 = vector.broadcast %squeeze3A_871 : f32 to vector<16xf32>
        %mul3A_910 = arith.mulf %get3A_908, %mul3A_909 : vector<16xf32>
        %swap3A_911 = arith.index_cast %add3A_869 : i32 to index
        %swap3A_912 = arith.constant 48 : index
        %swap3A_913 = tpu.vector_load %arg15[%swap3A_911, %swap3A_912] {strides = array<i32>} : memref<256x64xf32, #tpu.memory_space<vmem>>, vector<1x16xf32>,
        %swap3A_914 = vector.shape_cast %swap3A_913 : vector<1x16xf32> to vector<16xf32>
        %swap3A_915 = vector.shape_cast %mul3A_910 : vector<16xf32> to vector<1x16xf32>
        tpu.vector_store %arg15[%swap3A_911, %swap3A_912], %swap3A_915 {strides = array<i32>} : memref<256x64xf32, #tpu.memory_space<vmem>>, vector<1x16xf32>,
        %mul3A_916 = arith.constant 16 : i32
        %mul3A_917 = arith.muli %scan3A_502, %mul3A_916 : i32
        %add3A_918 = arith.constant 8 : i32
        %add3A_919 = arith.addi %mul3A_917, %add3A_918 : i32
        %slice3A_920 = vector.extract_strided_slice %div3A {offsets = [8], sizes = [1], strides = [1]} : vector<16xf32> to vector<1xf32>
        %squeeze3A_921 = vector.extract %slice3A_920[0] : f32 from vector<1xf32>
        %get3A_922 = arith.index_cast %add3A_919 : i32 to index
        %get3A_923 = arith.constant 0 : index
        %get3A_924 = tpu.vector_load %arg15[%get3A_922, %get3A_923] {strides = array<i32>} : memref<256x64xf32, #tpu.memory_space<vmem>>, vector<1x16xf32>,
        %get3A_925 = vector.shape_cast %get3A_924 : vector<1x16xf32> to vector<16xf32>
        %mul3A_926 = vector.broadcast %squeeze3A_921 : f32 to vector<16xf32>
        %mul3A_927 = arith.mulf %get3A_925, %mul3A_926 : vector<16xf32>
        %swap3A_928 = arith.index_cast %add3A_919 : i32 to index
        %swap3A_929 = arith.constant 0 : index
        %swap3A_930 = tpu.vector_load %arg15[%swap3A_928, %swap3A_929] {strides = array<i32>} : memref<256x64xf32, #tpu.memory_space<vmem>>, vector<1x16xf32>,
        %swap3A_931 = vector.shape_cast %swap3A_930 : vector<1x16xf32> to vector<16xf32>
        %swap3A_932 = vector.shape_cast %mul3A_927 : vector<16xf32> to vector<1x16xf32>
        tpu.vector_store %arg15[%swap3A_928, %swap3A_929], %swap3A_932 {strides = array<i32>} : memref<256x64xf32, #tpu.memory_space<vmem>>, vector<1x16xf32>,
        %get3A_933 = arith.index_cast %add3A_919 : i32 to index
        %get3A_934 = arith.constant 16 : index
        %get3A_935 = tpu.vector_load %arg15[%get3A_933, %get3A_934] {strides = array<i32>} : memref<256x64xf32, #tpu.memory_space<vmem>>, vector<1x16xf32>,
        %get3A_936 = vector.shape_cast %get3A_935 : vector<1x16xf32> to vector<16xf32>
        %mul3A_937 = vector.broadcast %squeeze3A_921 : f32 to vector<16xf32>
        %mul3A_938 = arith.mulf %get3A_936, %mul3A_937 : vector<16xf32>
        %swap3A_939 = arith.index_cast %add3A_919 : i32 to index
        %swap3A_940 = arith.constant 16 : index
        %swap3A_941 = tpu.vector_load %arg15[%swap3A_939, %swap3A_940] {strides = array<i32>} : memref<256x64xf32, #tpu.memory_space<vmem>>, vector<1x16xf32>,
        %swap3A_942 = vector.shape_cast %swap3A_941 : vector<1x16xf32> to vector<16xf32>
        %swap3A_943 = vector.shape_cast %mul3A_938 : vector<16xf32> to vector<1x16xf32>
        tpu.vector_store %arg15[%swap3A_939, %swap3A_940], %swap3A_943 {strides = array<i32>} : memref<256x64xf32, #tpu.memory_space<vmem>>, vector<1x16xf32>,
        %get3A_944 = arith.index_cast %add3A_919 : i32 to index
        %get3A_945 = arith.constant 32 : index
        %get3A_946 = tpu.vector_load %arg15[%get3A_944, %get3A_945] {strides = array<i32>} : memref<256x64xf32, #tpu.memory_space<vmem>>, vector<1x16xf32>,
        %get3A_947 = vector.shape_cast %get3A_946 : vector<1x16xf32> to vector<16xf32>
        %mul3A_948 = vector.broadcast %squeeze3A_921 : f32 to vector<16xf32>
        %mul3A_949 = arith.mulf %get3A_947, %mul3A_948 : vector<16xf32>
        %swap3A_950 = arith.index_cast %add3A_919 : i32 to index
        %swap3A_951 = arith.constant 32 : index
        %swap3A_952 = tpu.vector_load %arg15[%swap3A_950, %swap3A_951] {strides = array<i32>} : memref<256x64xf32, #tpu.memory_space<vmem>>, vector<1x16xf32>,
        %swap3A_953 = vector.shape_cast %swap3A_952 : vector<1x16xf32> to vector<16xf32>
        %swap3A_954 = vector.shape_cast %mul3A_949 : vector<16xf32> to vector<1x16xf32>
        tpu.vector_store %arg15[%swap3A_950, %swap3A_951], %swap3A_954 {strides = array<i32>} : memref<256x64xf32, #tpu.memory_space<vmem>>, vector<1x16xf32>,
        %get3A_955 = arith.index_cast %add3A_919 : i32 to index
        %get3A_956 = arith.constant 48 : index
        %get3A_957 = tpu.vector_load %arg15[%get3A_955, %get3A_956] {strides = array<i32>} : memref<256x64xf32, #tpu.memory_space<vmem>>, vector<1x16xf32>,
        %get3A_958 = vector.shape_cast %get3A_957 : vector<1x16xf32> to vector<16xf32>
        %mul3A_959 = vector.broadcast %squeeze3A_921 : f32 to vector<16xf32>
        %mul3A_960 = arith.mulf %get3A_958, %mul3A_959 : vector<16xf32>
        %swap3A_961 = arith.index_cast %add3A_919 : i32 to index
        %swap3A_962 = arith.constant 48 : index
        %swap3A_963 = tpu.vector_load %arg15[%swap3A_961, %swap3A_962] {strides = array<i32>} : memref<256x64xf32, #tpu.memory_space<vmem>>, vector<1x16xf32>,
        %swap3A_964 = vector.shape_cast %swap3A_963 : vector<1x16xf32> to vector<16xf32>
        %swap3A_965 = vector.shape_cast %mul3A_960 : vector<16xf32> to vector<1x16xf32>
        tpu.vector_store %arg15[%swap3A_961, %swap3A_962], %swap3A_965 {strides = array<i32>} : memref<256x64xf32, #tpu.memory_space<vmem>>, vector<1x16xf32>,
        %mul3A_966 = arith.constant 16 : i32
        %mul3A_967 = arith.muli %scan3A_502, %mul3A_966 : i32
        %add3A_968 = arith.constant 9 : i32
        %add3A_969 = arith.addi %mul3A_967, %add3A_968 : i32
        %slice3A_970 = vector.extract_strided_slice %div3A {offsets = [9], sizes = [1], strides = [1]} : vector<16xf32> to vector<1xf32>
        %squeeze3A_971 = vector.extract %slice3A_970[0] : f32 from vector<1xf32>
        %get3A_972 = arith.index_cast %add3A_969 : i32 to index
        %get3A_973 = arith.constant 0 : index
        %get3A_974 = tpu.vector_load %arg15[%get3A_972, %get3A_973] {strides = array<i32>} : memref<256x64xf32, #tpu.memory_space<vmem>>, vector<1x16xf32>,
        %get3A_975 = vector.shape_cast %get3A_974 : vector<1x16xf32> to vector<16xf32>
        %mul3A_976 = vector.broadcast %squeeze3A_971 : f32 to vector<16xf32>
        %mul3A_977 = arith.mulf %get3A_975, %mul3A_976 : vector<16xf32>
        %swap3A_978 = arith.index_cast %add3A_969 : i32 to index
        %swap3A_979 = arith.constant 0 : index
        %swap3A_980 = tpu.vector_load %arg15[%swap3A_978, %swap3A_979] {strides = array<i32>} : memref<256x64xf32, #tpu.memory_space<vmem>>, vector<1x16xf32>,
        %swap3A_981 = vector.shape_cast %swap3A_980 : vector<1x16xf32> to vector<16xf32>
        %swap3A_982 = vector.shape_cast %mul3A_977 : vector<16xf32> to vector<1x16xf32>
        tpu.vector_store %arg15[%swap3A_978, %swap3A_979], %swap3A_982 {strides = array<i32>} : memref<256x64xf32, #tpu.memory_space<vmem>>, vector<1x16xf32>,
        %get3A_983 = arith.index_cast %add3A_969 : i32 to index
        %get3A_984 = arith.constant 16 : index
        %get3A_985 = tpu.vector_load %arg15[%get3A_983, %get3A_984] {strides = array<i32>} : memref<256x64xf32, #tpu.memory_space<vmem>>, vector<1x16xf32>,
        %get3A_986 = vector.shape_cast %get3A_985 : vector<1x16xf32> to vector<16xf32>
        %mul3A_987 = vector.broadcast %squeeze3A_971 : f32 to vector<16xf32>
        %mul3A_988 = arith.mulf %get3A_986, %mul3A_987 : vector<16xf32>
        %swap3A_989 = arith.index_cast %add3A_969 : i32 to index
        %swap3A_990 = arith.constant 16 : index
        %swap3A_991 = tpu.vector_load %arg15[%swap3A_989, %swap3A_990] {strides = array<i32>} : memref<256x64xf32, #tpu.memory_space<vmem>>, vector<1x16xf32>,
        %swap3A_992 = vector.shape_cast %swap3A_991 : vector<1x16xf32> to vector<16xf32>
        %swap3A_993 = vector.shape_cast %mul3A_988 : vector<16xf32> to vector<1x16xf32>
        tpu.vector_store %arg15[%swap3A_989, %swap3A_990], %swap3A_993 {strides = array<i32>} : memref<256x64xf32, #tpu.memory_space<vmem>>, vector<1x16xf32>,
        %get3A_994 = arith.index_cast %add3A_969 : i32 to index
        %get3A_995 = arith.constant 32 : index
        %get3A_996 = tpu.vector_load %arg15[%get3A_994, %get3A_995] {strides = array<i32>} : memref<256x64xf32, #tpu.memory_space<vmem>>, vector<1x16xf32>,
        %get3A_997 = vector.shape_cast %get3A_996 : vector<1x16xf32> to vector<16xf32>
        %mul3A_998 = vector.broadcast %squeeze3A_971 : f32 to vector<16xf32>
        %mul3A_999 = arith.mulf %get3A_997, %mul3A_998 : vector<16xf32>
        %swap3A_1000 = arith.index_cast %add3A_969 : i32 to index
        %swap3A_1001 = arith.constant 32 : index
        %swap3A_1002 = tpu.vector_load %arg15[%swap3A_1000, %swap3A_1001] {strides = array<i32>} : memref<256x64xf32, #tpu.memory_space<vmem>>, vector<1x16xf32>,
        %swap3A_1003 = vector.shape_cast %swap3A_1002 : vector<1x16xf32> to vector<16xf32>
        %swap3A_1004 = vector.shape_cast %mul3A_999 : vector<16xf32> to vector<1x16xf32>
        tpu.vector_store %arg15[%swap3A_1000, %swap3A_1001], %swap3A_1004 {strides = array<i32>} : memref<256x64xf32, #tpu.memory_space<vmem>>, vector<1x16xf32>,
        %get3A_1005 = arith.index_cast %add3A_969 : i32 to index
        %get3A_1006 = arith.constant 48 : index
        %get3A_1007 = tpu.vector_load %arg15[%get3A_1005, %get3A_1006] {strides = array<i32>} : memref<256x64xf32, #tpu.memory_space<vmem>>, vector<1x16xf32>,
        %get3A_1008 = vector.shape_cast %get3A_1007 : vector<1x16xf32> to vector<16xf32>
        %mul3A_1009 = vector.broadcast %squeeze3A_971 : f32 to vector<16xf32>
        %mul3A_1010 = arith.mulf %get3A_1008, %mul3A_1009 : vector<16xf32>
        %swap3A_1011 = arith.index_cast %add3A_969 : i32 to index
        %swap3A_1012 = arith.constant 48 : index
        %swap3A_1013 = tpu.vector_load %arg15[%swap3A_1011, %swap3A_1012] {strides = array<i32>} : memref<256x64xf32, #tpu.memory_space<vmem>>, vector<1x16xf32>,
        %swap3A_1014 = vector.shape_cast %swap3A_1013 : vector<1x16xf32> to vector<16xf32>
        %swap3A_1015 = vector.shape_cast %mul3A_1010 : vector<16xf32> to vector<1x16xf32>
        tpu.vector_store %arg15[%swap3A_1011, %swap3A_1012], %swap3A_1015 {strides = array<i32>} : memref<256x64xf32, #tpu.memory_space<vmem>>, vector<1x16xf32>,
        %mul3A_1016 = arith.constant 16 : i32
        %mul3A_1017 = arith.muli %scan3A_502, %mul3A_1016 : i32
        %add3A_1018 = arith.constant 10 : i32
        %add3A_1019 = arith.addi %mul3A_1017, %add3A_1018 : i32
        %slice3A_1020 = vector.extract_strided_slice %div3A {offsets = [10], sizes = [1], strides = [1]} : vector<16xf32> to vector<1xf32>
        %squeeze3A_1021 = vector.extract %slice3A_1020[0] : f32 from vector<1xf32>
        %get3A_1022 = arith.index_cast %add3A_1019 : i32 to index
        %get3A_1023 = arith.constant 0 : index
        %get3A_1024 = tpu.vector_load %arg15[%get3A_1022, %get3A_1023] {strides = array<i32>} : memref<256x64xf32, #tpu.memory_space<vmem>>, vector<1x16xf32>,
        %get3A_1025 = vector.shape_cast %get3A_1024 : vector<1x16xf32> to vector<16xf32>
        %mul3A_1026 = vector.broadcast %squeeze3A_1021 : f32 to vector<16xf32>
        %mul3A_1027 = arith.mulf %get3A_1025, %mul3A_1026 : vector<16xf32>
        %swap3A_1028 = arith.index_cast %add3A_1019 : i32 to index
        %swap3A_1029 = arith.constant 0 : index
        %swap3A_1030 = tpu.vector_load %arg15[%swap3A_1028, %swap3A_1029] {strides = array<i32>} : memref<256x64xf32, #tpu.memory_space<vmem>>, vector<1x16xf32>,
        %swap3A_1031 = vector.shape_cast %swap3A_1030 : vector<1x16xf32> to vector<16xf32>
        %swap3A_1032 = vector.shape_cast %mul3A_1027 : vector<16xf32> to vector<1x16xf32>
        tpu.vector_store %arg15[%swap3A_1028, %swap3A_1029], %swap3A_1032 {strides = array<i32>} : memref<256x64xf32, #tpu.memory_space<vmem>>, vector<1x16xf32>,
        %get3A_1033 = arith.index_cast %add3A_1019 : i32 to index
        %get3A_1034 = arith.constant 16 : index
        %get3A_1035 = tpu.vector_load %arg15[%get3A_1033, %get3A_1034] {strides = array<i32>} : memref<256x64xf32, #tpu.memory_space<vmem>>, vector<1x16xf32>,
        %get3A_1036 = vector.shape_cast %get3A_1035 : vector<1x16xf32> to vector<16xf32>
        %mul3A_1037 = vector.broadcast %squeeze3A_1021 : f32 to vector<16xf32>
        %mul3A_1038 = arith.mulf %get3A_1036, %mul3A_1037 : vector<16xf32>
        %swap3A_1039 = arith.index_cast %add3A_1019 : i32 to index
        %swap3A_1040 = arith.constant 16 : index
        %swap3A_1041 = tpu.vector_load %arg15[%swap3A_1039, %swap3A_1040] {strides = array<i32>} : memref<256x64xf32, #tpu.memory_space<vmem>>, vector<1x16xf32>,
        %swap3A_1042 = vector.shape_cast %swap3A_1041 : vector<1x16xf32> to vector<16xf32>
        %swap3A_1043 = vector.shape_cast %mul3A_1038 : vector<16xf32> to vector<1x16xf32>
        tpu.vector_store %arg15[%swap3A_1039, %swap3A_1040], %swap3A_1043 {strides = array<i32>} : memref<256x64xf32, #tpu.memory_space<vmem>>, vector<1x16xf32>,
        %get3A_1044 = arith.index_cast %add3A_1019 : i32 to index
        %get3A_1045 = arith.constant 32 : index
        %get3A_1046 = tpu.vector_load %arg15[%get3A_1044, %get3A_1045] {strides = array<i32>} : memref<256x64xf32, #tpu.memory_space<vmem>>, vector<1x16xf32>,
        %get3A_1047 = vector.shape_cast %get3A_1046 : vector<1x16xf32> to vector<16xf32>
        %mul3A_1048 = vector.broadcast %squeeze3A_1021 : f32 to vector<16xf32>
        %mul3A_1049 = arith.mulf %get3A_1047, %mul3A_1048 : vector<16xf32>
        %swap3A_1050 = arith.index_cast %add3A_1019 : i32 to index
        %swap3A_1051 = arith.constant 32 : index
        %swap3A_1052 = tpu.vector_load %arg15[%swap3A_1050, %swap3A_1051] {strides = array<i32>} : memref<256x64xf32, #tpu.memory_space<vmem>>, vector<1x16xf32>,
        %swap3A_1053 = vector.shape_cast %swap3A_1052 : vector<1x16xf32> to vector<16xf32>
        %swap3A_1054 = vector.shape_cast %mul3A_1049 : vector<16xf32> to vector<1x16xf32>
        tpu.vector_store %arg15[%swap3A_1050, %swap3A_1051], %swap3A_1054 {strides = array<i32>} : memref<256x64xf32, #tpu.memory_space<vmem>>, vector<1x16xf32>,
        %get3A_1055 = arith.index_cast %add3A_1019 : i32 to index
        %get3A_1056 = arith.constant 48 : index
        %get3A_1057 = tpu.vector_load %arg15[%get3A_1055, %get3A_1056] {strides = array<i32>} : memref<256x64xf32, #tpu.memory_space<vmem>>, vector<1x16xf32>,
        %get3A_1058 = vector.shape_cast %get3A_1057 : vector<1x16xf32> to vector<16xf32>
        %mul3A_1059 = vector.broadcast %squeeze3A_1021 : f32 to vector<16xf32>
        %mul3A_1060 = arith.mulf %get3A_1058, %mul3A_1059 : vector<16xf32>
        %swap3A_1061 = arith.index_cast %add3A_1019 : i32 to index
        %swap3A_1062 = arith.constant 48 : index
        %swap3A_1063 = tpu.vector_load %arg15[%swap3A_1061, %swap3A_1062] {strides = array<i32>} : memref<256x64xf32, #tpu.memory_space<vmem>>, vector<1x16xf32>,
        %swap3A_1064 = vector.shape_cast %swap3A_1063 : vector<1x16xf32> to vector<16xf32>
        %swap3A_1065 = vector.shape_cast %mul3A_1060 : vector<16xf32> to vector<1x16xf32>
        tpu.vector_store %arg15[%swap3A_1061, %swap3A_1062], %swap3A_1065 {strides = array<i32>} : memref<256x64xf32, #tpu.memory_space<vmem>>, vector<1x16xf32>,
        %mul3A_1066 = arith.constant 16 : i32
        %mul3A_1067 = arith.muli %scan3A_502, %mul3A_1066 : i32
        %add3A_1068 = arith.constant 11 : i32
        %add3A_1069 = arith.addi %mul3A_1067, %add3A_1068 : i32
        %slice3A_1070 = vector.extract_strided_slice %div3A {offsets = [11], sizes = [1], strides = [1]} : vector<16xf32> to vector<1xf32>
        %squeeze3A_1071 = vector.extract %slice3A_1070[0] : f32 from vector<1xf32>
        %get3A_1072 = arith.index_cast %add3A_1069 : i32 to index
        %get3A_1073 = arith.constant 0 : index
        %get3A_1074 = tpu.vector_load %arg15[%get3A_1072, %get3A_1073] {strides = array<i32>} : memref<256x64xf32, #tpu.memory_space<vmem>>, vector<1x16xf32>,
        %get3A_1075 = vector.shape_cast %get3A_1074 : vector<1x16xf32> to vector<16xf32>
        %mul3A_1076 = vector.broadcast %squeeze3A_1071 : f32 to vector<16xf32>
        %mul3A_1077 = arith.mulf %get3A_1075, %mul3A_1076 : vector<16xf32>
        %swap3A_1078 = arith.index_cast %add3A_1069 : i32 to index
        %swap3A_1079 = arith.constant 0 : index
        %swap3A_1080 = tpu.vector_load %arg15[%swap3A_1078, %swap3A_1079] {strides = array<i32>} : memref<256x64xf32, #tpu.memory_space<vmem>>, vector<1x16xf32>,
        %swap3A_1081 = vector.shape_cast %swap3A_1080 : vector<1x16xf32> to vector<16xf32>
        %swap3A_1082 = vector.shape_cast %mul3A_1077 : vector<16xf32> to vector<1x16xf32>
        tpu.vector_store %arg15[%swap3A_1078, %swap3A_1079], %swap3A_1082 {strides = array<i32>} : memref<256x64xf32, #tpu.memory_space<vmem>>, vector<1x16xf32>,
        %get3A_1083 = arith.index_cast %add3A_1069 : i32 to index
        %get3A_1084 = arith.constant 16 : index
        %get3A_1085 = tpu.vector_load %arg15[%get3A_1083, %get3A_1084] {strides = array<i32>} : memref<256x64xf32, #tpu.memory_space<vmem>>, vector<1x16xf32>,
        %get3A_1086 = vector.shape_cast %get3A_1085 : vector<1x16xf32> to vector<16xf32>
        %mul3A_1087 = vector.broadcast %squeeze3A_1071 : f32 to vector<16xf32>
        %mul3A_1088 = arith.mulf %get3A_1086, %mul3A_1087 : vector<16xf32>
        %swap3A_1089 = arith.index_cast %add3A_1069 : i32 to index
        %swap3A_1090 = arith.constant 16 : index
        %swap3A_1091 = tpu.vector_load %arg15[%swap3A_1089, %swap3A_1090] {strides = array<i32>} : memref<256x64xf32, #tpu.memory_space<vmem>>, vector<1x16xf32>,
        %swap3A_1092 = vector.shape_cast %swap3A_1091 : vector<1x16xf32> to vector<16xf32>
        %swap3A_1093 = vector.shape_cast %mul3A_1088 : vector<16xf32> to vector<1x16xf32>
        tpu.vector_store %arg15[%swap3A_1089, %swap3A_1090], %swap3A_1093 {strides = array<i32>} : memref<256x64xf32, #tpu.memory_space<vmem>>, vector<1x16xf32>,
        %get3A_1094 = arith.index_cast %add3A_1069 : i32 to index
        %get3A_1095 = arith.constant 32 : index
        %get3A_1096 = tpu.vector_load %arg15[%get3A_1094, %get3A_1095] {strides = array<i32>} : memref<256x64xf32, #tpu.memory_space<vmem>>, vector<1x16xf32>,
        %get3A_1097 = vector.shape_cast %get3A_1096 : vector<1x16xf32> to vector<16xf32>
        %mul3A_1098 = vector.broadcast %squeeze3A_1071 : f32 to vector<16xf32>
        %mul3A_1099 = arith.mulf %get3A_1097, %mul3A_1098 : vector<16xf32>
        %swap3A_1100 = arith.index_cast %add3A_1069 : i32 to index
        %swap3A_1101 = arith.constant 32 : index
        %swap3A_1102 = tpu.vector_load %arg15[%swap3A_1100, %swap3A_1101] {strides = array<i32>} : memref<256x64xf32, #tpu.memory_space<vmem>>, vector<1x16xf32>,
        %swap3A_1103 = vector.shape_cast %swap3A_1102 : vector<1x16xf32> to vector<16xf32>
        %swap3A_1104 = vector.shape_cast %mul3A_1099 : vector<16xf32> to vector<1x16xf32>
        tpu.vector_store %arg15[%swap3A_1100, %swap3A_1101], %swap3A_1104 {strides = array<i32>} : memref<256x64xf32, #tpu.memory_space<vmem>>, vector<1x16xf32>,
        %get3A_1105 = arith.index_cast %add3A_1069 : i32 to index
        %get3A_1106 = arith.constant 48 : index
        %get3A_1107 = tpu.vector_load %arg15[%get3A_1105, %get3A_1106] {strides = array<i32>} : memref<256x64xf32, #tpu.memory_space<vmem>>, vector<1x16xf32>,
        %get3A_1108 = vector.shape_cast %get3A_1107 : vector<1x16xf32> to vector<16xf32>
        %mul3A_1109 = vector.broadcast %squeeze3A_1071 : f32 to vector<16xf32>
        %mul3A_1110 = arith.mulf %get3A_1108, %mul3A_1109 : vector<16xf32>
        %swap3A_1111 = arith.index_cast %add3A_1069 : i32 to index
        %swap3A_1112 = arith.constant 48 : index
        %swap3A_1113 = tpu.vector_load %arg15[%swap3A_1111, %swap3A_1112] {strides = array<i32>} : memref<256x64xf32, #tpu.memory_space<vmem>>, vector<1x16xf32>,
        %swap3A_1114 = vector.shape_cast %swap3A_1113 : vector<1x16xf32> to vector<16xf32>
        %swap3A_1115 = vector.shape_cast %mul3A_1110 : vector<16xf32> to vector<1x16xf32>
        tpu.vector_store %arg15[%swap3A_1111, %swap3A_1112], %swap3A_1115 {strides = array<i32>} : memref<256x64xf32, #tpu.memory_space<vmem>>, vector<1x16xf32>,
        %mul3A_1116 = arith.constant 16 : i32
        %mul3A_1117 = arith.muli %scan3A_502, %mul3A_1116 : i32
        %add3A_1118 = arith.constant 12 : i32
        %add3A_1119 = arith.addi %mul3A_1117, %add3A_1118 : i32
        %slice3A_1120 = vector.extract_strided_slice %div3A {offsets = [12], sizes = [1], strides = [1]} : vector<16xf32> to vector<1xf32>
        %squeeze3A_1121 = vector.extract %slice3A_1120[0] : f32 from vector<1xf32>
        %get3A_1122 = arith.index_cast %add3A_1119 : i32 to index
        %get3A_1123 = arith.constant 0 : index
        %get3A_1124 = tpu.vector_load %arg15[%get3A_1122, %get3A_1123] {strides = array<i32>} : memref<256x64xf32, #tpu.memory_space<vmem>>, vector<1x16xf32>,
        %get3A_1125 = vector.shape_cast %get3A_1124 : vector<1x16xf32> to vector<16xf32>
        %mul3A_1126 = vector.broadcast %squeeze3A_1121 : f32 to vector<16xf32>
        %mul3A_1127 = arith.mulf %get3A_1125, %mul3A_1126 : vector<16xf32>
        %swap3A_1128 = arith.index_cast %add3A_1119 : i32 to index
        %swap3A_1129 = arith.constant 0 : index
        %swap3A_1130 = tpu.vector_load %arg15[%swap3A_1128, %swap3A_1129] {strides = array<i32>} : memref<256x64xf32, #tpu.memory_space<vmem>>, vector<1x16xf32>,
        %swap3A_1131 = vector.shape_cast %swap3A_1130 : vector<1x16xf32> to vector<16xf32>
        %swap3A_1132 = vector.shape_cast %mul3A_1127 : vector<16xf32> to vector<1x16xf32>
        tpu.vector_store %arg15[%swap3A_1128, %swap3A_1129], %swap3A_1132 {strides = array<i32>} : memref<256x64xf32, #tpu.memory_space<vmem>>, vector<1x16xf32>,
        %get3A_1133 = arith.index_cast %add3A_1119 : i32 to index
        %get3A_1134 = arith.constant 16 : index
        %get3A_1135 = tpu.vector_load %arg15[%get3A_1133, %get3A_1134] {strides = array<i32>} : memref<256x64xf32, #tpu.memory_space<vmem>>, vector<1x16xf32>,
        %get3A_1136 = vector.shape_cast %get3A_1135 : vector<1x16xf32> to vector<16xf32>
        %mul3A_1137 = vector.broadcast %squeeze3A_1121 : f32 to vector<16xf32>
        %mul3A_1138 = arith.mulf %get3A_1136, %mul3A_1137 : vector<16xf32>
        %swap3A_1139 = arith.index_cast %add3A_1119 : i32 to index
        %swap3A_1140 = arith.constant 16 : index
        %swap3A_1141 = tpu.vector_load %arg15[%swap3A_1139, %swap3A_1140] {strides = array<i32>} : memref<256x64xf32, #tpu.memory_space<vmem>>, vector<1x16xf32>,
        %swap3A_1142 = vector.shape_cast %swap3A_1141 : vector<1x16xf32> to vector<16xf32>
        %swap3A_1143 = vector.shape_cast %mul3A_1138 : vector<16xf32> to vector<1x16xf32>
        tpu.vector_store %arg15[%swap3A_1139, %swap3A_1140], %swap3A_1143 {strides = array<i32>} : memref<256x64xf32, #tpu.memory_space<vmem>>, vector<1x16xf32>,
        %get3A_1144 = arith.index_cast %add3A_1119 : i32 to index
        %get3A_1145 = arith.constant 32 : index
        %get3A_1146 = tpu.vector_load %arg15[%get3A_1144, %get3A_1145] {strides = array<i32>} : memref<256x64xf32, #tpu.memory_space<vmem>>, vector<1x16xf32>,
        %get3A_1147 = vector.shape_cast %get3A_1146 : vector<1x16xf32> to vector<16xf32>
        %mul3A_1148 = vector.broadcast %squeeze3A_1121 : f32 to vector<16xf32>
        %mul3A_1149 = arith.mulf %get3A_1147, %mul3A_1148 : vector<16xf32>
        %swap3A_1150 = arith.index_cast %add3A_1119 : i32 to index
        %swap3A_1151 = arith.constant 32 : index
        %swap3A_1152 = tpu.vector_load %arg15[%swap3A_1150, %swap3A_1151] {strides = array<i32>} : memref<256x64xf32, #tpu.memory_space<vmem>>, vector<1x16xf32>,
        %swap3A_1153 = vector.shape_cast %swap3A_1152 : vector<1x16xf32> to vector<16xf32>
        %swap3A_1154 = vector.shape_cast %mul3A_1149 : vector<16xf32> to vector<1x16xf32>
        tpu.vector_store %arg15[%swap3A_1150, %swap3A_1151], %swap3A_1154 {strides = array<i32>} : memref<256x64xf32, #tpu.memory_space<vmem>>, vector<1x16xf32>,
        %get3A_1155 = arith.index_cast %add3A_1119 : i32 to index
        %get3A_1156 = arith.constant 48 : index
        %get3A_1157 = tpu.vector_load %arg15[%get3A_1155, %get3A_1156] {strides = array<i32>} : memref<256x64xf32, #tpu.memory_space<vmem>>, vector<1x16xf32>,
        %get3A_1158 = vector.shape_cast %get3A_1157 : vector<1x16xf32> to vector<16xf32>
        %mul3A_1159 = vector.broadcast %squeeze3A_1121 : f32 to vector<16xf32>
        %mul3A_1160 = arith.mulf %get3A_1158, %mul3A_1159 : vector<16xf32>
        %swap3A_1161 = arith.index_cast %add3A_1119 : i32 to index
        %swap3A_1162 = arith.constant 48 : index
        %swap3A_1163 = tpu.vector_load %arg15[%swap3A_1161, %swap3A_1162] {strides = array<i32>} : memref<256x64xf32, #tpu.memory_space<vmem>>, vector<1x16xf32>,
        %swap3A_1164 = vector.shape_cast %swap3A_1163 : vector<1x16xf32> to vector<16xf32>
        %swap3A_1165 = vector.shape_cast %mul3A_1160 : vector<16xf32> to vector<1x16xf32>
        tpu.vector_store %arg15[%swap3A_1161, %swap3A_1162], %swap3A_1165 {strides = array<i32>} : memref<256x64xf32, #tpu.memory_space<vmem>>, vector<1x16xf32>,
        %mul3A_1166 = arith.constant 16 : i32
        %mul3A_1167 = arith.muli %scan3A_502, %mul3A_1166 : i32
        %add3A_1168 = arith.constant 13 : i32
        %add3A_1169 = arith.addi %mul3A_1167, %add3A_1168 : i32
        %slice3A_1170 = vector.extract_strided_slice %div3A {offsets = [13], sizes = [1], strides = [1]} : vector<16xf32> to vector<1xf32>
        %squeeze3A_1171 = vector.extract %slice3A_1170[0] : f32 from vector<1xf32>
        %get3A_1172 = arith.index_cast %add3A_1169 : i32 to index
        %get3A_1173 = arith.constant 0 : index
        %get3A_1174 = tpu.vector_load %arg15[%get3A_1172, %get3A_1173] {strides = array<i32>} : memref<256x64xf32, #tpu.memory_space<vmem>>, vector<1x16xf32>,
        %get3A_1175 = vector.shape_cast %get3A_1174 : vector<1x16xf32> to vector<16xf32>
        %mul3A_1176 = vector.broadcast %squeeze3A_1171 : f32 to vector<16xf32>
        %mul3A_1177 = arith.mulf %get3A_1175, %mul3A_1176 : vector<16xf32>
        %swap3A_1178 = arith.index_cast %add3A_1169 : i32 to index
        %swap3A_1179 = arith.constant 0 : index
        %swap3A_1180 = tpu.vector_load %arg15[%swap3A_1178, %swap3A_1179] {strides = array<i32>} : memref<256x64xf32, #tpu.memory_space<vmem>>, vector<1x16xf32>,
        %swap3A_1181 = vector.shape_cast %swap3A_1180 : vector<1x16xf32> to vector<16xf32>
        %swap3A_1182 = vector.shape_cast %mul3A_1177 : vector<16xf32> to vector<1x16xf32>
        tpu.vector_store %arg15[%swap3A_1178, %swap3A_1179], %swap3A_1182 {strides = array<i32>} : memref<256x64xf32, #tpu.memory_space<vmem>>, vector<1x16xf32>,
        %get3A_1183 = arith.index_cast %add3A_1169 : i32 to index
        %get3A_1184 = arith.constant 16 : index
        %get3A_1185 = tpu.vector_load %arg15[%get3A_1183, %get3A_1184] {strides = array<i32>} : memref<256x64xf32, #tpu.memory_space<vmem>>, vector<1x16xf32>,
        %get3A_1186 = vector.shape_cast %get3A_1185 : vector<1x16xf32> to vector<16xf32>
        %mul3A_1187 = vector.broadcast %squeeze3A_1171 : f32 to vector<16xf32>
        %mul3A_1188 = arith.mulf %get3A_1186, %mul3A_1187 : vector<16xf32>
        %swap3A_1189 = arith.index_cast %add3A_1169 : i32 to index
        %swap3A_1190 = arith.constant 16 : index
        %swap3A_1191 = tpu.vector_load %arg15[%swap3A_1189, %swap3A_1190] {strides = array<i32>} : memref<256x64xf32, #tpu.memory_space<vmem>>, vector<1x16xf32>,
        %swap3A_1192 = vector.shape_cast %swap3A_1191 : vector<1x16xf32> to vector<16xf32>
        %swap3A_1193 = vector.shape_cast %mul3A_1188 : vector<16xf32> to vector<1x16xf32>
        tpu.vector_store %arg15[%swap3A_1189, %swap3A_1190], %swap3A_1193 {strides = array<i32>} : memref<256x64xf32, #tpu.memory_space<vmem>>, vector<1x16xf32>,
        %get3A_1194 = arith.index_cast %add3A_1169 : i32 to index
        %get3A_1195 = arith.constant 32 : index
        %get3A_1196 = tpu.vector_load %arg15[%get3A_1194, %get3A_1195] {strides = array<i32>} : memref<256x64xf32, #tpu.memory_space<vmem>>, vector<1x16xf32>,
        %get3A_1197 = vector.shape_cast %get3A_1196 : vector<1x16xf32> to vector<16xf32>
        %mul3A_1198 = vector.broadcast %squeeze3A_1171 : f32 to vector<16xf32>
        %mul3A_1199 = arith.mulf %get3A_1197, %mul3A_1198 : vector<16xf32>
        %swap3A_1200 = arith.index_cast %add3A_1169 : i32 to index
        %swap3A_1201 = arith.constant 32 : index
        %swap3A_1202 = tpu.vector_load %arg15[%swap3A_1200, %swap3A_1201] {strides = array<i32>} : memref<256x64xf32, #tpu.memory_space<vmem>>, vector<1x16xf32>,
        %swap3A_1203 = vector.shape_cast %swap3A_1202 : vector<1x16xf32> to vector<16xf32>
        %swap3A_1204 = vector.shape_cast %mul3A_1199 : vector<16xf32> to vector<1x16xf32>
        tpu.vector_store %arg15[%swap3A_1200, %swap3A_1201], %swap3A_1204 {strides = array<i32>} : memref<256x64xf32, #tpu.memory_space<vmem>>, vector<1x16xf32>,
        %get3A_1205 = arith.index_cast %add3A_1169 : i32 to index
        %get3A_1206 = arith.constant 48 : index
        %get3A_1207 = tpu.vector_load %arg15[%get3A_1205, %get3A_1206] {strides = array<i32>} : memref<256x64xf32, #tpu.memory_space<vmem>>, vector<1x16xf32>,
        %get3A_1208 = vector.shape_cast %get3A_1207 : vector<1x16xf32> to vector<16xf32>
        %mul3A_1209 = vector.broadcast %squeeze3A_1171 : f32 to vector<16xf32>
        %mul3A_1210 = arith.mulf %get3A_1208, %mul3A_1209 : vector<16xf32>
        %swap3A_1211 = arith.index_cast %add3A_1169 : i32 to index
        %swap3A_1212 = arith.constant 48 : index
        %swap3A_1213 = tpu.vector_load %arg15[%swap3A_1211, %swap3A_1212] {strides = array<i32>} : memref<256x64xf32, #tpu.memory_space<vmem>>, vector<1x16xf32>,
        %swap3A_1214 = vector.shape_cast %swap3A_1213 : vector<1x16xf32> to vector<16xf32>
        %swap3A_1215 = vector.shape_cast %mul3A_1210 : vector<16xf32> to vector<1x16xf32>
        tpu.vector_store %arg15[%swap3A_1211, %swap3A_1212], %swap3A_1215 {strides = array<i32>} : memref<256x64xf32, #tpu.memory_space<vmem>>, vector<1x16xf32>,
        %mul3A_1216 = arith.constant 16 : i32
        %mul3A_1217 = arith.muli %scan3A_502, %mul3A_1216 : i32
        %add3A_1218 = arith.constant 14 : i32
        %add3A_1219 = arith.addi %mul3A_1217, %add3A_1218 : i32
        %slice3A_1220 = vector.extract_strided_slice %div3A {offsets = [14], sizes = [1], strides = [1]} : vector<16xf32> to vector<1xf32>
        %squeeze3A_1221 = vector.extract %slice3A_1220[0] : f32 from vector<1xf32>
        %get3A_1222 = arith.index_cast %add3A_1219 : i32 to index
        %get3A_1223 = arith.constant 0 : index
        %get3A_1224 = tpu.vector_load %arg15[%get3A_1222, %get3A_1223] {strides = array<i32>} : memref<256x64xf32, #tpu.memory_space<vmem>>, vector<1x16xf32>,
        %get3A_1225 = vector.shape_cast %get3A_1224 : vector<1x16xf32> to vector<16xf32>
        %mul3A_1226 = vector.broadcast %squeeze3A_1221 : f32 to vector<16xf32>
        %mul3A_1227 = arith.mulf %get3A_1225, %mul3A_1226 : vector<16xf32>
        %swap3A_1228 = arith.index_cast %add3A_1219 : i32 to index
        %swap3A_1229 = arith.constant 0 : index
        %swap3A_1230 = tpu.vector_load %arg15[%swap3A_1228, %swap3A_1229] {strides = array<i32>} : memref<256x64xf32, #tpu.memory_space<vmem>>, vector<1x16xf32>,
        %swap3A_1231 = vector.shape_cast %swap3A_1230 : vector<1x16xf32> to vector<16xf32>
        %swap3A_1232 = vector.shape_cast %mul3A_1227 : vector<16xf32> to vector<1x16xf32>
        tpu.vector_store %arg15[%swap3A_1228, %swap3A_1229], %swap3A_1232 {strides = array<i32>} : memref<256x64xf32, #tpu.memory_space<vmem>>, vector<1x16xf32>,
        %get3A_1233 = arith.index_cast %add3A_1219 : i32 to index
        %get3A_1234 = arith.constant 16 : index
        %get3A_1235 = tpu.vector_load %arg15[%get3A_1233, %get3A_1234] {strides = array<i32>} : memref<256x64xf32, #tpu.memory_space<vmem>>, vector<1x16xf32>,
        %get3A_1236 = vector.shape_cast %get3A_1235 : vector<1x16xf32> to vector<16xf32>
        %mul3A_1237 = vector.broadcast %squeeze3A_1221 : f32 to vector<16xf32>
        %mul3A_1238 = arith.mulf %get3A_1236, %mul3A_1237 : vector<16xf32>
        %swap3A_1239 = arith.index_cast %add3A_1219 : i32 to index
        %swap3A_1240 = arith.constant 16 : index
        %swap3A_1241 = tpu.vector_load %arg15[%swap3A_1239, %swap3A_1240] {strides = array<i32>} : memref<256x64xf32, #tpu.memory_space<vmem>>, vector<1x16xf32>,
        %swap3A_1242 = vector.shape_cast %swap3A_1241 : vector<1x16xf32> to vector<16xf32>
        %swap3A_1243 = vector.shape_cast %mul3A_1238 : vector<16xf32> to vector<1x16xf32>
        tpu.vector_store %arg15[%swap3A_1239, %swap3A_1240], %swap3A_1243 {strides = array<i32>} : memref<256x64xf32, #tpu.memory_space<vmem>>, vector<1x16xf32>,
        %get3A_1244 = arith.index_cast %add3A_1219 : i32 to index
        %get3A_1245 = arith.constant 32 : index
        %get3A_1246 = tpu.vector_load %arg15[%get3A_1244, %get3A_1245] {strides = array<i32>} : memref<256x64xf32, #tpu.memory_space<vmem>>, vector<1x16xf32>,
        %get3A_1247 = vector.shape_cast %get3A_1246 : vector<1x16xf32> to vector<16xf32>
        %mul3A_1248 = vector.broadcast %squeeze3A_1221 : f32 to vector<16xf32>
        %mul3A_1249 = arith.mulf %get3A_1247, %mul3A_1248 : vector<16xf32>
        %swap3A_1250 = arith.index_cast %add3A_1219 : i32 to index
        %swap3A_1251 = arith.constant 32 : index
        %swap3A_1252 = tpu.vector_load %arg15[%swap3A_1250, %swap3A_1251] {strides = array<i32>} : memref<256x64xf32, #tpu.memory_space<vmem>>, vector<1x16xf32>,
        %swap3A_1253 = vector.shape_cast %swap3A_1252 : vector<1x16xf32> to vector<16xf32>
        %swap3A_1254 = vector.shape_cast %mul3A_1249 : vector<16xf32> to vector<1x16xf32>
        tpu.vector_store %arg15[%swap3A_1250, %swap3A_1251], %swap3A_1254 {strides = array<i32>} : memref<256x64xf32, #tpu.memory_space<vmem>>, vector<1x16xf32>,
        %get3A_1255 = arith.index_cast %add3A_1219 : i32 to index
        %get3A_1256 = arith.constant 48 : index
        %get3A_1257 = tpu.vector_load %arg15[%get3A_1255, %get3A_1256] {strides = array<i32>} : memref<256x64xf32, #tpu.memory_space<vmem>>, vector<1x16xf32>,
        %get3A_1258 = vector.shape_cast %get3A_1257 : vector<1x16xf32> to vector<16xf32>
        %mul3A_1259 = vector.broadcast %squeeze3A_1221 : f32 to vector<16xf32>
        %mul3A_1260 = arith.mulf %get3A_1258, %mul3A_1259 : vector<16xf32>
        %swap3A_1261 = arith.index_cast %add3A_1219 : i32 to index
        %swap3A_1262 = arith.constant 48 : index
        %swap3A_1263 = tpu.vector_load %arg15[%swap3A_1261, %swap3A_1262] {strides = array<i32>} : memref<256x64xf32, #tpu.memory_space<vmem>>, vector<1x16xf32>,
        %swap3A_1264 = vector.shape_cast %swap3A_1263 : vector<1x16xf32> to vector<16xf32>
        %swap3A_1265 = vector.shape_cast %mul3A_1260 : vector<16xf32> to vector<1x16xf32>
        tpu.vector_store %arg15[%swap3A_1261, %swap3A_1262], %swap3A_1265 {strides = array<i32>} : memref<256x64xf32, #tpu.memory_space<vmem>>, vector<1x16xf32>,
        %mul3A_1266 = arith.constant 16 : i32
        %mul3A_1267 = arith.muli %scan3A_502, %mul3A_1266 : i32
        %add3A_1268 = arith.constant 15 : i32
        %add3A_1269 = arith.addi %mul3A_1267, %add3A_1268 : i32
        %slice3A_1270 = vector.extract_strided_slice %div3A {offsets = [15], sizes = [1], strides = [1]} : vector<16xf32> to vector<1xf32>
        %squeeze3A_1271 = vector.extract %slice3A_1270[0] : f32 from vector<1xf32>
        %get3A_1272 = arith.index_cast %add3A_1269 : i32 to index
        %get3A_1273 = arith.constant 0 : index
        %get3A_1274 = tpu.vector_load %arg15[%get3A_1272, %get3A_1273] {strides = array<i32>} : memref<256x64xf32, #tpu.memory_space<vmem>>, vector<1x16xf32>,
        %get3A_1275 = vector.shape_cast %get3A_1274 : vector<1x16xf32> to vector<16xf32>
        %mul3A_1276 = vector.broadcast %squeeze3A_1271 : f32 to vector<16xf32>
        %mul3A_1277 = arith.mulf %get3A_1275, %mul3A_1276 : vector<16xf32>
        %swap3A_1278 = arith.index_cast %add3A_1269 : i32 to index
        %swap3A_1279 = arith.constant 0 : index
        %swap3A_1280 = tpu.vector_load %arg15[%swap3A_1278, %swap3A_1279] {strides = array<i32>} : memref<256x64xf32, #tpu.memory_space<vmem>>, vector<1x16xf32>,
        %swap3A_1281 = vector.shape_cast %swap3A_1280 : vector<1x16xf32> to vector<16xf32>
        %swap3A_1282 = vector.shape_cast %mul3A_1277 : vector<16xf32> to vector<1x16xf32>
        tpu.vector_store %arg15[%swap3A_1278, %swap3A_1279], %swap3A_1282 {strides = array<i32>} : memref<256x64xf32, #tpu.memory_space<vmem>>, vector<1x16xf32>,
        %get3A_1283 = arith.index_cast %add3A_1269 : i32 to index
        %get3A_1284 = arith.constant 16 : index
        %get3A_1285 = tpu.vector_load %arg15[%get3A_1283, %get3A_1284] {strides = array<i32>} : memref<256x64xf32, #tpu.memory_space<vmem>>, vector<1x16xf32>,
        %get3A_1286 = vector.shape_cast %get3A_1285 : vector<1x16xf32> to vector<16xf32>
        %mul3A_1287 = vector.broadcast %squeeze3A_1271 : f32 to vector<16xf32>
        %mul3A_1288 = arith.mulf %get3A_1286, %mul3A_1287 : vector<16xf32>
        %swap3A_1289 = arith.index_cast %add3A_1269 : i32 to index
        %swap3A_1290 = arith.constant 16 : index
        %swap3A_1291 = tpu.vector_load %arg15[%swap3A_1289, %swap3A_1290] {strides = array<i32>} : memref<256x64xf32, #tpu.memory_space<vmem>>, vector<1x16xf32>,
        %swap3A_1292 = vector.shape_cast %swap3A_1291 : vector<1x16xf32> to vector<16xf32>
        %swap3A_1293 = vector.shape_cast %mul3A_1288 : vector<16xf32> to vector<1x16xf32>
        tpu.vector_store %arg15[%swap3A_1289, %swap3A_1290], %swap3A_1293 {strides = array<i32>} : memref<256x64xf32, #tpu.memory_space<vmem>>, vector<1x16xf32>,
        %get3A_1294 = arith.index_cast %add3A_1269 : i32 to index
        %get3A_1295 = arith.constant 32 : index
        %get3A_1296 = tpu.vector_load %arg15[%get3A_1294, %get3A_1295] {strides = array<i32>} : memref<256x64xf32, #tpu.memory_space<vmem>>, vector<1x16xf32>,
        %get3A_1297 = vector.shape_cast %get3A_1296 : vector<1x16xf32> to vector<16xf32>
        %mul3A_1298 = vector.broadcast %squeeze3A_1271 : f32 to vector<16xf32>
        %mul3A_1299 = arith.mulf %get3A_1297, %mul3A_1298 : vector<16xf32>
        %swap3A_1300 = arith.index_cast %add3A_1269 : i32 to index
        %swap3A_1301 = arith.constant 32 : index
        %swap3A_1302 = tpu.vector_load %arg15[%swap3A_1300, %swap3A_1301] {strides = array<i32>} : memref<256x64xf32, #tpu.memory_space<vmem>>, vector<1x16xf32>,
        %swap3A_1303 = vector.shape_cast %swap3A_1302 : vector<1x16xf32> to vector<16xf32>
        %swap3A_1304 = vector.shape_cast %mul3A_1299 : vector<16xf32> to vector<1x16xf32>
        tpu.vector_store %arg15[%swap3A_1300, %swap3A_1301], %swap3A_1304 {strides = array<i32>} : memref<256x64xf32, #tpu.memory_space<vmem>>, vector<1x16xf32>,
        %get3A_1305 = arith.index_cast %add3A_1269 : i32 to index
        %get3A_1306 = arith.constant 48 : index
        %get3A_1307 = tpu.vector_load %arg15[%get3A_1305, %get3A_1306] {strides = array<i32>} : memref<256x64xf32, #tpu.memory_space<vmem>>, vector<1x16xf32>,
        %get3A_1308 = vector.shape_cast %get3A_1307 : vector<1x16xf32> to vector<16xf32>
        %mul3A_1309 = vector.broadcast %squeeze3A_1271 : f32 to vector<16xf32>
        %mul3A_1310 = arith.mulf %get3A_1308, %mul3A_1309 : vector<16xf32>
        %swap3A_1311 = arith.index_cast %add3A_1269 : i32 to index
        %swap3A_1312 = arith.constant 48 : index
        %swap3A_1313 = tpu.vector_load %arg15[%swap3A_1311, %swap3A_1312] {strides = array<i32>} : memref<256x64xf32, #tpu.memory_space<vmem>>, vector<1x16xf32>,
        %swap3A_1314 = vector.shape_cast %swap3A_1313 : vector<1x16xf32> to vector<16xf32>
        %swap3A_1315 = vector.shape_cast %mul3A_1310 : vector<16xf32> to vector<1x16xf32>
        tpu.vector_store %arg15[%swap3A_1311, %swap3A_1312], %swap3A_1315 {strides = array<i32>} : memref<256x64xf32, #tpu.memory_space<vmem>>, vector<1x16xf32>,
        %scan3A_1316 = arith.constant 0 : i32
        scf.yield %scan3A_1316 : i32
      }
      %scan3A_295 = arith.constant 16 : i32
      "tpu.region"() ({
        %run_scoped3A = tpu.sem_alloc : memref<!tpu.dma_semaphore, #tpu.memory_space<semaphore_mem>>
        %dma_start3A_502 = arith.constant 0 : i32
        %dma_start3A_503 = arith.constant 0 : i32
        %dma_start3A_504 = tpu.memref_slice %arg9[%dma_start3A_502, %dma_start3A_503] : memref<10112x64xf32, #tpu.memory_space<vmem_shared>> -> memref<10112x64xf32, #tpu.memory_space<vmem_shared>>
        tpu.enqueue_indirect_dma source(%arg15 : memref<256x64xf32, #tpu.memory_space<vmem>>) target(%dma_start3A_504 : memref<10112x64xf32, #tpu.memory_space<vmem_shared>>) offsets(%arg14 : memref<256xi32, #tpu.memory_space<vmem>>) semaphore(%run_scoped3A : memref<!tpu.dma_semaphore, #tpu.memory_space<semaphore_mem>>) {add = true}
        %dma_wait3A_505 = arith.constant 0 : i32
        %dma_wait3A_506 = arith.constant 0 : i32
        %dma_wait3A_507 = tpu.memref_slice %arg9[%dma_wait3A_505, %dma_wait3A_506] : memref<10112x64xf32, #tpu.memory_space<vmem_shared>> -> memref<10112x64xf32, #tpu.memory_space<vmem_shared>>
        tpu.wait_indirect_dma semaphore(%run_scoped3A : memref<!tpu.dma_semaphore, #tpu.memory_space<semaphore_mem>>) src(%arg15 : memref<256x64xf32, #tpu.memory_space<vmem>>) dst(%dma_wait3A_507 : memref<10112x64xf32, #tpu.memory_space<vmem_shared>>)
        tpu.yield
      }) : () -> ()
      %mul3A_296 = arith.constant 256 : i32
      %mul3A_297 = arith.muli %min3A_92, %mul3A_296 : i32
      %dma_start3A_298 = tpu.memref_slice %arg10[%mul3A_297] : memref<10240xi32, #tpu.memory_space<vmem>> -> memref<256xi32, #tpu.memory_space<vmem>>
      %dma_start3A_299 = arith.constant 0 : i32
      %dma_start3A_300 = arith.constant 0 : i32
      %dma_start3A_301 = tpu.memref_slice %arg2[%dma_start3A_299, %dma_start3A_300] : memref<80000x64xf32, #tpu.memory_space<hbm>> -> memref<80000x64xf32, #tpu.memory_space<hbm>>
      tpu.enqueue_indirect_dma source(%dma_start3A_301 : memref<80000x64xf32, #tpu.memory_space<hbm>>) target(%arg15 : memref<256x64xf32, #tpu.memory_space<vmem>>) offsets(%dma_start3A_298 : memref<256xi32, #tpu.memory_space<vmem>>) semaphore(%arg20 : memref<!tpu.dma_semaphore, #tpu.memory_space<semaphore_mem>>)
      %mul3A_302 = arith.constant 256 : i32
      %mul3A_303 = arith.muli %min3A_92, %mul3A_302 : i32
      %dma_start3A_304 = tpu.memref_slice %arg12[%mul3A_303] : memref<10240xi32, #tpu.memory_space<vmem>> -> memref<256xi32, #tpu.memory_space<vmem>>
      %dma_start3A_305 = arith.constant 0 : i32
      %dma_start3A_306 = tpu.memref_slice %arg6[%dma_start3A_305] : memref<80128xf32, #tpu.memory_space<hbm>> -> memref<80128xf32, #tpu.memory_space<hbm>>
      tpu.enqueue_indirect_dma source(%dma_start3A_306 : memref<80128xf32, #tpu.memory_space<hbm>>) target(%arg17 : memref<256xf32, #tpu.memory_space<vmem>>) offsets(%dma_start3A_304 : memref<256xi32, #tpu.memory_space<vmem>>) semaphore(%arg20 : memref<!tpu.dma_semaphore, #tpu.memory_space<semaphore_mem>>)
      %mul3A_307 = arith.constant 256 : i32
      %mul3A_308 = arith.muli %add3A_89, %mul3A_307 : i32
      %dma_wait3A_309 = tpu.memref_slice %arg10[%mul3A_308] : memref<10240xi32, #tpu.memory_space<vmem>> -> memref<256xi32, #tpu.memory_space<vmem>>
      %dma_wait3A_310 = arith.constant 0 : i32
      %dma_wait3A_311 = arith.constant 0 : i32
      %dma_wait3A_312 = tpu.memref_slice %arg2[%dma_wait3A_310, %dma_wait3A_311] : memref<80000x64xf32, #tpu.memory_space<hbm>> -> memref<80000x64xf32, #tpu.memory_space<hbm>>
      tpu.wait_indirect_dma semaphore(%arg21 : memref<!tpu.dma_semaphore, #tpu.memory_space<semaphore_mem>>) src(%dma_wait3A_312 : memref<80000x64xf32, #tpu.memory_space<hbm>>) dst(%arg16 : memref<256x64xf32, #tpu.memory_space<vmem>>)
      %mul3A_313 = arith.constant 256 : i32
      %mul3A_314 = arith.muli %add3A_89, %mul3A_313 : i32
      %dma_wait3A_315 = tpu.memref_slice %arg12[%mul3A_314] : memref<10240xi32, #tpu.memory_space<vmem>> -> memref<256xi32, #tpu.memory_space<vmem>>
      %dma_wait3A_316 = arith.constant 0 : i32
      %dma_wait3A_317 = tpu.memref_slice %arg6[%dma_wait3A_316] : memref<80128xf32, #tpu.memory_space<hbm>> -> memref<80128xf32, #tpu.memory_space<hbm>>
      tpu.wait_indirect_dma semaphore(%arg21 : memref<!tpu.dma_semaphore, #tpu.memory_space<semaphore_mem>>) src(%dma_wait3A_317 : memref<80128xf32, #tpu.memory_space<hbm>>) dst(%arg18 : memref<256xf32, #tpu.memory_space<vmem>>)
      %mul3A_318 = arith.constant 256 : i32
      %mul3A_319 = arith.muli %add3A_89, %mul3A_318 : i32
      %add3A_320 = arith.constant 0 : i32
      %add3A_321 = arith.addi %mul3A_319, %add3A_320 : i32
      %get3A_322 = arith.index_cast %add3A_321 : i32 to index
      %get3A_323 = tpu.vector_load %arg11[%get3A_322] {strides = array<i32>} : memref<10240xi32, #tpu.memory_space<vmem>>, vector<16xi32>,
      %get3A_324 = vector.shape_cast %get3A_323 : vector<16xi32> to vector<16xi32>
      %swap3A_325 = arith.constant 0 : index
      %swap3A_326 = tpu.vector_load %arg14[%swap3A_325] {strides = array<i32>} : memref<256xi32, #tpu.memory_space<vmem>>, vector<16xi32>,
      %swap3A_327 = vector.shape_cast %swap3A_326 : vector<16xi32> to vector<16xi32>
      %swap3A_328 = vector.shape_cast %get3A_324 : vector<16xi32> to vector<16xi32>
      tpu.vector_store %arg14[%swap3A_325], %swap3A_328 {strides = array<i32>} : memref<256xi32, #tpu.memory_space<vmem>>, vector<16xi32>,
      %mul3A_329 = arith.constant 256 : i32
      %mul3A_330 = arith.muli %add3A_89, %mul3A_329 : i32
      %add3A_331 = arith.constant 16 : i32
      %add3A_332 = arith.addi %mul3A_330, %add3A_331 : i32
      %get3A_333 = arith.index_cast %add3A_332 : i32 to index
      %get3A_334 = tpu.vector_load %arg11[%get3A_333] {strides = array<i32>} : memref<10240xi32, #tpu.memory_space<vmem>>, vector<16xi32>,
      %get3A_335 = vector.shape_cast %get3A_334 : vector<16xi32> to vector<16xi32>
      %swap3A_336 = arith.constant 16 : index
      %swap3A_337 = tpu.vector_load %arg14[%swap3A_336] {strides = array<i32>} : memref<256xi32, #tpu.memory_space<vmem>>, vector<16xi32>,
      %swap3A_338 = vector.shape_cast %swap3A_337 : vector<16xi32> to vector<16xi32>
      %swap3A_339 = vector.shape_cast %get3A_335 : vector<16xi32> to vector<16xi32>
      tpu.vector_store %arg14[%swap3A_336], %swap3A_339 {strides = array<i32>} : memref<256xi32, #tpu.memory_space<vmem>>, vector<16xi32>,
      %mul3A_340 = arith.constant 256 : i32
      %mul3A_341 = arith.muli %add3A_89, %mul3A_340 : i32
      %add3A_342 = arith.constant 32 : i32
      %add3A_343 = arith.addi %mul3A_341, %add3A_342 : i32
      %get3A_344 = arith.index_cast %add3A_343 : i32 to index
      %get3A_345 = tpu.vector_load %arg11[%get3A_344] {strides = array<i32>} : memref<10240xi32, #tpu.memory_space<vmem>>, vector<16xi32>,
      %get3A_346 = vector.shape_cast %get3A_345 : vector<16xi32> to vector<16xi32>
      %swap3A_347 = arith.constant 32 : index
      %swap3A_348 = tpu.vector_load %arg14[%swap3A_347] {strides = array<i32>} : memref<256xi32, #tpu.memory_space<vmem>>, vector<16xi32>,
      %swap3A_349 = vector.shape_cast %swap3A_348 : vector<16xi32> to vector<16xi32>
      %swap3A_350 = vector.shape_cast %get3A_346 : vector<16xi32> to vector<16xi32>
      tpu.vector_store %arg14[%swap3A_347], %swap3A_350 {strides = array<i32>} : memref<256xi32, #tpu.memory_space<vmem>>, vector<16xi32>,
      %mul3A_351 = arith.constant 256 : i32
      %mul3A_352 = arith.muli %add3A_89, %mul3A_351 : i32
      %add3A_353 = arith.constant 48 : i32
      %add3A_354 = arith.addi %mul3A_352, %add3A_353 : i32
      %get3A_355 = arith.index_cast %add3A_354 : i32 to index
      %get3A_356 = tpu.vector_load %arg11[%get3A_355] {strides = array<i32>} : memref<10240xi32, #tpu.memory_space<vmem>>, vector<16xi32>,
      %get3A_357 = vector.shape_cast %get3A_356 : vector<16xi32> to vector<16xi32>
      %swap3A_358 = arith.constant 48 : index
      %swap3A_359 = tpu.vector_load %arg14[%swap3A_358] {strides = array<i32>} : memref<256xi32, #tpu.memory_space<vmem>>, vector<16xi32>,
      %swap3A_360 = vector.shape_cast %swap3A_359 : vector<16xi32> to vector<16xi32>
      %swap3A_361 = vector.shape_cast %get3A_357 : vector<16xi32> to vector<16xi32>
      tpu.vector_store %arg14[%swap3A_358], %swap3A_361 {strides = array<i32>} : memref<256xi32, #tpu.memory_space<vmem>>, vector<16xi32>,
      %mul3A_362 = arith.constant 256 : i32
      %mul3A_363 = arith.muli %add3A_89, %mul3A_362 : i32
      %add3A_364 = arith.constant 64 : i32
      %add3A_365 = arith.addi %mul3A_363, %add3A_364 : i32
      %get3A_366 = arith.index_cast %add3A_365 : i32 to index
      %get3A_367 = tpu.vector_load %arg11[%get3A_366] {strides = array<i32>} : memref<10240xi32, #tpu.memory_space<vmem>>, vector<16xi32>,
      %get3A_368 = vector.shape_cast %get3A_367 : vector<16xi32> to vector<16xi32>
      %swap3A_369 = arith.constant 64 : index
      %swap3A_370 = tpu.vector_load %arg14[%swap3A_369] {strides = array<i32>} : memref<256xi32, #tpu.memory_space<vmem>>, vector<16xi32>,
      %swap3A_371 = vector.shape_cast %swap3A_370 : vector<16xi32> to vector<16xi32>
      %swap3A_372 = vector.shape_cast %get3A_368 : vector<16xi32> to vector<16xi32>
      tpu.vector_store %arg14[%swap3A_369], %swap3A_372 {strides = array<i32>} : memref<256xi32, #tpu.memory_space<vmem>>, vector<16xi32>,
      %mul3A_373 = arith.constant 256 : i32
      %mul3A_374 = arith.muli %add3A_89, %mul3A_373 : i32
      %add3A_375 = arith.constant 80 : i32
      %add3A_376 = arith.addi %mul3A_374, %add3A_375 : i32
      %get3A_377 = arith.index_cast %add3A_376 : i32 to index
      %get3A_378 = tpu.vector_load %arg11[%get3A_377] {strides = array<i32>} : memref<10240xi32, #tpu.memory_space<vmem>>, vector<16xi32>,
      %get3A_379 = vector.shape_cast %get3A_378 : vector<16xi32> to vector<16xi32>
      %swap3A_380 = arith.constant 80 : index
      %swap3A_381 = tpu.vector_load %arg14[%swap3A_380] {strides = array<i32>} : memref<256xi32, #tpu.memory_space<vmem>>, vector<16xi32>,
      %swap3A_382 = vector.shape_cast %swap3A_381 : vector<16xi32> to vector<16xi32>
      %swap3A_383 = vector.shape_cast %get3A_379 : vector<16xi32> to vector<16xi32>
      tpu.vector_store %arg14[%swap3A_380], %swap3A_383 {strides = array<i32>} : memref<256xi32, #tpu.memory_space<vmem>>, vector<16xi32>,
      %mul3A_384 = arith.constant 256 : i32
      %mul3A_385 = arith.muli %add3A_89, %mul3A_384 : i32
      %add3A_386 = arith.constant 96 : i32
      %add3A_387 = arith.addi %mul3A_385, %add3A_386 : i32
      %get3A_388 = arith.index_cast %add3A_387 : i32 to index
      %get3A_389 = tpu.vector_load %arg11[%get3A_388] {strides = array<i32>} : memref<10240xi32, #tpu.memory_space<vmem>>, vector<16xi32>,
      %get3A_390 = vector.shape_cast %get3A_389 : vector<16xi32> to vector<16xi32>
      %swap3A_391 = arith.constant 96 : index
      %swap3A_392 = tpu.vector_load %arg14[%swap3A_391] {strides = array<i32>} : memref<256xi32, #tpu.memory_space<vmem>>, vector<16xi32>,
      %swap3A_393 = vector.shape_cast %swap3A_392 : vector<16xi32> to vector<16xi32>
      %swap3A_394 = vector.shape_cast %get3A_390 : vector<16xi32> to vector<16xi32>
      tpu.vector_store %arg14[%swap3A_391], %swap3A_394 {strides = array<i32>} : memref<256xi32, #tpu.memory_space<vmem>>, vector<16xi32>,
      %mul3A_395 = arith.constant 256 : i32
      %mul3A_396 = arith.muli %add3A_89, %mul3A_395 : i32
      %add3A_397 = arith.constant 112 : i32
      %add3A_398 = arith.addi %mul3A_396, %add3A_397 : i32
      %get3A_399 = arith.index_cast %add3A_398 : i32 to index
      %get3A_400 = tpu.vector_load %arg11[%get3A_399] {strides = array<i32>} : memref<10240xi32, #tpu.memory_space<vmem>>, vector<16xi32>,
      %get3A_401 = vector.shape_cast %get3A_400 : vector<16xi32> to vector<16xi32>
      %swap3A_402 = arith.constant 112 : index
      %swap3A_403 = tpu.vector_load %arg14[%swap3A_402] {strides = array<i32>} : memref<256xi32, #tpu.memory_space<vmem>>, vector<16xi32>,
      %swap3A_404 = vector.shape_cast %swap3A_403 : vector<16xi32> to vector<16xi32>
      %swap3A_405 = vector.shape_cast %get3A_401 : vector<16xi32> to vector<16xi32>
      tpu.vector_store %arg14[%swap3A_402], %swap3A_405 {strides = array<i32>} : memref<256xi32, #tpu.memory_space<vmem>>, vector<16xi32>,
      %mul3A_406 = arith.constant 256 : i32
      %mul3A_407 = arith.muli %add3A_89, %mul3A_406 : i32
      %add3A_408 = arith.constant 128 : i32
      %add3A_409 = arith.addi %mul3A_407, %add3A_408 : i32
      %get3A_410 = arith.index_cast %add3A_409 : i32 to index
      %get3A_411 = tpu.vector_load %arg11[%get3A_410] {strides = array<i32>} : memref<10240xi32, #tpu.memory_space<vmem>>, vector<16xi32>,
      %get3A_412 = vector.shape_cast %get3A_411 : vector<16xi32> to vector<16xi32>
      %swap3A_413 = arith.constant 128 : index
      %swap3A_414 = tpu.vector_load %arg14[%swap3A_413] {strides = array<i32>} : memref<256xi32, #tpu.memory_space<vmem>>, vector<16xi32>,
      %swap3A_415 = vector.shape_cast %swap3A_414 : vector<16xi32> to vector<16xi32>
      %swap3A_416 = vector.shape_cast %get3A_412 : vector<16xi32> to vector<16xi32>
      tpu.vector_store %arg14[%swap3A_413], %swap3A_416 {strides = array<i32>} : memref<256xi32, #tpu.memory_space<vmem>>, vector<16xi32>,
      %mul3A_417 = arith.constant 256 : i32
      %mul3A_418 = arith.muli %add3A_89, %mul3A_417 : i32
      %add3A_419 = arith.constant 144 : i32
      %add3A_420 = arith.addi %mul3A_418, %add3A_419 : i32
      %get3A_421 = arith.index_cast %add3A_420 : i32 to index
      %get3A_422 = tpu.vector_load %arg11[%get3A_421] {strides = array<i32>} : memref<10240xi32, #tpu.memory_space<vmem>>, vector<16xi32>,
      %get3A_423 = vector.shape_cast %get3A_422 : vector<16xi32> to vector<16xi32>
      %swap3A_424 = arith.constant 144 : index
      %swap3A_425 = tpu.vector_load %arg14[%swap3A_424] {strides = array<i32>} : memref<256xi32, #tpu.memory_space<vmem>>, vector<16xi32>,
      %swap3A_426 = vector.shape_cast %swap3A_425 : vector<16xi32> to vector<16xi32>
      %swap3A_427 = vector.shape_cast %get3A_423 : vector<16xi32> to vector<16xi32>
      tpu.vector_store %arg14[%swap3A_424], %swap3A_427 {strides = array<i32>} : memref<256xi32, #tpu.memory_space<vmem>>, vector<16xi32>,
      %mul3A_428 = arith.constant 256 : i32
      %mul3A_429 = arith.muli %add3A_89, %mul3A_428 : i32
      %add3A_430 = arith.constant 160 : i32
      %add3A_431 = arith.addi %mul3A_429, %add3A_430 : i32
      %get3A_432 = arith.index_cast %add3A_431 : i32 to index
      %get3A_433 = tpu.vector_load %arg11[%get3A_432] {strides = array<i32>} : memref<10240xi32, #tpu.memory_space<vmem>>, vector<16xi32>,
      %get3A_434 = vector.shape_cast %get3A_433 : vector<16xi32> to vector<16xi32>
      %swap3A_435 = arith.constant 160 : index
      %swap3A_436 = tpu.vector_load %arg14[%swap3A_435] {strides = array<i32>} : memref<256xi32, #tpu.memory_space<vmem>>, vector<16xi32>,
      %swap3A_437 = vector.shape_cast %swap3A_436 : vector<16xi32> to vector<16xi32>
      %swap3A_438 = vector.shape_cast %get3A_434 : vector<16xi32> to vector<16xi32>
      tpu.vector_store %arg14[%swap3A_435], %swap3A_438 {strides = array<i32>} : memref<256xi32, #tpu.memory_space<vmem>>, vector<16xi32>,
      %mul3A_439 = arith.constant 256 : i32
      %mul3A_440 = arith.muli %add3A_89, %mul3A_439 : i32
      %add3A_441 = arith.constant 176 : i32
      %add3A_442 = arith.addi %mul3A_440, %add3A_441 : i32
      %get3A_443 = arith.index_cast %add3A_442 : i32 to index
      %get3A_444 = tpu.vector_load %arg11[%get3A_443] {strides = array<i32>} : memref<10240xi32, #tpu.memory_space<vmem>>, vector<16xi32>,
      %get3A_445 = vector.shape_cast %get3A_444 : vector<16xi32> to vector<16xi32>
      %swap3A_446 = arith.constant 176 : index
      %swap3A_447 = tpu.vector_load %arg14[%swap3A_446] {strides = array<i32>} : memref<256xi32, #tpu.memory_space<vmem>>, vector<16xi32>,
      %swap3A_448 = vector.shape_cast %swap3A_447 : vector<16xi32> to vector<16xi32>
      %swap3A_449 = vector.shape_cast %get3A_445 : vector<16xi32> to vector<16xi32>
      tpu.vector_store %arg14[%swap3A_446], %swap3A_449 {strides = array<i32>} : memref<256xi32, #tpu.memory_space<vmem>>, vector<16xi32>,
      %mul3A_450 = arith.constant 256 : i32
      %mul3A_451 = arith.muli %add3A_89, %mul3A_450 : i32
      %add3A_452 = arith.constant 192 : i32
      %add3A_453 = arith.addi %mul3A_451, %add3A_452 : i32
      %get3A_454 = arith.index_cast %add3A_453 : i32 to index
      %get3A_455 = tpu.vector_load %arg11[%get3A_454] {strides = array<i32>} : memref<10240xi32, #tpu.memory_space<vmem>>, vector<16xi32>,
      %get3A_456 = vector.shape_cast %get3A_455 : vector<16xi32> to vector<16xi32>
      %swap3A_457 = arith.constant 192 : index
      %swap3A_458 = tpu.vector_load %arg14[%swap3A_457] {strides = array<i32>} : memref<256xi32, #tpu.memory_space<vmem>>, vector<16xi32>,
      %swap3A_459 = vector.shape_cast %swap3A_458 : vector<16xi32> to vector<16xi32>
      %swap3A_460 = vector.shape_cast %get3A_456 : vector<16xi32> to vector<16xi32>
      tpu.vector_store %arg14[%swap3A_457], %swap3A_460 {strides = array<i32>} : memref<256xi32, #tpu.memory_space<vmem>>, vector<16xi32>,
      %mul3A_461 = arith.constant 256 : i32
      %mul3A_462 = arith.muli %add3A_89, %mul3A_461 : i32
      %add3A_463 = arith.constant 208 : i32
      %add3A_464 = arith.addi %mul3A_462, %add3A_463 : i32
      %get3A_465 = arith.index_cast %add3A_464 : i32 to index
      %get3A_466 = tpu.vector_load %arg11[%get3A_465] {strides = array<i32>} : memref<10240xi32, #tpu.memory_space<vmem>>, vector<16xi32>,
      %get3A_467 = vector.shape_cast %get3A_466 : vector<16xi32> to vector<16xi32>
      %swap3A_468 = arith.constant 208 : index
      %swap3A_469 = tpu.vector_load %arg14[%swap3A_468] {strides = array<i32>} : memref<256xi32, #tpu.memory_space<vmem>>, vector<16xi32>,
      %swap3A_470 = vector.shape_cast %swap3A_469 : vector<16xi32> to vector<16xi32>
      %swap3A_471 = vector.shape_cast %get3A_467 : vector<16xi32> to vector<16xi32>
      tpu.vector_store %arg14[%swap3A_468], %swap3A_471 {strides = array<i32>} : memref<256xi32, #tpu.memory_space<vmem>>, vector<16xi32>,
      %mul3A_472 = arith.constant 256 : i32
      %mul3A_473 = arith.muli %add3A_89, %mul3A_472 : i32
      %add3A_474 = arith.constant 224 : i32
      %add3A_475 = arith.addi %mul3A_473, %add3A_474 : i32
      %get3A_476 = arith.index_cast %add3A_475 : i32 to index
      %get3A_477 = tpu.vector_load %arg11[%get3A_476] {strides = array<i32>} : memref<10240xi32, #tpu.memory_space<vmem>>, vector<16xi32>,
      %get3A_478 = vector.shape_cast %get3A_477 : vector<16xi32> to vector<16xi32>
      %swap3A_479 = arith.constant 224 : index
      %swap3A_480 = tpu.vector_load %arg14[%swap3A_479] {strides = array<i32>} : memref<256xi32, #tpu.memory_space<vmem>>, vector<16xi32>,
      %swap3A_481 = vector.shape_cast %swap3A_480 : vector<16xi32> to vector<16xi32>
      %swap3A_482 = vector.shape_cast %get3A_478 : vector<16xi32> to vector<16xi32>
      tpu.vector_store %arg14[%swap3A_479], %swap3A_482 {strides = array<i32>} : memref<256xi32, #tpu.memory_space<vmem>>, vector<16xi32>,
      %mul3A_483 = arith.constant 256 : i32
      %mul3A_484 = arith.muli %add3A_89, %mul3A_483 : i32
      %add3A_485 = arith.constant 240 : i32
      %add3A_486 = arith.addi %mul3A_484, %add3A_485 : i32
      %get3A_487 = arith.index_cast %add3A_486 : i32 to index
      %get3A_488 = tpu.vector_load %arg11[%get3A_487] {strides = array<i32>} : memref<10240xi32, #tpu.memory_space<vmem>>, vector<16xi32>,
      %get3A_489 = vector.shape_cast %get3A_488 : vector<16xi32> to vector<16xi32>
      %swap3A_490 = arith.constant 240 : index
      %swap3A_491 = tpu.vector_load %arg14[%swap3A_490] {strides = array<i32>} : memref<256xi32, #tpu.memory_space<vmem>>, vector<16xi32>,
      %swap3A_492 = vector.shape_cast %swap3A_491 : vector<16xi32> to vector<16xi32>
      %swap3A_493 = vector.shape_cast %get3A_489 : vector<16xi32> to vector<16xi32>
      tpu.vector_store %arg14[%swap3A_490], %swap3A_493 {strides = array<i32>} : memref<256xi32, #tpu.memory_space<vmem>>, vector<16xi32>,
      %scan3A_494 = arith.constant 0 : i32
      %scan3A_495 = arith.constant 0 : i32
      %scan3A_496 = arith.constant 16 : i32
      %scan3A_497 = arith.addi %scan3A_495, %scan3A_496 : i32
      %scan3A_498 = arith.constant 1 : i32
      %scan3A_499 = scf.for %scan3A_502 = %scan3A_495 to %scan3A_497 step %scan3A_498 iter_args(%scan3A_503 = %scan3A_494) -> (i32)  : i32 {
        %mul3A_504 = arith.constant 16 : i32
        %mul3A_505 = arith.muli %scan3A_502, %mul3A_504 : i32
        %get3A_506 = arith.index_cast %mul3A_505 : i32 to index
        %get3A_507 = tpu.vector_load %arg18[%get3A_506] {strides = array<i32>} : memref<256xf32, #tpu.memory_space<vmem>>, vector<16xf32>,
        %get3A_508 = vector.shape_cast %get3A_507 : vector<16xf32> to vector<16xf32>
        %max3A = arith.maximumf %get3A_508, %broadcast_in_dim3A_3 : vector<16xf32>
        %div3A = arith.divf %broadcast_in_dim3A_3, %max3A : vector<16xf32>
        %mul3A_509 = arith.constant 256 : i32
        %mul3A_510 = arith.muli %add3A_89, %mul3A_509 : i32
        %mul3A_511 = arith.constant 16 : i32
        %mul3A_512 = arith.muli %scan3A_502, %mul3A_511 : i32
        %add3A_513 = arith.addi %mul3A_510, %mul3A_512 : i32
        %swap3A_514 = arith.index_cast %add3A_513 : i32 to index
        %swap3A_515 = tpu.vector_load %arg13[%swap3A_514] {strides = array<i32>} : memref<10240xf32, #tpu.memory_space<vmem>>, vector<16xf32>,
        %swap3A_516 = vector.shape_cast %swap3A_515 : vector<16xf32> to vector<16xf32>
        %swap3A_517 = vector.shape_cast %div3A : vector<16xf32> to vector<16xf32>
        tpu.vector_store %arg13[%swap3A_514], %swap3A_517 {strides = array<i32>} : memref<10240xf32, #tpu.memory_space<vmem>>, vector<16xf32>,
        %mul3A_518 = arith.constant 16 : i32
        %mul3A_519 = arith.muli %scan3A_502, %mul3A_518 : i32
        %add3A_520 = arith.constant 0 : i32
        %add3A_521 = arith.addi %mul3A_519, %add3A_520 : i32
        %slice3A = vector.extract_strided_slice %div3A {offsets = [0], sizes = [1], strides = [1]} : vector<16xf32> to vector<1xf32>
        %squeeze3A = vector.extract %slice3A[0] : f32 from vector<1xf32>
        %get3A_522 = arith.index_cast %add3A_521 : i32 to index
        %get3A_523 = arith.constant 0 : index
        %get3A_524 = tpu.vector_load %arg16[%get3A_522, %get3A_523] {strides = array<i32>} : memref<256x64xf32, #tpu.memory_space<vmem>>, vector<1x16xf32>,
        %get3A_525 = vector.shape_cast %get3A_524 : vector<1x16xf32> to vector<16xf32>
        %mul3A_526 = vector.broadcast %squeeze3A : f32 to vector<16xf32>
        %mul3A_527 = arith.mulf %get3A_525, %mul3A_526 : vector<16xf32>
        %swap3A_528 = arith.index_cast %add3A_521 : i32 to index
        %swap3A_529 = arith.constant 0 : index
        %swap3A_530 = tpu.vector_load %arg16[%swap3A_528, %swap3A_529] {strides = array<i32>} : memref<256x64xf32, #tpu.memory_space<vmem>>, vector<1x16xf32>,
        %swap3A_531 = vector.shape_cast %swap3A_530 : vector<1x16xf32> to vector<16xf32>
        %swap3A_532 = vector.shape_cast %mul3A_527 : vector<16xf32> to vector<1x16xf32>
        tpu.vector_store %arg16[%swap3A_528, %swap3A_529], %swap3A_532 {strides = array<i32>} : memref<256x64xf32, #tpu.memory_space<vmem>>, vector<1x16xf32>,
        %get3A_533 = arith.index_cast %add3A_521 : i32 to index
        %get3A_534 = arith.constant 16 : index
        %get3A_535 = tpu.vector_load %arg16[%get3A_533, %get3A_534] {strides = array<i32>} : memref<256x64xf32, #tpu.memory_space<vmem>>, vector<1x16xf32>,
        %get3A_536 = vector.shape_cast %get3A_535 : vector<1x16xf32> to vector<16xf32>
        %mul3A_537 = vector.broadcast %squeeze3A : f32 to vector<16xf32>
        %mul3A_538 = arith.mulf %get3A_536, %mul3A_537 : vector<16xf32>
        %swap3A_539 = arith.index_cast %add3A_521 : i32 to index
        %swap3A_540 = arith.constant 16 : index
        %swap3A_541 = tpu.vector_load %arg16[%swap3A_539, %swap3A_540] {strides = array<i32>} : memref<256x64xf32, #tpu.memory_space<vmem>>, vector<1x16xf32>,
        %swap3A_542 = vector.shape_cast %swap3A_541 : vector<1x16xf32> to vector<16xf32>
        %swap3A_543 = vector.shape_cast %mul3A_538 : vector<16xf32> to vector<1x16xf32>
        tpu.vector_store %arg16[%swap3A_539, %swap3A_540], %swap3A_543 {strides = array<i32>} : memref<256x64xf32, #tpu.memory_space<vmem>>, vector<1x16xf32>,
        %get3A_544 = arith.index_cast %add3A_521 : i32 to index
        %get3A_545 = arith.constant 32 : index
        %get3A_546 = tpu.vector_load %arg16[%get3A_544, %get3A_545] {strides = array<i32>} : memref<256x64xf32, #tpu.memory_space<vmem>>, vector<1x16xf32>,
        %get3A_547 = vector.shape_cast %get3A_546 : vector<1x16xf32> to vector<16xf32>
        %mul3A_548 = vector.broadcast %squeeze3A : f32 to vector<16xf32>
        %mul3A_549 = arith.mulf %get3A_547, %mul3A_548 : vector<16xf32>
        %swap3A_550 = arith.index_cast %add3A_521 : i32 to index
        %swap3A_551 = arith.constant 32 : index
        %swap3A_552 = tpu.vector_load %arg16[%swap3A_550, %swap3A_551] {strides = array<i32>} : memref<256x64xf32, #tpu.memory_space<vmem>>, vector<1x16xf32>,
        %swap3A_553 = vector.shape_cast %swap3A_552 : vector<1x16xf32> to vector<16xf32>
        %swap3A_554 = vector.shape_cast %mul3A_549 : vector<16xf32> to vector<1x16xf32>
        tpu.vector_store %arg16[%swap3A_550, %swap3A_551], %swap3A_554 {strides = array<i32>} : memref<256x64xf32, #tpu.memory_space<vmem>>, vector<1x16xf32>,
        %get3A_555 = arith.index_cast %add3A_521 : i32 to index
        %get3A_556 = arith.constant 48 : index
        %get3A_557 = tpu.vector_load %arg16[%get3A_555, %get3A_556] {strides = array<i32>} : memref<256x64xf32, #tpu.memory_space<vmem>>, vector<1x16xf32>,
        %get3A_558 = vector.shape_cast %get3A_557 : vector<1x16xf32> to vector<16xf32>
        %mul3A_559 = vector.broadcast %squeeze3A : f32 to vector<16xf32>
        %mul3A_560 = arith.mulf %get3A_558, %mul3A_559 : vector<16xf32>
        %swap3A_561 = arith.index_cast %add3A_521 : i32 to index
        %swap3A_562 = arith.constant 48 : index
        %swap3A_563 = tpu.vector_load %arg16[%swap3A_561, %swap3A_562] {strides = array<i32>} : memref<256x64xf32, #tpu.memory_space<vmem>>, vector<1x16xf32>,
        %swap3A_564 = vector.shape_cast %swap3A_563 : vector<1x16xf32> to vector<16xf32>
        %swap3A_565 = vector.shape_cast %mul3A_560 : vector<16xf32> to vector<1x16xf32>
        tpu.vector_store %arg16[%swap3A_561, %swap3A_562], %swap3A_565 {strides = array<i32>} : memref<256x64xf32, #tpu.memory_space<vmem>>, vector<1x16xf32>,
        %mul3A_566 = arith.constant 16 : i32
        %mul3A_567 = arith.muli %scan3A_502, %mul3A_566 : i32
        %add3A_568 = arith.constant 1 : i32
        %add3A_569 = arith.addi %mul3A_567, %add3A_568 : i32
        %slice3A_570 = vector.extract_strided_slice %div3A {offsets = [1], sizes = [1], strides = [1]} : vector<16xf32> to vector<1xf32>
        %squeeze3A_571 = vector.extract %slice3A_570[0] : f32 from vector<1xf32>
        %get3A_572 = arith.index_cast %add3A_569 : i32 to index
        %get3A_573 = arith.constant 0 : index
        %get3A_574 = tpu.vector_load %arg16[%get3A_572, %get3A_573] {strides = array<i32>} : memref<256x64xf32, #tpu.memory_space<vmem>>, vector<1x16xf32>,
        %get3A_575 = vector.shape_cast %get3A_574 : vector<1x16xf32> to vector<16xf32>
        %mul3A_576 = vector.broadcast %squeeze3A_571 : f32 to vector<16xf32>
        %mul3A_577 = arith.mulf %get3A_575, %mul3A_576 : vector<16xf32>
        %swap3A_578 = arith.index_cast %add3A_569 : i32 to index
        %swap3A_579 = arith.constant 0 : index
        %swap3A_580 = tpu.vector_load %arg16[%swap3A_578, %swap3A_579] {strides = array<i32>} : memref<256x64xf32, #tpu.memory_space<vmem>>, vector<1x16xf32>,
        %swap3A_581 = vector.shape_cast %swap3A_580 : vector<1x16xf32> to vector<16xf32>
        %swap3A_582 = vector.shape_cast %mul3A_577 : vector<16xf32> to vector<1x16xf32>
        tpu.vector_store %arg16[%swap3A_578, %swap3A_579], %swap3A_582 {strides = array<i32>} : memref<256x64xf32, #tpu.memory_space<vmem>>, vector<1x16xf32>,
        %get3A_583 = arith.index_cast %add3A_569 : i32 to index
        %get3A_584 = arith.constant 16 : index
        %get3A_585 = tpu.vector_load %arg16[%get3A_583, %get3A_584] {strides = array<i32>} : memref<256x64xf32, #tpu.memory_space<vmem>>, vector<1x16xf32>,
        %get3A_586 = vector.shape_cast %get3A_585 : vector<1x16xf32> to vector<16xf32>
        %mul3A_587 = vector.broadcast %squeeze3A_571 : f32 to vector<16xf32>
        %mul3A_588 = arith.mulf %get3A_586, %mul3A_587 : vector<16xf32>
        %swap3A_589 = arith.index_cast %add3A_569 : i32 to index
        %swap3A_590 = arith.constant 16 : index
        %swap3A_591 = tpu.vector_load %arg16[%swap3A_589, %swap3A_590] {strides = array<i32>} : memref<256x64xf32, #tpu.memory_space<vmem>>, vector<1x16xf32>,
        %swap3A_592 = vector.shape_cast %swap3A_591 : vector<1x16xf32> to vector<16xf32>
        %swap3A_593 = vector.shape_cast %mul3A_588 : vector<16xf32> to vector<1x16xf32>
        tpu.vector_store %arg16[%swap3A_589, %swap3A_590], %swap3A_593 {strides = array<i32>} : memref<256x64xf32, #tpu.memory_space<vmem>>, vector<1x16xf32>,
        %get3A_594 = arith.index_cast %add3A_569 : i32 to index
        %get3A_595 = arith.constant 32 : index
        %get3A_596 = tpu.vector_load %arg16[%get3A_594, %get3A_595] {strides = array<i32>} : memref<256x64xf32, #tpu.memory_space<vmem>>, vector<1x16xf32>,
        %get3A_597 = vector.shape_cast %get3A_596 : vector<1x16xf32> to vector<16xf32>
        %mul3A_598 = vector.broadcast %squeeze3A_571 : f32 to vector<16xf32>
        %mul3A_599 = arith.mulf %get3A_597, %mul3A_598 : vector<16xf32>
        %swap3A_600 = arith.index_cast %add3A_569 : i32 to index
        %swap3A_601 = arith.constant 32 : index
        %swap3A_602 = tpu.vector_load %arg16[%swap3A_600, %swap3A_601] {strides = array<i32>} : memref<256x64xf32, #tpu.memory_space<vmem>>, vector<1x16xf32>,
        %swap3A_603 = vector.shape_cast %swap3A_602 : vector<1x16xf32> to vector<16xf32>
        %swap3A_604 = vector.shape_cast %mul3A_599 : vector<16xf32> to vector<1x16xf32>
        tpu.vector_store %arg16[%swap3A_600, %swap3A_601], %swap3A_604 {strides = array<i32>} : memref<256x64xf32, #tpu.memory_space<vmem>>, vector<1x16xf32>,
        %get3A_605 = arith.index_cast %add3A_569 : i32 to index
        %get3A_606 = arith.constant 48 : index
        %get3A_607 = tpu.vector_load %arg16[%get3A_605, %get3A_606] {strides = array<i32>} : memref<256x64xf32, #tpu.memory_space<vmem>>, vector<1x16xf32>,
        %get3A_608 = vector.shape_cast %get3A_607 : vector<1x16xf32> to vector<16xf32>
        %mul3A_609 = vector.broadcast %squeeze3A_571 : f32 to vector<16xf32>
        %mul3A_610 = arith.mulf %get3A_608, %mul3A_609 : vector<16xf32>
        %swap3A_611 = arith.index_cast %add3A_569 : i32 to index
        %swap3A_612 = arith.constant 48 : index
        %swap3A_613 = tpu.vector_load %arg16[%swap3A_611, %swap3A_612] {strides = array<i32>} : memref<256x64xf32, #tpu.memory_space<vmem>>, vector<1x16xf32>,
        %swap3A_614 = vector.shape_cast %swap3A_613 : vector<1x16xf32> to vector<16xf32>
        %swap3A_615 = vector.shape_cast %mul3A_610 : vector<16xf32> to vector<1x16xf32>
        tpu.vector_store %arg16[%swap3A_611, %swap3A_612], %swap3A_615 {strides = array<i32>} : memref<256x64xf32, #tpu.memory_space<vmem>>, vector<1x16xf32>,
        %mul3A_616 = arith.constant 16 : i32
        %mul3A_617 = arith.muli %scan3A_502, %mul3A_616 : i32
        %add3A_618 = arith.constant 2 : i32
        %add3A_619 = arith.addi %mul3A_617, %add3A_618 : i32
        %slice3A_620 = vector.extract_strided_slice %div3A {offsets = [2], sizes = [1], strides = [1]} : vector<16xf32> to vector<1xf32>
        %squeeze3A_621 = vector.extract %slice3A_620[0] : f32 from vector<1xf32>
        %get3A_622 = arith.index_cast %add3A_619 : i32 to index
        %get3A_623 = arith.constant 0 : index
        %get3A_624 = tpu.vector_load %arg16[%get3A_622, %get3A_623] {strides = array<i32>} : memref<256x64xf32, #tpu.memory_space<vmem>>, vector<1x16xf32>,
        %get3A_625 = vector.shape_cast %get3A_624 : vector<1x16xf32> to vector<16xf32>
        %mul3A_626 = vector.broadcast %squeeze3A_621 : f32 to vector<16xf32>
        %mul3A_627 = arith.mulf %get3A_625, %mul3A_626 : vector<16xf32>
        %swap3A_628 = arith.index_cast %add3A_619 : i32 to index
        %swap3A_629 = arith.constant 0 : index
        %swap3A_630 = tpu.vector_load %arg16[%swap3A_628, %swap3A_629] {strides = array<i32>} : memref<256x64xf32, #tpu.memory_space<vmem>>, vector<1x16xf32>,
        %swap3A_631 = vector.shape_cast %swap3A_630 : vector<1x16xf32> to vector<16xf32>
        %swap3A_632 = vector.shape_cast %mul3A_627 : vector<16xf32> to vector<1x16xf32>
        tpu.vector_store %arg16[%swap3A_628, %swap3A_629], %swap3A_632 {strides = array<i32>} : memref<256x64xf32, #tpu.memory_space<vmem>>, vector<1x16xf32>,
        %get3A_633 = arith.index_cast %add3A_619 : i32 to index
        %get3A_634 = arith.constant 16 : index
        %get3A_635 = tpu.vector_load %arg16[%get3A_633, %get3A_634] {strides = array<i32>} : memref<256x64xf32, #tpu.memory_space<vmem>>, vector<1x16xf32>,
        %get3A_636 = vector.shape_cast %get3A_635 : vector<1x16xf32> to vector<16xf32>
        %mul3A_637 = vector.broadcast %squeeze3A_621 : f32 to vector<16xf32>
        %mul3A_638 = arith.mulf %get3A_636, %mul3A_637 : vector<16xf32>
        %swap3A_639 = arith.index_cast %add3A_619 : i32 to index
        %swap3A_640 = arith.constant 16 : index
        %swap3A_641 = tpu.vector_load %arg16[%swap3A_639, %swap3A_640] {strides = array<i32>} : memref<256x64xf32, #tpu.memory_space<vmem>>, vector<1x16xf32>,
        %swap3A_642 = vector.shape_cast %swap3A_641 : vector<1x16xf32> to vector<16xf32>
        %swap3A_643 = vector.shape_cast %mul3A_638 : vector<16xf32> to vector<1x16xf32>
        tpu.vector_store %arg16[%swap3A_639, %swap3A_640], %swap3A_643 {strides = array<i32>} : memref<256x64xf32, #tpu.memory_space<vmem>>, vector<1x16xf32>,
        %get3A_644 = arith.index_cast %add3A_619 : i32 to index
        %get3A_645 = arith.constant 32 : index
        %get3A_646 = tpu.vector_load %arg16[%get3A_644, %get3A_645] {strides = array<i32>} : memref<256x64xf32, #tpu.memory_space<vmem>>, vector<1x16xf32>,
        %get3A_647 = vector.shape_cast %get3A_646 : vector<1x16xf32> to vector<16xf32>
        %mul3A_648 = vector.broadcast %squeeze3A_621 : f32 to vector<16xf32>
        %mul3A_649 = arith.mulf %get3A_647, %mul3A_648 : vector<16xf32>
        %swap3A_650 = arith.index_cast %add3A_619 : i32 to index
        %swap3A_651 = arith.constant 32 : index
        %swap3A_652 = tpu.vector_load %arg16[%swap3A_650, %swap3A_651] {strides = array<i32>} : memref<256x64xf32, #tpu.memory_space<vmem>>, vector<1x16xf32>,
        %swap3A_653 = vector.shape_cast %swap3A_652 : vector<1x16xf32> to vector<16xf32>
        %swap3A_654 = vector.shape_cast %mul3A_649 : vector<16xf32> to vector<1x16xf32>
        tpu.vector_store %arg16[%swap3A_650, %swap3A_651], %swap3A_654 {strides = array<i32>} : memref<256x64xf32, #tpu.memory_space<vmem>>, vector<1x16xf32>,
        %get3A_655 = arith.index_cast %add3A_619 : i32 to index
        %get3A_656 = arith.constant 48 : index
        %get3A_657 = tpu.vector_load %arg16[%get3A_655, %get3A_656] {strides = array<i32>} : memref<256x64xf32, #tpu.memory_space<vmem>>, vector<1x16xf32>,
        %get3A_658 = vector.shape_cast %get3A_657 : vector<1x16xf32> to vector<16xf32>
        %mul3A_659 = vector.broadcast %squeeze3A_621 : f32 to vector<16xf32>
        %mul3A_660 = arith.mulf %get3A_658, %mul3A_659 : vector<16xf32>
        %swap3A_661 = arith.index_cast %add3A_619 : i32 to index
        %swap3A_662 = arith.constant 48 : index
        %swap3A_663 = tpu.vector_load %arg16[%swap3A_661, %swap3A_662] {strides = array<i32>} : memref<256x64xf32, #tpu.memory_space<vmem>>, vector<1x16xf32>,
        %swap3A_664 = vector.shape_cast %swap3A_663 : vector<1x16xf32> to vector<16xf32>
        %swap3A_665 = vector.shape_cast %mul3A_660 : vector<16xf32> to vector<1x16xf32>
        tpu.vector_store %arg16[%swap3A_661, %swap3A_662], %swap3A_665 {strides = array<i32>} : memref<256x64xf32, #tpu.memory_space<vmem>>, vector<1x16xf32>,
        %mul3A_666 = arith.constant 16 : i32
        %mul3A_667 = arith.muli %scan3A_502, %mul3A_666 : i32
        %add3A_668 = arith.constant 3 : i32
        %add3A_669 = arith.addi %mul3A_667, %add3A_668 : i32
        %slice3A_670 = vector.extract_strided_slice %div3A {offsets = [3], sizes = [1], strides = [1]} : vector<16xf32> to vector<1xf32>
        %squeeze3A_671 = vector.extract %slice3A_670[0] : f32 from vector<1xf32>
        %get3A_672 = arith.index_cast %add3A_669 : i32 to index
        %get3A_673 = arith.constant 0 : index
        %get3A_674 = tpu.vector_load %arg16[%get3A_672, %get3A_673] {strides = array<i32>} : memref<256x64xf32, #tpu.memory_space<vmem>>, vector<1x16xf32>,
        %get3A_675 = vector.shape_cast %get3A_674 : vector<1x16xf32> to vector<16xf32>
        %mul3A_676 = vector.broadcast %squeeze3A_671 : f32 to vector<16xf32>
        %mul3A_677 = arith.mulf %get3A_675, %mul3A_676 : vector<16xf32>
        %swap3A_678 = arith.index_cast %add3A_669 : i32 to index
        %swap3A_679 = arith.constant 0 : index
        %swap3A_680 = tpu.vector_load %arg16[%swap3A_678, %swap3A_679] {strides = array<i32>} : memref<256x64xf32, #tpu.memory_space<vmem>>, vector<1x16xf32>,
        %swap3A_681 = vector.shape_cast %swap3A_680 : vector<1x16xf32> to vector<16xf32>
        %swap3A_682 = vector.shape_cast %mul3A_677 : vector<16xf32> to vector<1x16xf32>
        tpu.vector_store %arg16[%swap3A_678, %swap3A_679], %swap3A_682 {strides = array<i32>} : memref<256x64xf32, #tpu.memory_space<vmem>>, vector<1x16xf32>,
        %get3A_683 = arith.index_cast %add3A_669 : i32 to index
        %get3A_684 = arith.constant 16 : index
        %get3A_685 = tpu.vector_load %arg16[%get3A_683, %get3A_684] {strides = array<i32>} : memref<256x64xf32, #tpu.memory_space<vmem>>, vector<1x16xf32>,
        %get3A_686 = vector.shape_cast %get3A_685 : vector<1x16xf32> to vector<16xf32>
        %mul3A_687 = vector.broadcast %squeeze3A_671 : f32 to vector<16xf32>
        %mul3A_688 = arith.mulf %get3A_686, %mul3A_687 : vector<16xf32>
        %swap3A_689 = arith.index_cast %add3A_669 : i32 to index
        %swap3A_690 = arith.constant 16 : index
        %swap3A_691 = tpu.vector_load %arg16[%swap3A_689, %swap3A_690] {strides = array<i32>} : memref<256x64xf32, #tpu.memory_space<vmem>>, vector<1x16xf32>,
        %swap3A_692 = vector.shape_cast %swap3A_691 : vector<1x16xf32> to vector<16xf32>
        %swap3A_693 = vector.shape_cast %mul3A_688 : vector<16xf32> to vector<1x16xf32>
        tpu.vector_store %arg16[%swap3A_689, %swap3A_690], %swap3A_693 {strides = array<i32>} : memref<256x64xf32, #tpu.memory_space<vmem>>, vector<1x16xf32>,
        %get3A_694 = arith.index_cast %add3A_669 : i32 to index
        %get3A_695 = arith.constant 32 : index
        %get3A_696 = tpu.vector_load %arg16[%get3A_694, %get3A_695] {strides = array<i32>} : memref<256x64xf32, #tpu.memory_space<vmem>>, vector<1x16xf32>,
        %get3A_697 = vector.shape_cast %get3A_696 : vector<1x16xf32> to vector<16xf32>
        %mul3A_698 = vector.broadcast %squeeze3A_671 : f32 to vector<16xf32>
        %mul3A_699 = arith.mulf %get3A_697, %mul3A_698 : vector<16xf32>
        %swap3A_700 = arith.index_cast %add3A_669 : i32 to index
        %swap3A_701 = arith.constant 32 : index
        %swap3A_702 = tpu.vector_load %arg16[%swap3A_700, %swap3A_701] {strides = array<i32>} : memref<256x64xf32, #tpu.memory_space<vmem>>, vector<1x16xf32>,
        %swap3A_703 = vector.shape_cast %swap3A_702 : vector<1x16xf32> to vector<16xf32>
        %swap3A_704 = vector.shape_cast %mul3A_699 : vector<16xf32> to vector<1x16xf32>
        tpu.vector_store %arg16[%swap3A_700, %swap3A_701], %swap3A_704 {strides = array<i32>} : memref<256x64xf32, #tpu.memory_space<vmem>>, vector<1x16xf32>,
        %get3A_705 = arith.index_cast %add3A_669 : i32 to index
        %get3A_706 = arith.constant 48 : index
        %get3A_707 = tpu.vector_load %arg16[%get3A_705, %get3A_706] {strides = array<i32>} : memref<256x64xf32, #tpu.memory_space<vmem>>, vector<1x16xf32>,
        %get3A_708 = vector.shape_cast %get3A_707 : vector<1x16xf32> to vector<16xf32>
        %mul3A_709 = vector.broadcast %squeeze3A_671 : f32 to vector<16xf32>
        %mul3A_710 = arith.mulf %get3A_708, %mul3A_709 : vector<16xf32>
        %swap3A_711 = arith.index_cast %add3A_669 : i32 to index
        %swap3A_712 = arith.constant 48 : index
        %swap3A_713 = tpu.vector_load %arg16[%swap3A_711, %swap3A_712] {strides = array<i32>} : memref<256x64xf32, #tpu.memory_space<vmem>>, vector<1x16xf32>,
        %swap3A_714 = vector.shape_cast %swap3A_713 : vector<1x16xf32> to vector<16xf32>
        %swap3A_715 = vector.shape_cast %mul3A_710 : vector<16xf32> to vector<1x16xf32>
        tpu.vector_store %arg16[%swap3A_711, %swap3A_712], %swap3A_715 {strides = array<i32>} : memref<256x64xf32, #tpu.memory_space<vmem>>, vector<1x16xf32>,
        %mul3A_716 = arith.constant 16 : i32
        %mul3A_717 = arith.muli %scan3A_502, %mul3A_716 : i32
        %add3A_718 = arith.constant 4 : i32
        %add3A_719 = arith.addi %mul3A_717, %add3A_718 : i32
        %slice3A_720 = vector.extract_strided_slice %div3A {offsets = [4], sizes = [1], strides = [1]} : vector<16xf32> to vector<1xf32>
        %squeeze3A_721 = vector.extract %slice3A_720[0] : f32 from vector<1xf32>
        %get3A_722 = arith.index_cast %add3A_719 : i32 to index
        %get3A_723 = arith.constant 0 : index
        %get3A_724 = tpu.vector_load %arg16[%get3A_722, %get3A_723] {strides = array<i32>} : memref<256x64xf32, #tpu.memory_space<vmem>>, vector<1x16xf32>,
        %get3A_725 = vector.shape_cast %get3A_724 : vector<1x16xf32> to vector<16xf32>
        %mul3A_726 = vector.broadcast %squeeze3A_721 : f32 to vector<16xf32>
        %mul3A_727 = arith.mulf %get3A_725, %mul3A_726 : vector<16xf32>
        %swap3A_728 = arith.index_cast %add3A_719 : i32 to index
        %swap3A_729 = arith.constant 0 : index
        %swap3A_730 = tpu.vector_load %arg16[%swap3A_728, %swap3A_729] {strides = array<i32>} : memref<256x64xf32, #tpu.memory_space<vmem>>, vector<1x16xf32>,
        %swap3A_731 = vector.shape_cast %swap3A_730 : vector<1x16xf32> to vector<16xf32>
        %swap3A_732 = vector.shape_cast %mul3A_727 : vector<16xf32> to vector<1x16xf32>
        tpu.vector_store %arg16[%swap3A_728, %swap3A_729], %swap3A_732 {strides = array<i32>} : memref<256x64xf32, #tpu.memory_space<vmem>>, vector<1x16xf32>,
        %get3A_733 = arith.index_cast %add3A_719 : i32 to index
        %get3A_734 = arith.constant 16 : index
        %get3A_735 = tpu.vector_load %arg16[%get3A_733, %get3A_734] {strides = array<i32>} : memref<256x64xf32, #tpu.memory_space<vmem>>, vector<1x16xf32>,
        %get3A_736 = vector.shape_cast %get3A_735 : vector<1x16xf32> to vector<16xf32>
        %mul3A_737 = vector.broadcast %squeeze3A_721 : f32 to vector<16xf32>
        %mul3A_738 = arith.mulf %get3A_736, %mul3A_737 : vector<16xf32>
        %swap3A_739 = arith.index_cast %add3A_719 : i32 to index
        %swap3A_740 = arith.constant 16 : index
        %swap3A_741 = tpu.vector_load %arg16[%swap3A_739, %swap3A_740] {strides = array<i32>} : memref<256x64xf32, #tpu.memory_space<vmem>>, vector<1x16xf32>,
        %swap3A_742 = vector.shape_cast %swap3A_741 : vector<1x16xf32> to vector<16xf32>
        %swap3A_743 = vector.shape_cast %mul3A_738 : vector<16xf32> to vector<1x16xf32>
        tpu.vector_store %arg16[%swap3A_739, %swap3A_740], %swap3A_743 {strides = array<i32>} : memref<256x64xf32, #tpu.memory_space<vmem>>, vector<1x16xf32>,
        %get3A_744 = arith.index_cast %add3A_719 : i32 to index
        %get3A_745 = arith.constant 32 : index
        %get3A_746 = tpu.vector_load %arg16[%get3A_744, %get3A_745] {strides = array<i32>} : memref<256x64xf32, #tpu.memory_space<vmem>>, vector<1x16xf32>,
        %get3A_747 = vector.shape_cast %get3A_746 : vector<1x16xf32> to vector<16xf32>
        %mul3A_748 = vector.broadcast %squeeze3A_721 : f32 to vector<16xf32>
        %mul3A_749 = arith.mulf %get3A_747, %mul3A_748 : vector<16xf32>
        %swap3A_750 = arith.index_cast %add3A_719 : i32 to index
        %swap3A_751 = arith.constant 32 : index
        %swap3A_752 = tpu.vector_load %arg16[%swap3A_750, %swap3A_751] {strides = array<i32>} : memref<256x64xf32, #tpu.memory_space<vmem>>, vector<1x16xf32>,
        %swap3A_753 = vector.shape_cast %swap3A_752 : vector<1x16xf32> to vector<16xf32>
        %swap3A_754 = vector.shape_cast %mul3A_749 : vector<16xf32> to vector<1x16xf32>
        tpu.vector_store %arg16[%swap3A_750, %swap3A_751], %swap3A_754 {strides = array<i32>} : memref<256x64xf32, #tpu.memory_space<vmem>>, vector<1x16xf32>,
        %get3A_755 = arith.index_cast %add3A_719 : i32 to index
        %get3A_756 = arith.constant 48 : index
        %get3A_757 = tpu.vector_load %arg16[%get3A_755, %get3A_756] {strides = array<i32>} : memref<256x64xf32, #tpu.memory_space<vmem>>, vector<1x16xf32>,
        %get3A_758 = vector.shape_cast %get3A_757 : vector<1x16xf32> to vector<16xf32>
        %mul3A_759 = vector.broadcast %squeeze3A_721 : f32 to vector<16xf32>
        %mul3A_760 = arith.mulf %get3A_758, %mul3A_759 : vector<16xf32>
        %swap3A_761 = arith.index_cast %add3A_719 : i32 to index
        %swap3A_762 = arith.constant 48 : index
        %swap3A_763 = tpu.vector_load %arg16[%swap3A_761, %swap3A_762] {strides = array<i32>} : memref<256x64xf32, #tpu.memory_space<vmem>>, vector<1x16xf32>,
        %swap3A_764 = vector.shape_cast %swap3A_763 : vector<1x16xf32> to vector<16xf32>
        %swap3A_765 = vector.shape_cast %mul3A_760 : vector<16xf32> to vector<1x16xf32>
        tpu.vector_store %arg16[%swap3A_761, %swap3A_762], %swap3A_765 {strides = array<i32>} : memref<256x64xf32, #tpu.memory_space<vmem>>, vector<1x16xf32>,
        %mul3A_766 = arith.constant 16 : i32
        %mul3A_767 = arith.muli %scan3A_502, %mul3A_766 : i32
        %add3A_768 = arith.constant 5 : i32
        %add3A_769 = arith.addi %mul3A_767, %add3A_768 : i32
        %slice3A_770 = vector.extract_strided_slice %div3A {offsets = [5], sizes = [1], strides = [1]} : vector<16xf32> to vector<1xf32>
        %squeeze3A_771 = vector.extract %slice3A_770[0] : f32 from vector<1xf32>
        %get3A_772 = arith.index_cast %add3A_769 : i32 to index
        %get3A_773 = arith.constant 0 : index
        %get3A_774 = tpu.vector_load %arg16[%get3A_772, %get3A_773] {strides = array<i32>} : memref<256x64xf32, #tpu.memory_space<vmem>>, vector<1x16xf32>,
        %get3A_775 = vector.shape_cast %get3A_774 : vector<1x16xf32> to vector<16xf32>
        %mul3A_776 = vector.broadcast %squeeze3A_771 : f32 to vector<16xf32>
        %mul3A_777 = arith.mulf %get3A_775, %mul3A_776 : vector<16xf32>
        %swap3A_778 = arith.index_cast %add3A_769 : i32 to index
        %swap3A_779 = arith.constant 0 : index
        %swap3A_780 = tpu.vector_load %arg16[%swap3A_778, %swap3A_779] {strides = array<i32>} : memref<256x64xf32, #tpu.memory_space<vmem>>, vector<1x16xf32>,
        %swap3A_781 = vector.shape_cast %swap3A_780 : vector<1x16xf32> to vector<16xf32>
        %swap3A_782 = vector.shape_cast %mul3A_777 : vector<16xf32> to vector<1x16xf32>
        tpu.vector_store %arg16[%swap3A_778, %swap3A_779], %swap3A_782 {strides = array<i32>} : memref<256x64xf32, #tpu.memory_space<vmem>>, vector<1x16xf32>,
        %get3A_783 = arith.index_cast %add3A_769 : i32 to index
        %get3A_784 = arith.constant 16 : index
        %get3A_785 = tpu.vector_load %arg16[%get3A_783, %get3A_784] {strides = array<i32>} : memref<256x64xf32, #tpu.memory_space<vmem>>, vector<1x16xf32>,
        %get3A_786 = vector.shape_cast %get3A_785 : vector<1x16xf32> to vector<16xf32>
        %mul3A_787 = vector.broadcast %squeeze3A_771 : f32 to vector<16xf32>
        %mul3A_788 = arith.mulf %get3A_786, %mul3A_787 : vector<16xf32>
        %swap3A_789 = arith.index_cast %add3A_769 : i32 to index
        %swap3A_790 = arith.constant 16 : index
        %swap3A_791 = tpu.vector_load %arg16[%swap3A_789, %swap3A_790] {strides = array<i32>} : memref<256x64xf32, #tpu.memory_space<vmem>>, vector<1x16xf32>,
        %swap3A_792 = vector.shape_cast %swap3A_791 : vector<1x16xf32> to vector<16xf32>
        %swap3A_793 = vector.shape_cast %mul3A_788 : vector<16xf32> to vector<1x16xf32>
        tpu.vector_store %arg16[%swap3A_789, %swap3A_790], %swap3A_793 {strides = array<i32>} : memref<256x64xf32, #tpu.memory_space<vmem>>, vector<1x16xf32>,
        %get3A_794 = arith.index_cast %add3A_769 : i32 to index
        %get3A_795 = arith.constant 32 : index
        %get3A_796 = tpu.vector_load %arg16[%get3A_794, %get3A_795] {strides = array<i32>} : memref<256x64xf32, #tpu.memory_space<vmem>>, vector<1x16xf32>,
        %get3A_797 = vector.shape_cast %get3A_796 : vector<1x16xf32> to vector<16xf32>
        %mul3A_798 = vector.broadcast %squeeze3A_771 : f32 to vector<16xf32>
        %mul3A_799 = arith.mulf %get3A_797, %mul3A_798 : vector<16xf32>
        %swap3A_800 = arith.index_cast %add3A_769 : i32 to index
        %swap3A_801 = arith.constant 32 : index
        %swap3A_802 = tpu.vector_load %arg16[%swap3A_800, %swap3A_801] {strides = array<i32>} : memref<256x64xf32, #tpu.memory_space<vmem>>, vector<1x16xf32>,
        %swap3A_803 = vector.shape_cast %swap3A_802 : vector<1x16xf32> to vector<16xf32>
        %swap3A_804 = vector.shape_cast %mul3A_799 : vector<16xf32> to vector<1x16xf32>
        tpu.vector_store %arg16[%swap3A_800, %swap3A_801], %swap3A_804 {strides = array<i32>} : memref<256x64xf32, #tpu.memory_space<vmem>>, vector<1x16xf32>,
        %get3A_805 = arith.index_cast %add3A_769 : i32 to index
        %get3A_806 = arith.constant 48 : index
        %get3A_807 = tpu.vector_load %arg16[%get3A_805, %get3A_806] {strides = array<i32>} : memref<256x64xf32, #tpu.memory_space<vmem>>, vector<1x16xf32>,
        %get3A_808 = vector.shape_cast %get3A_807 : vector<1x16xf32> to vector<16xf32>
        %mul3A_809 = vector.broadcast %squeeze3A_771 : f32 to vector<16xf32>
        %mul3A_810 = arith.mulf %get3A_808, %mul3A_809 : vector<16xf32>
        %swap3A_811 = arith.index_cast %add3A_769 : i32 to index
        %swap3A_812 = arith.constant 48 : index
        %swap3A_813 = tpu.vector_load %arg16[%swap3A_811, %swap3A_812] {strides = array<i32>} : memref<256x64xf32, #tpu.memory_space<vmem>>, vector<1x16xf32>,
        %swap3A_814 = vector.shape_cast %swap3A_813 : vector<1x16xf32> to vector<16xf32>
        %swap3A_815 = vector.shape_cast %mul3A_810 : vector<16xf32> to vector<1x16xf32>
        tpu.vector_store %arg16[%swap3A_811, %swap3A_812], %swap3A_815 {strides = array<i32>} : memref<256x64xf32, #tpu.memory_space<vmem>>, vector<1x16xf32>,
        %mul3A_816 = arith.constant 16 : i32
        %mul3A_817 = arith.muli %scan3A_502, %mul3A_816 : i32
        %add3A_818 = arith.constant 6 : i32
        %add3A_819 = arith.addi %mul3A_817, %add3A_818 : i32
        %slice3A_820 = vector.extract_strided_slice %div3A {offsets = [6], sizes = [1], strides = [1]} : vector<16xf32> to vector<1xf32>
        %squeeze3A_821 = vector.extract %slice3A_820[0] : f32 from vector<1xf32>
        %get3A_822 = arith.index_cast %add3A_819 : i32 to index
        %get3A_823 = arith.constant 0 : index
        %get3A_824 = tpu.vector_load %arg16[%get3A_822, %get3A_823] {strides = array<i32>} : memref<256x64xf32, #tpu.memory_space<vmem>>, vector<1x16xf32>,
        %get3A_825 = vector.shape_cast %get3A_824 : vector<1x16xf32> to vector<16xf32>
        %mul3A_826 = vector.broadcast %squeeze3A_821 : f32 to vector<16xf32>
        %mul3A_827 = arith.mulf %get3A_825, %mul3A_826 : vector<16xf32>
        %swap3A_828 = arith.index_cast %add3A_819 : i32 to index
        %swap3A_829 = arith.constant 0 : index
        %swap3A_830 = tpu.vector_load %arg16[%swap3A_828, %swap3A_829] {strides = array<i32>} : memref<256x64xf32, #tpu.memory_space<vmem>>, vector<1x16xf32>,
        %swap3A_831 = vector.shape_cast %swap3A_830 : vector<1x16xf32> to vector<16xf32>
        %swap3A_832 = vector.shape_cast %mul3A_827 : vector<16xf32> to vector<1x16xf32>
        tpu.vector_store %arg16[%swap3A_828, %swap3A_829], %swap3A_832 {strides = array<i32>} : memref<256x64xf32, #tpu.memory_space<vmem>>, vector<1x16xf32>,
        %get3A_833 = arith.index_cast %add3A_819 : i32 to index
        %get3A_834 = arith.constant 16 : index
        %get3A_835 = tpu.vector_load %arg16[%get3A_833, %get3A_834] {strides = array<i32>} : memref<256x64xf32, #tpu.memory_space<vmem>>, vector<1x16xf32>,
        %get3A_836 = vector.shape_cast %get3A_835 : vector<1x16xf32> to vector<16xf32>
        %mul3A_837 = vector.broadcast %squeeze3A_821 : f32 to vector<16xf32>
        %mul3A_838 = arith.mulf %get3A_836, %mul3A_837 : vector<16xf32>
        %swap3A_839 = arith.index_cast %add3A_819 : i32 to index
        %swap3A_840 = arith.constant 16 : index
        %swap3A_841 = tpu.vector_load %arg16[%swap3A_839, %swap3A_840] {strides = array<i32>} : memref<256x64xf32, #tpu.memory_space<vmem>>, vector<1x16xf32>,
        %swap3A_842 = vector.shape_cast %swap3A_841 : vector<1x16xf32> to vector<16xf32>
        %swap3A_843 = vector.shape_cast %mul3A_838 : vector<16xf32> to vector<1x16xf32>
        tpu.vector_store %arg16[%swap3A_839, %swap3A_840], %swap3A_843 {strides = array<i32>} : memref<256x64xf32, #tpu.memory_space<vmem>>, vector<1x16xf32>,
        %get3A_844 = arith.index_cast %add3A_819 : i32 to index
        %get3A_845 = arith.constant 32 : index
        %get3A_846 = tpu.vector_load %arg16[%get3A_844, %get3A_845] {strides = array<i32>} : memref<256x64xf32, #tpu.memory_space<vmem>>, vector<1x16xf32>,
        %get3A_847 = vector.shape_cast %get3A_846 : vector<1x16xf32> to vector<16xf32>
        %mul3A_848 = vector.broadcast %squeeze3A_821 : f32 to vector<16xf32>
        %mul3A_849 = arith.mulf %get3A_847, %mul3A_848 : vector<16xf32>
        %swap3A_850 = arith.index_cast %add3A_819 : i32 to index
        %swap3A_851 = arith.constant 32 : index
        %swap3A_852 = tpu.vector_load %arg16[%swap3A_850, %swap3A_851] {strides = array<i32>} : memref<256x64xf32, #tpu.memory_space<vmem>>, vector<1x16xf32>,
        %swap3A_853 = vector.shape_cast %swap3A_852 : vector<1x16xf32> to vector<16xf32>
        %swap3A_854 = vector.shape_cast %mul3A_849 : vector<16xf32> to vector<1x16xf32>
        tpu.vector_store %arg16[%swap3A_850, %swap3A_851], %swap3A_854 {strides = array<i32>} : memref<256x64xf32, #tpu.memory_space<vmem>>, vector<1x16xf32>,
        %get3A_855 = arith.index_cast %add3A_819 : i32 to index
        %get3A_856 = arith.constant 48 : index
        %get3A_857 = tpu.vector_load %arg16[%get3A_855, %get3A_856] {strides = array<i32>} : memref<256x64xf32, #tpu.memory_space<vmem>>, vector<1x16xf32>,
        %get3A_858 = vector.shape_cast %get3A_857 : vector<1x16xf32> to vector<16xf32>
        %mul3A_859 = vector.broadcast %squeeze3A_821 : f32 to vector<16xf32>
        %mul3A_860 = arith.mulf %get3A_858, %mul3A_859 : vector<16xf32>
        %swap3A_861 = arith.index_cast %add3A_819 : i32 to index
        %swap3A_862 = arith.constant 48 : index
        %swap3A_863 = tpu.vector_load %arg16[%swap3A_861, %swap3A_862] {strides = array<i32>} : memref<256x64xf32, #tpu.memory_space<vmem>>, vector<1x16xf32>,
        %swap3A_864 = vector.shape_cast %swap3A_863 : vector<1x16xf32> to vector<16xf32>
        %swap3A_865 = vector.shape_cast %mul3A_860 : vector<16xf32> to vector<1x16xf32>
        tpu.vector_store %arg16[%swap3A_861, %swap3A_862], %swap3A_865 {strides = array<i32>} : memref<256x64xf32, #tpu.memory_space<vmem>>, vector<1x16xf32>,
        %mul3A_866 = arith.constant 16 : i32
        %mul3A_867 = arith.muli %scan3A_502, %mul3A_866 : i32
        %add3A_868 = arith.constant 7 : i32
        %add3A_869 = arith.addi %mul3A_867, %add3A_868 : i32
        %slice3A_870 = vector.extract_strided_slice %div3A {offsets = [7], sizes = [1], strides = [1]} : vector<16xf32> to vector<1xf32>
        %squeeze3A_871 = vector.extract %slice3A_870[0] : f32 from vector<1xf32>
        %get3A_872 = arith.index_cast %add3A_869 : i32 to index
        %get3A_873 = arith.constant 0 : index
        %get3A_874 = tpu.vector_load %arg16[%get3A_872, %get3A_873] {strides = array<i32>} : memref<256x64xf32, #tpu.memory_space<vmem>>, vector<1x16xf32>,
        %get3A_875 = vector.shape_cast %get3A_874 : vector<1x16xf32> to vector<16xf32>
        %mul3A_876 = vector.broadcast %squeeze3A_871 : f32 to vector<16xf32>
        %mul3A_877 = arith.mulf %get3A_875, %mul3A_876 : vector<16xf32>
        %swap3A_878 = arith.index_cast %add3A_869 : i32 to index
        %swap3A_879 = arith.constant 0 : index
        %swap3A_880 = tpu.vector_load %arg16[%swap3A_878, %swap3A_879] {strides = array<i32>} : memref<256x64xf32, #tpu.memory_space<vmem>>, vector<1x16xf32>,
        %swap3A_881 = vector.shape_cast %swap3A_880 : vector<1x16xf32> to vector<16xf32>
        %swap3A_882 = vector.shape_cast %mul3A_877 : vector<16xf32> to vector<1x16xf32>
        tpu.vector_store %arg16[%swap3A_878, %swap3A_879], %swap3A_882 {strides = array<i32>} : memref<256x64xf32, #tpu.memory_space<vmem>>, vector<1x16xf32>,
        %get3A_883 = arith.index_cast %add3A_869 : i32 to index
        %get3A_884 = arith.constant 16 : index
        %get3A_885 = tpu.vector_load %arg16[%get3A_883, %get3A_884] {strides = array<i32>} : memref<256x64xf32, #tpu.memory_space<vmem>>, vector<1x16xf32>,
        %get3A_886 = vector.shape_cast %get3A_885 : vector<1x16xf32> to vector<16xf32>
        %mul3A_887 = vector.broadcast %squeeze3A_871 : f32 to vector<16xf32>
        %mul3A_888 = arith.mulf %get3A_886, %mul3A_887 : vector<16xf32>
        %swap3A_889 = arith.index_cast %add3A_869 : i32 to index
        %swap3A_890 = arith.constant 16 : index
        %swap3A_891 = tpu.vector_load %arg16[%swap3A_889, %swap3A_890] {strides = array<i32>} : memref<256x64xf32, #tpu.memory_space<vmem>>, vector<1x16xf32>,
        %swap3A_892 = vector.shape_cast %swap3A_891 : vector<1x16xf32> to vector<16xf32>
        %swap3A_893 = vector.shape_cast %mul3A_888 : vector<16xf32> to vector<1x16xf32>
        tpu.vector_store %arg16[%swap3A_889, %swap3A_890], %swap3A_893 {strides = array<i32>} : memref<256x64xf32, #tpu.memory_space<vmem>>, vector<1x16xf32>,
        %get3A_894 = arith.index_cast %add3A_869 : i32 to index
        %get3A_895 = arith.constant 32 : index
        %get3A_896 = tpu.vector_load %arg16[%get3A_894, %get3A_895] {strides = array<i32>} : memref<256x64xf32, #tpu.memory_space<vmem>>, vector<1x16xf32>,
        %get3A_897 = vector.shape_cast %get3A_896 : vector<1x16xf32> to vector<16xf32>
        %mul3A_898 = vector.broadcast %squeeze3A_871 : f32 to vector<16xf32>
        %mul3A_899 = arith.mulf %get3A_897, %mul3A_898 : vector<16xf32>
        %swap3A_900 = arith.index_cast %add3A_869 : i32 to index
        %swap3A_901 = arith.constant 32 : index
        %swap3A_902 = tpu.vector_load %arg16[%swap3A_900, %swap3A_901] {strides = array<i32>} : memref<256x64xf32, #tpu.memory_space<vmem>>, vector<1x16xf32>,
        %swap3A_903 = vector.shape_cast %swap3A_902 : vector<1x16xf32> to vector<16xf32>
        %swap3A_904 = vector.shape_cast %mul3A_899 : vector<16xf32> to vector<1x16xf32>
        tpu.vector_store %arg16[%swap3A_900, %swap3A_901], %swap3A_904 {strides = array<i32>} : memref<256x64xf32, #tpu.memory_space<vmem>>, vector<1x16xf32>,
        %get3A_905 = arith.index_cast %add3A_869 : i32 to index
        %get3A_906 = arith.constant 48 : index
        %get3A_907 = tpu.vector_load %arg16[%get3A_905, %get3A_906] {strides = array<i32>} : memref<256x64xf32, #tpu.memory_space<vmem>>, vector<1x16xf32>,
        %get3A_908 = vector.shape_cast %get3A_907 : vector<1x16xf32> to vector<16xf32>
        %mul3A_909 = vector.broadcast %squeeze3A_871 : f32 to vector<16xf32>
        %mul3A_910 = arith.mulf %get3A_908, %mul3A_909 : vector<16xf32>
        %swap3A_911 = arith.index_cast %add3A_869 : i32 to index
        %swap3A_912 = arith.constant 48 : index
        %swap3A_913 = tpu.vector_load %arg16[%swap3A_911, %swap3A_912] {strides = array<i32>} : memref<256x64xf32, #tpu.memory_space<vmem>>, vector<1x16xf32>,
        %swap3A_914 = vector.shape_cast %swap3A_913 : vector<1x16xf32> to vector<16xf32>
        %swap3A_915 = vector.shape_cast %mul3A_910 : vector<16xf32> to vector<1x16xf32>
        tpu.vector_store %arg16[%swap3A_911, %swap3A_912], %swap3A_915 {strides = array<i32>} : memref<256x64xf32, #tpu.memory_space<vmem>>, vector<1x16xf32>,
        %mul3A_916 = arith.constant 16 : i32
        %mul3A_917 = arith.muli %scan3A_502, %mul3A_916 : i32
        %add3A_918 = arith.constant 8 : i32
        %add3A_919 = arith.addi %mul3A_917, %add3A_918 : i32
        %slice3A_920 = vector.extract_strided_slice %div3A {offsets = [8], sizes = [1], strides = [1]} : vector<16xf32> to vector<1xf32>
        %squeeze3A_921 = vector.extract %slice3A_920[0] : f32 from vector<1xf32>
        %get3A_922 = arith.index_cast %add3A_919 : i32 to index
        %get3A_923 = arith.constant 0 : index
        %get3A_924 = tpu.vector_load %arg16[%get3A_922, %get3A_923] {strides = array<i32>} : memref<256x64xf32, #tpu.memory_space<vmem>>, vector<1x16xf32>,
        %get3A_925 = vector.shape_cast %get3A_924 : vector<1x16xf32> to vector<16xf32>
        %mul3A_926 = vector.broadcast %squeeze3A_921 : f32 to vector<16xf32>
        %mul3A_927 = arith.mulf %get3A_925, %mul3A_926 : vector<16xf32>
        %swap3A_928 = arith.index_cast %add3A_919 : i32 to index
        %swap3A_929 = arith.constant 0 : index
        %swap3A_930 = tpu.vector_load %arg16[%swap3A_928, %swap3A_929] {strides = array<i32>} : memref<256x64xf32, #tpu.memory_space<vmem>>, vector<1x16xf32>,
        %swap3A_931 = vector.shape_cast %swap3A_930 : vector<1x16xf32> to vector<16xf32>
        %swap3A_932 = vector.shape_cast %mul3A_927 : vector<16xf32> to vector<1x16xf32>
        tpu.vector_store %arg16[%swap3A_928, %swap3A_929], %swap3A_932 {strides = array<i32>} : memref<256x64xf32, #tpu.memory_space<vmem>>, vector<1x16xf32>,
        %get3A_933 = arith.index_cast %add3A_919 : i32 to index
        %get3A_934 = arith.constant 16 : index
        %get3A_935 = tpu.vector_load %arg16[%get3A_933, %get3A_934] {strides = array<i32>} : memref<256x64xf32, #tpu.memory_space<vmem>>, vector<1x16xf32>,
        %get3A_936 = vector.shape_cast %get3A_935 : vector<1x16xf32> to vector<16xf32>
        %mul3A_937 = vector.broadcast %squeeze3A_921 : f32 to vector<16xf32>
        %mul3A_938 = arith.mulf %get3A_936, %mul3A_937 : vector<16xf32>
        %swap3A_939 = arith.index_cast %add3A_919 : i32 to index
        %swap3A_940 = arith.constant 16 : index
        %swap3A_941 = tpu.vector_load %arg16[%swap3A_939, %swap3A_940] {strides = array<i32>} : memref<256x64xf32, #tpu.memory_space<vmem>>, vector<1x16xf32>,
        %swap3A_942 = vector.shape_cast %swap3A_941 : vector<1x16xf32> to vector<16xf32>
        %swap3A_943 = vector.shape_cast %mul3A_938 : vector<16xf32> to vector<1x16xf32>
        tpu.vector_store %arg16[%swap3A_939, %swap3A_940], %swap3A_943 {strides = array<i32>} : memref<256x64xf32, #tpu.memory_space<vmem>>, vector<1x16xf32>,
        %get3A_944 = arith.index_cast %add3A_919 : i32 to index
        %get3A_945 = arith.constant 32 : index
        %get3A_946 = tpu.vector_load %arg16[%get3A_944, %get3A_945] {strides = array<i32>} : memref<256x64xf32, #tpu.memory_space<vmem>>, vector<1x16xf32>,
        %get3A_947 = vector.shape_cast %get3A_946 : vector<1x16xf32> to vector<16xf32>
        %mul3A_948 = vector.broadcast %squeeze3A_921 : f32 to vector<16xf32>
        %mul3A_949 = arith.mulf %get3A_947, %mul3A_948 : vector<16xf32>
        %swap3A_950 = arith.index_cast %add3A_919 : i32 to index
        %swap3A_951 = arith.constant 32 : index
        %swap3A_952 = tpu.vector_load %arg16[%swap3A_950, %swap3A_951] {strides = array<i32>} : memref<256x64xf32, #tpu.memory_space<vmem>>, vector<1x16xf32>,
        %swap3A_953 = vector.shape_cast %swap3A_952 : vector<1x16xf32> to vector<16xf32>
        %swap3A_954 = vector.shape_cast %mul3A_949 : vector<16xf32> to vector<1x16xf32>
        tpu.vector_store %arg16[%swap3A_950, %swap3A_951], %swap3A_954 {strides = array<i32>} : memref<256x64xf32, #tpu.memory_space<vmem>>, vector<1x16xf32>,
        %get3A_955 = arith.index_cast %add3A_919 : i32 to index
        %get3A_956 = arith.constant 48 : index
        %get3A_957 = tpu.vector_load %arg16[%get3A_955, %get3A_956] {strides = array<i32>} : memref<256x64xf32, #tpu.memory_space<vmem>>, vector<1x16xf32>,
        %get3A_958 = vector.shape_cast %get3A_957 : vector<1x16xf32> to vector<16xf32>
        %mul3A_959 = vector.broadcast %squeeze3A_921 : f32 to vector<16xf32>
        %mul3A_960 = arith.mulf %get3A_958, %mul3A_959 : vector<16xf32>
        %swap3A_961 = arith.index_cast %add3A_919 : i32 to index
        %swap3A_962 = arith.constant 48 : index
        %swap3A_963 = tpu.vector_load %arg16[%swap3A_961, %swap3A_962] {strides = array<i32>} : memref<256x64xf32, #tpu.memory_space<vmem>>, vector<1x16xf32>,
        %swap3A_964 = vector.shape_cast %swap3A_963 : vector<1x16xf32> to vector<16xf32>
        %swap3A_965 = vector.shape_cast %mul3A_960 : vector<16xf32> to vector<1x16xf32>
        tpu.vector_store %arg16[%swap3A_961, %swap3A_962], %swap3A_965 {strides = array<i32>} : memref<256x64xf32, #tpu.memory_space<vmem>>, vector<1x16xf32>,
        %mul3A_966 = arith.constant 16 : i32
        %mul3A_967 = arith.muli %scan3A_502, %mul3A_966 : i32
        %add3A_968 = arith.constant 9 : i32
        %add3A_969 = arith.addi %mul3A_967, %add3A_968 : i32
        %slice3A_970 = vector.extract_strided_slice %div3A {offsets = [9], sizes = [1], strides = [1]} : vector<16xf32> to vector<1xf32>
        %squeeze3A_971 = vector.extract %slice3A_970[0] : f32 from vector<1xf32>
        %get3A_972 = arith.index_cast %add3A_969 : i32 to index
        %get3A_973 = arith.constant 0 : index
        %get3A_974 = tpu.vector_load %arg16[%get3A_972, %get3A_973] {strides = array<i32>} : memref<256x64xf32, #tpu.memory_space<vmem>>, vector<1x16xf32>,
        %get3A_975 = vector.shape_cast %get3A_974 : vector<1x16xf32> to vector<16xf32>
        %mul3A_976 = vector.broadcast %squeeze3A_971 : f32 to vector<16xf32>
        %mul3A_977 = arith.mulf %get3A_975, %mul3A_976 : vector<16xf32>
        %swap3A_978 = arith.index_cast %add3A_969 : i32 to index
        %swap3A_979 = arith.constant 0 : index
        %swap3A_980 = tpu.vector_load %arg16[%swap3A_978, %swap3A_979] {strides = array<i32>} : memref<256x64xf32, #tpu.memory_space<vmem>>, vector<1x16xf32>,
        %swap3A_981 = vector.shape_cast %swap3A_980 : vector<1x16xf32> to vector<16xf32>
        %swap3A_982 = vector.shape_cast %mul3A_977 : vector<16xf32> to vector<1x16xf32>
        tpu.vector_store %arg16[%swap3A_978, %swap3A_979], %swap3A_982 {strides = array<i32>} : memref<256x64xf32, #tpu.memory_space<vmem>>, vector<1x16xf32>,
        %get3A_983 = arith.index_cast %add3A_969 : i32 to index
        %get3A_984 = arith.constant 16 : index
        %get3A_985 = tpu.vector_load %arg16[%get3A_983, %get3A_984] {strides = array<i32>} : memref<256x64xf32, #tpu.memory_space<vmem>>, vector<1x16xf32>,
        %get3A_986 = vector.shape_cast %get3A_985 : vector<1x16xf32> to vector<16xf32>
        %mul3A_987 = vector.broadcast %squeeze3A_971 : f32 to vector<16xf32>
        %mul3A_988 = arith.mulf %get3A_986, %mul3A_987 : vector<16xf32>
        %swap3A_989 = arith.index_cast %add3A_969 : i32 to index
        %swap3A_990 = arith.constant 16 : index
        %swap3A_991 = tpu.vector_load %arg16[%swap3A_989, %swap3A_990] {strides = array<i32>} : memref<256x64xf32, #tpu.memory_space<vmem>>, vector<1x16xf32>,
        %swap3A_992 = vector.shape_cast %swap3A_991 : vector<1x16xf32> to vector<16xf32>
        %swap3A_993 = vector.shape_cast %mul3A_988 : vector<16xf32> to vector<1x16xf32>
        tpu.vector_store %arg16[%swap3A_989, %swap3A_990], %swap3A_993 {strides = array<i32>} : memref<256x64xf32, #tpu.memory_space<vmem>>, vector<1x16xf32>,
        %get3A_994 = arith.index_cast %add3A_969 : i32 to index
        %get3A_995 = arith.constant 32 : index
        %get3A_996 = tpu.vector_load %arg16[%get3A_994, %get3A_995] {strides = array<i32>} : memref<256x64xf32, #tpu.memory_space<vmem>>, vector<1x16xf32>,
        %get3A_997 = vector.shape_cast %get3A_996 : vector<1x16xf32> to vector<16xf32>
        %mul3A_998 = vector.broadcast %squeeze3A_971 : f32 to vector<16xf32>
        %mul3A_999 = arith.mulf %get3A_997, %mul3A_998 : vector<16xf32>
        %swap3A_1000 = arith.index_cast %add3A_969 : i32 to index
        %swap3A_1001 = arith.constant 32 : index
        %swap3A_1002 = tpu.vector_load %arg16[%swap3A_1000, %swap3A_1001] {strides = array<i32>} : memref<256x64xf32, #tpu.memory_space<vmem>>, vector<1x16xf32>,
        %swap3A_1003 = vector.shape_cast %swap3A_1002 : vector<1x16xf32> to vector<16xf32>
        %swap3A_1004 = vector.shape_cast %mul3A_999 : vector<16xf32> to vector<1x16xf32>
        tpu.vector_store %arg16[%swap3A_1000, %swap3A_1001], %swap3A_1004 {strides = array<i32>} : memref<256x64xf32, #tpu.memory_space<vmem>>, vector<1x16xf32>,
        %get3A_1005 = arith.index_cast %add3A_969 : i32 to index
        %get3A_1006 = arith.constant 48 : index
        %get3A_1007 = tpu.vector_load %arg16[%get3A_1005, %get3A_1006] {strides = array<i32>} : memref<256x64xf32, #tpu.memory_space<vmem>>, vector<1x16xf32>,
        %get3A_1008 = vector.shape_cast %get3A_1007 : vector<1x16xf32> to vector<16xf32>
        %mul3A_1009 = vector.broadcast %squeeze3A_971 : f32 to vector<16xf32>
        %mul3A_1010 = arith.mulf %get3A_1008, %mul3A_1009 : vector<16xf32>
        %swap3A_1011 = arith.index_cast %add3A_969 : i32 to index
        %swap3A_1012 = arith.constant 48 : index
        %swap3A_1013 = tpu.vector_load %arg16[%swap3A_1011, %swap3A_1012] {strides = array<i32>} : memref<256x64xf32, #tpu.memory_space<vmem>>, vector<1x16xf32>,
        %swap3A_1014 = vector.shape_cast %swap3A_1013 : vector<1x16xf32> to vector<16xf32>
        %swap3A_1015 = vector.shape_cast %mul3A_1010 : vector<16xf32> to vector<1x16xf32>
        tpu.vector_store %arg16[%swap3A_1011, %swap3A_1012], %swap3A_1015 {strides = array<i32>} : memref<256x64xf32, #tpu.memory_space<vmem>>, vector<1x16xf32>,
        %mul3A_1016 = arith.constant 16 : i32
        %mul3A_1017 = arith.muli %scan3A_502, %mul3A_1016 : i32
        %add3A_1018 = arith.constant 10 : i32
        %add3A_1019 = arith.addi %mul3A_1017, %add3A_1018 : i32
        %slice3A_1020 = vector.extract_strided_slice %div3A {offsets = [10], sizes = [1], strides = [1]} : vector<16xf32> to vector<1xf32>
        %squeeze3A_1021 = vector.extract %slice3A_1020[0] : f32 from vector<1xf32>
        %get3A_1022 = arith.index_cast %add3A_1019 : i32 to index
        %get3A_1023 = arith.constant 0 : index
        %get3A_1024 = tpu.vector_load %arg16[%get3A_1022, %get3A_1023] {strides = array<i32>} : memref<256x64xf32, #tpu.memory_space<vmem>>, vector<1x16xf32>,
        %get3A_1025 = vector.shape_cast %get3A_1024 : vector<1x16xf32> to vector<16xf32>
        %mul3A_1026 = vector.broadcast %squeeze3A_1021 : f32 to vector<16xf32>
        %mul3A_1027 = arith.mulf %get3A_1025, %mul3A_1026 : vector<16xf32>
        %swap3A_1028 = arith.index_cast %add3A_1019 : i32 to index
        %swap3A_1029 = arith.constant 0 : index
        %swap3A_1030 = tpu.vector_load %arg16[%swap3A_1028, %swap3A_1029] {strides = array<i32>} : memref<256x64xf32, #tpu.memory_space<vmem>>, vector<1x16xf32>,
        %swap3A_1031 = vector.shape_cast %swap3A_1030 : vector<1x16xf32> to vector<16xf32>
        %swap3A_1032 = vector.shape_cast %mul3A_1027 : vector<16xf32> to vector<1x16xf32>
        tpu.vector_store %arg16[%swap3A_1028, %swap3A_1029], %swap3A_1032 {strides = array<i32>} : memref<256x64xf32, #tpu.memory_space<vmem>>, vector<1x16xf32>,
        %get3A_1033 = arith.index_cast %add3A_1019 : i32 to index
        %get3A_1034 = arith.constant 16 : index
        %get3A_1035 = tpu.vector_load %arg16[%get3A_1033, %get3A_1034] {strides = array<i32>} : memref<256x64xf32, #tpu.memory_space<vmem>>, vector<1x16xf32>,
        %get3A_1036 = vector.shape_cast %get3A_1035 : vector<1x16xf32> to vector<16xf32>
        %mul3A_1037 = vector.broadcast %squeeze3A_1021 : f32 to vector<16xf32>
        %mul3A_1038 = arith.mulf %get3A_1036, %mul3A_1037 : vector<16xf32>
        %swap3A_1039 = arith.index_cast %add3A_1019 : i32 to index
        %swap3A_1040 = arith.constant 16 : index
        %swap3A_1041 = tpu.vector_load %arg16[%swap3A_1039, %swap3A_1040] {strides = array<i32>} : memref<256x64xf32, #tpu.memory_space<vmem>>, vector<1x16xf32>,
        %swap3A_1042 = vector.shape_cast %swap3A_1041 : vector<1x16xf32> to vector<16xf32>
        %swap3A_1043 = vector.shape_cast %mul3A_1038 : vector<16xf32> to vector<1x16xf32>
        tpu.vector_store %arg16[%swap3A_1039, %swap3A_1040], %swap3A_1043 {strides = array<i32>} : memref<256x64xf32, #tpu.memory_space<vmem>>, vector<1x16xf32>,
        %get3A_1044 = arith.index_cast %add3A_1019 : i32 to index
        %get3A_1045 = arith.constant 32 : index
        %get3A_1046 = tpu.vector_load %arg16[%get3A_1044, %get3A_1045] {strides = array<i32>} : memref<256x64xf32, #tpu.memory_space<vmem>>, vector<1x16xf32>,
        %get3A_1047 = vector.shape_cast %get3A_1046 : vector<1x16xf32> to vector<16xf32>
        %mul3A_1048 = vector.broadcast %squeeze3A_1021 : f32 to vector<16xf32>
        %mul3A_1049 = arith.mulf %get3A_1047, %mul3A_1048 : vector<16xf32>
        %swap3A_1050 = arith.index_cast %add3A_1019 : i32 to index
        %swap3A_1051 = arith.constant 32 : index
        %swap3A_1052 = tpu.vector_load %arg16[%swap3A_1050, %swap3A_1051] {strides = array<i32>} : memref<256x64xf32, #tpu.memory_space<vmem>>, vector<1x16xf32>,
        %swap3A_1053 = vector.shape_cast %swap3A_1052 : vector<1x16xf32> to vector<16xf32>
        %swap3A_1054 = vector.shape_cast %mul3A_1049 : vector<16xf32> to vector<1x16xf32>
        tpu.vector_store %arg16[%swap3A_1050, %swap3A_1051], %swap3A_1054 {strides = array<i32>} : memref<256x64xf32, #tpu.memory_space<vmem>>, vector<1x16xf32>,
        %get3A_1055 = arith.index_cast %add3A_1019 : i32 to index
        %get3A_1056 = arith.constant 48 : index
        %get3A_1057 = tpu.vector_load %arg16[%get3A_1055, %get3A_1056] {strides = array<i32>} : memref<256x64xf32, #tpu.memory_space<vmem>>, vector<1x16xf32>,
        %get3A_1058 = vector.shape_cast %get3A_1057 : vector<1x16xf32> to vector<16xf32>
        %mul3A_1059 = vector.broadcast %squeeze3A_1021 : f32 to vector<16xf32>
        %mul3A_1060 = arith.mulf %get3A_1058, %mul3A_1059 : vector<16xf32>
        %swap3A_1061 = arith.index_cast %add3A_1019 : i32 to index
        %swap3A_1062 = arith.constant 48 : index
        %swap3A_1063 = tpu.vector_load %arg16[%swap3A_1061, %swap3A_1062] {strides = array<i32>} : memref<256x64xf32, #tpu.memory_space<vmem>>, vector<1x16xf32>,
        %swap3A_1064 = vector.shape_cast %swap3A_1063 : vector<1x16xf32> to vector<16xf32>
        %swap3A_1065 = vector.shape_cast %mul3A_1060 : vector<16xf32> to vector<1x16xf32>
        tpu.vector_store %arg16[%swap3A_1061, %swap3A_1062], %swap3A_1065 {strides = array<i32>} : memref<256x64xf32, #tpu.memory_space<vmem>>, vector<1x16xf32>,
        %mul3A_1066 = arith.constant 16 : i32
        %mul3A_1067 = arith.muli %scan3A_502, %mul3A_1066 : i32
        %add3A_1068 = arith.constant 11 : i32
        %add3A_1069 = arith.addi %mul3A_1067, %add3A_1068 : i32
        %slice3A_1070 = vector.extract_strided_slice %div3A {offsets = [11], sizes = [1], strides = [1]} : vector<16xf32> to vector<1xf32>
        %squeeze3A_1071 = vector.extract %slice3A_1070[0] : f32 from vector<1xf32>
        %get3A_1072 = arith.index_cast %add3A_1069 : i32 to index
        %get3A_1073 = arith.constant 0 : index
        %get3A_1074 = tpu.vector_load %arg16[%get3A_1072, %get3A_1073] {strides = array<i32>} : memref<256x64xf32, #tpu.memory_space<vmem>>, vector<1x16xf32>,
        %get3A_1075 = vector.shape_cast %get3A_1074 : vector<1x16xf32> to vector<16xf32>
        %mul3A_1076 = vector.broadcast %squeeze3A_1071 : f32 to vector<16xf32>
        %mul3A_1077 = arith.mulf %get3A_1075, %mul3A_1076 : vector<16xf32>
        %swap3A_1078 = arith.index_cast %add3A_1069 : i32 to index
        %swap3A_1079 = arith.constant 0 : index
        %swap3A_1080 = tpu.vector_load %arg16[%swap3A_1078, %swap3A_1079] {strides = array<i32>} : memref<256x64xf32, #tpu.memory_space<vmem>>, vector<1x16xf32>,
        %swap3A_1081 = vector.shape_cast %swap3A_1080 : vector<1x16xf32> to vector<16xf32>
        %swap3A_1082 = vector.shape_cast %mul3A_1077 : vector<16xf32> to vector<1x16xf32>
        tpu.vector_store %arg16[%swap3A_1078, %swap3A_1079], %swap3A_1082 {strides = array<i32>} : memref<256x64xf32, #tpu.memory_space<vmem>>, vector<1x16xf32>,
        %get3A_1083 = arith.index_cast %add3A_1069 : i32 to index
        %get3A_1084 = arith.constant 16 : index
        %get3A_1085 = tpu.vector_load %arg16[%get3A_1083, %get3A_1084] {strides = array<i32>} : memref<256x64xf32, #tpu.memory_space<vmem>>, vector<1x16xf32>,
        %get3A_1086 = vector.shape_cast %get3A_1085 : vector<1x16xf32> to vector<16xf32>
        %mul3A_1087 = vector.broadcast %squeeze3A_1071 : f32 to vector<16xf32>
        %mul3A_1088 = arith.mulf %get3A_1086, %mul3A_1087 : vector<16xf32>
        %swap3A_1089 = arith.index_cast %add3A_1069 : i32 to index
        %swap3A_1090 = arith.constant 16 : index
        %swap3A_1091 = tpu.vector_load %arg16[%swap3A_1089, %swap3A_1090] {strides = array<i32>} : memref<256x64xf32, #tpu.memory_space<vmem>>, vector<1x16xf32>,
        %swap3A_1092 = vector.shape_cast %swap3A_1091 : vector<1x16xf32> to vector<16xf32>
        %swap3A_1093 = vector.shape_cast %mul3A_1088 : vector<16xf32> to vector<1x16xf32>
        tpu.vector_store %arg16[%swap3A_1089, %swap3A_1090], %swap3A_1093 {strides = array<i32>} : memref<256x64xf32, #tpu.memory_space<vmem>>, vector<1x16xf32>,
        %get3A_1094 = arith.index_cast %add3A_1069 : i32 to index
        %get3A_1095 = arith.constant 32 : index
        %get3A_1096 = tpu.vector_load %arg16[%get3A_1094, %get3A_1095] {strides = array<i32>} : memref<256x64xf32, #tpu.memory_space<vmem>>, vector<1x16xf32>,
        %get3A_1097 = vector.shape_cast %get3A_1096 : vector<1x16xf32> to vector<16xf32>
        %mul3A_1098 = vector.broadcast %squeeze3A_1071 : f32 to vector<16xf32>
        %mul3A_1099 = arith.mulf %get3A_1097, %mul3A_1098 : vector<16xf32>
        %swap3A_1100 = arith.index_cast %add3A_1069 : i32 to index
        %swap3A_1101 = arith.constant 32 : index
        %swap3A_1102 = tpu.vector_load %arg16[%swap3A_1100, %swap3A_1101] {strides = array<i32>} : memref<256x64xf32, #tpu.memory_space<vmem>>, vector<1x16xf32>,
        %swap3A_1103 = vector.shape_cast %swap3A_1102 : vector<1x16xf32> to vector<16xf32>
        %swap3A_1104 = vector.shape_cast %mul3A_1099 : vector<16xf32> to vector<1x16xf32>
        tpu.vector_store %arg16[%swap3A_1100, %swap3A_1101], %swap3A_1104 {strides = array<i32>} : memref<256x64xf32, #tpu.memory_space<vmem>>, vector<1x16xf32>,
        %get3A_1105 = arith.index_cast %add3A_1069 : i32 to index
        %get3A_1106 = arith.constant 48 : index
        %get3A_1107 = tpu.vector_load %arg16[%get3A_1105, %get3A_1106] {strides = array<i32>} : memref<256x64xf32, #tpu.memory_space<vmem>>, vector<1x16xf32>,
        %get3A_1108 = vector.shape_cast %get3A_1107 : vector<1x16xf32> to vector<16xf32>
        %mul3A_1109 = vector.broadcast %squeeze3A_1071 : f32 to vector<16xf32>
        %mul3A_1110 = arith.mulf %get3A_1108, %mul3A_1109 : vector<16xf32>
        %swap3A_1111 = arith.index_cast %add3A_1069 : i32 to index
        %swap3A_1112 = arith.constant 48 : index
        %swap3A_1113 = tpu.vector_load %arg16[%swap3A_1111, %swap3A_1112] {strides = array<i32>} : memref<256x64xf32, #tpu.memory_space<vmem>>, vector<1x16xf32>,
        %swap3A_1114 = vector.shape_cast %swap3A_1113 : vector<1x16xf32> to vector<16xf32>
        %swap3A_1115 = vector.shape_cast %mul3A_1110 : vector<16xf32> to vector<1x16xf32>
        tpu.vector_store %arg16[%swap3A_1111, %swap3A_1112], %swap3A_1115 {strides = array<i32>} : memref<256x64xf32, #tpu.memory_space<vmem>>, vector<1x16xf32>,
        %mul3A_1116 = arith.constant 16 : i32
        %mul3A_1117 = arith.muli %scan3A_502, %mul3A_1116 : i32
        %add3A_1118 = arith.constant 12 : i32
        %add3A_1119 = arith.addi %mul3A_1117, %add3A_1118 : i32
        %slice3A_1120 = vector.extract_strided_slice %div3A {offsets = [12], sizes = [1], strides = [1]} : vector<16xf32> to vector<1xf32>
        %squeeze3A_1121 = vector.extract %slice3A_1120[0] : f32 from vector<1xf32>
        %get3A_1122 = arith.index_cast %add3A_1119 : i32 to index
        %get3A_1123 = arith.constant 0 : index
        %get3A_1124 = tpu.vector_load %arg16[%get3A_1122, %get3A_1123] {strides = array<i32>} : memref<256x64xf32, #tpu.memory_space<vmem>>, vector<1x16xf32>,
        %get3A_1125 = vector.shape_cast %get3A_1124 : vector<1x16xf32> to vector<16xf32>
        %mul3A_1126 = vector.broadcast %squeeze3A_1121 : f32 to vector<16xf32>
        %mul3A_1127 = arith.mulf %get3A_1125, %mul3A_1126 : vector<16xf32>
        %swap3A_1128 = arith.index_cast %add3A_1119 : i32 to index
        %swap3A_1129 = arith.constant 0 : index
        %swap3A_1130 = tpu.vector_load %arg16[%swap3A_1128, %swap3A_1129] {strides = array<i32>} : memref<256x64xf32, #tpu.memory_space<vmem>>, vector<1x16xf32>,
        %swap3A_1131 = vector.shape_cast %swap3A_1130 : vector<1x16xf32> to vector<16xf32>
        %swap3A_1132 = vector.shape_cast %mul3A_1127 : vector<16xf32> to vector<1x16xf32>
        tpu.vector_store %arg16[%swap3A_1128, %swap3A_1129], %swap3A_1132 {strides = array<i32>} : memref<256x64xf32, #tpu.memory_space<vmem>>, vector<1x16xf32>,
        %get3A_1133 = arith.index_cast %add3A_1119 : i32 to index
        %get3A_1134 = arith.constant 16 : index
        %get3A_1135 = tpu.vector_load %arg16[%get3A_1133, %get3A_1134] {strides = array<i32>} : memref<256x64xf32, #tpu.memory_space<vmem>>, vector<1x16xf32>,
        %get3A_1136 = vector.shape_cast %get3A_1135 : vector<1x16xf32> to vector<16xf32>
        %mul3A_1137 = vector.broadcast %squeeze3A_1121 : f32 to vector<16xf32>
        %mul3A_1138 = arith.mulf %get3A_1136, %mul3A_1137 : vector<16xf32>
        %swap3A_1139 = arith.index_cast %add3A_1119 : i32 to index
        %swap3A_1140 = arith.constant 16 : index
        %swap3A_1141 = tpu.vector_load %arg16[%swap3A_1139, %swap3A_1140] {strides = array<i32>} : memref<256x64xf32, #tpu.memory_space<vmem>>, vector<1x16xf32>,
        %swap3A_1142 = vector.shape_cast %swap3A_1141 : vector<1x16xf32> to vector<16xf32>
        %swap3A_1143 = vector.shape_cast %mul3A_1138 : vector<16xf32> to vector<1x16xf32>
        tpu.vector_store %arg16[%swap3A_1139, %swap3A_1140], %swap3A_1143 {strides = array<i32>} : memref<256x64xf32, #tpu.memory_space<vmem>>, vector<1x16xf32>,
        %get3A_1144 = arith.index_cast %add3A_1119 : i32 to index
        %get3A_1145 = arith.constant 32 : index
        %get3A_1146 = tpu.vector_load %arg16[%get3A_1144, %get3A_1145] {strides = array<i32>} : memref<256x64xf32, #tpu.memory_space<vmem>>, vector<1x16xf32>,
        %get3A_1147 = vector.shape_cast %get3A_1146 : vector<1x16xf32> to vector<16xf32>
        %mul3A_1148 = vector.broadcast %squeeze3A_1121 : f32 to vector<16xf32>
        %mul3A_1149 = arith.mulf %get3A_1147, %mul3A_1148 : vector<16xf32>
        %swap3A_1150 = arith.index_cast %add3A_1119 : i32 to index
        %swap3A_1151 = arith.constant 32 : index
        %swap3A_1152 = tpu.vector_load %arg16[%swap3A_1150, %swap3A_1151] {strides = array<i32>} : memref<256x64xf32, #tpu.memory_space<vmem>>, vector<1x16xf32>,
        %swap3A_1153 = vector.shape_cast %swap3A_1152 : vector<1x16xf32> to vector<16xf32>
        %swap3A_1154 = vector.shape_cast %mul3A_1149 : vector<16xf32> to vector<1x16xf32>
        tpu.vector_store %arg16[%swap3A_1150, %swap3A_1151], %swap3A_1154 {strides = array<i32>} : memref<256x64xf32, #tpu.memory_space<vmem>>, vector<1x16xf32>,
        %get3A_1155 = arith.index_cast %add3A_1119 : i32 to index
        %get3A_1156 = arith.constant 48 : index
        %get3A_1157 = tpu.vector_load %arg16[%get3A_1155, %get3A_1156] {strides = array<i32>} : memref<256x64xf32, #tpu.memory_space<vmem>>, vector<1x16xf32>,
        %get3A_1158 = vector.shape_cast %get3A_1157 : vector<1x16xf32> to vector<16xf32>
        %mul3A_1159 = vector.broadcast %squeeze3A_1121 : f32 to vector<16xf32>
        %mul3A_1160 = arith.mulf %get3A_1158, %mul3A_1159 : vector<16xf32>
        %swap3A_1161 = arith.index_cast %add3A_1119 : i32 to index
        %swap3A_1162 = arith.constant 48 : index
        %swap3A_1163 = tpu.vector_load %arg16[%swap3A_1161, %swap3A_1162] {strides = array<i32>} : memref<256x64xf32, #tpu.memory_space<vmem>>, vector<1x16xf32>,
        %swap3A_1164 = vector.shape_cast %swap3A_1163 : vector<1x16xf32> to vector<16xf32>
        %swap3A_1165 = vector.shape_cast %mul3A_1160 : vector<16xf32> to vector<1x16xf32>
        tpu.vector_store %arg16[%swap3A_1161, %swap3A_1162], %swap3A_1165 {strides = array<i32>} : memref<256x64xf32, #tpu.memory_space<vmem>>, vector<1x16xf32>,
        %mul3A_1166 = arith.constant 16 : i32
        %mul3A_1167 = arith.muli %scan3A_502, %mul3A_1166 : i32
        %add3A_1168 = arith.constant 13 : i32
        %add3A_1169 = arith.addi %mul3A_1167, %add3A_1168 : i32
        %slice3A_1170 = vector.extract_strided_slice %div3A {offsets = [13], sizes = [1], strides = [1]} : vector<16xf32> to vector<1xf32>
        %squeeze3A_1171 = vector.extract %slice3A_1170[0] : f32 from vector<1xf32>
        %get3A_1172 = arith.index_cast %add3A_1169 : i32 to index
        %get3A_1173 = arith.constant 0 : index
        %get3A_1174 = tpu.vector_load %arg16[%get3A_1172, %get3A_1173] {strides = array<i32>} : memref<256x64xf32, #tpu.memory_space<vmem>>, vector<1x16xf32>,
        %get3A_1175 = vector.shape_cast %get3A_1174 : vector<1x16xf32> to vector<16xf32>
        %mul3A_1176 = vector.broadcast %squeeze3A_1171 : f32 to vector<16xf32>
        %mul3A_1177 = arith.mulf %get3A_1175, %mul3A_1176 : vector<16xf32>
        %swap3A_1178 = arith.index_cast %add3A_1169 : i32 to index
        %swap3A_1179 = arith.constant 0 : index
        %swap3A_1180 = tpu.vector_load %arg16[%swap3A_1178, %swap3A_1179] {strides = array<i32>} : memref<256x64xf32, #tpu.memory_space<vmem>>, vector<1x16xf32>,
        %swap3A_1181 = vector.shape_cast %swap3A_1180 : vector<1x16xf32> to vector<16xf32>
        %swap3A_1182 = vector.shape_cast %mul3A_1177 : vector<16xf32> to vector<1x16xf32>
        tpu.vector_store %arg16[%swap3A_1178, %swap3A_1179], %swap3A_1182 {strides = array<i32>} : memref<256x64xf32, #tpu.memory_space<vmem>>, vector<1x16xf32>,
        %get3A_1183 = arith.index_cast %add3A_1169 : i32 to index
        %get3A_1184 = arith.constant 16 : index
        %get3A_1185 = tpu.vector_load %arg16[%get3A_1183, %get3A_1184] {strides = array<i32>} : memref<256x64xf32, #tpu.memory_space<vmem>>, vector<1x16xf32>,
        %get3A_1186 = vector.shape_cast %get3A_1185 : vector<1x16xf32> to vector<16xf32>
        %mul3A_1187 = vector.broadcast %squeeze3A_1171 : f32 to vector<16xf32>
        %mul3A_1188 = arith.mulf %get3A_1186, %mul3A_1187 : vector<16xf32>
        %swap3A_1189 = arith.index_cast %add3A_1169 : i32 to index
        %swap3A_1190 = arith.constant 16 : index
        %swap3A_1191 = tpu.vector_load %arg16[%swap3A_1189, %swap3A_1190] {strides = array<i32>} : memref<256x64xf32, #tpu.memory_space<vmem>>, vector<1x16xf32>,
        %swap3A_1192 = vector.shape_cast %swap3A_1191 : vector<1x16xf32> to vector<16xf32>
        %swap3A_1193 = vector.shape_cast %mul3A_1188 : vector<16xf32> to vector<1x16xf32>
        tpu.vector_store %arg16[%swap3A_1189, %swap3A_1190], %swap3A_1193 {strides = array<i32>} : memref<256x64xf32, #tpu.memory_space<vmem>>, vector<1x16xf32>,
        %get3A_1194 = arith.index_cast %add3A_1169 : i32 to index
        %get3A_1195 = arith.constant 32 : index
        %get3A_1196 = tpu.vector_load %arg16[%get3A_1194, %get3A_1195] {strides = array<i32>} : memref<256x64xf32, #tpu.memory_space<vmem>>, vector<1x16xf32>,
        %get3A_1197 = vector.shape_cast %get3A_1196 : vector<1x16xf32> to vector<16xf32>
        %mul3A_1198 = vector.broadcast %squeeze3A_1171 : f32 to vector<16xf32>
        %mul3A_1199 = arith.mulf %get3A_1197, %mul3A_1198 : vector<16xf32>
        %swap3A_1200 = arith.index_cast %add3A_1169 : i32 to index
        %swap3A_1201 = arith.constant 32 : index
        %swap3A_1202 = tpu.vector_load %arg16[%swap3A_1200, %swap3A_1201] {strides = array<i32>} : memref<256x64xf32, #tpu.memory_space<vmem>>, vector<1x16xf32>,
        %swap3A_1203 = vector.shape_cast %swap3A_1202 : vector<1x16xf32> to vector<16xf32>
        %swap3A_1204 = vector.shape_cast %mul3A_1199 : vector<16xf32> to vector<1x16xf32>
        tpu.vector_store %arg16[%swap3A_1200, %swap3A_1201], %swap3A_1204 {strides = array<i32>} : memref<256x64xf32, #tpu.memory_space<vmem>>, vector<1x16xf32>,
        %get3A_1205 = arith.index_cast %add3A_1169 : i32 to index
        %get3A_1206 = arith.constant 48 : index
        %get3A_1207 = tpu.vector_load %arg16[%get3A_1205, %get3A_1206] {strides = array<i32>} : memref<256x64xf32, #tpu.memory_space<vmem>>, vector<1x16xf32>,
        %get3A_1208 = vector.shape_cast %get3A_1207 : vector<1x16xf32> to vector<16xf32>
        %mul3A_1209 = vector.broadcast %squeeze3A_1171 : f32 to vector<16xf32>
        %mul3A_1210 = arith.mulf %get3A_1208, %mul3A_1209 : vector<16xf32>
        %swap3A_1211 = arith.index_cast %add3A_1169 : i32 to index
        %swap3A_1212 = arith.constant 48 : index
        %swap3A_1213 = tpu.vector_load %arg16[%swap3A_1211, %swap3A_1212] {strides = array<i32>} : memref<256x64xf32, #tpu.memory_space<vmem>>, vector<1x16xf32>,
        %swap3A_1214 = vector.shape_cast %swap3A_1213 : vector<1x16xf32> to vector<16xf32>
        %swap3A_1215 = vector.shape_cast %mul3A_1210 : vector<16xf32> to vector<1x16xf32>
        tpu.vector_store %arg16[%swap3A_1211, %swap3A_1212], %swap3A_1215 {strides = array<i32>} : memref<256x64xf32, #tpu.memory_space<vmem>>, vector<1x16xf32>,
        %mul3A_1216 = arith.constant 16 : i32
        %mul3A_1217 = arith.muli %scan3A_502, %mul3A_1216 : i32
        %add3A_1218 = arith.constant 14 : i32
        %add3A_1219 = arith.addi %mul3A_1217, %add3A_1218 : i32
        %slice3A_1220 = vector.extract_strided_slice %div3A {offsets = [14], sizes = [1], strides = [1]} : vector<16xf32> to vector<1xf32>
        %squeeze3A_1221 = vector.extract %slice3A_1220[0] : f32 from vector<1xf32>
        %get3A_1222 = arith.index_cast %add3A_1219 : i32 to index
        %get3A_1223 = arith.constant 0 : index
        %get3A_1224 = tpu.vector_load %arg16[%get3A_1222, %get3A_1223] {strides = array<i32>} : memref<256x64xf32, #tpu.memory_space<vmem>>, vector<1x16xf32>,
        %get3A_1225 = vector.shape_cast %get3A_1224 : vector<1x16xf32> to vector<16xf32>
        %mul3A_1226 = vector.broadcast %squeeze3A_1221 : f32 to vector<16xf32>
        %mul3A_1227 = arith.mulf %get3A_1225, %mul3A_1226 : vector<16xf32>
        %swap3A_1228 = arith.index_cast %add3A_1219 : i32 to index
        %swap3A_1229 = arith.constant 0 : index
        %swap3A_1230 = tpu.vector_load %arg16[%swap3A_1228, %swap3A_1229] {strides = array<i32>} : memref<256x64xf32, #tpu.memory_space<vmem>>, vector<1x16xf32>,
        %swap3A_1231 = vector.shape_cast %swap3A_1230 : vector<1x16xf32> to vector<16xf32>
        %swap3A_1232 = vector.shape_cast %mul3A_1227 : vector<16xf32> to vector<1x16xf32>
        tpu.vector_store %arg16[%swap3A_1228, %swap3A_1229], %swap3A_1232 {strides = array<i32>} : memref<256x64xf32, #tpu.memory_space<vmem>>, vector<1x16xf32>,
        %get3A_1233 = arith.index_cast %add3A_1219 : i32 to index
        %get3A_1234 = arith.constant 16 : index
        %get3A_1235 = tpu.vector_load %arg16[%get3A_1233, %get3A_1234] {strides = array<i32>} : memref<256x64xf32, #tpu.memory_space<vmem>>, vector<1x16xf32>,
        %get3A_1236 = vector.shape_cast %get3A_1235 : vector<1x16xf32> to vector<16xf32>
        %mul3A_1237 = vector.broadcast %squeeze3A_1221 : f32 to vector<16xf32>
        %mul3A_1238 = arith.mulf %get3A_1236, %mul3A_1237 : vector<16xf32>
        %swap3A_1239 = arith.index_cast %add3A_1219 : i32 to index
        %swap3A_1240 = arith.constant 16 : index
        %swap3A_1241 = tpu.vector_load %arg16[%swap3A_1239, %swap3A_1240] {strides = array<i32>} : memref<256x64xf32, #tpu.memory_space<vmem>>, vector<1x16xf32>,
        %swap3A_1242 = vector.shape_cast %swap3A_1241 : vector<1x16xf32> to vector<16xf32>
        %swap3A_1243 = vector.shape_cast %mul3A_1238 : vector<16xf32> to vector<1x16xf32>
        tpu.vector_store %arg16[%swap3A_1239, %swap3A_1240], %swap3A_1243 {strides = array<i32>} : memref<256x64xf32, #tpu.memory_space<vmem>>, vector<1x16xf32>,
        %get3A_1244 = arith.index_cast %add3A_1219 : i32 to index
        %get3A_1245 = arith.constant 32 : index
        %get3A_1246 = tpu.vector_load %arg16[%get3A_1244, %get3A_1245] {strides = array<i32>} : memref<256x64xf32, #tpu.memory_space<vmem>>, vector<1x16xf32>,
        %get3A_1247 = vector.shape_cast %get3A_1246 : vector<1x16xf32> to vector<16xf32>
        %mul3A_1248 = vector.broadcast %squeeze3A_1221 : f32 to vector<16xf32>
        %mul3A_1249 = arith.mulf %get3A_1247, %mul3A_1248 : vector<16xf32>
        %swap3A_1250 = arith.index_cast %add3A_1219 : i32 to index
        %swap3A_1251 = arith.constant 32 : index
        %swap3A_1252 = tpu.vector_load %arg16[%swap3A_1250, %swap3A_1251] {strides = array<i32>} : memref<256x64xf32, #tpu.memory_space<vmem>>, vector<1x16xf32>,
        %swap3A_1253 = vector.shape_cast %swap3A_1252 : vector<1x16xf32> to vector<16xf32>
        %swap3A_1254 = vector.shape_cast %mul3A_1249 : vector<16xf32> to vector<1x16xf32>
        tpu.vector_store %arg16[%swap3A_1250, %swap3A_1251], %swap3A_1254 {strides = array<i32>} : memref<256x64xf32, #tpu.memory_space<vmem>>, vector<1x16xf32>,
        %get3A_1255 = arith.index_cast %add3A_1219 : i32 to index
        %get3A_1256 = arith.constant 48 : index
        %get3A_1257 = tpu.vector_load %arg16[%get3A_1255, %get3A_1256] {strides = array<i32>} : memref<256x64xf32, #tpu.memory_space<vmem>>, vector<1x16xf32>,
        %get3A_1258 = vector.shape_cast %get3A_1257 : vector<1x16xf32> to vector<16xf32>
        %mul3A_1259 = vector.broadcast %squeeze3A_1221 : f32 to vector<16xf32>
        %mul3A_1260 = arith.mulf %get3A_1258, %mul3A_1259 : vector<16xf32>
        %swap3A_1261 = arith.index_cast %add3A_1219 : i32 to index
        %swap3A_1262 = arith.constant 48 : index
        %swap3A_1263 = tpu.vector_load %arg16[%swap3A_1261, %swap3A_1262] {strides = array<i32>} : memref<256x64xf32, #tpu.memory_space<vmem>>, vector<1x16xf32>,
        %swap3A_1264 = vector.shape_cast %swap3A_1263 : vector<1x16xf32> to vector<16xf32>
        %swap3A_1265 = vector.shape_cast %mul3A_1260 : vector<16xf32> to vector<1x16xf32>
        tpu.vector_store %arg16[%swap3A_1261, %swap3A_1262], %swap3A_1265 {strides = array<i32>} : memref<256x64xf32, #tpu.memory_space<vmem>>, vector<1x16xf32>,
        %mul3A_1266 = arith.constant 16 : i32
        %mul3A_1267 = arith.muli %scan3A_502, %mul3A_1266 : i32
        %add3A_1268 = arith.constant 15 : i32
        %add3A_1269 = arith.addi %mul3A_1267, %add3A_1268 : i32
        %slice3A_1270 = vector.extract_strided_slice %div3A {offsets = [15], sizes = [1], strides = [1]} : vector<16xf32> to vector<1xf32>
        %squeeze3A_1271 = vector.extract %slice3A_1270[0] : f32 from vector<1xf32>
        %get3A_1272 = arith.index_cast %add3A_1269 : i32 to index
        %get3A_1273 = arith.constant 0 : index
        %get3A_1274 = tpu.vector_load %arg16[%get3A_1272, %get3A_1273] {strides = array<i32>} : memref<256x64xf32, #tpu.memory_space<vmem>>, vector<1x16xf32>,
        %get3A_1275 = vector.shape_cast %get3A_1274 : vector<1x16xf32> to vector<16xf32>
        %mul3A_1276 = vector.broadcast %squeeze3A_1271 : f32 to vector<16xf32>
        %mul3A_1277 = arith.mulf %get3A_1275, %mul3A_1276 : vector<16xf32>
        %swap3A_1278 = arith.index_cast %add3A_1269 : i32 to index
        %swap3A_1279 = arith.constant 0 : index
        %swap3A_1280 = tpu.vector_load %arg16[%swap3A_1278, %swap3A_1279] {strides = array<i32>} : memref<256x64xf32, #tpu.memory_space<vmem>>, vector<1x16xf32>,
        %swap3A_1281 = vector.shape_cast %swap3A_1280 : vector<1x16xf32> to vector<16xf32>
        %swap3A_1282 = vector.shape_cast %mul3A_1277 : vector<16xf32> to vector<1x16xf32>
        tpu.vector_store %arg16[%swap3A_1278, %swap3A_1279], %swap3A_1282 {strides = array<i32>} : memref<256x64xf32, #tpu.memory_space<vmem>>, vector<1x16xf32>,
        %get3A_1283 = arith.index_cast %add3A_1269 : i32 to index
        %get3A_1284 = arith.constant 16 : index
        %get3A_1285 = tpu.vector_load %arg16[%get3A_1283, %get3A_1284] {strides = array<i32>} : memref<256x64xf32, #tpu.memory_space<vmem>>, vector<1x16xf32>,
        %get3A_1286 = vector.shape_cast %get3A_1285 : vector<1x16xf32> to vector<16xf32>
        %mul3A_1287 = vector.broadcast %squeeze3A_1271 : f32 to vector<16xf32>
        %mul3A_1288 = arith.mulf %get3A_1286, %mul3A_1287 : vector<16xf32>
        %swap3A_1289 = arith.index_cast %add3A_1269 : i32 to index
        %swap3A_1290 = arith.constant 16 : index
        %swap3A_1291 = tpu.vector_load %arg16[%swap3A_1289, %swap3A_1290] {strides = array<i32>} : memref<256x64xf32, #tpu.memory_space<vmem>>, vector<1x16xf32>,
        %swap3A_1292 = vector.shape_cast %swap3A_1291 : vector<1x16xf32> to vector<16xf32>
        %swap3A_1293 = vector.shape_cast %mul3A_1288 : vector<16xf32> to vector<1x16xf32>
        tpu.vector_store %arg16[%swap3A_1289, %swap3A_1290], %swap3A_1293 {strides = array<i32>} : memref<256x64xf32, #tpu.memory_space<vmem>>, vector<1x16xf32>,
        %get3A_1294 = arith.index_cast %add3A_1269 : i32 to index
        %get3A_1295 = arith.constant 32 : index
        %get3A_1296 = tpu.vector_load %arg16[%get3A_1294, %get3A_1295] {strides = array<i32>} : memref<256x64xf32, #tpu.memory_space<vmem>>, vector<1x16xf32>,
        %get3A_1297 = vector.shape_cast %get3A_1296 : vector<1x16xf32> to vector<16xf32>
        %mul3A_1298 = vector.broadcast %squeeze3A_1271 : f32 to vector<16xf32>
        %mul3A_1299 = arith.mulf %get3A_1297, %mul3A_1298 : vector<16xf32>
        %swap3A_1300 = arith.index_cast %add3A_1269 : i32 to index
        %swap3A_1301 = arith.constant 32 : index
        %swap3A_1302 = tpu.vector_load %arg16[%swap3A_1300, %swap3A_1301] {strides = array<i32>} : memref<256x64xf32, #tpu.memory_space<vmem>>, vector<1x16xf32>,
        %swap3A_1303 = vector.shape_cast %swap3A_1302 : vector<1x16xf32> to vector<16xf32>
        %swap3A_1304 = vector.shape_cast %mul3A_1299 : vector<16xf32> to vector<1x16xf32>
        tpu.vector_store %arg16[%swap3A_1300, %swap3A_1301], %swap3A_1304 {strides = array<i32>} : memref<256x64xf32, #tpu.memory_space<vmem>>, vector<1x16xf32>,
        %get3A_1305 = arith.index_cast %add3A_1269 : i32 to index
        %get3A_1306 = arith.constant 48 : index
        %get3A_1307 = tpu.vector_load %arg16[%get3A_1305, %get3A_1306] {strides = array<i32>} : memref<256x64xf32, #tpu.memory_space<vmem>>, vector<1x16xf32>,
        %get3A_1308 = vector.shape_cast %get3A_1307 : vector<1x16xf32> to vector<16xf32>
        %mul3A_1309 = vector.broadcast %squeeze3A_1271 : f32 to vector<16xf32>
        %mul3A_1310 = arith.mulf %get3A_1308, %mul3A_1309 : vector<16xf32>
        %swap3A_1311 = arith.index_cast %add3A_1269 : i32 to index
        %swap3A_1312 = arith.constant 48 : index
        %swap3A_1313 = tpu.vector_load %arg16[%swap3A_1311, %swap3A_1312] {strides = array<i32>} : memref<256x64xf32, #tpu.memory_space<vmem>>, vector<1x16xf32>,
        %swap3A_1314 = vector.shape_cast %swap3A_1313 : vector<1x16xf32> to vector<16xf32>
        %swap3A_1315 = vector.shape_cast %mul3A_1310 : vector<16xf32> to vector<1x16xf32>
        tpu.vector_store %arg16[%swap3A_1311, %swap3A_1312], %swap3A_1315 {strides = array<i32>} : memref<256x64xf32, #tpu.memory_space<vmem>>, vector<1x16xf32>,
        %scan3A_1316 = arith.constant 0 : i32
        scf.yield %scan3A_1316 : i32
      }
      %scan3A_500 = arith.constant 16 : i32
      "tpu.region"() ({
        %run_scoped3A = tpu.sem_alloc : memref<!tpu.dma_semaphore, #tpu.memory_space<semaphore_mem>>
        %dma_start3A_502 = arith.constant 0 : i32
        %dma_start3A_503 = arith.constant 0 : i32
        %dma_start3A_504 = tpu.memref_slice %arg9[%dma_start3A_502, %dma_start3A_503] : memref<10112x64xf32, #tpu.memory_space<vmem_shared>> -> memref<10112x64xf32, #tpu.memory_space<vmem_shared>>
        tpu.enqueue_indirect_dma source(%arg16 : memref<256x64xf32, #tpu.memory_space<vmem>>) target(%dma_start3A_504 : memref<10112x64xf32, #tpu.memory_space<vmem_shared>>) offsets(%arg14 : memref<256xi32, #tpu.memory_space<vmem>>) semaphore(%run_scoped3A : memref<!tpu.dma_semaphore, #tpu.memory_space<semaphore_mem>>) {add = true}
        %dma_wait3A_505 = arith.constant 0 : i32
        %dma_wait3A_506 = arith.constant 0 : i32
        %dma_wait3A_507 = tpu.memref_slice %arg9[%dma_wait3A_505, %dma_wait3A_506] : memref<10112x64xf32, #tpu.memory_space<vmem_shared>> -> memref<10112x64xf32, #tpu.memory_space<vmem_shared>>
        tpu.wait_indirect_dma semaphore(%run_scoped3A : memref<!tpu.dma_semaphore, #tpu.memory_space<semaphore_mem>>) src(%arg16 : memref<256x64xf32, #tpu.memory_space<vmem>>) dst(%dma_wait3A_507 : memref<10112x64xf32, #tpu.memory_space<vmem_shared>>)
        tpu.yield
      }) : () -> ()
      %scan3A_501 = arith.constant 0 : i32
      scf.yield %scan3A_501 : i32
    }
    %scan3A_49 = arith.constant 20 : i32
    %dma_wait3A_50 = arith.constant 9984 : i32
    %dma_wait3A_51 = tpu.memref_slice %arg10[%dma_wait3A_50] : memref<10240xi32, #tpu.memory_space<vmem>> -> memref<256xi32, #tpu.memory_space<vmem>>
    %dma_wait3A_52 = arith.constant 0 : i32
    %dma_wait3A_53 = arith.constant 0 : i32
    %dma_wait3A_54 = tpu.memref_slice %arg2[%dma_wait3A_52, %dma_wait3A_53] : memref<80000x64xf32, #tpu.memory_space<hbm>> -> memref<80000x64xf32, #tpu.memory_space<hbm>>
    tpu.wait_indirect_dma semaphore(%arg20 : memref<!tpu.dma_semaphore, #tpu.memory_space<semaphore_mem>>) src(%dma_wait3A_54 : memref<80000x64xf32, #tpu.memory_space<hbm>>) dst(%arg15 : memref<256x64xf32, #tpu.memory_space<vmem>>)
    %dma_wait3A_55 = arith.constant 9984 : i32
    %dma_wait3A_56 = tpu.memref_slice %arg12[%dma_wait3A_55] : memref<10240xi32, #tpu.memory_space<vmem>> -> memref<256xi32, #tpu.memory_space<vmem>>
    %dma_wait3A_57 = arith.constant 0 : i32
    %dma_wait3A_58 = tpu.memref_slice %arg6[%dma_wait3A_57] : memref<80128xf32, #tpu.memory_space<hbm>> -> memref<80128xf32, #tpu.memory_space<hbm>>
    tpu.wait_indirect_dma semaphore(%arg20 : memref<!tpu.dma_semaphore, #tpu.memory_space<semaphore_mem>>) src(%dma_wait3A_58 : memref<80128xf32, #tpu.memory_space<hbm>>) dst(%arg17 : memref<256xf32, #tpu.memory_space<vmem>>)
    "tpu.region"() ({
      %run_scoped3A = tpu.sem_alloc : memref<!tpu.dma_semaphore, #tpu.memory_space<semaphore_mem>>
      %dma_start3A_84 = tpu.memref_slice %arg8[%mul3A_2] : memref<327680xf32, #tpu.memory_space<hbm>> -> memref<10240xf32, #tpu.memory_space<hbm>>
      %dma_start3A_85 = tpu.memref_slice %arg8[%mul3A_2] : memref<327680xf32, #tpu.memory_space<hbm>> -> memref<10240xf32, #tpu.memory_space<hbm>>
      tpu.enqueue_dma source(%arg13 : memref<10240xf32, #tpu.memory_space<vmem>>) target(%dma_start3A_85 : memref<10240xf32, #tpu.memory_space<hbm>>) target_semaphore(%run_scoped3A : memref<!tpu.dma_semaphore, #tpu.memory_space<semaphore_mem>>)
      %dma_wait3A_86 = tpu.memref_slice %arg8[%mul3A_2] : memref<327680xf32, #tpu.memory_space<hbm>> -> memref<10240xf32, #tpu.memory_space<hbm>>
      %dma_wait3A_87 = tpu.memref_slice %arg8[%mul3A_2] : memref<327680xf32, #tpu.memory_space<hbm>> -> memref<10240xf32, #tpu.memory_space<hbm>>
      tpu.wait_dma2 semaphore(%run_scoped3A : memref<!tpu.dma_semaphore, #tpu.memory_space<semaphore_mem>>) src(%arg13 : memref<10240xf32, #tpu.memory_space<vmem>>) dst(%dma_wait3A_87 : memref<10240xf32, #tpu.memory_space<hbm>>)
      tpu.yield
    }) : () -> ()
    %barrier3A_59 = arith.constant 0 : index
    tpu.barrier barrier_id(%barrier3A_59)
    %mul3A_60 = arith.constant 632 : i32
    %mul3A_61 = arith.muli %arg1, %mul3A_60 : i32
    %add3A_62 = arith.constant 0 : i32
    %add3A_63 = arith.addi %mul3A_61, %add3A_62 : i32
    "tpu.region"() ({
      %run_scoped3A = tpu.sem_alloc : memref<!tpu.dma_semaphore, #tpu.memory_space<semaphore_mem>>
      %dma_start3A_84 = arith.constant 0 : i32
      %dma_start3A_85 = arith.constant 0 : i32
      %dma_start3A_86 = tpu.memref_slice %arg15[%dma_start3A_84, %dma_start3A_85] : memref<256x64xf32, #tpu.memory_space<vmem>> -> memref<256x64xf32, #tpu.memory_space<vmem>>
      %dma_start3A_87 = arith.constant 0 : i32
      %dma_start3A_88 = tpu.memref_slice %arg9[%add3A_63, %dma_start3A_87] : memref<10112x64xf32, #tpu.memory_space<vmem_shared>> -> memref<256x64xf32, #tpu.memory_space<vmem_shared>>
      %dma_start3A_89 = arith.constant 0 : i32
      %dma_start3A_90 = arith.constant 0 : i32
      %dma_start3A_91 = tpu.memref_slice %arg15[%dma_start3A_89, %dma_start3A_90] : memref<256x64xf32, #tpu.memory_space<vmem>> -> memref<256x64xf32, #tpu.memory_space<vmem>>
      %dma_start3A_92 = arith.constant 0 : i32
      %dma_start3A_93 = tpu.memref_slice %arg9[%add3A_63, %dma_start3A_92] : memref<10112x64xf32, #tpu.memory_space<vmem_shared>> -> memref<256x64xf32, #tpu.memory_space<vmem_shared>>
      tpu.enqueue_dma source(%dma_start3A_93 : memref<256x64xf32, #tpu.memory_space<vmem_shared>>) target(%dma_start3A_91 : memref<256x64xf32, #tpu.memory_space<vmem>>) target_semaphore(%run_scoped3A : memref<!tpu.dma_semaphore, #tpu.memory_space<semaphore_mem>>)
      %dma_wait3A_94 = arith.constant 0 : i32
      %dma_wait3A_95 = arith.constant 0 : i32
      %dma_wait3A_96 = tpu.memref_slice %arg15[%dma_wait3A_94, %dma_wait3A_95] : memref<256x64xf32, #tpu.memory_space<vmem>> -> memref<256x64xf32, #tpu.memory_space<vmem>>
      %dma_wait3A_97 = arith.constant 0 : i32
      %dma_wait3A_98 = tpu.memref_slice %arg9[%add3A_63, %dma_wait3A_97] : memref<10112x64xf32, #tpu.memory_space<vmem_shared>> -> memref<256x64xf32, #tpu.memory_space<vmem_shared>>
      %dma_wait3A_99 = arith.constant 0 : i32
      %dma_wait3A_100 = arith.constant 0 : i32
      %dma_wait3A_101 = tpu.memref_slice %arg15[%dma_wait3A_99, %dma_wait3A_100] : memref<256x64xf32, #tpu.memory_space<vmem>> -> memref<256x64xf32, #tpu.memory_space<vmem>>
      %dma_wait3A_102 = arith.constant 0 : i32
      %dma_wait3A_103 = tpu.memref_slice %arg9[%add3A_63, %dma_wait3A_102] : memref<10112x64xf32, #tpu.memory_space<vmem_shared>> -> memref<256x64xf32, #tpu.memory_space<vmem_shared>>
      tpu.wait_dma2 semaphore(%run_scoped3A : memref<!tpu.dma_semaphore, #tpu.memory_space<semaphore_mem>>) src(%dma_wait3A_103 : memref<256x64xf32, #tpu.memory_space<vmem_shared>>) dst(%dma_wait3A_101 : memref<256x64xf32, #tpu.memory_space<vmem>>)
      tpu.yield
    }) : () -> ()
    %mul3A_64 = arith.constant 632 : i32
    %mul3A_65 = arith.muli %arg1, %mul3A_64 : i32
    %add3A_66 = arith.constant 0 : i32
    %add3A_67 = arith.addi %mul3A_65, %add3A_66 : i32
    "tpu.region"() ({
      %run_scoped3A = tpu.sem_alloc : memref<!tpu.dma_semaphore, #tpu.memory_space<semaphore_mem>>
      %dma_start3A_84 = arith.constant 0 : i32
      %dma_start3A_85 = arith.constant 0 : i32
      %dma_start3A_86 = tpu.memref_slice %arg15[%dma_start3A_84, %dma_start3A_85] : memref<256x64xf32, #tpu.memory_space<vmem>> -> memref<256x64xf32, #tpu.memory_space<vmem>>
      %dma_start3A_87 = arith.constant 0 : i32
      %dma_start3A_88 = tpu.memref_slice %arg7[%arg0, %add3A_67, %dma_start3A_87] : memref<2x10112x64xf32, #tpu.memory_space<hbm>> -> memref<1x256x64xf32, #tpu.memory_space<hbm>>
      %dma_start3A_89 = tpu.memref_squeeze %dma_start3A_88 : memref<1x256x64xf32, #tpu.memory_space<hbm>> -> memref<256x64xf32, #tpu.memory_space<hbm>>
      %dma_start3A_90 = arith.constant 0 : i32
      %dma_start3A_91 = tpu.memref_slice %arg7[%arg0, %add3A_67, %dma_start3A_90] : memref<2x10112x64xf32, #tpu.memory_space<hbm>> -> memref<1x256x64xf32, #tpu.memory_space<hbm>>
      %dma_start3A_92 = tpu.memref_squeeze %dma_start3A_91 : memref<1x256x64xf32, #tpu.memory_space<hbm>> -> memref<256x64xf32, #tpu.memory_space<hbm>>
      %dma_start3A_93 = arith.constant 0 : i32
      %dma_start3A_94 = arith.constant 0 : i32
      %dma_start3A_95 = tpu.memref_slice %arg15[%dma_start3A_93, %dma_start3A_94] : memref<256x64xf32, #tpu.memory_space<vmem>> -> memref<256x64xf32, #tpu.memory_space<vmem>>
      tpu.enqueue_dma source(%dma_start3A_95 : memref<256x64xf32, #tpu.memory_space<vmem>>) target(%dma_start3A_92 : memref<256x64xf32, #tpu.memory_space<hbm>>) target_semaphore(%run_scoped3A : memref<!tpu.dma_semaphore, #tpu.memory_space<semaphore_mem>>)
      %dma_wait3A_96 = arith.constant 0 : i32
      %dma_wait3A_97 = arith.constant 0 : i32
      %dma_wait3A_98 = tpu.memref_slice %arg15[%dma_wait3A_96, %dma_wait3A_97] : memref<256x64xf32, #tpu.memory_space<vmem>> -> memref<256x64xf32, #tpu.memory_space<vmem>>
      %dma_wait3A_99 = arith.constant 0 : i32
      %dma_wait3A_100 = tpu.memref_slice %arg7[%arg0, %add3A_67, %dma_wait3A_99] : memref<2x10112x64xf32, #tpu.memory_space<hbm>> -> memref<1x256x64xf32, #tpu.memory_space<hbm>>
      %dma_wait3A_101 = tpu.memref_squeeze %dma_wait3A_100 : memref<1x256x64xf32, #tpu.memory_space<hbm>> -> memref<256x64xf32, #tpu.memory_space<hbm>>
      %dma_wait3A_102 = arith.constant 0 : i32
      %dma_wait3A_103 = tpu.memref_slice %arg7[%arg0, %add3A_67, %dma_wait3A_102] : memref<2x10112x64xf32, #tpu.memory_space<hbm>> -> memref<1x256x64xf32, #tpu.memory_space<hbm>>
      %dma_wait3A_104 = tpu.memref_squeeze %dma_wait3A_103 : memref<1x256x64xf32, #tpu.memory_space<hbm>> -> memref<256x64xf32, #tpu.memory_space<hbm>>
      %dma_wait3A_105 = arith.constant 0 : i32
      %dma_wait3A_106 = arith.constant 0 : i32
      %dma_wait3A_107 = tpu.memref_slice %arg15[%dma_wait3A_105, %dma_wait3A_106] : memref<256x64xf32, #tpu.memory_space<vmem>> -> memref<256x64xf32, #tpu.memory_space<vmem>>
      tpu.wait_dma2 semaphore(%run_scoped3A : memref<!tpu.dma_semaphore, #tpu.memory_space<semaphore_mem>>) src(%dma_wait3A_107 : memref<256x64xf32, #tpu.memory_space<vmem>>) dst(%dma_wait3A_104 : memref<256x64xf32, #tpu.memory_space<hbm>>)
      tpu.yield
    }) : () -> ()
    %mul3A_68 = arith.constant 632 : i32
    %mul3A_69 = arith.muli %arg1, %mul3A_68 : i32
    %add3A_70 = arith.constant 256 : i32
    %add3A_71 = arith.addi %mul3A_69, %add3A_70 : i32
    "tpu.region"() ({
      %run_scoped3A = tpu.sem_alloc : memref<!tpu.dma_semaphore, #tpu.memory_space<semaphore_mem>>
      %dma_start3A_84 = arith.constant 0 : i32
      %dma_start3A_85 = arith.constant 0 : i32
      %dma_start3A_86 = tpu.memref_slice %arg15[%dma_start3A_84, %dma_start3A_85] : memref<256x64xf32, #tpu.memory_space<vmem>> -> memref<256x64xf32, #tpu.memory_space<vmem>>
      %dma_start3A_87 = arith.constant 0 : i32
      %dma_start3A_88 = tpu.memref_slice %arg9[%add3A_71, %dma_start3A_87] : memref<10112x64xf32, #tpu.memory_space<vmem_shared>> -> memref<256x64xf32, #tpu.memory_space<vmem_shared>>
      %dma_start3A_89 = arith.constant 0 : i32
      %dma_start3A_90 = arith.constant 0 : i32
      %dma_start3A_91 = tpu.memref_slice %arg15[%dma_start3A_89, %dma_start3A_90] : memref<256x64xf32, #tpu.memory_space<vmem>> -> memref<256x64xf32, #tpu.memory_space<vmem>>
      %dma_start3A_92 = arith.constant 0 : i32
      %dma_start3A_93 = tpu.memref_slice %arg9[%add3A_71, %dma_start3A_92] : memref<10112x64xf32, #tpu.memory_space<vmem_shared>> -> memref<256x64xf32, #tpu.memory_space<vmem_shared>>
      tpu.enqueue_dma source(%dma_start3A_93 : memref<256x64xf32, #tpu.memory_space<vmem_shared>>) target(%dma_start3A_91 : memref<256x64xf32, #tpu.memory_space<vmem>>) target_semaphore(%run_scoped3A : memref<!tpu.dma_semaphore, #tpu.memory_space<semaphore_mem>>)
      %dma_wait3A_94 = arith.constant 0 : i32
      %dma_wait3A_95 = arith.constant 0 : i32
      %dma_wait3A_96 = tpu.memref_slice %arg15[%dma_wait3A_94, %dma_wait3A_95] : memref<256x64xf32, #tpu.memory_space<vmem>> -> memref<256x64xf32, #tpu.memory_space<vmem>>
      %dma_wait3A_97 = arith.constant 0 : i32
      %dma_wait3A_98 = tpu.memref_slice %arg9[%add3A_71, %dma_wait3A_97] : memref<10112x64xf32, #tpu.memory_space<vmem_shared>> -> memref<256x64xf32, #tpu.memory_space<vmem_shared>>
      %dma_wait3A_99 = arith.constant 0 : i32
      %dma_wait3A_100 = arith.constant 0 : i32
      %dma_wait3A_101 = tpu.memref_slice %arg15[%dma_wait3A_99, %dma_wait3A_100] : memref<256x64xf32, #tpu.memory_space<vmem>> -> memref<256x64xf32, #tpu.memory_space<vmem>>
      %dma_wait3A_102 = arith.constant 0 : i32
      %dma_wait3A_103 = tpu.memref_slice %arg9[%add3A_71, %dma_wait3A_102] : memref<10112x64xf32, #tpu.memory_space<vmem_shared>> -> memref<256x64xf32, #tpu.memory_space<vmem_shared>>
      tpu.wait_dma2 semaphore(%run_scoped3A : memref<!tpu.dma_semaphore, #tpu.memory_space<semaphore_mem>>) src(%dma_wait3A_103 : memref<256x64xf32, #tpu.memory_space<vmem_shared>>) dst(%dma_wait3A_101 : memref<256x64xf32, #tpu.memory_space<vmem>>)
      tpu.yield
    }) : () -> ()
    %mul3A_72 = arith.constant 632 : i32
    %mul3A_73 = arith.muli %arg1, %mul3A_72 : i32
    %add3A_74 = arith.constant 256 : i32
    %add3A_75 = arith.addi %mul3A_73, %add3A_74 : i32
    "tpu.region"() ({
      %run_scoped3A = tpu.sem_alloc : memref<!tpu.dma_semaphore, #tpu.memory_space<semaphore_mem>>
      %dma_start3A_84 = arith.constant 0 : i32
      %dma_start3A_85 = arith.constant 0 : i32
      %dma_start3A_86 = tpu.memref_slice %arg15[%dma_start3A_84, %dma_start3A_85] : memref<256x64xf32, #tpu.memory_space<vmem>> -> memref<256x64xf32, #tpu.memory_space<vmem>>
      %dma_start3A_87 = arith.constant 0 : i32
      %dma_start3A_88 = tpu.memref_slice %arg7[%arg0, %add3A_75, %dma_start3A_87] : memref<2x10112x64xf32, #tpu.memory_space<hbm>> -> memref<1x256x64xf32, #tpu.memory_space<hbm>>
      %dma_start3A_89 = tpu.memref_squeeze %dma_start3A_88 : memref<1x256x64xf32, #tpu.memory_space<hbm>> -> memref<256x64xf32, #tpu.memory_space<hbm>>
      %dma_start3A_90 = arith.constant 0 : i32
      %dma_start3A_91 = tpu.memref_slice %arg7[%arg0, %add3A_75, %dma_start3A_90] : memref<2x10112x64xf32, #tpu.memory_space<hbm>> -> memref<1x256x64xf32, #tpu.memory_space<hbm>>
      %dma_start3A_92 = tpu.memref_squeeze %dma_start3A_91 : memref<1x256x64xf32, #tpu.memory_space<hbm>> -> memref<256x64xf32, #tpu.memory_space<hbm>>
      %dma_start3A_93 = arith.constant 0 : i32
      %dma_start3A_94 = arith.constant 0 : i32
      %dma_start3A_95 = tpu.memref_slice %arg15[%dma_start3A_93, %dma_start3A_94] : memref<256x64xf32, #tpu.memory_space<vmem>> -> memref<256x64xf32, #tpu.memory_space<vmem>>
      tpu.enqueue_dma source(%dma_start3A_95 : memref<256x64xf32, #tpu.memory_space<vmem>>) target(%dma_start3A_92 : memref<256x64xf32, #tpu.memory_space<hbm>>) target_semaphore(%run_scoped3A : memref<!tpu.dma_semaphore, #tpu.memory_space<semaphore_mem>>)
      %dma_wait3A_96 = arith.constant 0 : i32
      %dma_wait3A_97 = arith.constant 0 : i32
      %dma_wait3A_98 = tpu.memref_slice %arg15[%dma_wait3A_96, %dma_wait3A_97] : memref<256x64xf32, #tpu.memory_space<vmem>> -> memref<256x64xf32, #tpu.memory_space<vmem>>
      %dma_wait3A_99 = arith.constant 0 : i32
      %dma_wait3A_100 = tpu.memref_slice %arg7[%arg0, %add3A_75, %dma_wait3A_99] : memref<2x10112x64xf32, #tpu.memory_space<hbm>> -> memref<1x256x64xf32, #tpu.memory_space<hbm>>
      %dma_wait3A_101 = tpu.memref_squeeze %dma_wait3A_100 : memref<1x256x64xf32, #tpu.memory_space<hbm>> -> memref<256x64xf32, #tpu.memory_space<hbm>>
      %dma_wait3A_102 = arith.constant 0 : i32
      %dma_wait3A_103 = tpu.memref_slice %arg7[%arg0, %add3A_75, %dma_wait3A_102] : memref<2x10112x64xf32, #tpu.memory_space<hbm>> -> memref<1x256x64xf32, #tpu.memory_space<hbm>>
      %dma_wait3A_104 = tpu.memref_squeeze %dma_wait3A_103 : memref<1x256x64xf32, #tpu.memory_space<hbm>> -> memref<256x64xf32, #tpu.memory_space<hbm>>
      %dma_wait3A_105 = arith.constant 0 : i32
      %dma_wait3A_106 = arith.constant 0 : i32
      %dma_wait3A_107 = tpu.memref_slice %arg15[%dma_wait3A_105, %dma_wait3A_106] : memref<256x64xf32, #tpu.memory_space<vmem>> -> memref<256x64xf32, #tpu.memory_space<vmem>>
      tpu.wait_dma2 semaphore(%run_scoped3A : memref<!tpu.dma_semaphore, #tpu.memory_space<semaphore_mem>>) src(%dma_wait3A_107 : memref<256x64xf32, #tpu.memory_space<vmem>>) dst(%dma_wait3A_104 : memref<256x64xf32, #tpu.memory_space<hbm>>)
      tpu.yield
    }) : () -> ()
    %mul3A_76 = arith.constant 632 : i32
    %mul3A_77 = arith.muli %arg1, %mul3A_76 : i32
    %add3A_78 = arith.constant 512 : i32
    %add3A_79 = arith.addi %mul3A_77, %add3A_78 : i32
    "tpu.region"() ({
      %run_scoped3A = tpu.sem_alloc : memref<!tpu.dma_semaphore, #tpu.memory_space<semaphore_mem>>
      %dma_start3A_84 = arith.constant 0 : i32
      %dma_start3A_85 = arith.constant 0 : i32
      %dma_start3A_86 = tpu.memref_slice %arg15[%dma_start3A_84, %dma_start3A_85] : memref<256x64xf32, #tpu.memory_space<vmem>> -> memref<120x64xf32, #tpu.memory_space<vmem>>
      %dma_start3A_87 = arith.constant 0 : i32
      %dma_start3A_88 = tpu.memref_slice %arg9[%add3A_79, %dma_start3A_87] : memref<10112x64xf32, #tpu.memory_space<vmem_shared>> -> memref<120x64xf32, #tpu.memory_space<vmem_shared>>
      %dma_start3A_89 = arith.constant 0 : i32
      %dma_start3A_90 = arith.constant 0 : i32
      %dma_start3A_91 = tpu.memref_slice %arg15[%dma_start3A_89, %dma_start3A_90] : memref<256x64xf32, #tpu.memory_space<vmem>> -> memref<120x64xf32, #tpu.memory_space<vmem>>
      %dma_start3A_92 = arith.constant 0 : i32
      %dma_start3A_93 = tpu.memref_slice %arg9[%add3A_79, %dma_start3A_92] : memref<10112x64xf32, #tpu.memory_space<vmem_shared>> -> memref<120x64xf32, #tpu.memory_space<vmem_shared>>
      tpu.enqueue_dma source(%dma_start3A_93 : memref<120x64xf32, #tpu.memory_space<vmem_shared>>) target(%dma_start3A_91 : memref<120x64xf32, #tpu.memory_space<vmem>>) target_semaphore(%run_scoped3A : memref<!tpu.dma_semaphore, #tpu.memory_space<semaphore_mem>>)
      %dma_wait3A_94 = arith.constant 0 : i32
      %dma_wait3A_95 = arith.constant 0 : i32
      %dma_wait3A_96 = tpu.memref_slice %arg15[%dma_wait3A_94, %dma_wait3A_95] : memref<256x64xf32, #tpu.memory_space<vmem>> -> memref<120x64xf32, #tpu.memory_space<vmem>>
      %dma_wait3A_97 = arith.constant 0 : i32
      %dma_wait3A_98 = tpu.memref_slice %arg9[%add3A_79, %dma_wait3A_97] : memref<10112x64xf32, #tpu.memory_space<vmem_shared>> -> memref<120x64xf32, #tpu.memory_space<vmem_shared>>
      %dma_wait3A_99 = arith.constant 0 : i32
      %dma_wait3A_100 = arith.constant 0 : i32
      %dma_wait3A_101 = tpu.memref_slice %arg15[%dma_wait3A_99, %dma_wait3A_100] : memref<256x64xf32, #tpu.memory_space<vmem>> -> memref<120x64xf32, #tpu.memory_space<vmem>>
      %dma_wait3A_102 = arith.constant 0 : i32
      %dma_wait3A_103 = tpu.memref_slice %arg9[%add3A_79, %dma_wait3A_102] : memref<10112x64xf32, #tpu.memory_space<vmem_shared>> -> memref<120x64xf32, #tpu.memory_space<vmem_shared>>
      tpu.wait_dma2 semaphore(%run_scoped3A : memref<!tpu.dma_semaphore, #tpu.memory_space<semaphore_mem>>) src(%dma_wait3A_103 : memref<120x64xf32, #tpu.memory_space<vmem_shared>>) dst(%dma_wait3A_101 : memref<120x64xf32, #tpu.memory_space<vmem>>)
      tpu.yield
    }) : () -> ()
    %mul3A_80 = arith.constant 632 : i32
    %mul3A_81 = arith.muli %arg1, %mul3A_80 : i32
    %add3A_82 = arith.constant 512 : i32
    %add3A_83 = arith.addi %mul3A_81, %add3A_82 : i32
    "tpu.region"() ({
      %run_scoped3A = tpu.sem_alloc : memref<!tpu.dma_semaphore, #tpu.memory_space<semaphore_mem>>
      %dma_start3A_84 = arith.constant 0 : i32
      %dma_start3A_85 = arith.constant 0 : i32
      %dma_start3A_86 = tpu.memref_slice %arg15[%dma_start3A_84, %dma_start3A_85] : memref<256x64xf32, #tpu.memory_space<vmem>> -> memref<120x64xf32, #tpu.memory_space<vmem>>
      %dma_start3A_87 = arith.constant 0 : i32
      %dma_start3A_88 = tpu.memref_slice %arg7[%arg0, %add3A_83, %dma_start3A_87] : memref<2x10112x64xf32, #tpu.memory_space<hbm>> -> memref<1x120x64xf32, #tpu.memory_space<hbm>>
      %dma_start3A_89 = tpu.memref_squeeze %dma_start3A_88 : memref<1x120x64xf32, #tpu.memory_space<hbm>> -> memref<120x64xf32, #tpu.memory_space<hbm>>
      %dma_start3A_90 = arith.constant 0 : i32
      %dma_start3A_91 = tpu.memref_slice %arg7[%arg0, %add3A_83, %dma_start3A_90] : memref<2x10112x64xf32, #tpu.memory_space<hbm>> -> memref<1x120x64xf32, #tpu.memory_space<hbm>>
      %dma_start3A_92 = tpu.memref_squeeze %dma_start3A_91 : memref<1x120x64xf32, #tpu.memory_space<hbm>> -> memref<120x64xf32, #tpu.memory_space<hbm>>
      %dma_start3A_93 = arith.constant 0 : i32
      %dma_start3A_94 = arith.constant 0 : i32
      %dma_start3A_95 = tpu.memref_slice %arg15[%dma_start3A_93, %dma_start3A_94] : memref<256x64xf32, #tpu.memory_space<vmem>> -> memref<120x64xf32, #tpu.memory_space<vmem>>
      tpu.enqueue_dma source(%dma_start3A_95 : memref<120x64xf32, #tpu.memory_space<vmem>>) target(%dma_start3A_92 : memref<120x64xf32, #tpu.memory_space<hbm>>) target_semaphore(%run_scoped3A : memref<!tpu.dma_semaphore, #tpu.memory_space<semaphore_mem>>)
      %dma_wait3A_96 = arith.constant 0 : i32
      %dma_wait3A_97 = arith.constant 0 : i32
      %dma_wait3A_98 = tpu.memref_slice %arg15[%dma_wait3A_96, %dma_wait3A_97] : memref<256x64xf32, #tpu.memory_space<vmem>> -> memref<120x64xf32, #tpu.memory_space<vmem>>
      %dma_wait3A_99 = arith.constant 0 : i32
      %dma_wait3A_100 = tpu.memref_slice %arg7[%arg0, %add3A_83, %dma_wait3A_99] : memref<2x10112x64xf32, #tpu.memory_space<hbm>> -> memref<1x120x64xf32, #tpu.memory_space<hbm>>
      %dma_wait3A_101 = tpu.memref_squeeze %dma_wait3A_100 : memref<1x120x64xf32, #tpu.memory_space<hbm>> -> memref<120x64xf32, #tpu.memory_space<hbm>>
      %dma_wait3A_102 = arith.constant 0 : i32
      %dma_wait3A_103 = tpu.memref_slice %arg7[%arg0, %add3A_83, %dma_wait3A_102] : memref<2x10112x64xf32, #tpu.memory_space<hbm>> -> memref<1x120x64xf32, #tpu.memory_space<hbm>>
      %dma_wait3A_104 = tpu.memref_squeeze %dma_wait3A_103 : memref<1x120x64xf32, #tpu.memory_space<hbm>> -> memref<120x64xf32, #tpu.memory_space<hbm>>
      %dma_wait3A_105 = arith.constant 0 : i32
      %dma_wait3A_106 = arith.constant 0 : i32
      %dma_wait3A_107 = tpu.memref_slice %arg15[%dma_wait3A_105, %dma_wait3A_106] : memref<256x64xf32, #tpu.memory_space<vmem>> -> memref<120x64xf32, #tpu.memory_space<vmem>>
      tpu.wait_dma2 semaphore(%run_scoped3A : memref<!tpu.dma_semaphore, #tpu.memory_space<semaphore_mem>>) src(%dma_wait3A_107 : memref<120x64xf32, #tpu.memory_space<vmem>>) dst(%dma_wait3A_104 : memref<120x64xf32, #tpu.memory_space<hbm>>)
      tpu.yield
    }) : () -> ()
    return
  }
}

module attributes {stable_mosaic.version = 14 : i64} {
  func.func @_attn_tables_body(%arg0: i32, %arg1: memref<1x1000x128xf32, #tpu.memory_space<vmem>>, %arg2: memref<128x128xf32, #tpu.memory_space<vmem>>, %arg3: memref<1x128xf32, #tpu.memory_space<vmem>>, %arg4: memref<128x128xf32, #tpu.memory_space<vmem>>, %arg5: memref<1x128xf32, #tpu.memory_space<vmem>>, %arg6: memref<8x128x64xf32, #tpu.memory_space<vmem>>, %arg7: memref<128x64xf32, #tpu.memory_space<vmem>>, %arg8: memref<1x64xf32, #tpu.memory_space<vmem>>, %arg9: memref<8x1000x64xf32, #tpu.memory_space<vmem>>, %arg10: memref<1000x64xf32, #tpu.memory_space<vmem>>) attributes {dimension_semantics = [#tpu.dimension_semantics<arbitrary>], iteration_bounds = array<i64: 10>, scalar_prefetch = 0 : i64, scratch_operands = 0 : i64, tpu.core_type = #tpu.core_type<tc>, window_params = [{transform_indices = @transform_0, window_bounds = array<i64: 1, 1000, 128>}, {pipeline_mode = #tpu.pipeline_mode<synchronous>, transform_indices = @transform_1, window_bounds = array<i64: 128, 128>}, {pipeline_mode = #tpu.pipeline_mode<synchronous>, transform_indices = @transform_2, window_bounds = array<i64: 1, 128>}, {pipeline_mode = #tpu.pipeline_mode<synchronous>, transform_indices = @transform_3, window_bounds = array<i64: 128, 128>}, {pipeline_mode = #tpu.pipeline_mode<synchronous>, transform_indices = @transform_4, window_bounds = array<i64: 1, 128>}, {pipeline_mode = #tpu.pipeline_mode<synchronous>, transform_indices = @transform_5, window_bounds = array<i64: 8, 128, 64>}, {pipeline_mode = #tpu.pipeline_mode<synchronous>, transform_indices = @transform_6, window_bounds = array<i64: 128, 64>}, {pipeline_mode = #tpu.pipeline_mode<synchronous>, transform_indices = @transform_7, window_bounds = array<i64: 1, 64>}, {transform_indices = @transform_8, window_bounds = array<i64: 8, 1000, 64>}, {transform_indices = @transform_9, window_bounds = array<i64: 1000, 64>}]} {
    %get3A = arith.constant 0 : index
    %get3A_0 = arith.constant 0 : index
    %get3A_1 = arith.constant 0 : index
    %get3A_2 = vector.load %arg1[%get3A, %get3A_0, %get3A_1] : memref<1x1000x128xf32, #tpu.memory_space<vmem>>, vector<1x1000x128xf32>
    %get3A_3 = vector.shape_cast %get3A_2 : vector<1x1000x128xf32> to vector<1000x128xf32>
    %get3A_4 = arith.constant 0 : index
    %get3A_5 = arith.constant 0 : index
    %get3A_6 = vector.load %arg2[%get3A_4, %get3A_5] : memref<128x128xf32, #tpu.memory_space<vmem>>, vector<128x128xf32>
    %dot_general3A = arith.constant dense<0.000000e+00> : vector<1000x128xf32>
    %dot_general3A_7 = tpu.matmul %get3A_3, %get3A_6, %dot_general3A {dimension_numbers = #tpu.dot_dimension_numbers<[1], [0], [0], [1], [0, 0, 1, 1], [], []>, transpose_lhs_hint = false} : vector<1000x128xf32>, vector<128x128xf32>, vector<1000x128xf32> -> vector<1000x128xf32>
    %get3A_8 = arith.constant 0 : index
    %get3A_9 = arith.constant 0 : index
    %get3A_10 = vector.load %arg3[%get3A_8, %get3A_9] : memref<1x128xf32, #tpu.memory_space<vmem>>, vector<1x128xf32>
    %add3A = vector.broadcast %get3A_10 : vector<1x128xf32> to vector<1000x128xf32>
    %add3A_11 = arith.addf %dot_general3A_7, %add3A : vector<1000x128xf32>
    %get3A_12 = arith.constant 0 : index
    %get3A_13 = arith.constant 0 : index
    %get3A_14 = vector.load %arg4[%get3A_12, %get3A_13] : memref<128x128xf32, #tpu.memory_space<vmem>>, vector<128x128xf32>
    %dot_general3A_15 = arith.constant dense<0.000000e+00> : vector<1000x128xf32>
    %dot_general3A_16 = tpu.matmul %add3A_11, %get3A_14, %dot_general3A_15 {dimension_numbers = #tpu.dot_dimension_numbers<[1], [0], [0], [1], [0, 0, 1, 1], [], []>, transpose_lhs_hint = false} : vector<1000x128xf32>, vector<128x128xf32>, vector<1000x128xf32> -> vector<1000x128xf32>
    %get3A_17 = arith.constant 0 : index
    %get3A_18 = arith.constant 0 : index
    %get3A_19 = vector.load %arg5[%get3A_17, %get3A_18] : memref<1x128xf32, #tpu.memory_space<vmem>>, vector<1x128xf32>
    %add3A_20 = vector.broadcast %get3A_19 : vector<1x128xf32> to vector<1000x128xf32>
    %add3A_21 = arith.addf %dot_general3A_16, %add3A_20 : vector<1000x128xf32>
    %get3A_22 = arith.constant 0 : index
    %get3A_23 = arith.constant 0 : index
    %get3A_24 = arith.constant 0 : index
    %get3A_25 = vector.load %arg6[%get3A_22, %get3A_23, %get3A_24] : memref<8x128x64xf32, #tpu.memory_space<vmem>>, vector<1x128x64xf32>
    %get3A_26 = vector.shape_cast %get3A_25 : vector<1x128x64xf32> to vector<128x64xf32>
    %dot_general3A_27 = arith.constant dense<0.000000e+00> : vector<1000x64xf32>
    %dot_general3A_28 = tpu.matmul %add3A_21, %get3A_26, %dot_general3A_27 {dimension_numbers = #tpu.dot_dimension_numbers<[1], [0], [0], [1], [0, 0, 1, 1], [], []>, transpose_lhs_hint = false} : vector<1000x128xf32>, vector<128x64xf32>, vector<1000x64xf32> -> vector<1000x64xf32>
    %swap3A = arith.constant 0 : index
    %swap3A_29 = arith.constant 0 : index
    %swap3A_30 = arith.constant 0 : index
    %swap3A_31 = vector.load %arg9[%swap3A, %swap3A_29, %swap3A_30] : memref<8x1000x64xf32, #tpu.memory_space<vmem>>, vector<1x1000x64xf32>
    %swap3A_32 = vector.shape_cast %swap3A_31 : vector<1x1000x64xf32> to vector<1000x64xf32>
    %swap3A_33 = vector.shape_cast %dot_general3A_28 : vector<1000x64xf32> to vector<1x1000x64xf32>
    tpu.vector_store %arg9[%swap3A, %swap3A_29, %swap3A_30], %swap3A_33 {strides = array<i32>} : memref<8x1000x64xf32, #tpu.memory_space<vmem>>, vector<1x1000x64xf32>,
    %get3A_34 = arith.constant 1 : index
    %get3A_35 = arith.constant 0 : index
    %get3A_36 = arith.constant 0 : index
    %get3A_37 = vector.load %arg6[%get3A_34, %get3A_35, %get3A_36] : memref<8x128x64xf32, #tpu.memory_space<vmem>>, vector<1x128x64xf32>
    %get3A_38 = vector.shape_cast %get3A_37 : vector<1x128x64xf32> to vector<128x64xf32>
    %dot_general3A_39 = arith.constant dense<0.000000e+00> : vector<1000x64xf32>
    %dot_general3A_40 = tpu.matmul %add3A_21, %get3A_38, %dot_general3A_39 {dimension_numbers = #tpu.dot_dimension_numbers<[1], [0], [0], [1], [0, 0, 1, 1], [], []>, transpose_lhs_hint = false} : vector<1000x128xf32>, vector<128x64xf32>, vector<1000x64xf32> -> vector<1000x64xf32>
    %swap3A_41 = arith.constant 1 : index
    %swap3A_42 = arith.constant 0 : index
    %swap3A_43 = arith.constant 0 : index
    %swap3A_44 = vector.load %arg9[%swap3A_41, %swap3A_42, %swap3A_43] : memref<8x1000x64xf32, #tpu.memory_space<vmem>>, vector<1x1000x64xf32>
    %swap3A_45 = vector.shape_cast %swap3A_44 : vector<1x1000x64xf32> to vector<1000x64xf32>
    %swap3A_46 = vector.shape_cast %dot_general3A_40 : vector<1000x64xf32> to vector<1x1000x64xf32>
    tpu.vector_store %arg9[%swap3A_41, %swap3A_42, %swap3A_43], %swap3A_46 {strides = array<i32>} : memref<8x1000x64xf32, #tpu.memory_space<vmem>>, vector<1x1000x64xf32>,
    %get3A_47 = arith.constant 2 : index
    %get3A_48 = arith.constant 0 : index
    %get3A_49 = arith.constant 0 : index
    %get3A_50 = vector.load %arg6[%get3A_47, %get3A_48, %get3A_49] : memref<8x128x64xf32, #tpu.memory_space<vmem>>, vector<1x128x64xf32>
    %get3A_51 = vector.shape_cast %get3A_50 : vector<1x128x64xf32> to vector<128x64xf32>
    %dot_general3A_52 = arith.constant dense<0.000000e+00> : vector<1000x64xf32>
    %dot_general3A_53 = tpu.matmul %add3A_21, %get3A_51, %dot_general3A_52 {dimension_numbers = #tpu.dot_dimension_numbers<[1], [0], [0], [1], [0, 0, 1, 1], [], []>, transpose_lhs_hint = false} : vector<1000x128xf32>, vector<128x64xf32>, vector<1000x64xf32> -> vector<1000x64xf32>
    %swap3A_54 = arith.constant 2 : index
    %swap3A_55 = arith.constant 0 : index
    %swap3A_56 = arith.constant 0 : index
    %swap3A_57 = vector.load %arg9[%swap3A_54, %swap3A_55, %swap3A_56] : memref<8x1000x64xf32, #tpu.memory_space<vmem>>, vector<1x1000x64xf32>
    %swap3A_58 = vector.shape_cast %swap3A_57 : vector<1x1000x64xf32> to vector<1000x64xf32>
    %swap3A_59 = vector.shape_cast %dot_general3A_53 : vector<1000x64xf32> to vector<1x1000x64xf32>
    tpu.vector_store %arg9[%swap3A_54, %swap3A_55, %swap3A_56], %swap3A_59 {strides = array<i32>} : memref<8x1000x64xf32, #tpu.memory_space<vmem>>, vector<1x1000x64xf32>,
    %get3A_60 = arith.constant 3 : index
    %get3A_61 = arith.constant 0 : index
    %get3A_62 = arith.constant 0 : index
    %get3A_63 = vector.load %arg6[%get3A_60, %get3A_61, %get3A_62] : memref<8x128x64xf32, #tpu.memory_space<vmem>>, vector<1x128x64xf32>
    %get3A_64 = vector.shape_cast %get3A_63 : vector<1x128x64xf32> to vector<128x64xf32>
    %dot_general3A_65 = arith.constant dense<0.000000e+00> : vector<1000x64xf32>
    %dot_general3A_66 = tpu.matmul %add3A_21, %get3A_64, %dot_general3A_65 {dimension_numbers = #tpu.dot_dimension_numbers<[1], [0], [0], [1], [0, 0, 1, 1], [], []>, transpose_lhs_hint = false} : vector<1000x128xf32>, vector<128x64xf32>, vector<1000x64xf32> -> vector<1000x64xf32>
    %swap3A_67 = arith.constant 3 : index
    %swap3A_68 = arith.constant 0 : index
    %swap3A_69 = arith.constant 0 : index
    %swap3A_70 = vector.load %arg9[%swap3A_67, %swap3A_68, %swap3A_69] : memref<8x1000x64xf32, #tpu.memory_space<vmem>>, vector<1x1000x64xf32>
    %swap3A_71 = vector.shape_cast %swap3A_70 : vector<1x1000x64xf32> to vector<1000x64xf32>
    %swap3A_72 = vector.shape_cast %dot_general3A_66 : vector<1000x64xf32> to vector<1x1000x64xf32>
    tpu.vector_store %arg9[%swap3A_67, %swap3A_68, %swap3A_69], %swap3A_72 {strides = array<i32>} : memref<8x1000x64xf32, #tpu.memory_space<vmem>>, vector<1x1000x64xf32>,
    %get3A_73 = arith.constant 4 : index
    %get3A_74 = arith.constant 0 : index
    %get3A_75 = arith.constant 0 : index
    %get3A_76 = vector.load %arg6[%get3A_73, %get3A_74, %get3A_75] : memref<8x128x64xf32, #tpu.memory_space<vmem>>, vector<1x128x64xf32>
    %get3A_77 = vector.shape_cast %get3A_76 : vector<1x128x64xf32> to vector<128x64xf32>
    %dot_general3A_78 = arith.constant dense<0.000000e+00> : vector<1000x64xf32>
    %dot_general3A_79 = tpu.matmul %add3A_21, %get3A_77, %dot_general3A_78 {dimension_numbers = #tpu.dot_dimension_numbers<[1], [0], [0], [1], [0, 0, 1, 1], [], []>, transpose_lhs_hint = false} : vector<1000x128xf32>, vector<128x64xf32>, vector<1000x64xf32> -> vector<1000x64xf32>
    %swap3A_80 = arith.constant 4 : index
    %swap3A_81 = arith.constant 0 : index
    %swap3A_82 = arith.constant 0 : index
    %swap3A_83 = vector.load %arg9[%swap3A_80, %swap3A_81, %swap3A_82] : memref<8x1000x64xf32, #tpu.memory_space<vmem>>, vector<1x1000x64xf32>
    %swap3A_84 = vector.shape_cast %swap3A_83 : vector<1x1000x64xf32> to vector<1000x64xf32>
    %swap3A_85 = vector.shape_cast %dot_general3A_79 : vector<1000x64xf32> to vector<1x1000x64xf32>
    tpu.vector_store %arg9[%swap3A_80, %swap3A_81, %swap3A_82], %swap3A_85 {strides = array<i32>} : memref<8x1000x64xf32, #tpu.memory_space<vmem>>, vector<1x1000x64xf32>,
    %get3A_86 = arith.constant 5 : index
    %get3A_87 = arith.constant 0 : index
    %get3A_88 = arith.constant 0 : index
    %get3A_89 = vector.load %arg6[%get3A_86, %get3A_87, %get3A_88] : memref<8x128x64xf32, #tpu.memory_space<vmem>>, vector<1x128x64xf32>
    %get3A_90 = vector.shape_cast %get3A_89 : vector<1x128x64xf32> to vector<128x64xf32>
    %dot_general3A_91 = arith.constant dense<0.000000e+00> : vector<1000x64xf32>
    %dot_general3A_92 = tpu.matmul %add3A_21, %get3A_90, %dot_general3A_91 {dimension_numbers = #tpu.dot_dimension_numbers<[1], [0], [0], [1], [0, 0, 1, 1], [], []>, transpose_lhs_hint = false} : vector<1000x128xf32>, vector<128x64xf32>, vector<1000x64xf32> -> vector<1000x64xf32>
    %swap3A_93 = arith.constant 5 : index
    %swap3A_94 = arith.constant 0 : index
    %swap3A_95 = arith.constant 0 : index
    %swap3A_96 = vector.load %arg9[%swap3A_93, %swap3A_94, %swap3A_95] : memref<8x1000x64xf32, #tpu.memory_space<vmem>>, vector<1x1000x64xf32>
    %swap3A_97 = vector.shape_cast %swap3A_96 : vector<1x1000x64xf32> to vector<1000x64xf32>
    %swap3A_98 = vector.shape_cast %dot_general3A_92 : vector<1000x64xf32> to vector<1x1000x64xf32>
    tpu.vector_store %arg9[%swap3A_93, %swap3A_94, %swap3A_95], %swap3A_98 {strides = array<i32>} : memref<8x1000x64xf32, #tpu.memory_space<vmem>>, vector<1x1000x64xf32>,
    %get3A_99 = arith.constant 6 : index
    %get3A_100 = arith.constant 0 : index
    %get3A_101 = arith.constant 0 : index
    %get3A_102 = vector.load %arg6[%get3A_99, %get3A_100, %get3A_101] : memref<8x128x64xf32, #tpu.memory_space<vmem>>, vector<1x128x64xf32>
    %get3A_103 = vector.shape_cast %get3A_102 : vector<1x128x64xf32> to vector<128x64xf32>
    %dot_general3A_104 = arith.constant dense<0.000000e+00> : vector<1000x64xf32>
    %dot_general3A_105 = tpu.matmul %add3A_21, %get3A_103, %dot_general3A_104 {dimension_numbers = #tpu.dot_dimension_numbers<[1], [0], [0], [1], [0, 0, 1, 1], [], []>, transpose_lhs_hint = false} : vector<1000x128xf32>, vector<128x64xf32>, vector<1000x64xf32> -> vector<1000x64xf32>
    %swap3A_106 = arith.constant 6 : index
    %swap3A_107 = arith.constant 0 : index
    %swap3A_108 = arith.constant 0 : index
    %swap3A_109 = vector.load %arg9[%swap3A_106, %swap3A_107, %swap3A_108] : memref<8x1000x64xf32, #tpu.memory_space<vmem>>, vector<1x1000x64xf32>
    %swap3A_110 = vector.shape_cast %swap3A_109 : vector<1x1000x64xf32> to vector<1000x64xf32>
    %swap3A_111 = vector.shape_cast %dot_general3A_105 : vector<1000x64xf32> to vector<1x1000x64xf32>
    tpu.vector_store %arg9[%swap3A_106, %swap3A_107, %swap3A_108], %swap3A_111 {strides = array<i32>} : memref<8x1000x64xf32, #tpu.memory_space<vmem>>, vector<1x1000x64xf32>,
    %get3A_112 = arith.constant 7 : index
    %get3A_113 = arith.constant 0 : index
    %get3A_114 = arith.constant 0 : index
    %get3A_115 = vector.load %arg6[%get3A_112, %get3A_113, %get3A_114] : memref<8x128x64xf32, #tpu.memory_space<vmem>>, vector<1x128x64xf32>
    %get3A_116 = vector.shape_cast %get3A_115 : vector<1x128x64xf32> to vector<128x64xf32>
    %dot_general3A_117 = arith.constant dense<0.000000e+00> : vector<1000x64xf32>
    %dot_general3A_118 = tpu.matmul %add3A_21, %get3A_116, %dot_general3A_117 {dimension_numbers = #tpu.dot_dimension_numbers<[1], [0], [0], [1], [0, 0, 1, 1], [], []>, transpose_lhs_hint = false} : vector<1000x128xf32>, vector<128x64xf32>, vector<1000x64xf32> -> vector<1000x64xf32>
    %swap3A_119 = arith.constant 7 : index
    %swap3A_120 = arith.constant 0 : index
    %swap3A_121 = arith.constant 0 : index
    %swap3A_122 = vector.load %arg9[%swap3A_119, %swap3A_120, %swap3A_121] : memref<8x1000x64xf32, #tpu.memory_space<vmem>>, vector<1x1000x64xf32>
    %swap3A_123 = vector.shape_cast %swap3A_122 : vector<1x1000x64xf32> to vector<1000x64xf32>
    %swap3A_124 = vector.shape_cast %dot_general3A_118 : vector<1000x64xf32> to vector<1x1000x64xf32>
    tpu.vector_store %arg9[%swap3A_119, %swap3A_120, %swap3A_121], %swap3A_124 {strides = array<i32>} : memref<8x1000x64xf32, #tpu.memory_space<vmem>>, vector<1x1000x64xf32>,
    %get3A_125 = arith.constant 0 : index
    %get3A_126 = arith.constant 0 : index
    %get3A_127 = vector.load %arg7[%get3A_125, %get3A_126] : memref<128x64xf32, #tpu.memory_space<vmem>>, vector<128x64xf32>
    %dot_general3A_128 = arith.constant dense<0.000000e+00> : vector<1000x64xf32>
    %dot_general3A_129 = tpu.matmul %add3A_21, %get3A_127, %dot_general3A_128 {dimension_numbers = #tpu.dot_dimension_numbers<[1], [0], [0], [1], [0, 0, 1, 1], [], []>, transpose_lhs_hint = false} : vector<1000x128xf32>, vector<128x64xf32>, vector<1000x64xf32> -> vector<1000x64xf32>
    %get3A_130 = arith.constant 0 : index
    %get3A_131 = arith.constant 0 : index
    %get3A_132 = vector.load %arg8[%get3A_130, %get3A_131] : memref<1x64xf32, #tpu.memory_space<vmem>>, vector<1x64xf32>
    %add3A_133 = vector.broadcast %get3A_132 : vector<1x64xf32> to vector<1000x64xf32>
    %add3A_134 = arith.addf %dot_general3A_129, %add3A_133 : vector<1000x64xf32>
    %swap3A_135 = arith.constant 0 : index
    %swap3A_136 = arith.constant 0 : index
    %swap3A_137 = vector.load %arg10[%swap3A_135, %swap3A_136] : memref<1000x64xf32, #tpu.memory_space<vmem>>, vector<1000x64xf32>
    tpu.vector_store %arg10[%swap3A_135, %swap3A_136], %add3A_134 {strides = array<i32>} : memref<1000x64xf32, #tpu.memory_space<vmem>>, vector<1000x64xf32>,
    return
  }
  func.func @transform_0(%arg0: i32) -> (i32, i32, i32) {
    %c0_i32 = arith.constant 0 : i32
    %c0_i32_0 = arith.constant 0 : i32
    %c0_i32_1 = arith.constant 0 : i32
    return %c0_i32, %arg0, %c0_i32_0 : i32, i32, i32
  }
  func.func @transform_1(%arg0: i32) -> (i32, i32) {
    %c0_i32 = arith.constant 0 : i32
    %c0_i32_0 = arith.constant 0 : i32
    %c0_i32_1 = arith.constant 0 : i32
    return %c0_i32, %c0_i32_0 : i32, i32
  }
  func.func @transform_2(%arg0: i32) -> (i32, i32) {
    %c0_i32 = arith.constant 0 : i32
    %c0_i32_0 = arith.constant 0 : i32
    %c0_i32_1 = arith.constant 0 : i32
    return %c0_i32, %c0_i32_0 : i32, i32
  }
  func.func @transform_3(%arg0: i32) -> (i32, i32) {
    %c0_i32 = arith.constant 0 : i32
    %c0_i32_0 = arith.constant 0 : i32
    %c0_i32_1 = arith.constant 0 : i32
    return %c0_i32, %c0_i32_0 : i32, i32
  }
  func.func @transform_4(%arg0: i32) -> (i32, i32) {
    %c0_i32 = arith.constant 0 : i32
    %c0_i32_0 = arith.constant 0 : i32
    %c0_i32_1 = arith.constant 0 : i32
    return %c0_i32, %c0_i32_0 : i32, i32
  }
  func.func @transform_5(%arg0: i32) -> (i32, i32, i32) {
    %c0_i32 = arith.constant 0 : i32
    %c0_i32_0 = arith.constant 0 : i32
    %c0_i32_1 = arith.constant 0 : i32
    %c0_i32_2 = arith.constant 0 : i32
    return %c0_i32, %c0_i32_0, %c0_i32_1 : i32, i32, i32
  }
  func.func @transform_6(%arg0: i32) -> (i32, i32) {
    %c0_i32 = arith.constant 0 : i32
    %c0_i32_0 = arith.constant 0 : i32
    %c0_i32_1 = arith.constant 0 : i32
    return %c0_i32, %c0_i32_0 : i32, i32
  }
  func.func @transform_7(%arg0: i32) -> (i32, i32) {
    %c0_i32 = arith.constant 0 : i32
    %c0_i32_0 = arith.constant 0 : i32
    %c0_i32_1 = arith.constant 0 : i32
    return %c0_i32, %c0_i32_0 : i32, i32
  }
  func.func @transform_8(%arg0: i32) -> (i32, i32, i32) {
    %c0_i32 = arith.constant 0 : i32
    %c0_i32_0 = arith.constant 0 : i32
    %c0_i32_1 = arith.constant 0 : i32
    return %c0_i32, %arg0, %c0_i32_0 : i32, i32, i32
  }
  func.func @transform_9(%arg0: i32) -> (i32, i32) {
    %c0_i32 = arith.constant 0 : i32
    %c0_i32_0 = arith.constant 0 : i32
    return %arg0, %c0_i32 : i32, i32
  }
}

module attributes {stable_mosaic.version = 14 : i64} {
  func.func @_layer2_tables_body(%arg0: i32, %arg1: memref<2x1000x64xf32, #tpu.memory_space<vmem>>, %arg2: memref<1000x64xf32, #tpu.memory_space<vmem>>, %arg3: memref<8x64x16xf32, #tpu.memory_space<vmem>>, %arg4: memref<64x16xf32, #tpu.memory_space<vmem>>, %arg5: memref<1x16xf32, #tpu.memory_space<vmem>>, %arg6: memref<8x1000x16xf32, #tpu.memory_space<vmem>>, %arg7: memref<1000x16xf32, #tpu.memory_space<vmem>>) attributes {dimension_semantics = [#tpu.dimension_semantics<arbitrary>], iteration_bounds = array<i64: 10>, scalar_prefetch = 0 : i64, scratch_operands = 0 : i64, tpu.core_type = #tpu.core_type<tc>, window_params = [{transform_indices = @transform_0, window_bounds = array<i64: 2, 1000, 64>}, {transform_indices = @transform_1, window_bounds = array<i64: 1000, 64>}, {pipeline_mode = #tpu.pipeline_mode<synchronous>, transform_indices = @transform_2, window_bounds = array<i64: 8, 64, 16>}, {pipeline_mode = #tpu.pipeline_mode<synchronous>, transform_indices = @transform_3, window_bounds = array<i64: 64, 16>}, {pipeline_mode = #tpu.pipeline_mode<synchronous>, transform_indices = @transform_4, window_bounds = array<i64: 1, 16>}, {transform_indices = @transform_5, window_bounds = array<i64: 8, 1000, 16>}, {transform_indices = @transform_6, window_bounds = array<i64: 1000, 16>}]} {
    %get3A = arith.constant 0 : index
    %get3A_0 = arith.constant 0 : index
    %get3A_1 = arith.constant 0 : index
    %get3A_2 = vector.load %arg1[%get3A, %get3A_0, %get3A_1] : memref<2x1000x64xf32, #tpu.memory_space<vmem>>, vector<1x1000x64xf32>
    %get3A_3 = vector.shape_cast %get3A_2 : vector<1x1000x64xf32> to vector<1000x64xf32>
    %get3A_4 = arith.constant 1 : index
    %get3A_5 = arith.constant 0 : index
    %get3A_6 = arith.constant 0 : index
    %get3A_7 = vector.load %arg1[%get3A_4, %get3A_5, %get3A_6] : memref<2x1000x64xf32, #tpu.memory_space<vmem>>, vector<1x1000x64xf32>
    %get3A_8 = vector.shape_cast %get3A_7 : vector<1x1000x64xf32> to vector<1000x64xf32>
    %add3A = arith.addf %get3A_3, %get3A_8 : vector<1000x64xf32>
    %get3A_9 = arith.constant 0 : index
    %get3A_10 = arith.constant 0 : index
    %get3A_11 = vector.load %arg2[%get3A_9, %get3A_10] : memref<1000x64xf32, #tpu.memory_space<vmem>>, vector<1000x64xf32>
    %add3A_12 = arith.addf %add3A, %get3A_11 : vector<1000x64xf32>
    %max3A = arith.constant 0.000000e+00 : f32
    %max3A_13 = vector.broadcast %max3A : f32 to vector<1000x64xf32>
    %max3A_14 = arith.maximumf %add3A_12, %max3A_13 : vector<1000x64xf32>
    %get3A_15 = arith.constant 0 : index
    %get3A_16 = arith.constant 0 : index
    %get3A_17 = arith.constant 0 : index
    %get3A_18 = vector.load %arg3[%get3A_15, %get3A_16, %get3A_17] : memref<8x64x16xf32, #tpu.memory_space<vmem>>, vector<1x64x16xf32>
    %get3A_19 = vector.shape_cast %get3A_18 : vector<1x64x16xf32> to vector<64x16xf32>
    %dot_general3A = arith.constant dense<0.000000e+00> : vector<1000x16xf32>
    %dot_general3A_20 = tpu.matmul %max3A_14, %get3A_19, %dot_general3A {dimension_numbers = #tpu.dot_dimension_numbers<[1], [0], [0], [1], [0, 0, 1, 1], [], []>, transpose_lhs_hint = false} : vector<1000x64xf32>, vector<64x16xf32>, vector<1000x16xf32> -> vector<1000x16xf32>
    %swap3A = arith.constant 0 : index
    %swap3A_21 = arith.constant 0 : index
    %swap3A_22 = arith.constant 0 : index
    %swap3A_23 = vector.load %arg6[%swap3A, %swap3A_21, %swap3A_22] : memref<8x1000x16xf32, #tpu.memory_space<vmem>>, vector<1x1000x16xf32>
    %swap3A_24 = vector.shape_cast %swap3A_23 : vector<1x1000x16xf32> to vector<1000x16xf32>
    %swap3A_25 = vector.shape_cast %dot_general3A_20 : vector<1000x16xf32> to vector<1x1000x16xf32>
    tpu.vector_store %arg6[%swap3A, %swap3A_21, %swap3A_22], %swap3A_25 {strides = array<i32>} : memref<8x1000x16xf32, #tpu.memory_space<vmem>>, vector<1x1000x16xf32>,
    %get3A_26 = arith.constant 1 : index
    %get3A_27 = arith.constant 0 : index
    %get3A_28 = arith.constant 0 : index
    %get3A_29 = vector.load %arg3[%get3A_26, %get3A_27, %get3A_28] : memref<8x64x16xf32, #tpu.memory_space<vmem>>, vector<1x64x16xf32>
    %get3A_30 = vector.shape_cast %get3A_29 : vector<1x64x16xf32> to vector<64x16xf32>
    %dot_general3A_31 = arith.constant dense<0.000000e+00> : vector<1000x16xf32>
    %dot_general3A_32 = tpu.matmul %max3A_14, %get3A_30, %dot_general3A_31 {dimension_numbers = #tpu.dot_dimension_numbers<[1], [0], [0], [1], [0, 0, 1, 1], [], []>, transpose_lhs_hint = false} : vector<1000x64xf32>, vector<64x16xf32>, vector<1000x16xf32> -> vector<1000x16xf32>
    %swap3A_33 = arith.constant 1 : index
    %swap3A_34 = arith.constant 0 : index
    %swap3A_35 = arith.constant 0 : index
    %swap3A_36 = vector.load %arg6[%swap3A_33, %swap3A_34, %swap3A_35] : memref<8x1000x16xf32, #tpu.memory_space<vmem>>, vector<1x1000x16xf32>
    %swap3A_37 = vector.shape_cast %swap3A_36 : vector<1x1000x16xf32> to vector<1000x16xf32>
    %swap3A_38 = vector.shape_cast %dot_general3A_32 : vector<1000x16xf32> to vector<1x1000x16xf32>
    tpu.vector_store %arg6[%swap3A_33, %swap3A_34, %swap3A_35], %swap3A_38 {strides = array<i32>} : memref<8x1000x16xf32, #tpu.memory_space<vmem>>, vector<1x1000x16xf32>,
    %get3A_39 = arith.constant 2 : index
    %get3A_40 = arith.constant 0 : index
    %get3A_41 = arith.constant 0 : index
    %get3A_42 = vector.load %arg3[%get3A_39, %get3A_40, %get3A_41] : memref<8x64x16xf32, #tpu.memory_space<vmem>>, vector<1x64x16xf32>
    %get3A_43 = vector.shape_cast %get3A_42 : vector<1x64x16xf32> to vector<64x16xf32>
    %dot_general3A_44 = arith.constant dense<0.000000e+00> : vector<1000x16xf32>
    %dot_general3A_45 = tpu.matmul %max3A_14, %get3A_43, %dot_general3A_44 {dimension_numbers = #tpu.dot_dimension_numbers<[1], [0], [0], [1], [0, 0, 1, 1], [], []>, transpose_lhs_hint = false} : vector<1000x64xf32>, vector<64x16xf32>, vector<1000x16xf32> -> vector<1000x16xf32>
    %swap3A_46 = arith.constant 2 : index
    %swap3A_47 = arith.constant 0 : index
    %swap3A_48 = arith.constant 0 : index
    %swap3A_49 = vector.load %arg6[%swap3A_46, %swap3A_47, %swap3A_48] : memref<8x1000x16xf32, #tpu.memory_space<vmem>>, vector<1x1000x16xf32>
    %swap3A_50 = vector.shape_cast %swap3A_49 : vector<1x1000x16xf32> to vector<1000x16xf32>
    %swap3A_51 = vector.shape_cast %dot_general3A_45 : vector<1000x16xf32> to vector<1x1000x16xf32>
    tpu.vector_store %arg6[%swap3A_46, %swap3A_47, %swap3A_48], %swap3A_51 {strides = array<i32>} : memref<8x1000x16xf32, #tpu.memory_space<vmem>>, vector<1x1000x16xf32>,
    %get3A_52 = arith.constant 3 : index
    %get3A_53 = arith.constant 0 : index
    %get3A_54 = arith.constant 0 : index
    %get3A_55 = vector.load %arg3[%get3A_52, %get3A_53, %get3A_54] : memref<8x64x16xf32, #tpu.memory_space<vmem>>, vector<1x64x16xf32>
    %get3A_56 = vector.shape_cast %get3A_55 : vector<1x64x16xf32> to vector<64x16xf32>
    %dot_general3A_57 = arith.constant dense<0.000000e+00> : vector<1000x16xf32>
    %dot_general3A_58 = tpu.matmul %max3A_14, %get3A_56, %dot_general3A_57 {dimension_numbers = #tpu.dot_dimension_numbers<[1], [0], [0], [1], [0, 0, 1, 1], [], []>, transpose_lhs_hint = false} : vector<1000x64xf32>, vector<64x16xf32>, vector<1000x16xf32> -> vector<1000x16xf32>
    %swap3A_59 = arith.constant 3 : index
    %swap3A_60 = arith.constant 0 : index
    %swap3A_61 = arith.constant 0 : index
    %swap3A_62 = vector.load %arg6[%swap3A_59, %swap3A_60, %swap3A_61] : memref<8x1000x16xf32, #tpu.memory_space<vmem>>, vector<1x1000x16xf32>
    %swap3A_63 = vector.shape_cast %swap3A_62 : vector<1x1000x16xf32> to vector<1000x16xf32>
    %swap3A_64 = vector.shape_cast %dot_general3A_58 : vector<1000x16xf32> to vector<1x1000x16xf32>
    tpu.vector_store %arg6[%swap3A_59, %swap3A_60, %swap3A_61], %swap3A_64 {strides = array<i32>} : memref<8x1000x16xf32, #tpu.memory_space<vmem>>, vector<1x1000x16xf32>,
    %get3A_65 = arith.constant 4 : index
    %get3A_66 = arith.constant 0 : index
    %get3A_67 = arith.constant 0 : index
    %get3A_68 = vector.load %arg3[%get3A_65, %get3A_66, %get3A_67] : memref<8x64x16xf32, #tpu.memory_space<vmem>>, vector<1x64x16xf32>
    %get3A_69 = vector.shape_cast %get3A_68 : vector<1x64x16xf32> to vector<64x16xf32>
    %dot_general3A_70 = arith.constant dense<0.000000e+00> : vector<1000x16xf32>
    %dot_general3A_71 = tpu.matmul %max3A_14, %get3A_69, %dot_general3A_70 {dimension_numbers = #tpu.dot_dimension_numbers<[1], [0], [0], [1], [0, 0, 1, 1], [], []>, transpose_lhs_hint = false} : vector<1000x64xf32>, vector<64x16xf32>, vector<1000x16xf32> -> vector<1000x16xf32>
    %swap3A_72 = arith.constant 4 : index
    %swap3A_73 = arith.constant 0 : index
    %swap3A_74 = arith.constant 0 : index
    %swap3A_75 = vector.load %arg6[%swap3A_72, %swap3A_73, %swap3A_74] : memref<8x1000x16xf32, #tpu.memory_space<vmem>>, vector<1x1000x16xf32>
    %swap3A_76 = vector.shape_cast %swap3A_75 : vector<1x1000x16xf32> to vector<1000x16xf32>
    %swap3A_77 = vector.shape_cast %dot_general3A_71 : vector<1000x16xf32> to vector<1x1000x16xf32>
    tpu.vector_store %arg6[%swap3A_72, %swap3A_73, %swap3A_74], %swap3A_77 {strides = array<i32>} : memref<8x1000x16xf32, #tpu.memory_space<vmem>>, vector<1x1000x16xf32>,
    %get3A_78 = arith.constant 5 : index
    %get3A_79 = arith.constant 0 : index
    %get3A_80 = arith.constant 0 : index
    %get3A_81 = vector.load %arg3[%get3A_78, %get3A_79, %get3A_80] : memref<8x64x16xf32, #tpu.memory_space<vmem>>, vector<1x64x16xf32>
    %get3A_82 = vector.shape_cast %get3A_81 : vector<1x64x16xf32> to vector<64x16xf32>
    %dot_general3A_83 = arith.constant dense<0.000000e+00> : vector<1000x16xf32>
    %dot_general3A_84 = tpu.matmul %max3A_14, %get3A_82, %dot_general3A_83 {dimension_numbers = #tpu.dot_dimension_numbers<[1], [0], [0], [1], [0, 0, 1, 1], [], []>, transpose_lhs_hint = false} : vector<1000x64xf32>, vector<64x16xf32>, vector<1000x16xf32> -> vector<1000x16xf32>
    %swap3A_85 = arith.constant 5 : index
    %swap3A_86 = arith.constant 0 : index
    %swap3A_87 = arith.constant 0 : index
    %swap3A_88 = vector.load %arg6[%swap3A_85, %swap3A_86, %swap3A_87] : memref<8x1000x16xf32, #tpu.memory_space<vmem>>, vector<1x1000x16xf32>
    %swap3A_89 = vector.shape_cast %swap3A_88 : vector<1x1000x16xf32> to vector<1000x16xf32>
    %swap3A_90 = vector.shape_cast %dot_general3A_84 : vector<1000x16xf32> to vector<1x1000x16xf32>
    tpu.vector_store %arg6[%swap3A_85, %swap3A_86, %swap3A_87], %swap3A_90 {strides = array<i32>} : memref<8x1000x16xf32, #tpu.memory_space<vmem>>, vector<1x1000x16xf32>,
    %get3A_91 = arith.constant 6 : index
    %get3A_92 = arith.constant 0 : index
    %get3A_93 = arith.constant 0 : index
    %get3A_94 = vector.load %arg3[%get3A_91, %get3A_92, %get3A_93] : memref<8x64x16xf32, #tpu.memory_space<vmem>>, vector<1x64x16xf32>
    %get3A_95 = vector.shape_cast %get3A_94 : vector<1x64x16xf32> to vector<64x16xf32>
    %dot_general3A_96 = arith.constant dense<0.000000e+00> : vector<1000x16xf32>
    %dot_general3A_97 = tpu.matmul %max3A_14, %get3A_95, %dot_general3A_96 {dimension_numbers = #tpu.dot_dimension_numbers<[1], [0], [0], [1], [0, 0, 1, 1], [], []>, transpose_lhs_hint = false} : vector<1000x64xf32>, vector<64x16xf32>, vector<1000x16xf32> -> vector<1000x16xf32>
    %swap3A_98 = arith.constant 6 : index
    %swap3A_99 = arith.constant 0 : index
    %swap3A_100 = arith.constant 0 : index
    %swap3A_101 = vector.load %arg6[%swap3A_98, %swap3A_99, %swap3A_100] : memref<8x1000x16xf32, #tpu.memory_space<vmem>>, vector<1x1000x16xf32>
    %swap3A_102 = vector.shape_cast %swap3A_101 : vector<1x1000x16xf32> to vector<1000x16xf32>
    %swap3A_103 = vector.shape_cast %dot_general3A_97 : vector<1000x16xf32> to vector<1x1000x16xf32>
    tpu.vector_store %arg6[%swap3A_98, %swap3A_99, %swap3A_100], %swap3A_103 {strides = array<i32>} : memref<8x1000x16xf32, #tpu.memory_space<vmem>>, vector<1x1000x16xf32>,
    %get3A_104 = arith.constant 7 : index
    %get3A_105 = arith.constant 0 : index
    %get3A_106 = arith.constant 0 : index
    %get3A_107 = vector.load %arg3[%get3A_104, %get3A_105, %get3A_106] : memref<8x64x16xf32, #tpu.memory_space<vmem>>, vector<1x64x16xf32>
    %get3A_108 = vector.shape_cast %get3A_107 : vector<1x64x16xf32> to vector<64x16xf32>
    %dot_general3A_109 = arith.constant dense<0.000000e+00> : vector<1000x16xf32>
    %dot_general3A_110 = tpu.matmul %max3A_14, %get3A_108, %dot_general3A_109 {dimension_numbers = #tpu.dot_dimension_numbers<[1], [0], [0], [1], [0, 0, 1, 1], [], []>, transpose_lhs_hint = false} : vector<1000x64xf32>, vector<64x16xf32>, vector<1000x16xf32> -> vector<1000x16xf32>
    %swap3A_111 = arith.constant 7 : index
    %swap3A_112 = arith.constant 0 : index
    %swap3A_113 = arith.constant 0 : index
    %swap3A_114 = vector.load %arg6[%swap3A_111, %swap3A_112, %swap3A_113] : memref<8x1000x16xf32, #tpu.memory_space<vmem>>, vector<1x1000x16xf32>
    %swap3A_115 = vector.shape_cast %swap3A_114 : vector<1x1000x16xf32> to vector<1000x16xf32>
    %swap3A_116 = vector.shape_cast %dot_general3A_110 : vector<1000x16xf32> to vector<1x1000x16xf32>
    tpu.vector_store %arg6[%swap3A_111, %swap3A_112, %swap3A_113], %swap3A_116 {strides = array<i32>} : memref<8x1000x16xf32, #tpu.memory_space<vmem>>, vector<1x1000x16xf32>,
    %get3A_117 = arith.constant 0 : index
    %get3A_118 = arith.constant 0 : index
    %get3A_119 = vector.load %arg4[%get3A_117, %get3A_118] : memref<64x16xf32, #tpu.memory_space<vmem>>, vector<64x16xf32>
    %dot_general3A_120 = arith.constant dense<0.000000e+00> : vector<1000x16xf32>
    %dot_general3A_121 = tpu.matmul %max3A_14, %get3A_119, %dot_general3A_120 {dimension_numbers = #tpu.dot_dimension_numbers<[1], [0], [0], [1], [0, 0, 1, 1], [], []>, transpose_lhs_hint = false} : vector<1000x64xf32>, vector<64x16xf32>, vector<1000x16xf32> -> vector<1000x16xf32>
    %get3A_122 = arith.constant 0 : index
    %get3A_123 = arith.constant 0 : index
    %get3A_124 = vector.load %arg5[%get3A_122, %get3A_123] : memref<1x16xf32, #tpu.memory_space<vmem>>, vector<1x16xf32>
    %add3A_125 = vector.broadcast %get3A_124 : vector<1x16xf32> to vector<1000x16xf32>
    %add3A_126 = arith.addf %dot_general3A_121, %add3A_125 : vector<1000x16xf32>
    %swap3A_127 = arith.constant 0 : index
    %swap3A_128 = arith.constant 0 : index
    %swap3A_129 = vector.load %arg7[%swap3A_127, %swap3A_128] : memref<1000x16xf32, #tpu.memory_space<vmem>>, vector<1000x16xf32>
    tpu.vector_store %arg7[%swap3A_127, %swap3A_128], %add3A_126 {strides = array<i32>} : memref<1000x16xf32, #tpu.memory_space<vmem>>, vector<1000x16xf32>,
    return
  }
  func.func @transform_0(%arg0: i32) -> (i32, i32, i32) {
    %c0_i32 = arith.constant 0 : i32
    %c0_i32_0 = arith.constant 0 : i32
    %c0_i32_1 = arith.constant 0 : i32
    return %c0_i32, %arg0, %c0_i32_0 : i32, i32, i32
  }
  func.func @transform_1(%arg0: i32) -> (i32, i32) {
    %c0_i32 = arith.constant 0 : i32
    %c0_i32_0 = arith.constant 0 : i32
    return %arg0, %c0_i32 : i32, i32
  }
  func.func @transform_2(%arg0: i32) -> (i32, i32, i32) {
    %c0_i32 = arith.constant 0 : i32
    %c0_i32_0 = arith.constant 0 : i32
    %c0_i32_1 = arith.constant 0 : i32
    %c0_i32_2 = arith.constant 0 : i32
    return %c0_i32, %c0_i32_0, %c0_i32_1 : i32, i32, i32
  }
  func.func @transform_3(%arg0: i32) -> (i32, i32) {
    %c0_i32 = arith.constant 0 : i32
    %c0_i32_0 = arith.constant 0 : i32
    %c0_i32_1 = arith.constant 0 : i32
    return %c0_i32, %c0_i32_0 : i32, i32
  }
  func.func @transform_4(%arg0: i32) -> (i32, i32) {
    %c0_i32 = arith.constant 0 : i32
    %c0_i32_0 = arith.constant 0 : i32
    %c0_i32_1 = arith.constant 0 : i32
    return %c0_i32, %c0_i32_0 : i32, i32
  }
  func.func @transform_5(%arg0: i32) -> (i32, i32, i32) {
    %c0_i32 = arith.constant 0 : i32
    %c0_i32_0 = arith.constant 0 : i32
    %c0_i32_1 = arith.constant 0 : i32
    return %c0_i32, %arg0, %c0_i32_0 : i32, i32, i32
  }
  func.func @transform_6(%arg0: i32) -> (i32, i32) {
    %c0_i32 = arith.constant 0 : i32
    %c0_i32_0 = arith.constant 0 : i32
    return %arg0, %c0_i32 : i32, i32
  }
}

module attributes {stable_mosaic.version = 14 : i64} {
  func.func @_final_body(%arg0: memref<2x10000x16xf32, #tpu.memory_space<vmem>>, %arg1: memref<10000x16xf32, #tpu.memory_space<vmem>>, %arg2: memref<10000x16xf32, #tpu.memory_space<vmem>>) attributes {dimension_semantics = [], scalar_prefetch = 0 : i64, scratch_operands = 0 : i64, tpu.core_type = #tpu.core_type<tc>} {
    %get3A = arith.constant 0 : index
    %get3A_0 = arith.constant 0 : index
    %get3A_1 = arith.constant 0 : index
    %get3A_2 = vector.load %arg0[%get3A, %get3A_0, %get3A_1] : memref<2x10000x16xf32, #tpu.memory_space<vmem>>, vector<1x10000x16xf32>
    %get3A_3 = vector.shape_cast %get3A_2 : vector<1x10000x16xf32> to vector<10000x16xf32>
    %get3A_4 = arith.constant 1 : index
    %get3A_5 = arith.constant 0 : index
    %get3A_6 = arith.constant 0 : index
    %get3A_7 = vector.load %arg0[%get3A_4, %get3A_5, %get3A_6] : memref<2x10000x16xf32, #tpu.memory_space<vmem>>, vector<1x10000x16xf32>
    %get3A_8 = vector.shape_cast %get3A_7 : vector<1x10000x16xf32> to vector<10000x16xf32>
    %add3A = arith.addf %get3A_3, %get3A_8 : vector<10000x16xf32>
    %get3A_9 = arith.constant 0 : index
    %get3A_10 = arith.constant 0 : index
    %get3A_11 = vector.load %arg1[%get3A_9, %get3A_10] : memref<10000x16xf32, #tpu.memory_space<vmem>>, vector<10000x16xf32>
    %add3A_12 = arith.addf %add3A, %get3A_11 : vector<10000x16xf32>
    %max3A = arith.constant 0.000000e+00 : f32
    %max3A_13 = vector.broadcast %max3A : f32 to vector<10000x16xf32>
    %max3A_14 = arith.maximumf %add3A_12, %max3A_13 : vector<10000x16xf32>
    %swap3A = arith.constant 0 : index
    %swap3A_15 = arith.constant 0 : index
    %swap3A_16 = vector.load %arg2[%swap3A, %swap3A_15] : memref<10000x16xf32, #tpu.memory_space<vmem>>, vector<10000x16xf32>
    tpu.vector_store %arg2[%swap3A, %swap3A_15], %max3A_14 {strides = array<i32>} : memref<10000x16xf32, #tpu.memory_space<vmem>>, vector<10000x16xf32>,
    return
  }
}

</mosaic_0001>

<sc_bundles>
// kernel: kernel.11.cloned.1.call-start
scs
__scs_entry_jumppad:
0x0: {  	(pc) =	sbr.rel $0x88, $3  }
0x1: {  	(tag) =	ssettag $0x0;
	lr =	simm.s32 $0x1  }
0x2: {  	[smem:$0x3F94] =	sst lr;
	_ =	strace $0xD0000000  }
0x3: {  	_ = 	snop  }
0x4: {  	_ = 	snop  }
0x5: {  	_ = 	snop  }
0x6: {  	_ = 	snop  }
0x7: {  	_ = 	snop  }
__scs_overlays_trampoline_lowered:
0x8: {  	[smem:$0x3FA3] =	sst s0  }
0x9: {  	[smem:$0x3FA4] =	sst s1  }
0xa: {  	[smem:$0x3FA5] =	sst s2  }
0xb: {  	[smem:$0x3FA6] =	sst s3  }
0xc: {  	[smem:$0x3FA7] =	sst s4  }
0xd: {  	[smem:$0x3FA8] =	sst s5  }
0xe: {  	[smem:$0x3FA9] =	sst s6  }
0xf: {  	[smem:$0x3FAA] =	sst s7  }
0x10: {  	[smem:$0x3FAB] =	sst s8  }
0x11: {  	[smem:$0x3FAC] =	sst s9;
	s0 =	simm.s32 @!p0 $0x0  }
0x12: {  	s1 =	sld [smem:$0x3F92];
	s0 =	simm.s32 @p0 $0x1  }
0x13: {  	[smem:$0x3FAD] =	sst s0;
	s0 =	simm.s32 @!p1 $0x0  }
0x14: {  	s2 =	sld [smem:$0x3F91];
	s0 =	simm.s32 @p1 $0x1  }
0x15: {  	[smem:$0x3FAE] =	sst s0;
	s0 =	simm.s32 @!p2 $0x0  }
0x16: {  	s3 =	sld [smem:$0x3FDB];
	s0 =	simm.s32 @p2 $0x1  }
0x17: {  	s4 =	simm.s32 $0x1BF5;
	[smem:$0x3FB0] =	sst s0  }
0x18: {  	s0 =	sld [smem:$0x3F93];
	_ =	swait.ge [sflag:s4], $0x0  }
0x19: {  	s7 =	sld [smem:$0x3F94]  }
0x1a: {  	s8 =	sadd.s32 $0xFFFFE003, lr  }
0x1b: {  	s9 =	sadd.s32 $0xFFFFFEF7, lr;
	s5 =	simm.s32 $0xFFFFFFFF;
	p2 =	slt.u32 s8, $0xFFFFF086  }
0x1c: {  	p1 =	slt.u32 s9, $0xF7A;
	s5 =	simm.s32 @!p2 $0x0  }
0x1d: {  	s5 =	simm.s32 @p1 $0x1;
	p0 =	seq.s32 s7, s2  }
0x1e: {  	s7 =	smul.u32 @!p0 $0xF7A, s2;
	p2 =	seq.s32 @!p0 s5, $0x0  }
0x1f: {  	s9 =	smul.u32 $0xF7A, s1;
	s8 =	simm.s32 @!p0 $0x1BF5;
	p2 =	por !p2, p0  }
0x20: {  	[sflag:s8] =	ssyncset.s32 @!p0 $0xFFFFF086;
	s6 =	sadd.s32 @!p0 s3, s7;
	s7 =	simm.s32 @!p0 $0x108  }
0x21: {  	s3 =	sadd.s32 s3, s9;
	s6 =	sadd.s32 @!p0 $0x88, s6;
	s7 =	simm.s32 @p2 $0x1082  }
0x22: {  	[simem:s7], [sflag:s8] =	dma.local @!p0 [hbm:s6], $0xF7A  }
0x23: {  	s9 =	sor.u32 $0xD0000000, s2;
	s6 =	simm.s32 $0x108;
	_ =	swait.ge @!p0 [sflag:s8], $0x0  }
0x24: {  	s3 =	sadd.s32 $0x88, s3;
	s6 =	simm.s32 @!p1 $0x1082;
	[sflag:s4] =	ssyncset.s32 $0xFFFFF086  }
0x25: {  	[simem:s6], [sflag:s4] =	dma.local [hbm:s3], $0xF7A  }
0x26: {  	[smem:$0x3F94] =	sst s1;
	(tag) =	ssettag s2;
	_ =	strace s9  }
0x27: {  	s1 =	sld [smem:$0x3FA4]  }
0x28: {  	s2 =	sld [smem:$0x3FA5]  }
0x29: {  	s4 =	sld [smem:$0x3FA7]  }
0x2a: {  	p0 =	seq.s32 s5, $0x0;
	s5 =	sld [smem:$0x3FA8]  }
0x2b: {  	s6 =	sld [smem:$0x3FA9]  }
0x2c: {  	s7 =	sld [smem:$0x3FAA]  }
0x2d: {  	s3 =	simm.s32 $0x108;
	s8 =	sld [smem:$0x3FAB]  }
0x2e: {  	s3 =	simm.s32 @!p0 $0x1082;
	s9 =	sld [smem:$0x3FAC]  }
0x2f: {  	lr =	sadd.s32 s0, s3;
	s0 =	sld [smem:$0x3FA3]  }
0x30: {  	s3 =	sld [smem:$0x3FA6]  }
0x31: {  	[smem:$0x3FAF] =	sst s10  }
0x32: {  	s10 =	sld [smem:$0x3FAD];
	_ =	sdelay $0x3  }
0x33: {  	p0 =	seq.s32 s10, $0x1;
	s10 =	sld [smem:$0x3FAF];
	_ =	sdelay $0x3  }
0x34: {  	[smem:$0x3FAF] =	sst s10  }
0x35: {  	s10 =	sld [smem:$0x3FAE];
	_ =	sdelay $0x3  }
0x36: {  	p1 =	seq.s32 s10, $0x1;
	s10 =	sld [smem:$0x3FAF];
	_ =	sdelay $0x3  }
0x37: {  	[smem:$0x3FAF] =	sst s10  }
0x38: {  	s10 =	sld [smem:$0x3FB0]  }
0x39: {  	_ = 	snop;
	(pc) =	sbr.ind lr, $3  }
0x3a: {  	_ = 	snop  }
0x3b: {  	_ = 	snop  }
0x3c: {  	p2 =	seq.s32 s10, $0x1;
	s10 =	sld [smem:$0x3FAF]  }
0x3d: {  	_ =	shalt  }
0x3e: {  	_ =	shalt  }
0x3f: {  	_ =	shalt  }
0x40: {  	_ =	shalt  }
0x41: {  	_ =	shalt  }
0x42: {  	_ =	shalt  }
0x43: {  	_ =	shalt  }
0x44: {  	_ =	shalt  }
0x45: {  	_ =	shalt  }
0x46: {  	_ =	shalt  }
0x47: {  	_ =	shalt  }
0x48: {  	_ =	shalt  }
0x49: {  	_ =	shalt  }
0x4a: {  	_ =	shalt  }
0x4b: {  	_ =	shalt  }
0x4c: {  	_ =	shalt  }
0x4d: {  	_ =	shalt  }
0x4e: {  	_ =	shalt  }
0x4f: {  	_ =	shalt  }
0x50: {  	_ =	shalt  }
0x51: {  	_ =	shalt  }
0x52: {  	_ =	shalt  }
0x53: {  	_ =	shalt  }
0x54: {  	_ =	shalt  }
0x55: {  	_ =	shalt  }
0x56: {  	_ =	shalt  }
0x57: {  	_ =	shalt  }
0x58: {  	_ =	shalt  }
0x59: {  	_ =	shalt  }
0x5a: {  	_ =	shalt  }
0x5b: {  	_ =	shalt  }
0x5c: {  	_ =	shalt  }
0x5d: {  	_ =	shalt  }
0x5e: {  	_ =	shalt  }
0x5f: {  	_ =	shalt  }
0x60: {  	_ =	shalt  }
0x61: {  	_ =	shalt  }
0x62: {  	_ =	shalt  }
0x63: {  	_ =	shalt  }
0x64: {  	_ =	shalt  }
0x65: {  	_ =	shalt  }
0x66: {  	_ =	shalt  }
0x67: {  	_ =	shalt  }
0x68: {  	_ =	shalt  }
0x69: {  	_ =	shalt  }
0x6a: {  	_ =	shalt  }
0x6b: {  	_ =	shalt  }
0x6c: {  	_ =	shalt  }
0x6d: {  	_ =	shalt  }
0x6e: {  	_ =	shalt  }
0x6f: {  	_ =	shalt  }
0x70: {  	_ =	shalt  }
0x71: {  	_ =	shalt  }
0x72: {  	_ =	shalt  }
0x73: {  	_ =	shalt  }
0x74: {  	_ =	shalt  }
0x75: {  	_ =	shalt  }
0x76: {  	_ =	shalt  }
0x77: {  	_ =	shalt  }
0x78: {  	_ =	shalt  }
0x79: {  	_ =	shalt  }
0x7a: {  	_ =	shalt  }
0x7b: {  	_ =	shalt  }
0x7c: {  	_ =	shalt  }
0x7d: {  	_ =	shalt  }
0x7e: {  	_ =	shalt  }
0x7f: {  	_ =	shalt  }
0x80: {  	_ =	shalt  }
0x81: {  	_ =	shalt  }
0x82: {  	_ =	shalt  }
0x83: {  	_ =	shalt  }
0x84: {  	_ =	shalt  }
0x85: {  	_ =	shalt  }
0x86: {  	_ =	shalt  }
0x87: {  	_ =	shalt  }
.Lfunc_end0:
.L_simem_size_0:
called_computation.1_lowered:
.L_overlay_start_0:
0x88: {  	s2 =	sld [smem:$0x3FD9]  }
0x89: {  	s3 =	sld [smem:$0x3FFE];
	_ =	sdelay $0x1  }
0x8a: {  	s1 =	srdreg.scid  }
0x8b: {  	s0 =	sand.u32 $0x1, s1  }
0x8c: {  	s17 =	sshll.u32 s0, $0xA;
	s2 =	sadd.s32 s3, s2  }
0x8d: {  	s2 =	sadd.s32 s2, s17  }
0x8e: {  	[smem:$0x3FBB] =	sst s2  }
0x8f: {  	_ = 	snop  }
0x90: {  	s2 =	sld [smem:$0x3FD0];
	(tm) =	ssettm $0x1  }
0x91: {  	s18 =	sld [smem:$0x3FFB];
	_ =	sdelay $0x3  }
0x92: {  	_ =	strace s18  }
0x93: {  	s3 =	sld [smem:$0x3FFC];
	_ =	sdelay $0x3  }
0x94: {  	_ =	strace s3  }
0x95: {  	s3 =	sld [smem:$0x3FFD];
	_ =	sdelay $0x3  }
0x96: {  	_ =	strace s3  }
0x97: {  	_ =	strace $0x8FFFFFFF  }
0x98: {  	s19 =	sld [smem:$0x3FDB];
	_ =	sdelay $0x1  }
0x99: {  	s4 =	simm.s32 $_scs_section_size  }
0x9a: {  	s5 =	simm.s32 $_size__tile_overlayer_lowered;
	s6 =	simm.s32 $_tile_overlayer_lowered  }
0x9b: {  	s22 =	simm.s32 $0x1BFF;
	s21 =	sshll.u32 s6, $0x1;
	s3 =	sadd.s32 s4, s19  }
0x9c: {  	s7 =	simm.s32 $0x0;
	s20 =	sshll.u32 s5, $0x1;
	s5 =	sadd.s32 s21, s3  }
0x9d: {  	[timem:s7], [sflag:s22] =	dma.local [hbm:s5], s20  }
0x9e: {  	_ =	swait.ge [sflag:s22], s20  }
0x9f: {  	s4 =	ssub.s32 $0x0, s20;
	[sflag:s22] =	ssyncset.done $0x0  }
0xa0: {  	[sflag:s22] =	ssyncadd.s32 s4;
	_ =	sdelay $0x1  }
0xa1: {  	s23 =	simm.s32 $0x1B8B  }
0xa2: {  	_ =	swait.ge [sflag:s23], $0x1  }
0xa3: {  	[sflag:s23] =	ssyncset.done $0x0  }
0xa4: {  	s25 =	simm.s32 $0x1B8E;
	s24 =	sld [smem:$0x3FFE];
	[sflag:s23] =	ssyncadd.s32 $0xFFFFFFFF  }
0xa5: {  	s26 =	simm.s32 $execute0_lowered;
	[smem:$0x3FD2] =	sst s25  }
0xa6: {  	s5 =	sshll.u32 s26, $0x1;
	_ =	strace $0x80000049;
	[dreg:$0x1] =	wrdreg $0xFFFFFFFF  }
0xa7: {  	s28 =	simm.s32 $_size_execute0_lowered;
	s3 =	sadd.s32 s3, s5;
	[dreg:$0x0] =	wrdreg $0x0  }
0xa8: {  	s5 =	sshll.u32 s28, $0x1;
	[dreg:$0x2] =	wrdreg s3  }
0xa9: {  	[dreg:$0x3] =	wrdreg s5  }
0xaa: {  	[dreg:$0x4] =	wrdreg $0xC0  }
0xab: {  	_ =	task [dreg:s7], $0x5FFFF  }
0xac: {  	[dreg:$0x1] =	wrdreg $0xFFFFFFFF  }
0xad: {  	[dreg:$0x0] =	wrdreg $0x60  }
0xae: {  	[dreg:$0x2] =	wrdreg s24  }
0xaf: {  	[dreg:$0x3] =	wrdreg s2  }
0xb0: {  	[dreg:$0x4] =	wrdreg $0x0  }
0xb1: {  	[dreg:$0x5] =	wrdreg $0x9  }
0xb2: {  	_ =	task.clear_ibuf [dreg:s7], $0x6FFFF;
	_ =	strace $0x90000049  }
0xb3: {  	s29 =	simm.s32 $0x9;
	_ =	strace $0x8000004B  }
0xb4: {  	_ =	swait.ge [sflag:s29], $0x1  }
0xb5: {  	[sflag:s29] =	ssyncadd.s32 $0xFFFFFFFF  }
0xb6: {  	_ =	strace $0x9000004B  }
0xb7: {  	_ =	sfence  }
0xb8: {  	s30 =	sld [smem:$0x0];
	_ =	sdelay $0x2  }
0xb9: {  	s31 =	sshll.u32 s1, $0xD;
	s1 =	sshrl.u32 s1, $0x2  }
0xba: {  	s3 =	sand.u32 $0x4000, s31;
	s1 =	sadd.s32 s1, s30  }
0xbb: {  	s0 =	sor.u32 s3, s0;
	s1 =	sshll.u32 s1, $0x11  }
0xbc: {  	s0 =	sor.u32 s1, s0  }
0xbd: {  	s0 =	sadd.s32 $0x8F2B, s0  }
0xbe: {  	[sflag:s0] =	ssyncadd.remote.s32 $0x1  }
0xbf: {  	_ =	sfence.sel $0xFFFF  }
0xc0: {  	[dreg:$0x0] =	wrdreg $0xFFFFFFFF;
	(pc) =	sbr.abs _section_cstart, $3  }
0xc1: {  	[dreg:$0x1] =	wrdreg $0xFFFFFFFF  }
0xc2: {  	_ =	task.clear_ibuf [dreg:s7], $0x2FFFF;
	_ =	strace $0x9FFFFFFF  }
0xc3: {  	(tm) =	ssettm $0x7FFFFFFF  }
tec
execute0_lowered:
.L_overlay_start_1:
0x0: {  	(tag) =	ssettag $0x1  }
0x1: {  	s0 =	rddreg [dreg:$0x0]  }
0x2: {  	s2 =	rddreg [dreg:$0x1]  }
0x3: {  	s3 =	rddreg [dreg:$0x2]  }
0x4: {  	s1 =	srdreg.scid;
	s9 =	stileid.u32  }
0x5: {  	s4 =	simm.s32 $0x0;
	s19 =	simm.s32 $0xEE00;
	s20 =	simm.s32 $0x13F00  }
0x6: {  	s28 =	simm.s32 $0x2;
	s29 =	simm.s32 $0x13E00;
	s30 =	simm.s32 $0x3  }
0x7: {  	s1 =	sand.u32 $0x1, s1;
	s5 =	sshll.u32 s9, $0x1;
	[smem:$0x7FF] =	sst s4  }
0x8: {  	s7 =	sadd.s32 $0x20C00, s0;
	s12 =	smul.u32 $0x9E00, s9;
	s5 =	sor.u32 s1, s5  }
0x9: {  	_ =	strace $0x8000004A;
	s8 =	ssub.s32 $0x2, s1;
	s1 =	smul.u32 $0x9E000, s1  }
0xa: {  	s6 =	smul.u32 $0x500, s5;
	s5 =	sadd.s32 $0x145400, s0;
	s21 =	sshrl.u32 s8, $0x1  }
0xb: {  	s25 =	sadd.s32 $0x4000, s12;
	s9 =	sadd.s32 s12, s3;
	s13 =	sadd.s32 $0x8000, s12  }
0xc: {  	s10 =	sadd.s32 s25, s3;
	s11 =	sadd.s32 s13, s3;
	s26 =	sadd.s32 s12, s1  }
0xd: {  	s0 =	sadd.s32 s6, s0;
	s6 =	ssub.s32 s8, s21;
	s8 =	sadd.s32 s1, s25  }
0xe: {  	s1 =	sadd.s32 s1, s13;
	s21 =	simm.s32 $0x4;
	s22 =	sadd.s32 $0x16C00, s0  }
0xf: {  	s25 =	simm.s32 $0x17F00;
	s23 =	sadd.s32 $0xCC00, s0;
	[dreg:$0x4] =	wrdreg s22  }
0x10: {  	s24 =	sadd.s32 $0x2C00, s0;
	s0 =	sadd.s32 $0x48400, s0;
	[dreg:$0x5] =	wrdreg s23  }
0x11: {  	s31 =	sshrl.u32 s8, $0x3;
	s1 =	sshrl.u32 s1, $0x3;
	[dreg:$0x6] =	wrdreg s24  }
0x12: {  	s16 =	smax.u32 s6, $0x1;
	s8 =	simm.s32 $0x9E00;
	[dreg:$0x7] =	wrdreg s0  }
0x13: {  	s0 =	sshrl.u32 s26, $0x3;
	s14 =	sadd.s32 s7, s31;
	s15 =	sadd.s32 s7, s1  }
0x14: {  	s22 =	simm.s32 $0x1;
	s23 =	simm.s32 $0x100;
	s24 =	simm.s32 $0x1BF00  }
0x15: {  	v0 =	vimm.f32 $0.0e+00;
	s26 =	simm.s32 $0x1C000;
	s13 =	sadd.s32 s7, s0;
	s0 =	simm.s32 $0x0  }
.LBB2_1:
0x16: {  	s1 =	rddreg [dreg:$0x4]  }
0x17: {  	[tilespmem:s8], [sflag:$0x1] =	stream.linear.gather [hbm4b:s1+s4], $0x2800, $0x38;
	[tilespmem:$0x1C100] =	vst v63  }
0x18: {  	s18 =	rddreg [dreg:$0x5];
	s6 =	simm.s32 $0xC600  }
0x19: {  	[tilespmem:s6], [sflag:$0x1] =	stream.linear.gather [hbm4b:s18+s4], $0x2800, $0x38;
	[tilespmem:$0x1C100] =	vst v63  }
0x1a: {  	s31 =	rddreg [dreg:$0x6];
	s1 =	simm.s32 $0x0;
	s6 =	simm.s32 $0x100  }
0x1b: {  	[tilespmem:s19], [sflag:$0x1] =	stream.linear.gather [hbm4b:s31+s4], $0x2800, $0x38;
	[tilespmem:$0x1C100] =	vst v63  }
.LBB2_2:
0x1c: {  	p0 =	sne.s32 s6, $0xFF00;
	[tilespmem:s1+$0x13F30] =	vst v0;
	s7 =	smov.u32 s6;
	s6 =	sadd.s32 $0x100, s6  }
.Ltmp0:
0x1d: {  	[tilespmem:s1+$0x13F20] =	vst v0;
	(pc) =	sbr.rel @p0 .LBB2_2-.Ltmp0, $3  }
0x1e: {  	[tilespmem:s1+$0x13F00] =	vst v0  }
0x1f: {  	[tilespmem:s1+$0x13F10] =	vst v0;
	_ =	sdelay $0x1  }
0x20: {  	s1 =	sshra.s32 s7, $0x2  }
0x21: {  	[tilespmem:s1+$0x13F30] =	vst v0  }
0x22: {  	[tilespmem:s1+$0x13F20] =	vst v0  }
0x23: {  	[tilespmem:s1+$0x13F00] =	vst v0  }
0x24: {  	[tilespmem:s1+$0x13F10] =	vst v0  }
0x25: {  	[spmem:s9] =	stream.linear.scatter [tilespmem:s20], [sflag:$0x4], $0x4000, $0x38;
	[tilespmem:$0x1C100] =	vst v63  }
0x26: {  	_ =	swait.ge [sflag:s21], $0x4000  }
0x27: {  	[sflag:s21] =	ssyncset.done $0x0  }
0x28: {  	[sflag:s21] =	ssyncadd.s32 $0xFFFFC000  }
0x29: {  	[spmem:s10] =	stream.linear.scatter [tilespmem:s20], [sflag:$0x4], $0x4000, $0x38;
	[tilespmem:$0x1C100] =	vst v63  }
0x2a: {  	_ =	swait.ge [sflag:s21], $0x4000  }
0x2b: {  	[sflag:s21] =	ssyncset.done $0x0  }
0x2c: {  	[sflag:s21] =	ssyncadd.s32 $0xFFFFC000  }
0x2d: {  	[spmem:s11] =	stream.linear.scatter [tilespmem:s20], [sflag:$0x4], $0x1E00, $0x38;
	[tilespmem:$0x1C100] =	vst v63  }
0x2e: {  	_ =	swait.ge [sflag:s21], $0x1E00  }
0x2f: {  	[sflag:s21] =	ssyncset.done $0x0  }
0x30: {  	[sflag:s21] =	ssyncadd.s32 $0xFFFFE200  }
0x31: {  	_ =	swait.ge [sflag:s22], $0x2800  }
0x32: {  	[sflag:s22] =	ssyncset.done $0x0  }
0x33: {  	[sflag:s22] =	ssyncadd.s32 $0xFFFFD800  }
0x34: {  	_ =	swait.ge [sflag:s22], $0x2800  }
0x35: {  	[sflag:s22] =	ssyncset.done $0x0  }
0x36: {  	[sflag:s22] =	ssyncadd.s32 $0xFFFFD800  }
0x37: {  	_ =	swait.ge [sflag:s22], $0x2800  }
0x38: {  	[sflag:s22] =	ssyncset.done $0x0  }
0x39: {  	[sflag:s22] =	ssyncadd.s32 $0xFFFFD800  }
0x3a: {  	[tilespmem:s20], [sflag:$0x2] =	stream.indirect.gather [hbm4b:s5+s23], $0x40, s8, s23, $0xb8;
	[tilespmem:$0x1C100] =	vst v63  }
0x3b: {  	s1 =	simm.s32 $0x0  }
0x3c: {  	[tilespmem:s24], [sflag:$0x2] =	stream.indirect.gather [hbm4b:s2+s23], $0x1, s19, s23, $0xb8;
	[tilespmem:$0x1C100] =	vst v63  }
0x3d: {  	s18 =	simm.s32 $0x11600;
	s31 =	simm.s32 $0x11700;
	[bflag:$0x0] =	sbarrier.arrive $0xFFFF  }
.LBB2_4:
0x3e: {  	s6 =	sshll.u32 s1, $0x9  }
0x3f: {  	s7 =	sadd.s32 $0x9F00, s6  }
0x40: {  	[tilespmem:s25], [sflag:$0x3] =	stream.indirect.gather [hbm4b:s5+s23], $0x40, s7, s23, $0xb8;
	[tilespmem:$0x1C100] =	vst v63  }
0x41: {  	s17 =	sadd.s32 $0xEF00, s6  }
0x42: {  	[tilespmem:s26], [sflag:$0x3] =	stream.indirect.gather [hbm4b:s2+s23], $0x1, s17, s23, $0xb8;
	[tilespmem:$0x1C100] =	vst v63  }
0x43: {  	_ =	swait.ge [sflag:s28], $0x4000  }
0x44: {  	[sflag:s28] =	ssyncset.done $0x0  }
0x45: {  	[sflag:s28] =	ssyncadd.s32 $0xFFFFC000  }
0x46: {  	_ =	swait.ge [sflag:s28], $0x100  }
0x47: {  	[sflag:s28] =	ssyncset.done $0x0  }
0x48: {  	[sflag:s28] =	ssyncadd.s32 $0xFFFFFF00  }
0x49: {  	v1 =	vld [tilespmem:s6+$0xC600];
	_ =	sdelay $0x4  }
0x4a: {  	[tilespmem:$0x13E00] =	vst v1  }
0x4b: {  	v1 =	vld [tilespmem:s6+$0xC610];
	_ =	sdelay $0x4  }
0x4c: {  	[tilespmem:$0x13E10] =	vst v1  }
0x4d: {  	v1 =	vld [tilespmem:s6+$0xC620];
	_ =	sdelay $0x4  }
0x4e: {  	[tilespmem:$0x13E20] =	vst v1  }
0x4f: {  	v1 =	vld [tilespmem:s6+$0xC630];
	_ =	sdelay $0x4  }
0x50: {  	[tilespmem:$0x13E30] =	vst v1  }
0x51: {  	v1 =	vld [tilespmem:s6+$0xC640];
	_ =	sdelay $0x4  }
0x52: {  	[tilespmem:$0x13E40] =	vst v1  }
0x53: {  	v1 =	vld [tilespmem:s6+$0xC650];
	_ =	sdelay $0x4  }
0x54: {  	[tilespmem:$0x13E50] =	vst v1  }
0x55: {  	v1 =	vld [tilespmem:s6+$0xC660];
	_ =	sdelay $0x4  }
0x56: {  	[tilespmem:$0x13E60] =	vst v1  }
0x57: {  	v1 =	vld [tilespmem:s6+$0xC670];
	_ =	sdelay $0x4  }
0x58: {  	[tilespmem:$0x13E70] =	vst v1  }
0x59: {  	v1 =	vld [tilespmem:s6+$0xC680];
	_ =	sdelay $0x4  }
0x5a: {  	[tilespmem:$0x13E80] =	vst v1  }
0x5b: {  	v1 =	vld [tilespmem:s6+$0xC690];
	_ =	sdelay $0x4  }
0x5c: {  	[tilespmem:$0x13E90] =	vst v1  }
0x5d: {  	v1 =	vld [tilespmem:s6+$0xC6A0];
	_ =	sdelay $0x4  }
0x5e: {  	[tilespmem:$0x13EA0] =	vst v1  }
0x5f: {  	v1 =	vld [tilespmem:s6+$0xC6B0];
	_ =	sdelay $0x4  }
0x60: {  	[tilespmem:$0x13EB0] =	vst v1  }
0x61: {  	v1 =	vld [tilespmem:s6+$0xC6C0];
	_ =	sdelay $0x4  }
0x62: {  	[tilespmem:$0x13EC0] =	vst v1  }
0x63: {  	v1 =	vld [tilespmem:s6+$0xC6D0];
	_ =	sdelay $0x4  }
0x64: {  	[tilespmem:$0x13ED0] =	vst v1  }
0x65: {  	v1 =	vld [tilespmem:s6+$0xC6E0];
	_ =	sdelay $0x4  }
0x66: {  	[tilespmem:$0x13EE0] =	vst v1  }
0x67: {  	v1 =	vld [tilespmem:s6+$0xC6F0];
	_ =	sdelay $0x4  }
0x68: {  	s8 =	simm.s32 $0x14100;
	s12 =	simm.s32 $0x0;
	s7 =	sor.u32 $0x100, s6;
	[tilespmem:$0x13EF0] =	vst v1;
	v1 =	vmov s18  }
.LBB2_5:
0x69: {  	s17 =	sshra.s32 s12, $0x2  }
0x6a: {  	v2 =	vld [tilespmem:s17+$0x1BF00];
	_ =	sdelay $0x4  }
0x6b: {  	v2 =	vmax.f32 v2, $1.000000000e+00  }
0x6c: {  	(erf) = vrcp.f32 v2;
	_ =	sdelay $0x8  }
0x6d: {  	v2 =	vpop (erf)  }
0x6e: {  	[tilespmem:v1+s17+$0x0 ss:$0x1] =	vst.idx.msk $0xffff, v2  }
0x6f: {  	v3 =	vld [tilespmem:s8+$0xFFFFFE00];
	_ =	sdelay $0x2  }
0x70: {  	v4 =	vbroadcast v2, $0x0;
	_ =	sdelay $0x1  }
0x71: {  	v3 =	vmul.f32 v4, v3;
	_ =	sdelay $0x1  }
0x72: {  	[tilespmem:s8+$0xFFFFFE00] =	vst v3;
	v3 =	vld [tilespmem:s8+$0xFFFFFE10];
	_ =	sdelay $0x4  }
0x73: {  	v3 =	vmul.f32 v3, v4;
	_ =	sdelay $0x1  }
0x74: {  	[tilespmem:s8+$0xFFFFFE10] =	vst v3;
	v3 =	vld [tilespmem:s8+$0xFFFFFE20];
	_ =	sdelay $0x4  }
0x75: {  	v3 =	vmul.f32 v3, v4;
	_ =	sdelay $0x1  }
0x76: {  	[tilespmem:s8+$0xFFFFFE20] =	vst v3;
	v3 =	vld [tilespmem:s8+$0xFFFFFE30];
	_ =	sdelay $0x4  }
0x77: {  	v3 =	vmul.f32 v3, v4;
	_ =	sdelay $0x1  }
0x78: {  	[tilespmem:s8+$0xFFFFFE30] =	vst v3;
	v3 =	vld [tilespmem:s8+$0xFFFFFE40];
	_ =	sdelay $0x2  }
0x79: {  	v50 =	vbroadcast v2, $0x1;
	_ =	sdelay $0x1  }
0x7a: {  	v3 =	vmul.f32 v3, v50;
	_ =	sdelay $0x1  }
0x7b: {  	[tilespmem:s8+$0xFFFFFE40] =	vst v3;
	v3 =	vld [tilespmem:s8+$0xFFFFFE50];
	_ =	sdelay $0x4  }
0x7c: {  	v3 =	vmul.f32 v3, v50;
	_ =	sdelay $0x1  }
0x7d: {  	[tilespmem:s8+$0xFFFFFE50] =	vst v3;
	v3 =	vld [tilespmem:s8+$0xFFFFFE60];
	_ =	sdelay $0x4  }
0x7e: {  	v3 =	vmul.f32 v3, v50;
	_ =	sdelay $0x1  }
0x7f: {  	[tilespmem:s8+$0xFFFFFE60] =	vst v3;
	v3 =	vld [tilespmem:s8+$0xFFFFFE70];
	_ =	sdelay $0x4  }
0x80: {  	v3 =	vmul.f32 v3, v50;
	_ =	sdelay $0x1  }
0x81: {  	[tilespmem:s8+$0xFFFFFE70] =	vst v3;
	v3 =	vld [tilespmem:s8+$0xFFFFFE80];
	_ =	sdelay $0x2  }
0x82: {  	v51 =	vbroadcast v2, $0x2;
	_ =	sdelay $0x1  }
0x83: {  	v3 =	vmul.f32 v3, v51;
	_ =	sdelay $0x1  }
0x84: {  	[tilespmem:s8+$0xFFFFFE80] =	vst v3;
	v3 =	vld [tilespmem:s8+$0xFFFFFE90];
	_ =	sdelay $0x4  }
0x85: {  	v3 =	vmul.f32 v3, v51;
	_ =	sdelay $0x1  }
0x86: {  	[tilespmem:s8+$0xFFFFFE90] =	vst v3;
	v3 =	vld [tilespmem:s8+$0xFFFFFEA0];
	_ =	sdelay $0x4  }
0x87: {  	v3 =	vmul.f32 v3, v51;
	_ =	sdelay $0x1  }
0x88: {  	[tilespmem:s8+$0xFFFFFEA0] =	vst v3;
	v3 =	vld [tilespmem:s8+$0xFFFFFEB0];
	_ =	sdelay $0x4  }
0x89: {  	v3 =	vmul.f32 v3, v51;
	_ =	sdelay $0x1  }
0x8a: {  	[tilespmem:s8+$0xFFFFFEB0] =	vst v3;
	v3 =	vld [tilespmem:s8+$0xFFFFFEC0];
	_ =	sdelay $0x2  }
0x8b: {  	v52 =	vbroadcast v2, $0x3;
	_ =	sdelay $0x1  }
0x8c: {  	v3 =	vmul.f32 v3, v52;
	_ =	sdelay $0x1  }
0x8d: {  	[tilespmem:s8+$0xFFFFFEC0] =	vst v3;
	v3 =	vld [tilespmem:s8+$0xFFFFFED0];
	_ =	sdelay $0x4  }
0x8e: {  	v3 =	vmul.f32 v3, v52;
	_ =	sdelay $0x1  }
0x8f: {  	[tilespmem:s8+$0xFFFFFED0] =	vst v3;
	v3 =	vld [tilespmem:s8+$0xFFFFFEE0];
	_ =	sdelay $0x4  }
0x90: {  	v3 =	vmul.f32 v3, v52;
	_ =	sdelay $0x1  }
0x91: {  	[tilespmem:s8+$0xFFFFFEE0] =	vst v3;
	v3 =	vld [tilespmem:s8+$0xFFFFFEF0];
	_ =	sdelay $0x4  }
0x92: {  	v3 =	vmul.f32 v3, v52;
	_ =	sdelay $0x1  }
0x93: {  	[tilespmem:s8+$0xFFFFFEF0] =	vst v3;
	v3 =	vld [tilespmem:s8+$0xFFFFFF00];
	_ =	sdelay $0x2  }
0x94: {  	v53 =	vbroadcast v2, $0x4;
	_ =	sdelay $0x1  }
0x95: {  	v3 =	vmul.f32 v3, v53;
	_ =	sdelay $0x1  }
0x96: {  	[tilespmem:s8+$0xFFFFFF00] =	vst v3;
	v3 =	vld [tilespmem:s8+$0xFFFFFF10];
	_ =	sdelay $0x4  }
0x97: {  	v3 =	vmul.f32 v3, v53;
	_ =	sdelay $0x1  }
0x98: {  	[tilespmem:s8+$0xFFFFFF10] =	vst v3;
	v3 =	vld [tilespmem:s8+$0xFFFFFF20];
	_ =	sdelay $0x4  }
0x99: {  	v3 =	vmul.f32 v3, v53;
	_ =	sdelay $0x1  }
0x9a: {  	[tilespmem:s8+$0xFFFFFF20] =	vst v3;
	v3 =	vld [tilespmem:s8+$0xFFFFFF30];
	_ =	sdelay $0x4  }
0x9b: {  	v3 =	vmul.f32 v3, v53;
	_ =	sdelay $0x1  }
0x9c: {  	[tilespmem:s8+$0xFFFFFF30] =	vst v3;
	v3 =	vld [tilespmem:s8+$0xFFFFFF40];
	_ =	sdelay $0x2  }
0x9d: {  	v54 =	vbroadcast v2, $0x5;
	_ =	sdelay $0x1  }
0x9e: {  	v3 =	vmul.f32 v3, v54;
	_ =	sdelay $0x1  }
0x9f: {  	[tilespmem:s8+$0xFFFFFF40] =	vst v3;
	v3 =	vld [tilespmem:s8+$0xFFFFFF50];
	_ =	sdelay $0x4  }
0xa0: {  	v3 =	vmul.f32 v3, v54;
	_ =	sdelay $0x1  }
0xa1: {  	[tilespmem:s8+$0xFFFFFF50] =	vst v3;
	v3 =	vld [tilespmem:s8+$0xFFFFFF60];
	_ =	sdelay $0x4  }
0xa2: {  	v3 =	vmul.f32 v3, v54;
	_ =	sdelay $0x1  }
0xa3: {  	[tilespmem:s8+$0xFFFFFF60] =	vst v3;
	v3 =	vld [tilespmem:s8+$0xFFFFFF70];
	_ =	sdelay $0x4  }
0xa4: {  	v3 =	vmul.f32 v3, v54;
	_ =	sdelay $0x1  }
0xa5: {  	[tilespmem:s8+$0xFFFFFF70] =	vst v3;
	v3 =	vld [tilespmem:s8+$0xFFFFFF80];
	_ =	sdelay $0x2  }
0xa6: {  	v55 =	vbroadcast v2, $0x6;
	_ =	sdelay $0x1  }
0xa7: {  	v3 =	vmul.f32 v3, v55;
	_ =	sdelay $0x1  }
0xa8: {  	[tilespmem:s8+$0xFFFFFF80] =	vst v3;
	v3 =	vld [tilespmem:s8+$0xFFFFFF90];
	_ =	sdelay $0x4  }
0xa9: {  	v3 =	vmul.f32 v3, v55;
	_ =	sdelay $0x1  }
0xaa: {  	[tilespmem:s8+$0xFFFFFF90] =	vst v3;
	v3 =	vld [tilespmem:s8+$0xFFFFFFA0];
	_ =	sdelay $0x4  }
0xab: {  	v3 =	vmul.f32 v3, v55;
	_ =	sdelay $0x1  }
0xac: {  	[tilespmem:s8+$0xFFFFFFA0] =	vst v3;
	v3 =	vld [tilespmem:s8+$0xFFFFFFB0];
	_ =	sdelay $0x4  }
0xad: {  	v3 =	vmul.f32 v3, v55;
	_ =	sdelay $0x1  }
0xae: {  	[tilespmem:s8+$0xFFFFFFB0] =	vst v3;
	v3 =	vld [tilespmem:s8+$0xFFFFFFC0];
	_ =	sdelay $0x2  }
0xaf: {  	v56 =	vbroadcast v2, $0x7;
	_ =	sdelay $0x1  }
0xb0: {  	v3 =	vmul.f32 v3, v56;
	_ =	sdelay $0x1  }
0xb1: {  	[tilespmem:s8+$0xFFFFFFC0] =	vst v3;
	v3 =	vld [tilespmem:s8+$0xFFFFFFD0];
	_ =	sdelay $0x4  }
0xb2: {  	v3 =	vmul.f32 v3, v56;
	_ =	sdelay $0x1  }
0xb3: {  	[tilespmem:s8+$0xFFFFFFD0] =	vst v3;
	v3 =	vld [tilespmem:s8+$0xFFFFFFE0];
	_ =	sdelay $0x4  }
0xb4: {  	v3 =	vmul.f32 v3, v56;
	_ =	sdelay $0x1  }
0xb5: {  	[tilespmem:s8+$0xFFFFFFE0] =	vst v3;
	v3 =	vld [tilespmem:s8+$0xFFFFFFF0];
	_ =	sdelay $0x4  }
0xb6: {  	v3 =	vmul.f32 v3, v56;
	_ =	sdelay $0x1  }
0xb7: {  	[tilespmem:s8+$0xFFFFFFF0] =	vst v3;
	v3 =	vld [tilespmem:s8+$0x0];
	_ =	sdelay $0x2  }
0xb8: {  	v57 =	vbroadcast v2, $0x8;
	_ =	sdelay $0x1  }
0xb9: {  	v3 =	vmul.f32 v3, v57;
	_ =	sdelay $0x1  }
0xba: {  	[tilespmem:s8+$0x0] =	vst v3;
	v3 =	vld [tilespmem:s8+$0x10];
	_ =	sdelay $0x4  }
0xbb: {  	v3 =	vmul.f32 v3, v57;
	_ =	sdelay $0x1  }
0xbc: {  	[tilespmem:s8+$0x10] =	vst v3;
	v3 =	vld [tilespmem:s8+$0x20];
	_ =	sdelay $0x4  }
0xbd: {  	v3 =	vmul.f32 v3, v57;
	_ =	sdelay $0x1  }
0xbe: {  	[tilespmem:s8+$0x20] =	vst v3;
	v3 =	vld [tilespmem:s8+$0x30];
	_ =	sdelay $0x4  }
0xbf: {  	v3 =	vmul.f32 v3, v57;
	_ =	sdelay $0x1  }
0xc0: {  	[tilespmem:s8+$0x30] =	vst v3;
	v3 =	vld [tilespmem:s8+$0x40];
	_ =	sdelay $0x2  }
0xc1: {  	v58 =	vbroadcast v2, $0x9;
	_ =	sdelay $0x1  }
0xc2: {  	v3 =	vmul.f32 v3, v58;
	_ =	sdelay $0x1  }
0xc3: {  	[tilespmem:s8+$0x40] =	vst v3;
	v3 =	vld [tilespmem:s8+$0x50];
	_ =	sdelay $0x4  }
0xc4: {  	v3 =	vmul.f32 v3, v58;
	_ =	sdelay $0x1  }
0xc5: {  	[tilespmem:s8+$0x50] =	vst v3;
	v3 =	vld [tilespmem:s8+$0x60];
	_ =	sdelay $0x4  }
0xc6: {  	v3 =	vmul.f32 v3, v58;
	_ =	sdelay $0x1  }
0xc7: {  	[tilespmem:s8+$0x60] =	vst v3;
	v3 =	vld [tilespmem:s8+$0x70];
	_ =	sdelay $0x4  }
0xc8: {  	v3 =	vmul.f32 v3, v58;
	_ =	sdelay $0x1  }
0xc9: {  	[tilespmem:s8+$0x70] =	vst v3;
	v3 =	vld [tilespmem:s8+$0x80];
	_ =	sdelay $0x2  }
0xca: {  	v59 =	vbroadcast v2, $0xA;
	_ =	sdelay $0x1  }
0xcb: {  	v3 =	vmul.f32 v3, v59;
	_ =	sdelay $0x1  }
0xcc: {  	[tilespmem:s8+$0x80] =	vst v3;
	v3 =	vld [tilespmem:s8+$0x90];
	_ =	sdelay $0x4  }
0xcd: {  	v3 =	vmul.f32 v3, v59;
	_ =	sdelay $0x1  }
0xce: {  	[tilespmem:s8+$0x90] =	vst v3;
	v3 =	vld [tilespmem:s8+$0xA0];
	_ =	sdelay $0x4  }
0xcf: {  	v3 =	vmul.f32 v3, v59;
	_ =	sdelay $0x1  }
0xd0: {  	[tilespmem:s8+$0xA0] =	vst v3;
	v3 =	vld [tilespmem:s8+$0xB0];
	_ =	sdelay $0x4  }
0xd1: {  	v3 =	vmul.f32 v3, v59;
	_ =	sdelay $0x1  }
0xd2: {  	[tilespmem:s8+$0xB0] =	vst v3;
	v3 =	vld [tilespmem:s8+$0xC0];
	_ =	sdelay $0x2  }
0xd3: {  	v60 =	vbroadcast v2, $0xB;
	_ =	sdelay $0x1  }
0xd4: {  	v3 =	vmul.f32 v3, v60;
	_ =	sdelay $0x1  }
0xd5: {  	[tilespmem:s8+$0xC0] =	vst v3;
	v3 =	vld [tilespmem:s8+$0xD0];
	_ =	sdelay $0x4  }
0xd6: {  	v3 =	vmul.f32 v3, v60;
	_ =	sdelay $0x1  }
0xd7: {  	[tilespmem:s8+$0xD0] =	vst v3;
	v3 =	vld [tilespmem:s8+$0xE0];
	_ =	sdelay $0x4  }
0xd8: {  	v3 =	vmul.f32 v3, v60;
	_ =	sdelay $0x1  }
0xd9: {  	[tilespmem:s8+$0xE0] =	vst v3;
	v3 =	vld [tilespmem:s8+$0xF0];
	_ =	sdelay $0x4  }
0xda: {  	v3 =	vmul.f32 v3, v60;
	_ =	sdelay $0x1  }
0xdb: {  	[tilespmem:s8+$0xF0] =	vst v3;
	v3 =	vld [tilespmem:s8+$0x100];
	_ =	sdelay $0x2  }
0xdc: {  	v61 =	vbroadcast v2, $0xC;
	_ =	sdelay $0x1  }
0xdd: {  	v3 =	vmul.f32 v3, v61;
	_ =	sdelay $0x1  }
0xde: {  	[tilespmem:s8+$0x100] =	vst v3;
	v3 =	vld [tilespmem:s8+$0x110];
	_ =	sdelay $0x4  }
0xdf: {  	v3 =	vmul.f32 v3, v61;
	_ =	sdelay $0x1  }
0xe0: {  	[tilespmem:s8+$0x110] =	vst v3;
	v3 =	vld [tilespmem:s8+$0x120];
	_ =	sdelay $0x4  }
0xe1: {  	v3 =	vmul.f32 v3, v61;
	_ =	sdelay $0x1  }
0xe2: {  	[tilespmem:s8+$0x120] =	vst v3;
	v3 =	vld [tilespmem:s8+$0x130];
	_ =	sdelay $0x4  }
0xe3: {  	v3 =	vmul.f32 v3, v61;
	_ =	sdelay $0x1  }
0xe4: {  	[tilespmem:s8+$0x130] =	vst v3;
	v3 =	vld [tilespmem:s8+$0x140];
	_ =	sdelay $0x2  }
0xe5: {  	v62 =	vbroadcast v2, $0xD;
	_ =	sdelay $0x1  }
0xe6: {  	v3 =	vmul.f32 v3, v62;
	_ =	sdelay $0x1  }
0xe7: {  	[tilespmem:s8+$0x140] =	vst v3;
	v3 =	vld [tilespmem:s8+$0x150];
	_ =	sdelay $0x4  }
0xe8: {  	v3 =	vmul.f32 v3, v62;
	_ =	sdelay $0x1  }
0xe9: {  	[tilespmem:s8+$0x150] =	vst v3;
	v3 =	vld [tilespmem:s8+$0x160];
	_ =	sdelay $0x4  }
0xea: {  	v3 =	vmul.f32 v3, v62;
	_ =	sdelay $0x1  }
0xeb: {  	[tilespmem:s8+$0x160] =	vst v3;
	v3 =	vld [tilespmem:s8+$0x170];
	_ =	sdelay $0x4  }
0xec: {  	v3 =	vmul.f32 v3, v62;
	_ =	sdelay $0x1  }
0xed: {  	[tilespmem:s8+$0x170] =	vst v3;
	v3 =	vld [tilespmem:s8+$0x180];
	_ =	sdelay $0x2  }
0xee: {  	v63 =	vbroadcast v2, $0xE;
	_ =	sdelay $0x1  }
0xef: {  	v3 =	vmul.f32 v3, v63;
	_ =	sdelay $0x1  }
0xf0: {  	[tilespmem:s8+$0x180] =	vst v3;
	v3 =	vld [tilespmem:s8+$0x190];
	_ =	sdelay $0x4  }
0xf1: {  	v3 =	vmul.f32 v3, v63;
	_ =	sdelay $0x1  }
0xf2: {  	[tilespmem:s8+$0x190] =	vst v3;
	v3 =	vld [tilespmem:s8+$0x1A0];
	_ =	sdelay $0x4  }
0xf3: {  	v3 =	vmul.f32 v3, v63;
	_ =	sdelay $0x1  }
0xf4: {  	[tilespmem:s8+$0x1A0] =	vst v3;
	v3 =	vld [tilespmem:s8+$0x1B0];
	_ =	sdelay $0x4  }
0xf5: {  	v3 =	vmul.f32 v3, v63;
	_ =	sdelay $0x1  }
0xf6: {  	[tilespmem:s8+$0x1B0] =	vst v3;
	v3 =	vld [tilespmem:s8+$0x1C0];
	_ =	sdelay $0x2  }
0xf7: {  	v2 =	vbroadcast v2, $0xF;
	_ =	sdelay $0x1  }
0xf8: {  	v3 =	vmul.f32 v3, v2;
	_ =	sdelay $0x1  }
0xf9: {  	[tilespmem:s8+$0x1C0] =	vst v3;
	v3 =	vld [tilespmem:s8+$0x1D0];
	_ =	sdelay $0x4  }
0xfa: {  	v3 =	vmul.f32 v3, v2;
	_ =	sdelay $0x1  }
0xfb: {  	[tilespmem:s8+$0x1D0] =	vst v3;
	v3 =	vld [tilespmem:s8+$0x1E0];
	_ =	sdelay $0x4  }
0xfc: {  	v3 =	vmul.f32 v3, v2;
	_ =	sdelay $0x1  }
0xfd: {  	[tilespmem:s8+$0x1E0] =	vst v3;
	v3 =	vld [tilespmem:s8+$0x1F0];
	_ =	sdelay $0x1  }
0xfe: {  	p0 =	sne.s32 s12, $0x3C0  }
.Ltmp1:
0xff: {  	_ = 	snop;
	(pc) =	sbr.rel @p0 .LBB2_5-.Ltmp1, $3  }
0x100: {  	_ = 	snop  }
0x101: {  	v2 =	vmul.f32 v3, v2;
	_ =	sdelay $0x1  }
0x102: {  	s12 =	sadd.s32 $0x40, s12;
	[tilespmem:s8+$0x1F0] =	vst v2;
	s8 =	sadd.s32 $0x400, s8  }
0x103: {  	s8 =	sshll.u32 s1, $0x1  }
0x104: {  	[spmem:s3] =	stream.indirect.scatter.add.f32 [tilespmem:s20], [sflag:$0x4], $0x40, s29, s23, $0xb8;
	[tilespmem:$0x1C100] =	vst v63  }
0x105: {  	s8 =	smin.u32 s8, $0x25;
	_ =	swait.ge [sflag:s21], $0x4000  }
0x106: {  	[sflag:s21] =	ssyncset.done $0x0;
	s8 =	sshll.u32 s8, $0x8  }
0x107: {  	[sflag:s21] =	ssyncadd.s32 $0xFFFFC000;
	s12 =	sadd.s32 $0xA000, s8  }
0x108: {  	[tilespmem:s20], [sflag:$0x2] =	stream.indirect.gather [hbm4b:s5+s23], $0x40, s12, s23, $0xb8;
	[tilespmem:$0x1C100] =	vst v63  }
0x109: {  	s8 =	sadd.s32 $0xF000, s8  }
0x10a: {  	[tilespmem:s24], [sflag:$0x2] =	stream.indirect.gather [hbm4b:s2+s23], $0x1, s8, s23, $0xb8;
	[tilespmem:$0x1C100] =	vst v63  }
0x10b: {  	_ =	swait.ge [sflag:s30], $0x4000  }
0x10c: {  	[sflag:s30] =	ssyncset.done $0x0  }
0x10d: {  	[sflag:s30] =	ssyncadd.s32 $0xFFFFC000  }
0x10e: {  	_ =	swait.ge [sflag:s30], $0x100  }
0x10f: {  	[sflag:s30] =	ssyncset.done $0x0  }
0x110: {  	[sflag:s30] =	ssyncadd.s32 $0xFFFFFF00  }
0x111: {  	v1 =	vld [tilespmem:s7+$0xC600];
	_ =	sdelay $0x4  }
0x112: {  	[tilespmem:$0x13E00] =	vst v1  }
0x113: {  	v1 =	vld [tilespmem:s6+$0xC710];
	_ =	sdelay $0x4  }
0x114: {  	[tilespmem:$0x13E10] =	vst v1  }
0x115: {  	v1 =	vld [tilespmem:s6+$0xC720];
	_ =	sdelay $0x4  }
0x116: {  	[tilespmem:$0x13E20] =	vst v1  }
0x117: {  	v1 =	vld [tilespmem:s6+$0xC730];
	_ =	sdelay $0x4  }
0x118: {  	[tilespmem:$0x13E30] =	vst v1  }
0x119: {  	v1 =	vld [tilespmem:s6+$0xC740];
	_ =	sdelay $0x4  }
0x11a: {  	[tilespmem:$0x13E40] =	vst v1  }
0x11b: {  	v1 =	vld [tilespmem:s6+$0xC750];
	_ =	sdelay $0x4  }
0x11c: {  	[tilespmem:$0x13E50] =	vst v1  }
0x11d: {  	v1 =	vld [tilespmem:s6+$0xC760];
	_ =	sdelay $0x4  }
0x11e: {  	[tilespmem:$0x13E60] =	vst v1  }
0x11f: {  	v1 =	vld [tilespmem:s6+$0xC770];
	_ =	sdelay $0x4  }
0x120: {  	[tilespmem:$0x13E70] =	vst v1  }
0x121: {  	v1 =	vld [tilespmem:s6+$0xC780];
	_ =	sdelay $0x4  }
0x122: {  	[tilespmem:$0x13E80] =	vst v1  }
0x123: {  	v1 =	vld [tilespmem:s6+$0xC790];
	_ =	sdelay $0x4  }
0x124: {  	[tilespmem:$0x13E90] =	vst v1  }
0x125: {  	v1 =	vld [tilespmem:s6+$0xC7A0];
	_ =	sdelay $0x4  }
0x126: {  	[tilespmem:$0x13EA0] =	vst v1  }
0x127: {  	v1 =	vld [tilespmem:s6+$0xC7B0];
	_ =	sdelay $0x4  }
0x128: {  	[tilespmem:$0x13EB0] =	vst v1  }
0x129: {  	v1 =	vld [tilespmem:s6+$0xC7C0];
	_ =	sdelay $0x4  }
0x12a: {  	[tilespmem:$0x13EC0] =	vst v1  }
0x12b: {  	v1 =	vld [tilespmem:s6+$0xC7D0];
	_ =	sdelay $0x4  }
0x12c: {  	[tilespmem:$0x13ED0] =	vst v1  }
0x12d: {  	v1 =	vld [tilespmem:s6+$0xC7E0];
	_ =	sdelay $0x4  }
0x12e: {  	[tilespmem:$0x13EE0] =	vst v1  }
0x12f: {  	v1 =	vld [tilespmem:s6+$0xC7F0];
	_ =	sdelay $0x4  }
0x130: {  	s7 =	simm.s32 $0x18100;
	s6 =	simm.s32 $0x0;
	[tilespmem:$0x13EF0] =	vst v1;
	v1 =	vmov s31  }
.LBB2_7:
0x131: {  	s8 =	sshra.s32 s6, $0x2  }
0x132: {  	v2 =	vld [tilespmem:s8+$0x1C000];
	_ =	sdelay $0x4  }
0x133: {  	v2 =	vmax.f32 v2, $1.000000000e+00  }
0x134: {  	(erf) = vrcp.f32 v2;
	_ =	sdelay $0x8  }
0x135: {  	v2 =	vpop (erf)  }
0x136: {  	[tilespmem:v1+s8+$0x0 ss:$0x1] =	vst.idx.msk $0xffff, v2  }
0x137: {  	v3 =	vld [tilespmem:s7+$0xFFFFFE00];
	_ =	sdelay $0x2  }
0x138: {  	v4 =	vbroadcast v2, $0x0;
	_ =	sdelay $0x1  }
0x139: {  	v3 =	vmul.f32 v4, v3;
	_ =	sdelay $0x1  }
0x13a: {  	[tilespmem:s7+$0xFFFFFE00] =	vst v3;
	v3 =	vld [tilespmem:s7+$0xFFFFFE10];
	_ =	sdelay $0x4  }
0x13b: {  	v3 =	vmul.f32 v3, v4;
	_ =	sdelay $0x1  }
0x13c: {  	[tilespmem:s7+$0xFFFFFE10] =	vst v3;
	v3 =	vld [tilespmem:s7+$0xFFFFFE20];
	_ =	sdelay $0x4  }
0x13d: {  	v3 =	vmul.f32 v3, v4;
	_ =	sdelay $0x1  }
0x13e: {  	[tilespmem:s7+$0xFFFFFE20] =	vst v3;
	v3 =	vld [tilespmem:s7+$0xFFFFFE30];
	_ =	sdelay $0x4  }
0x13f: {  	v3 =	vmul.f32 v3, v4;
	_ =	sdelay $0x1  }
0x140: {  	[tilespmem:s7+$0xFFFFFE30] =	vst v3;
	v3 =	vld [tilespmem:s7+$0xFFFFFE40];
	_ =	sdelay $0x2  }
0x141: {  	v50 =	vbroadcast v2, $0x1;
	_ =	sdelay $0x1  }
0x142: {  	v3 =	vmul.f32 v3, v50;
	_ =	sdelay $0x1  }
0x143: {  	[tilespmem:s7+$0xFFFFFE40] =	vst v3;
	v3 =	vld [tilespmem:s7+$0xFFFFFE50];
	_ =	sdelay $0x4  }
0x144: {  	v3 =	vmul.f32 v3, v50;
	_ =	sdelay $0x1  }
0x145: {  	[tilespmem:s7+$0xFFFFFE50] =	vst v3;
	v3 =	vld [tilespmem:s7+$0xFFFFFE60];
	_ =	sdelay $0x4  }
0x146: {  	v3 =	vmul.f32 v3, v50;
	_ =	sdelay $0x1  }
0x147: {  	[tilespmem:s7+$0xFFFFFE60] =	vst v3;
	v3 =	vld [tilespmem:s7+$0xFFFFFE70];
	_ =	sdelay $0x4  }
0x148: {  	v3 =	vmul.f32 v3, v50;
	_ =	sdelay $0x1  }
0x149: {  	[tilespmem:s7+$0xFFFFFE70] =	vst v3;
	v3 =	vld [tilespmem:s7+$0xFFFFFE80];
	_ =	sdelay $0x2  }
0x14a: {  	v51 =	vbroadcast v2, $0x2;
	_ =	sdelay $0x1  }
0x14b: {  	v3 =	vmul.f32 v3, v51;
	_ =	sdelay $0x1  }
0x14c: {  	[tilespmem:s7+$0xFFFFFE80] =	vst v3;
	v3 =	vld [tilespmem:s7+$0xFFFFFE90];
	_ =	sdelay $0x4  }
0x14d: {  	v3 =	vmul.f32 v3, v51;
	_ =	sdelay $0x1  }
0x14e: {  	[tilespmem:s7+$0xFFFFFE90] =	vst v3;
	v3 =	vld [tilespmem:s7+$0xFFFFFEA0];
	_ =	sdelay $0x4  }
0x14f: {  	v3 =	vmul.f32 v3, v51;
	_ =	sdelay $0x1  }
0x150: {  	[tilespmem:s7+$0xFFFFFEA0] =	vst v3;
	v3 =	vld [tilespmem:s7+$0xFFFFFEB0];
	_ =	sdelay $0x4  }
0x151: {  	v3 =	vmul.f32 v3, v51;
	_ =	sdelay $0x1  }
0x152: {  	[tilespmem:s7+$0xFFFFFEB0] =	vst v3;
	v3 =	vld [tilespmem:s7+$0xFFFFFEC0];
	_ =	sdelay $0x2  }
0x153: {  	v52 =	vbroadcast v2, $0x3;
	_ =	sdelay $0x1  }
0x154: {  	v3 =	vmul.f32 v3, v52;
	_ =	sdelay $0x1  }
0x155: {  	[tilespmem:s7+$0xFFFFFEC0] =	vst v3;
	v3 =	vld [tilespmem:s7+$0xFFFFFED0];
	_ =	sdelay $0x4  }
0x156: {  	v3 =	vmul.f32 v3, v52;
	_ =	sdelay $0x1  }
0x157: {  	[tilespmem:s7+$0xFFFFFED0] =	vst v3;
	v3 =	vld [tilespmem:s7+$0xFFFFFEE0];
	_ =	sdelay $0x4  }
0x158: {  	v3 =	vmul.f32 v3, v52;
	_ =	sdelay $0x1  }
0x159: {  	[tilespmem:s7+$0xFFFFFEE0] =	vst v3;
	v3 =	vld [tilespmem:s7+$0xFFFFFEF0];
	_ =	sdelay $0x4  }
0x15a: {  	v3 =	vmul.f32 v3, v52;
	_ =	sdelay $0x1  }
0x15b: {  	[tilespmem:s7+$0xFFFFFEF0] =	vst v3;
	v3 =	vld [tilespmem:s7+$0xFFFFFF00];
	_ =	sdelay $0x2  }
0x15c: {  	v53 =	vbroadcast v2, $0x4;
	_ =	sdelay $0x1  }
0x15d: {  	v3 =	vmul.f32 v3, v53;
	_ =	sdelay $0x1  }
0x15e: {  	[tilespmem:s7+$0xFFFFFF00] =	vst v3;
	v3 =	vld [tilespmem:s7+$0xFFFFFF10];
	_ =	sdelay $0x4  }
0x15f: {  	v3 =	vmul.f32 v3, v53;
	_ =	sdelay $0x1  }
0x160: {  	[tilespmem:s7+$0xFFFFFF10] =	vst v3;
	v3 =	vld [tilespmem:s7+$0xFFFFFF20];
	_ =	sdelay $0x4  }
0x161: {  	v3 =	vmul.f32 v3, v53;
	_ =	sdelay $0x1  }
0x162: {  	[tilespmem:s7+$0xFFFFFF20] =	vst v3;
	v3 =	vld [tilespmem:s7+$0xFFFFFF30];
	_ =	sdelay $0x4  }
0x163: {  	v3 =	vmul.f32 v3, v53;
	_ =	sdelay $0x1  }
0x164: {  	[tilespmem:s7+$0xFFFFFF30] =	vst v3;
	v3 =	vld [tilespmem:s7+$0xFFFFFF40];
	_ =	sdelay $0x2  }
0x165: {  	v54 =	vbroadcast v2, $0x5;
	_ =	sdelay $0x1  }
0x166: {  	v3 =	vmul.f32 v3, v54;
	_ =	sdelay $0x1  }
0x167: {  	[tilespmem:s7+$0xFFFFFF40] =	vst v3;
	v3 =	vld [tilespmem:s7+$0xFFFFFF50];
	_ =	sdelay $0x4  }
0x168: {  	v3 =	vmul.f32 v3, v54;
	_ =	sdelay $0x1  }
0x169: {  	[tilespmem:s7+$0xFFFFFF50] =	vst v3;
	v3 =	vld [tilespmem:s7+$0xFFFFFF60];
	_ =	sdelay $0x4  }
0x16a: {  	v3 =	vmul.f32 v3, v54;
	_ =	sdelay $0x1  }
0x16b: {  	[tilespmem:s7+$0xFFFFFF60] =	vst v3;
	v3 =	vld [tilespmem:s7+$0xFFFFFF70];
	_ =	sdelay $0x4  }
0x16c: {  	v3 =	vmul.f32 v3, v54;
	_ =	sdelay $0x1  }
0x16d: {  	[tilespmem:s7+$0xFFFFFF70] =	vst v3;
	v3 =	vld [tilespmem:s7+$0xFFFFFF80];
	_ =	sdelay $0x2  }
0x16e: {  	v55 =	vbroadcast v2, $0x6;
	_ =	sdelay $0x1  }
0x16f: {  	v3 =	vmul.f32 v3, v55;
	_ =	sdelay $0x1  }
0x170: {  	[tilespmem:s7+$0xFFFFFF80] =	vst v3;
	v3 =	vld [tilespmem:s7+$0xFFFFFF90];
	_ =	sdelay $0x4  }
0x171: {  	v3 =	vmul.f32 v3, v55;
	_ =	sdelay $0x1  }
0x172: {  	[tilespmem:s7+$0xFFFFFF90] =	vst v3;
	v3 =	vld [tilespmem:s7+$0xFFFFFFA0];
	_ =	sdelay $0x4  }
0x173: {  	v3 =	vmul.f32 v3, v55;
	_ =	sdelay $0x1  }
0x174: {  	[tilespmem:s7+$0xFFFFFFA0] =	vst v3;
	v3 =	vld [tilespmem:s7+$0xFFFFFFB0];
	_ =	sdelay $0x4  }
0x175: {  	v3 =	vmul.f32 v3, v55;
	_ =	sdelay $0x1  }
0x176: {  	[tilespmem:s7+$0xFFFFFFB0] =	vst v3;
	v3 =	vld [tilespmem:s7+$0xFFFFFFC0];
	_ =	sdelay $0x2  }
0x177: {  	v56 =	vbroadcast v2, $0x7;
	_ =	sdelay $0x1  }
0x178: {  	v3 =	vmul.f32 v3, v56;
	_ =	sdelay $0x1  }
0x179: {  	[tilespmem:s7+$0xFFFFFFC0] =	vst v3;
	v3 =	vld [tilespmem:s7+$0xFFFFFFD0];
	_ =	sdelay $0x4  }
0x17a: {  	v3 =	vmul.f32 v3, v56;
	_ =	sdelay $0x1  }
0x17b: {  	[tilespmem:s7+$0xFFFFFFD0] =	vst v3;
	v3 =	vld [tilespmem:s7+$0xFFFFFFE0];
	_ =	sdelay $0x4  }
0x17c: {  	v3 =	vmul.f32 v3, v56;
	_ =	sdelay $0x1  }
0x17d: {  	[tilespmem:s7+$0xFFFFFFE0] =	vst v3;
	v3 =	vld [tilespmem:s7+$0xFFFFFFF0];
	_ =	sdelay $0x4  }
0x17e: {  	v3 =	vmul.f32 v3, v56;
	_ =	sdelay $0x1  }
0x17f: {  	[tilespmem:s7+$0xFFFFFFF0] =	vst v3;
	v3 =	vld [tilespmem:s7+$0x0];
	_ =	sdelay $0x2  }
0x180: {  	v57 =	vbroadcast v2, $0x8;
	_ =	sdelay $0x1  }
0x181: {  	v3 =	vmul.f32 v3, v57;
	_ =	sdelay $0x1  }
0x182: {  	[tilespmem:s7+$0x0] =	vst v3;
	v3 =	vld [tilespmem:s7+$0x10];
	_ =	sdelay $0x4  }
0x183: {  	v3 =	vmul.f32 v3, v57;
	_ =	sdelay $0x1  }
0x184: {  	[tilespmem:s7+$0x10] =	vst v3;
	v3 =	vld [tilespmem:s7+$0x20];
	_ =	sdelay $0x4  }
0x185: {  	v3 =	vmul.f32 v3, v57;
	_ =	sdelay $0x1  }
0x186: {  	[tilespmem:s7+$0x20] =	vst v3;
	v3 =	vld [tilespmem:s7+$0x30];
	_ =	sdelay $0x4  }
0x187: {  	v3 =	vmul.f32 v3, v57;
	_ =	sdelay $0x1  }
0x188: {  	[tilespmem:s7+$0x30] =	vst v3;
	v3 =	vld [tilespmem:s7+$0x40];
	_ =	sdelay $0x2  }
0x189: {  	v58 =	vbroadcast v2, $0x9;
	_ =	sdelay $0x1  }
0x18a: {  	v3 =	vmul.f32 v3, v58;
	_ =	sdelay $0x1  }
0x18b: {  	[tilespmem:s7+$0x40] =	vst v3;
	v3 =	vld [tilespmem:s7+$0x50];
	_ =	sdelay $0x4  }
0x18c: {  	v3 =	vmul.f32 v3, v58;
	_ =	sdelay $0x1  }
0x18d: {  	[tilespmem:s7+$0x50] =	vst v3;
	v3 =	vld [tilespmem:s7+$0x60];
	_ =	sdelay $0x4  }
0x18e: {  	v3 =	vmul.f32 v3, v58;
	_ =	sdelay $0x1  }
0x18f: {  	[tilespmem:s7+$0x60] =	vst v3;
	v3 =	vld [tilespmem:s7+$0x70];
	_ =	sdelay $0x4  }
0x190: {  	v3 =	vmul.f32 v3, v58;
	_ =	sdelay $0x1  }
0x191: {  	[tilespmem:s7+$0x70] =	vst v3;
	v3 =	vld [tilespmem:s7+$0x80];
	_ =	sdelay $0x2  }
0x192: {  	v59 =	vbroadcast v2, $0xA;
	_ =	sdelay $0x1  }
0x193: {  	v3 =	vmul.f32 v3, v59;
	_ =	sdelay $0x1  }
0x194: {  	[tilespmem:s7+$0x80] =	vst v3;
	v3 =	vld [tilespmem:s7+$0x90];
	_ =	sdelay $0x4  }
0x195: {  	v3 =	vmul.f32 v3, v59;
	_ =	sdelay $0x1  }
0x196: {  	[tilespmem:s7+$0x90] =	vst v3;
	v3 =	vld [tilespmem:s7+$0xA0];
	_ =	sdelay $0x4  }
0x197: {  	v3 =	vmul.f32 v3, v59;
	_ =	sdelay $0x1  }
0x198: {  	[tilespmem:s7+$0xA0] =	vst v3;
	v3 =	vld [tilespmem:s7+$0xB0];
	_ =	sdelay $0x4  }
0x199: {  	v3 =	vmul.f32 v3, v59;
	_ =	sdelay $0x1  }
0x19a: {  	[tilespmem:s7+$0xB0] =	vst v3;
	v3 =	vld [tilespmem:s7+$0xC0];
	_ =	sdelay $0x2  }
0x19b: {  	v60 =	vbroadcast v2, $0xB;
	_ =	sdelay $0x1  }
0x19c: {  	v3 =	vmul.f32 v3, v60;
	_ =	sdelay $0x1  }
0x19d: {  	[tilespmem:s7+$0xC0] =	vst v3;
	v3 =	vld [tilespmem:s7+$0xD0];
	_ =	sdelay $0x4  }
0x19e: {  	v3 =	vmul.f32 v3, v60;
	_ =	sdelay $0x1  }
0x19f: {  	[tilespmem:s7+$0xD0] =	vst v3;
	v3 =	vld [tilespmem:s7+$0xE0];
	_ =	sdelay $0x4  }
0x1a0: {  	v3 =	vmul.f32 v3, v60;
	_ =	sdelay $0x1  }
0x1a1: {  	[tilespmem:s7+$0xE0] =	vst v3;
	v3 =	vld [tilespmem:s7+$0xF0];
	_ =	sdelay $0x4  }
0x1a2: {  	v3 =	vmul.f32 v3, v60;
	_ =	sdelay $0x1  }
0x1a3: {  	[tilespmem:s7+$0xF0] =	vst v3;
	v3 =	vld [tilespmem:s7+$0x100];
	_ =	sdelay $0x2  }
0x1a4: {  	v61 =	vbroadcast v2, $0xC;
	_ =	sdelay $0x1  }
0x1a5: {  	v3 =	vmul.f32 v3, v61;
	_ =	sdelay $0x1  }
0x1a6: {  	[tilespmem:s7+$0x100] =	vst v3;
	v3 =	vld [tilespmem:s7+$0x110];
	_ =	sdelay $0x4  }
0x1a7: {  	v3 =	vmul.f32 v3, v61;
	_ =	sdelay $0x1  }
0x1a8: {  	[tilespmem:s7+$0x110] =	vst v3;
	v3 =	vld [tilespmem:s7+$0x120];
	_ =	sdelay $0x4  }
0x1a9: {  	v3 =	vmul.f32 v3, v61;
	_ =	sdelay $0x1  }
0x1aa: {  	[tilespmem:s7+$0x120] =	vst v3;
	v3 =	vld [tilespmem:s7+$0x130];
	_ =	sdelay $0x4  }
0x1ab: {  	v3 =	vmul.f32 v3, v61;
	_ =	sdelay $0x1  }
0x1ac: {  	[tilespmem:s7+$0x130] =	vst v3;
	v3 =	vld [tilespmem:s7+$0x140];
	_ =	sdelay $0x2  }
0x1ad: {  	v62 =	vbroadcast v2, $0xD;
	_ =	sdelay $0x1  }
0x1ae: {  	v3 =	vmul.f32 v3, v62;
	_ =	sdelay $0x1  }
0x1af: {  	[tilespmem:s7+$0x140] =	vst v3;
	v3 =	vld [tilespmem:s7+$0x150];
	_ =	sdelay $0x4  }
0x1b0: {  	v3 =	vmul.f32 v3, v62;
	_ =	sdelay $0x1  }
0x1b1: {  	[tilespmem:s7+$0x150] =	vst v3;
	v3 =	vld [tilespmem:s7+$0x160];
	_ =	sdelay $0x4  }
0x1b2: {  	v3 =	vmul.f32 v3, v62;
	_ =	sdelay $0x1  }
0x1b3: {  	[tilespmem:s7+$0x160] =	vst v3;
	v3 =	vld [tilespmem:s7+$0x170];
	_ =	sdelay $0x4  }
0x1b4: {  	v3 =	vmul.f32 v3, v62;
	_ =	sdelay $0x1  }
0x1b5: {  	[tilespmem:s7+$0x170] =	vst v3;
	v3 =	vld [tilespmem:s7+$0x180];
	_ =	sdelay $0x2  }
0x1b6: {  	v63 =	vbroadcast v2, $0xE;
	_ =	sdelay $0x1  }
0x1b7: {  	v3 =	vmul.f32 v3, v63;
	_ =	sdelay $0x1  }
0x1b8: {  	[tilespmem:s7+$0x180] =	vst v3;
	v3 =	vld [tilespmem:s7+$0x190];
	_ =	sdelay $0x4  }
0x1b9: {  	v3 =	vmul.f32 v3, v63;
	_ =	sdelay $0x1  }
0x1ba: {  	[tilespmem:s7+$0x190] =	vst v3;
	v3 =	vld [tilespmem:s7+$0x1A0];
	_ =	sdelay $0x4  }
0x1bb: {  	v3 =	vmul.f32 v3, v63;
	_ =	sdelay $0x1  }
0x1bc: {  	[tilespmem:s7+$0x1A0] =	vst v3;
	v3 =	vld [tilespmem:s7+$0x1B0];
	_ =	sdelay $0x4  }
0x1bd: {  	v3 =	vmul.f32 v3, v63;
	_ =	sdelay $0x1  }
0x1be: {  	[tilespmem:s7+$0x1B0] =	vst v3;
	v3 =	vld [tilespmem:s7+$0x1C0];
	_ =	sdelay $0x2  }
0x1bf: {  	v2 =	vbroadcast v2, $0xF;
	_ =	sdelay $0x1  }
0x1c0: {  	v3 =	vmul.f32 v3, v2;
	_ =	sdelay $0x1  }
0x1c1: {  	[tilespmem:s7+$0x1C0] =	vst v3;
	v3 =	vld [tilespmem:s7+$0x1D0];
	_ =	sdelay $0x4  }
0x1c2: {  	v3 =	vmul.f32 v3, v2;
	_ =	sdelay $0x1  }
0x1c3: {  	[tilespmem:s7+$0x1D0] =	vst v3;
	v3 =	vld [tilespmem:s7+$0x1E0];
	_ =	sdelay $0x4  }
0x1c4: {  	v3 =	vmul.f32 v3, v2;
	_ =	sdelay $0x1  }
0x1c5: {  	[tilespmem:s7+$0x1E0] =	vst v3;
	v3 =	vld [tilespmem:s7+$0x1F0];
	_ =	sdelay $0x1  }
0x1c6: {  	p0 =	sne.s32 s6, $0x3C0  }
.Ltmp2:
0x1c7: {  	_ = 	snop;
	(pc) =	sbr.rel @p0 .LBB2_7-.Ltmp2, $3  }
0x1c8: {  	_ = 	snop  }
0x1c9: {  	v2 =	vmul.f32 v3, v2;
	_ =	sdelay $0x1  }
0x1ca: {  	s6 =	sadd.s32 $0x40, s6;
	[tilespmem:s7+$0x1F0] =	vst v2;
	s7 =	sadd.s32 $0x400, s7  }
0x1cb: {  	s1 =	sadd.s32 $0x1, s1  }
0x1cc: {  	p0 =	sne.s32 s1, $0x14  }
.Ltmp3:
0x1cd: {  	_ = 	snop;
	(pc) =	sbr.rel @p0 .LBB2_4-.Ltmp3, $4  }
0x1ce: {  	[spmem:s3] =	stream.indirect.scatter.add.f32 [tilespmem:s25], [sflag:$0x4], $0x40, s29, s23, $0xb8;
	[tilespmem:$0x1C100] =	vst v63  }
0x1cf: {  	_ =	swait.ge [sflag:s21], $0x4000  }
0x1d0: {  	[sflag:s21] =	ssyncset.done $0x0  }
0x1d1: {  	s18 =	sadd.s32 $0x200, s18;
	s31 =	sadd.s32 $0x200, s31;
	[sflag:s21] =	ssyncadd.s32 $0xFFFFC000  }
0x1d2: {  	_ =	swait.ge [sflag:s28], $0x4000  }
0x1d3: {  	[sflag:s28] =	ssyncset.done $0x0  }
0x1d4: {  	[sflag:s28] =	ssyncadd.s32 $0xFFFFC000  }
0x1d5: {  	_ =	swait.ge [sflag:s28], $0x100  }
0x1d6: {  	[sflag:s28] =	ssyncset.done $0x0  }
0x1d7: {  	s6 =	simm.s32 $0x11600;
	s1 =	rddreg [dreg:$0x7];
	[sflag:s28] =	ssyncadd.s32 $0xFFFFFF00  }
0x1d8: {  	[hbm4b:s1+s4] =	stream.linear.scatter [tilespmem:s6], [sflag:$0x4], $0x2800, $0x38;
	[tilespmem:$0x1C100] =	vst v63  }
0x1d9: {  	_ =	swait.ge [sflag:s21], $0x2800  }
0x1da: {  	[sflag:s21] =	ssyncset.done $0x0  }
0x1db: {  	[sflag:s21] =	ssyncadd.s32 $0xFFFFD800  }
0x1dc: {  	[bflag:$0x0] =	sbarrier.arrive $0xFFFF  }
0x1dd: {  	[tilespmem:s20], [sflag:$0x4] =	stream.linear.gather [spmem:s9], $0x4000, $0x38;
	[tilespmem:$0x1C100] =	vst v63  }
0x1de: {  	_ =	swait.ge [sflag:s21], $0x4000  }
0x1df: {  	[sflag:s21] =	ssyncset.done $0x0  }
0x1e0: {  	[sflag:s21] =	ssyncadd.s32 $0xFFFFC000  }
0x1e1: {  	[hbm4b:s13+s4] =	stream.linear.scatter [tilespmem:s20], [sflag:$0x4], $0x4000, $0x38;
	[tilespmem:$0x1C100] =	vst v63  }
0x1e2: {  	_ =	swait.ge [sflag:s21], $0x4000  }
0x1e3: {  	[sflag:s21] =	ssyncset.done $0x0  }
0x1e4: {  	[sflag:s21] =	ssyncadd.s32 $0xFFFFC000  }
0x1e5: {  	[tilespmem:s20], [sflag:$0x4] =	stream.linear.gather [spmem:s10], $0x4000, $0x38;
	[tilespmem:$0x1C100] =	vst v63  }
0x1e6: {  	_ =	swait.ge [sflag:s21], $0x4000  }
0x1e7: {  	[sflag:s21] =	ssyncset.done $0x0  }
0x1e8: {  	[sflag:s21] =	ssyncadd.s32 $0xFFFFC000  }
0x1e9: {  	[hbm4b:s14+s4] =	stream.linear.scatter [tilespmem:s20], [sflag:$0x4], $0x4000, $0x38;
	[tilespmem:$0x1C100] =	vst v63  }
0x1ea: {  	_ =	swait.ge [sflag:s21], $0x4000  }
0x1eb: {  	[sflag:s21] =	ssyncset.done $0x0  }
0x1ec: {  	[sflag:s21] =	ssyncadd.s32 $0xFFFFC000  }
0x1ed: {  	[tilespmem:s20], [sflag:$0x4] =	stream.linear.gather [spmem:s11], $0x1E00, $0x38;
	[tilespmem:$0x1C100] =	vst v63  }
0x1ee: {  	s0 =	sadd.s32 $0x1, s0;
	_ =	swait.ge [sflag:s21], $0x1E00  }
0x1ef: {  	p0 =	sne.s32 s0, s16;
	[sflag:s21] =	ssyncset.done $0x0  }
.Ltmp4:
0x1f0: {  	[sflag:s21] =	ssyncadd.s32 $0xFFFFE200;
	(pc) =	sbr.rel @p0 .LBB2_1-.Ltmp4, $4  }
0x1f1: {  	[hbm4b:s15+s4] =	stream.linear.scatter [tilespmem:s20], [sflag:$0x4], $0x1E00, $0x38;
	[tilespmem:$0x1C100] =	vst v63  }
0x1f2: {  	_ =	swait.ge [sflag:s21], $0x1E00  }
0x1f3: {  	[sflag:s21] =	ssyncset.done $0x0  }
0x1f4: {  	s8 =	simm.s32 $0x9E00;
	[sflag:s21] =	ssyncadd.s32 $0xFFFFE200  }
0x1f5: {  	_ =	sfence.sel $0x180000  }
0x1f6: {  	[bflag:$0x0] =	sbarrier.arrive $0xFFFF  }
0x1f7: {  	_ =	strace $0x9000004A  }
0x1f8: {  	s0 =	stileid.u32;
	[bflag:$0x2] =	sbarrier.arrive $0xFFFF  }
0x1f9: {  	p0 =	sne.s32 s0, $0x0;
	s0 =	rddreg [dreg:$0x3]  }
0x1fa: {  	s0 =	sadd.s32 @!p0 $0x100000, s0  }
0x1fb: {  	[sflag:s0] =	ssyncadd.tile.s32 @!p0 $0x1;
	_ =	shalt  }
.Lfunc_end2:
_tile_overlayer_lowered:
.L_overlay_start_2:
0x1fc: {  	(tag) =	ssettag $0x2  }
0x1fd: {  	s0 =	rddreg [dreg:$0x0];
	s2 =	stileid.u32  }
0x1fe: {  	s1 =	rddreg [dreg:$0x1];
	p0 =	sne.s32 s2, $0x0  }
0x1ff: {  	s3 =	rddreg [dreg:$0x2];
	[bflag:$0x3] =	sbarrier.arrive $0xFFFF;
	s2 =	simm.s32 @!p0 $0x1C04  }
0x200: {  	[timem:s3], [sflag:s2] =	dma.local @!p0 [hbm:s0], s1  }
0x201: {  	s0 =	simm.s32 @!p0 $0x4  }
0x202: {  	_ =	swait.ge @!p0 [sflag:s0], s1  }
0x203: {  	s1 =	ssub.s32 @!p0 $0x0, s1;
	[sflag:s0] =	ssyncset.done @!p0 $0x0  }
0x204: {  	[sflag:s0] =	ssyncadd.s32 @!p0 s1  }
0x205: {  	[bflag:$0x3] =	sbarrier.arrive $0xFFFF  }
0x206: {  	_ =	shalt  }

// kernel: kernel.14.cloned.1.call-start
scs
__scs_entry_jumppad:
0x0: {  	(pc) =	sbr.rel $0x88, $3  }
0x1: {  	(tag) =	ssettag $0x0;
	lr =	simm.s32 $0x1  }
0x2: {  	[smem:$0x3F94] =	sst lr;
	_ =	strace $0xD0000000  }
0x3: {  	_ = 	snop  }
0x4: {  	_ = 	snop  }
0x5: {  	_ = 	snop  }
0x6: {  	_ = 	snop  }
0x7: {  	_ = 	snop  }
__scs_overlays_trampoline_lowered:
0x8: {  	[smem:$0x3FA3] =	sst s0  }
0x9: {  	[smem:$0x3FA4] =	sst s1  }
0xa: {  	[smem:$0x3FA5] =	sst s2  }
0xb: {  	[smem:$0x3FA6] =	sst s3  }
0xc: {  	[smem:$0x3FA7] =	sst s4  }
0xd: {  	[smem:$0x3FA8] =	sst s5  }
0xe: {  	[smem:$0x3FA9] =	sst s6  }
0xf: {  	[smem:$0x3FAA] =	sst s7  }
0x10: {  	[smem:$0x3FAB] =	sst s8  }
0x11: {  	[smem:$0x3FAC] =	sst s9;
	s0 =	simm.s32 @!p0 $0x0  }
0x12: {  	s1 =	sld [smem:$0x3F92];
	s0 =	simm.s32 @p0 $0x1  }
0x13: {  	[smem:$0x3FAD] =	sst s0;
	s0 =	simm.s32 @!p1 $0x0  }
0x14: {  	s2 =	sld [smem:$0x3F91];
	s0 =	simm.s32 @p1 $0x1  }
0x15: {  	[smem:$0x3FAE] =	sst s0;
	s0 =	simm.s32 @!p2 $0x0  }
0x16: {  	s3 =	sld [smem:$0x3FDB];
	s0 =	simm.s32 @p2 $0x1  }
0x17: {  	s4 =	simm.s32 $0x1BF5;
	[smem:$0x3FB0] =	sst s0  }
0x18: {  	s0 =	sld [smem:$0x3F93];
	_ =	swait.ge [sflag:s4], $0x0  }
0x19: {  	s7 =	sld [smem:$0x3F94]  }
0x1a: {  	s8 =	sadd.s32 $0xFFFFE003, lr  }
0x1b: {  	s9 =	sadd.s32 $0xFFFFFEF7, lr;
	s5 =	simm.s32 $0xFFFFFFFF;
	p2 =	slt.u32 s8, $0xFFFFF086  }
0x1c: {  	p1 =	slt.u32 s9, $0xF7A;
	s5 =	simm.s32 @!p2 $0x0  }
0x1d: {  	s5 =	simm.s32 @p1 $0x1;
	p0 =	seq.s32 s7, s2  }
0x1e: {  	s7 =	smul.u32 @!p0 $0xF7A, s2;
	p2 =	seq.s32 @!p0 s5, $0x0  }
0x1f: {  	s9 =	smul.u32 $0xF7A, s1;
	s8 =	simm.s32 @!p0 $0x1BF5;
	p2 =	por !p2, p0  }
0x20: {  	[sflag:s8] =	ssyncset.s32 @!p0 $0xFFFFF086;
	s6 =	sadd.s32 @!p0 s3, s7;
	s7 =	simm.s32 @!p0 $0x108  }
0x21: {  	s3 =	sadd.s32 s3, s9;
	s6 =	sadd.s32 @!p0 $0x88, s6;
	s7 =	simm.s32 @p2 $0x1082  }
0x22: {  	[simem:s7], [sflag:s8] =	dma.local @!p0 [hbm:s6], $0xF7A  }
0x23: {  	s9 =	sor.u32 $0xD0000000, s2;
	s6 =	simm.s32 $0x108;
	_ =	swait.ge @!p0 [sflag:s8], $0x0  }
0x24: {  	s3 =	sadd.s32 $0x88, s3;
	s6 =	simm.s32 @!p1 $0x1082;
	[sflag:s4] =	ssyncset.s32 $0xFFFFF086  }
0x25: {  	[simem:s6], [sflag:s4] =	dma.local [hbm:s3], $0xF7A  }
0x26: {  	[smem:$0x3F94] =	sst s1;
	(tag) =	ssettag s2;
	_ =	strace s9  }
0x27: {  	s1 =	sld [smem:$0x3FA4]  }
0x28: {  	s2 =	sld [smem:$0x3FA5]  }
0x29: {  	s4 =	sld [smem:$0x3FA7]  }
0x2a: {  	p0 =	seq.s32 s5, $0x0;
	s5 =	sld [smem:$0x3FA8]  }
0x2b: {  	s6 =	sld [smem:$0x3FA9]  }
0x2c: {  	s7 =	sld [smem:$0x3FAA]  }
0x2d: {  	s3 =	simm.s32 $0x108;
	s8 =	sld [smem:$0x3FAB]  }
0x2e: {  	s3 =	simm.s32 @!p0 $0x1082;
	s9 =	sld [smem:$0x3FAC]  }
0x2f: {  	lr =	sadd.s32 s0, s3;
	s0 =	sld [smem:$0x3FA3]  }
0x30: {  	s3 =	sld [smem:$0x3FA6]  }
0x31: {  	[smem:$0x3FAF] =	sst s10  }
0x32: {  	s10 =	sld [smem:$0x3FAD];
	_ =	sdelay $0x3  }
0x33: {  	p0 =	seq.s32 s10, $0x1;
	s10 =	sld [smem:$0x3FAF];
	_ =	sdelay $0x3  }
0x34: {  	[smem:$0x3FAF] =	sst s10  }
0x35: {  	s10 =	sld [smem:$0x3FAE];
	_ =	sdelay $0x3  }
0x36: {  	p1 =	seq.s32 s10, $0x1;
	s10 =	sld [smem:$0x3FAF];
	_ =	sdelay $0x3  }
0x37: {  	[smem:$0x3FAF] =	sst s10  }
0x38: {  	s10 =	sld [smem:$0x3FB0]  }
0x39: {  	_ = 	snop;
	(pc) =	sbr.ind lr, $3  }
0x3a: {  	_ = 	snop  }
0x3b: {  	_ = 	snop  }
0x3c: {  	p2 =	seq.s32 s10, $0x1;
	s10 =	sld [smem:$0x3FAF]  }
0x3d: {  	_ =	shalt  }
0x3e: {  	_ =	shalt  }
0x3f: {  	_ =	shalt  }
0x40: {  	_ =	shalt  }
0x41: {  	_ =	shalt  }
0x42: {  	_ =	shalt  }
0x43: {  	_ =	shalt  }
0x44: {  	_ =	shalt  }
0x45: {  	_ =	shalt  }
0x46: {  	_ =	shalt  }
0x47: {  	_ =	shalt  }
0x48: {  	_ =	shalt  }
0x49: {  	_ =	shalt  }
0x4a: {  	_ =	shalt  }
0x4b: {  	_ =	shalt  }
0x4c: {  	_ =	shalt  }
0x4d: {  	_ =	shalt  }
0x4e: {  	_ =	shalt  }
0x4f: {  	_ =	shalt  }
0x50: {  	_ =	shalt  }
0x51: {  	_ =	shalt  }
0x52: {  	_ =	shalt  }
0x53: {  	_ =	shalt  }
0x54: {  	_ =	shalt  }
0x55: {  	_ =	shalt  }
0x56: {  	_ =	shalt  }
0x57: {  	_ =	shalt  }
0x58: {  	_ =	shalt  }
0x59: {  	_ =	shalt  }
0x5a: {  	_ =	shalt  }
0x5b: {  	_ =	shalt  }
0x5c: {  	_ =	shalt  }
0x5d: {  	_ =	shalt  }
0x5e: {  	_ =	shalt  }
0x5f: {  	_ =	shalt  }
0x60: {  	_ =	shalt  }
0x61: {  	_ =	shalt  }
0x62: {  	_ =	shalt  }
0x63: {  	_ =	shalt  }
0x64: {  	_ =	shalt  }
0x65: {  	_ =	shalt  }
0x66: {  	_ =	shalt  }
0x67: {  	_ =	shalt  }
0x68: {  	_ =	shalt  }
0x69: {  	_ =	shalt  }
0x6a: {  	_ =	shalt  }
0x6b: {  	_ =	shalt  }
0x6c: {  	_ =	shalt  }
0x6d: {  	_ =	shalt  }
0x6e: {  	_ =	shalt  }
0x6f: {  	_ =	shalt  }
0x70: {  	_ =	shalt  }
0x71: {  	_ =	shalt  }
0x72: {  	_ =	shalt  }
0x73: {  	_ =	shalt  }
0x74: {  	_ =	shalt  }
0x75: {  	_ =	shalt  }
0x76: {  	_ =	shalt  }
0x77: {  	_ =	shalt  }
0x78: {  	_ =	shalt  }
0x79: {  	_ =	shalt  }
0x7a: {  	_ =	shalt  }
0x7b: {  	_ =	shalt  }
0x7c: {  	_ =	shalt  }
0x7d: {  	_ =	shalt  }
0x7e: {  	_ =	shalt  }
0x7f: {  	_ =	shalt  }
0x80: {  	_ =	shalt  }
0x81: {  	_ =	shalt  }
0x82: {  	_ =	shalt  }
0x83: {  	_ =	shalt  }
0x84: {  	_ =	shalt  }
0x85: {  	_ =	shalt  }
0x86: {  	_ =	shalt  }
0x87: {  	_ =	shalt  }
.Lfunc_end0:
.L_simem_size_0:
called_computation.2_lowered:
.L_overlay_start_0:
0x88: {  	s2 =	sld [smem:$0x3FD9]  }
0x89: {  	s3 =	sld [smem:$0x3FFE];
	_ =	sdelay $0x1  }
0x8a: {  	s1 =	srdreg.scid  }
0x8b: {  	s0 =	sand.u32 $0x1, s1  }
0x8c: {  	s16 =	sshll.u32 s0, $0xA;
	s2 =	sadd.s32 s3, s2  }
0x8d: {  	s2 =	sadd.s32 s2, s16  }
0x8e: {  	[smem:$0x3FBB] =	sst s2  }
0x8f: {  	_ = 	snop  }
0x90: {  	(tm) =	ssettm $0x1  }
0x91: {  	s17 =	sld [smem:$0x3FFB];
	_ =	sdelay $0x3  }
0x92: {  	_ =	strace s17  }
0x93: {  	s2 =	sld [smem:$0x3FFC];
	_ =	sdelay $0x3  }
0x94: {  	_ =	strace s2  }
0x95: {  	s2 =	sld [smem:$0x3FFD];
	_ =	sdelay $0x3  }
0x96: {  	_ =	strace s2  }
0x97: {  	_ =	strace $0x8FFFFFFF  }
0x98: {  	s18 =	sld [smem:$0x3FDB];
	_ =	sdelay $0x1  }
0x99: {  	s19 =	simm.s32 $_scs_section_size  }
0x9a: {  	s4 =	simm.s32 $_size__tile_overlayer_lowered;
	s5 =	simm.s32 $_tile_overlayer_lowered  }
0x9b: {  	s22 =	simm.s32 $0x1BFF;
	s21 =	sshll.u32 s5, $0x1;
	s2 =	sadd.s32 s19, s18  }
0x9c: {  	s6 =	simm.s32 $0x0;
	s20 =	sshll.u32 s4, $0x1;
	s4 =	sadd.s32 s21, s2  }
0x9d: {  	[timem:s6], [sflag:s22] =	dma.local [hbm:s4], s20  }
0x9e: {  	_ =	swait.ge [sflag:s22], s20  }
0x9f: {  	s3 =	ssub.s32 $0x0, s20;
	[sflag:s22] =	ssyncset.done $0x0  }
0xa0: {  	[sflag:s22] =	ssyncadd.s32 s3;
	_ =	sdelay $0x1  }
0xa1: {  	s23 =	simm.s32 $0x1B8B  }
0xa2: {  	_ =	swait.ge [sflag:s23], $0x1  }
0xa3: {  	[sflag:s23] =	ssyncset.done $0x0  }
0xa4: {  	s25 =	simm.s32 $0x1B8E;
	s24 =	sld [smem:$0x3FFE];
	[sflag:s23] =	ssyncadd.s32 $0xFFFFFFFF  }
0xa5: {  	s26 =	simm.s32 $execute0_lowered;
	[smem:$0x3FD2] =	sst s25  }
0xa6: {  	s4 =	sshll.u32 s26, $0x1;
	_ =	strace $0x8000004C;
	[dreg:$0x1] =	wrdreg $0xFFFFFFFF  }
0xa7: {  	s28 =	simm.s32 $_size_execute0_lowered;
	s2 =	sadd.s32 s2, s4;
	[dreg:$0x0] =	wrdreg $0x0  }
0xa8: {  	s4 =	sshll.u32 s28, $0x1;
	[dreg:$0x2] =	wrdreg s2  }
0xa9: {  	[dreg:$0x3] =	wrdreg s4  }
0xaa: {  	[dreg:$0x4] =	wrdreg $0xC0  }
0xab: {  	_ =	task [dreg:s6], $0x5FFFF  }
0xac: {  	[dreg:$0x1] =	wrdreg $0xFFFFFFFF  }
0xad: {  	[dreg:$0x0] =	wrdreg $0x60  }
0xae: {  	[dreg:$0x2] =	wrdreg s24  }
0xaf: {  	[dreg:$0x3] =	wrdreg $0x0  }
0xb0: {  	[dreg:$0x4] =	wrdreg $0x9  }
0xb1: {  	_ =	task.clear_ibuf [dreg:s6], $0x5FFFF;
	_ =	strace $0x9000004C  }
0xb2: {  	s29 =	simm.s32 $0x9;
	_ =	strace $0x8000004E  }
0xb3: {  	_ =	swait.ge [sflag:s29], $0x1  }
0xb4: {  	[sflag:s29] =	ssyncadd.s32 $0xFFFFFFFF  }
0xb5: {  	_ =	strace $0x9000004E  }
0xb6: {  	_ =	sfence  }
0xb7: {  	s30 =	sld [smem:$0x0];
	_ =	sdelay $0x2  }
0xb8: {  	s31 =	sshll.u32 s1, $0xD;
	s1 =	sshrl.u32 s1, $0x2  }
0xb9: {  	s3 =	sand.u32 $0x4000, s31;
	s1 =	sadd.s32 s1, s30  }
0xba: {  	s0 =	sor.u32 s3, s0;
	s1 =	sshll.u32 s1, $0x11  }
0xbb: {  	s0 =	sor.u32 s1, s0  }
0xbc: {  	s0 =	sadd.s32 $0x8F2B, s0  }
0xbd: {  	[sflag:s0] =	ssyncadd.remote.s32 $0x1  }
0xbe: {  	_ =	sfence.sel $0xFFFF  }
0xbf: {  	[dreg:$0x0] =	wrdreg $0xFFFFFFFF;
	(pc) =	sbr.abs _section_cstart, $3  }
0xc0: {  	[dreg:$0x1] =	wrdreg $0xFFFFFFFF  }
0xc1: {  	_ =	task.clear_ibuf [dreg:s6], $0x2FFFF;
	_ =	strace $0x9FFFFFFF  }
0xc2: {  	(tm) =	ssettm $0x7FFFFFFF  }
0xc3: {  	_ =	shalt  }
tec
execute0_lowered:
.L_overlay_start_1:
0x0: {  	(tag) =	ssettag $0x1  }
0x1: {  	s0 =	rddreg [dreg:$0x0]  }
0x2: {  	s2 =	rddreg [dreg:$0x1];
	s3 =	simm.s32 $0x0;
	s4 =	srdreg.scid  }
0x3: {  	s1 =	stileid.u32;
	s11 =	simm.s32 $0x4F00;
	s12 =	simm.s32 $0x7700  }
0x4: {  	s13 =	simm.s32 $0x9F00;
	s14 =	simm.s32 $0x2780;
	s15 =	simm.s32 $0x4  }
0x5: {  	s16 =	simm.s32 $0x1;
	s17 =	simm.s32 $0x100;
	s18 =	simm.s32 $0xC800  }
0x6: {  	s19 =	simm.s32 $0xD800;
	s20 =	simm.s32 $0x2;
	s21 =	simm.s32 $0xC700  }
0x7: {  	s22 =	simm.s32 $0x3;
	s23 =	simm.s32 $0x0;
	s5 =	sand.u32 $0x1, s4  }
0x8: {  	s31 =	sshll.u32 s1, $0x1;
	s8 =	smul.u32 $0x2780, s1;
	[smem:$0x7FF] =	sst s3  }
0x9: {  	s4 =	sor.u32 s5, s31;
	s6 =	smul.u32 $0x27800, s5;
	s5 =	ssub.s32 $0x2, s5  }
0xa: {  	_ =	strace $0x8000004D;
	s7 =	smul.u32 $0x500, s4;
	s9 =	sshrl.u32 s5, $0x1  }
0xb: {  	s4 =	sadd.s32 $0x20C00, s0;
	s6 =	sadd.s32 s8, s6;
	s10 =	ssub.s32 s5, s9  }
0xc: {  	s8 =	sadd.s32 s8, s2;
	s7 =	sadd.s32 s7, s0;
	s6 =	sshrl.u32 s6, $0x3  }
0xd: {  	s10 =	smax.u32 s10, $0x1;
	s0 =	sadd.s32 s6, s0;
	s5 =	sadd.s32 $0x16C00, s7  }
0xe: {  	v0 =	vimm.f32 $0.0e+00;
	s6 =	sadd.s32 $0xCC00, s7;
	s7 =	sadd.s32 $0x48400, s7;
	s9 =	sadd.s32 $0x2C00, s0  }
.LBB2_1:
0xf: {  	[tilespmem:s11], [sflag:$0x1] =	stream.linear.gather [hbm4b:s5+s3], $0x2800, $0x38;
	[tilespmem:$0xE800] =	vst v63  }
0x10: {  	_ = 	snop  }
0x11: {  	[tilespmem:s12], [sflag:$0x1] =	stream.linear.gather [hbm4b:s6+s3], $0x2800, $0x38;
	[tilespmem:$0xE800] =	vst v63  }
0x12: {  	s24 =	simm.s32 $0x40;
	s0 =	simm.s32 $0x0  }
0x13: {  	[tilespmem:s13], [sflag:$0x1] =	stream.linear.gather [hbm4b:s7+s3], $0x2800, $0x38;
	[tilespmem:$0xE800] =	vst v63  }
.LBB2_2:
0x14: {  	p0 =	sne.s32 s24, $0x9DC0;
	[tilespmem:s0+$0x2780] =	vst v0;
	s0 =	smov.u32 s24;
	s24 =	sadd.s32 $0x40, s24  }
.Ltmp0:
0x15: {  	(pc) =	sbr.rel @p0 .LBB2_2-.Ltmp0, $2  }
0x16: {  	_ =	sdelay $0x2  }
0x17: {  	s0 =	sshra.s32 s0, $0x2  }
0x18: {  	[tilespmem:s0+$0x2780] =	vst v0  }
0x19: {  	[spmem:s8] =	stream.linear.scatter [tilespmem:s14], [sflag:$0x4], $0x2780, $0x38;
	[tilespmem:$0xE800] =	vst v63  }
0x1a: {  	_ =	swait.ge [sflag:s15], $0x2780  }
0x1b: {  	[sflag:s15] =	ssyncset.done $0x0  }
0x1c: {  	[sflag:s15] =	ssyncadd.s32 $0xFFFFD880  }
0x1d: {  	_ =	swait.ge [sflag:s16], $0x2800  }
0x1e: {  	[sflag:s16] =	ssyncset.done $0x0  }
0x1f: {  	[sflag:s16] =	ssyncadd.s32 $0xFFFFD800  }
0x20: {  	_ =	swait.ge [sflag:s16], $0x2800  }
0x21: {  	[sflag:s16] =	ssyncset.done $0x0  }
0x22: {  	[sflag:s16] =	ssyncadd.s32 $0xFFFFD800  }
0x23: {  	_ =	swait.ge [sflag:s16], $0x2800  }
0x24: {  	[sflag:s16] =	ssyncset.done $0x0  }
0x25: {  	s24 =	simm.s32 $0x0;
	[sflag:s16] =	ssyncadd.s32 $0xFFFFD800  }
0x26: {  	[tilespmem:s18], [sflag:$0x2] =	stream.indirect.gather [hbm4b:s4+s17], $0x10, s11, s17, $0xb8;
	[tilespmem:$0xE800] =	vst v63  }
0x27: {  	s25 =	simm.s32 $0x9F00;
	s26 =	simm.s32 $0xA000;
	[bflag:$0x0] =	sbarrier.arrive $0xFFFF  }
.LBB2_4:
0x28: {  	s28 =	sshll.u32 s24, $0x9  }
0x29: {  	s0 =	sadd.s32 $0x5000, s28  }
0x2a: {  	[tilespmem:s19], [sflag:$0x3] =	stream.indirect.gather [hbm4b:s4+s17], $0x10, s0, s17, $0xb8;
	[tilespmem:$0xE800] =	vst v63  }
0x2b: {  	_ =	swait.ge [sflag:s20], $0x1000  }
0x2c: {  	[sflag:s20] =	ssyncset.done $0x0  }
0x2d: {  	[sflag:s20] =	ssyncadd.s32 $0xFFFFF000  }
0x2e: {  	v1 =	vld [tilespmem:s28+$0x7700];
	_ =	sdelay $0x4  }
0x2f: {  	[tilespmem:$0xC700] =	vst v1  }
0x30: {  	v1 =	vld [tilespmem:s28+$0x7710];
	_ =	sdelay $0x4  }
0x31: {  	[tilespmem:$0xC710] =	vst v1  }
0x32: {  	v1 =	vld [tilespmem:s28+$0x7720];
	_ =	sdelay $0x4  }
0x33: {  	[tilespmem:$0xC720] =	vst v1  }
0x34: {  	v1 =	vld [tilespmem:s28+$0x7730];
	_ =	sdelay $0x4  }
0x35: {  	[tilespmem:$0xC730] =	vst v1  }
0x36: {  	v1 =	vld [tilespmem:s28+$0x7740];
	_ =	sdelay $0x4  }
0x37: {  	[tilespmem:$0xC740] =	vst v1  }
0x38: {  	v1 =	vld [tilespmem:s28+$0x7750];
	_ =	sdelay $0x4  }
0x39: {  	[tilespmem:$0xC750] =	vst v1  }
0x3a: {  	v1 =	vld [tilespmem:s28+$0x7760];
	_ =	sdelay $0x4  }
0x3b: {  	[tilespmem:$0xC760] =	vst v1  }
0x3c: {  	v1 =	vld [tilespmem:s28+$0x7770];
	_ =	sdelay $0x4  }
0x3d: {  	[tilespmem:$0xC770] =	vst v1  }
0x3e: {  	v1 =	vld [tilespmem:s28+$0x7780];
	_ =	sdelay $0x4  }
0x3f: {  	[tilespmem:$0xC780] =	vst v1  }
0x40: {  	v1 =	vld [tilespmem:s28+$0x7790];
	_ =	sdelay $0x4  }
0x41: {  	[tilespmem:$0xC790] =	vst v1  }
0x42: {  	v1 =	vld [tilespmem:s28+$0x77A0];
	_ =	sdelay $0x4  }
0x43: {  	[tilespmem:$0xC7A0] =	vst v1  }
0x44: {  	v1 =	vld [tilespmem:s28+$0x77B0];
	_ =	sdelay $0x4  }
0x45: {  	[tilespmem:$0xC7B0] =	vst v1  }
0x46: {  	v1 =	vld [tilespmem:s28+$0x77C0];
	_ =	sdelay $0x4  }
0x47: {  	[tilespmem:$0xC7C0] =	vst v1  }
0x48: {  	v1 =	vld [tilespmem:s28+$0x77D0];
	_ =	sdelay $0x4  }
0x49: {  	[tilespmem:$0xC7D0] =	vst v1  }
0x4a: {  	v1 =	vld [tilespmem:s28+$0x77E0];
	_ =	sdelay $0x4  }
0x4b: {  	[tilespmem:$0xC7E0] =	vst v1  }
0x4c: {  	v2 =	vld [tilespmem:s28+$0x77F0]  }
0x4d: {  	v1 =	vmov s25;
	_ =	sdelay $0x3  }
0x4e: {  	s0 =	simm.s32 $0x0;
	[tilespmem:$0xC7F0] =	vst v2  }
0x4f: {  	v2 =	vld.idx.msk [tilespmem:v1+s0+$0x0 ss:$0x1], $0xffff  }
0x50: {  	s30 =	simm.s32 $0xC880  }
0x51: {  	v3 =	vld [tilespmem:s30+$0xFFFFFF80]  }
0x52: {  	v4 =	vld [tilespmem:s30+$0xFFFFFF90]  }
0x53: {  	v5 =	vld [tilespmem:s30+$0xFFFFFFA0]  }
0x54: {  	v6 =	vld [tilespmem:s30+$0xFFFFFFB0];
	v7 =	vbroadcast v2, $0x0  }
0x55: {  	v10 =	vld [tilespmem:s30+$0xFFFFFFD0];
	v8 =	vbroadcast v2, $0x1  }
0x56: {  	v46 =	vld [tilespmem:s30+$0xFFFFFFE0];
	v11 =	vbroadcast v2, $0x2;
	v3 =	vmul.f32 v7, v3  }
0x57: {  	v9 =	vld [tilespmem:s30+$0xFFFFFFC0];
	v45 =	vbroadcast v2, $0x3;
	v4 =	vmul.f32 v4, v8  }
0x58: {  	v49 =	vld [tilespmem:s30+$0x10];
	v47 =	vbroadcast v2, $0x5;
	v5 =	vmul.f32 v5, v11;
	[tilespmem:s30+$0xFFFFFF80] =	vst v3  }
0x59: {  	v59 =	vld [tilespmem:s30+$0x60];
	v13 =	vbroadcast v2, $0x6;
	v6 =	vmul.f32 v6, v45;
	[tilespmem:s30+$0xFFFFFF90] =	vst v4  }
0x5a: {  	v12 =	vld [tilespmem:s30+$0xFFFFFFF0];
	v7 =	vmul.f32 v10, v47;
	v3 =	vbroadcast v2, $0x4;
	[tilespmem:s30+$0xFFFFFFA0] =	vst v5  }
0x5b: {  	v48 =	vld [tilespmem:s30+$0x0];
	v53 =	vbroadcast v2, $0x9;
	v8 =	vmul.f32 v46, v13;
	[tilespmem:s30+$0xFFFFFFB0] =	vst v6  }
0x5c: {  	v52 =	vld [tilespmem:s30+$0x30];
	v62 =	vbroadcast v2, $0xE;
	[tilespmem:s30+$0xFFFFFFD0] =	vst v7;
	v3 =	vmul.f32 v9, v3  }
0x5d: {  	v55 =	vld [tilespmem:s30+$0x50];
	v50 =	vbroadcast v2, $0x7;
	v58 =	vmul.f32 v49, v53;
	[tilespmem:s30+$0xFFFFFFE0] =	vst v8  }
0x5e: {  	v51 =	vld [tilespmem:s30+$0x20];
	v63 =	vmul.f32 v59, v62;
	[tilespmem:s30+$0xFFFFFFC0] =	vst v3;
	v3 =	vbroadcast v2, $0x8  }
0x5f: {  	v54 =	vld [tilespmem:s30+$0x40];
	v57 =	vbroadcast v2, $0xB;
	v5 =	vmul.f32 v12, v50;
	[tilespmem:s30+$0x10] =	vst v58  }
0x60: {  	v60 =	vld [tilespmem:s30+$0x70];
	v61 =	vbroadcast v2, $0xD;
	[tilespmem:s30+$0x60] =	vst v63;
	v3 =	vmul.f32 v48, v3  }
0x61: {  	v56 =	vbroadcast v2, $0xA;
	v4 =	vmul.f32 v52, v57;
	[tilespmem:s30+$0xFFFFFFF0] =	vst v5  }
0x62: {  	v6 =	vmul.f32 v55, v61;
	[tilespmem:s30+$0x0] =	vst v3;
	v3 =	vbroadcast v2, $0xC  }
0x63: {  	v9 =	vmul.f32 v51, v56;
	[tilespmem:s30+$0x30] =	vst v4;
	v2 =	vbroadcast v2, $0xF  }
0x64: {  	[tilespmem:s30+$0x50] =	vst v6;
	v3 =	vmul.f32 v54, v3  }
0x65: {  	[tilespmem:s30+$0x20] =	vst v9;
	v2 =	vmul.f32 v60, v2  }
0x66: {  	[tilespmem:s30+$0x40] =	vst v3  }
0x67: {  	s31 =	simm.s32 $0x80;
	s29 =	sor.u32 $0x100, s28;
	s0 =	simm.s32 $0x10;
	[tilespmem:s30+$0x70] =	vst v2  }
.LBB2_5:
0x68: {  	p0 =	sne.s32 s31, $0x3C0;
	v2 =	vld.idx.msk [tilespmem:v1+s0+$0x0 ss:$0x1], $0xffff;
	s30 =	sadd.s32 $0x100, s30  }
0x69: {  	v3 =	vld [tilespmem:s30+$0xFFFFFFB0]  }
0x6a: {  	v4 =	vld [tilespmem:s30+$0xFFFFFF90]  }
0x6b: {  	v5 =	vld [tilespmem:s30+$0xFFFFFF80]  }
0x6c: {  	v6 =	vld [tilespmem:s30+$0xFFFFFFA0]  }
0x6d: {  	v7 =	vld [tilespmem:s30+$0xFFFFFFF0]  }
0x6e: {  	v8 =	vbroadcast v2, $0x0;
	v9 =	vbroadcast v2, $0x1;
	v10 =	vld [tilespmem:s30+$0xFFFFFFD0]  }
0x6f: {  	v11 =	vbroadcast v2, $0x2;
	v12 =	vbroadcast v2, $0x3;
	v13 =	vld [tilespmem:s30+$0xFFFFFFC0]  }
0x70: {  	v4 =	vmul.f32 v4, v9;
	v5 =	vmul.f32 v8, v5;
	v8 =	vld [tilespmem:s30+$0xFFFFFFE0]  }
0x71: {  	v3 =	vmul.f32 v3, v12;
	v6 =	vmul.f32 v6, v11;
	v9 =	vld [tilespmem:s30+$0x30]  }
0x72: {  	v11 =	vbroadcast v2, $0x5;
	[tilespmem:s30+$0xFFFFFF80] =	vst v5;
	v5 =	vbroadcast v2, $0x4;
	v12 =	vld [tilespmem:s30+$0x10]  }
0x73: {  	v14 =	vbroadcast v2, $0x7;
	[tilespmem:s30+$0xFFFFFF90] =	vst v4;
	v4 =	vbroadcast v2, $0x6;
	v15 =	vld [tilespmem:s30+$0x0]  }
0x74: {  	[tilespmem:s30+$0xFFFFFFA0] =	vst v6;
	v5 =	vmul.f32 v13, v5;
	v6 =	vmul.f32 v10, v11;
	v10 =	vld [tilespmem:s30+$0x20]  }
0x75: {  	[tilespmem:s30+$0xFFFFFFB0] =	vst v3;
	v3 =	vmul.f32 v8, v4;
	v4 =	vmul.f32 v7, v14;
	v7 =	vld [tilespmem:s30+$0x70]  }
0x76: {  	v8 =	vbroadcast v2, $0x9;
	[tilespmem:s30+$0xFFFFFFC0] =	vst v5;
	v5 =	vbroadcast v2, $0x8;
	v11 =	vld [tilespmem:s30+$0x50]  }
0x77: {  	v13 =	vbroadcast v2, $0xB;
	[tilespmem:s30+$0xFFFFFFD0] =	vst v6;
	v6 =	vbroadcast v2, $0xA;
	v14 =	vld [tilespmem:s30+$0x40]  }
0x78: {  	[tilespmem:s30+$0xFFFFFFE0] =	vst v3;
	v3 =	vmul.f32 v15, v5;
	v5 =	vmul.f32 v12, v8;
	v8 =	vld [tilespmem:s30+$0x60]  }
0x79: {  	[tilespmem:s30+$0xFFFFFFF0] =	vst v4;
	v4 =	vmul.f32 v10, v6;
	v6 =	vmul.f32 v9, v13  }
0x7a: {  	v9 =	vbroadcast v2, $0xD;
	[tilespmem:s30+$0x0] =	vst v3;
	v3 =	vbroadcast v2, $0xC  }
0x7b: {  	[tilespmem:s30+$0x10] =	vst v5;
	v5 =	vbroadcast v2, $0xE;
	v2 =	vbroadcast v2, $0xF  }
0x7c: {  	[tilespmem:s30+$0x20] =	vst v4;
	v3 =	vmul.f32 v14, v3;
	v4 =	vmul.f32 v11, v9  }
.Ltmp1:
0x7d: {  	[tilespmem:s30+$0x30] =	vst v6;
	v5 =	vmul.f32 v8, v5;
	v2 =	vmul.f32 v7, v2;
	(pc) =	sbr.rel @p0 .LBB2_5-.Ltmp1, $4  }
0x7e: {  	[tilespmem:s30+$0x40] =	vst v3  }
0x7f: {  	[tilespmem:s30+$0x50] =	vst v4  }
0x80: {  	[tilespmem:s30+$0x60] =	vst v5  }
0x81: {  	s0 =	sshra.s32 s31, $0x2;
	s31 =	sadd.s32 $0x40, s31;
	[tilespmem:s30+$0x70] =	vst v2  }
0x82: {  	_ =	sdelay $0x3  }
0x83: {  	v1 =	vld.idx.msk [tilespmem:v1+s0+$0x0 ss:$0x1], $0xffff  }
0x84: {  	s30 =	sadd.s32 $0x100, s30  }
0x85: {  	v2 =	vld [tilespmem:s30+$0xFFFFFF80]  }
0x86: {  	v3 =	vld [tilespmem:s30+$0xFFFFFF90]  }
0x87: {  	v4 =	vld [tilespmem:s30+$0xFFFFFFA0]  }
0x88: {  	v5 =	vld [tilespmem:s30+$0xFFFFFFB0];
	v6 =	vbroadcast v1, $0x0  }
0x89: {  	v9 =	vld [tilespmem:s30+$0xFFFFFFD0];
	v7 =	vbroadcast v1, $0x1  }
0x8a: {  	v8 =	vld [tilespmem:s30+$0xFFFFFFC0];
	v10 =	vbroadcast v1, $0x2;
	v2 =	vmul.f32 v6, v2  }
0x8b: {  	v21 =	vld [tilespmem:s30+$0xFFFFFFE0];
	v20 =	vbroadcast v1, $0x3;
	v3 =	vmul.f32 v3, v7  }
0x8c: {  	v23 =	vld [tilespmem:s30+$0x10];
	v22 =	vbroadcast v1, $0x5;
	v4 =	vmul.f32 v4, v10;
	[tilespmem:s30+$0xFFFFFF80] =	vst v2  }
0x8d: {  	v11 =	vld [tilespmem:s30+$0xFFFFFFF0];
	v5 =	vmul.f32 v5, v20;
	v2 =	vbroadcast v1, $0x4;
	[tilespmem:s30+$0xFFFFFF90] =	vst v3  }
0x8e: {  	v12 =	vbroadcast v1, $0x6;
	v6 =	vmul.f32 v9, v22;
	v3 =	vld [tilespmem:s30+$0x0];
	[tilespmem:s30+$0xFFFFFFA0] =	vst v4  }
0x8f: {  	v29 =	vld [tilespmem:s30+$0x50];
	v27 =	vbroadcast v1, $0x9;
	[tilespmem:s30+$0xFFFFFFB0] =	vst v5;
	v2 =	vmul.f32 v8, v2  }
0x90: {  	v25 =	vld [tilespmem:s30+$0x20];
	v24 =	vbroadcast v1, $0x7;
	v7 =	vmul.f32 v21, v12;
	[tilespmem:s30+$0xFFFFFFD0] =	vst v6  }
0x91: {  	v26 =	vld [tilespmem:s30+$0x30];
	v31 =	vmul.f32 v23, v27;
	[tilespmem:s30+$0xFFFFFFC0] =	vst v2;
	v2 =	vbroadcast v1, $0x8  }
0x92: {  	v28 =	vld [tilespmem:s30+$0x40];
	v34 =	vbroadcast v1, $0xD;
	v4 =	vmul.f32 v11, v24;
	[tilespmem:s30+$0xFFFFFFE0] =	vst v7  }
0x93: {  	v32 =	vld [tilespmem:s30+$0x60];
	v30 =	vbroadcast v1, $0xA;
	[tilespmem:s30+$0x10] =	vst v31;
	v2 =	vmul.f32 v3, v2  }
0x94: {  	v33 =	vld [tilespmem:s30+$0x70];
	v5 =	vmul.f32 v29, v34;
	[tilespmem:s30+$0xFFFFFFF0] =	vst v4;
	v3 =	vbroadcast v1, $0xB  }
0x95: {  	v8 =	vmul.f32 v25, v30;
	[tilespmem:s30+$0x0] =	vst v2;
	v2 =	vbroadcast v1, $0xC  }
0x96: {  	v35 =	vbroadcast v1, $0xE;
	[tilespmem:s30+$0x50] =	vst v5;
	v3 =	vmul.f32 v26, v3  }
0x97: {  	[tilespmem:s30+$0x20] =	vst v8;
	v1 =	vbroadcast v1, $0xF;
	v2 =	vmul.f32 v28, v2  }
0x98: {  	[tilespmem:s30+$0x30] =	vst v3;
	v3 =	vmul.f32 v32, v35  }
0x99: {  	v1 =	vmul.f32 v33, v1;
	[tilespmem:s30+$0x40] =	vst v2  }
0x9a: {  	[tilespmem:s30+$0x60] =	vst v3  }
0x9b: {  	[tilespmem:s30+$0x70] =	vst v1;
	s30 =	sshll.u32 s24, $0x1  }
0x9c: {  	[spmem:s2] =	stream.indirect.scatter.add.f32 [tilespmem:s18], [sflag:$0x4], $0x10, s21, s17, $0xb8;
	[tilespmem:$0xE800] =	vst v63  }
0x9d: {  	s0 =	smin.u32 s30, $0x25;
	_ =	swait.ge [sflag:s15], $0x1000  }
0x9e: {  	s0 =	sshll.u32 s0, $0x8;
	[sflag:s15] =	ssyncset.done $0x0  }
0x9f: {  	s0 =	sadd.s32 $0x5100, s0;
	[sflag:s15] =	ssyncadd.s32 $0xFFFFF000  }
0xa0: {  	[tilespmem:s18], [sflag:$0x2] =	stream.indirect.gather [hbm4b:s4+s17], $0x10, s0, s17, $0xb8;
	[tilespmem:$0xE800] =	vst v63  }
0xa1: {  	_ =	swait.ge [sflag:s22], $0x1000  }
0xa2: {  	[sflag:s22] =	ssyncset.done $0x0  }
0xa3: {  	[sflag:s22] =	ssyncadd.s32 $0xFFFFF000  }
0xa4: {  	v1 =	vld [tilespmem:s29+$0x7700];
	_ =	sdelay $0x4  }
0xa5: {  	[tilespmem:$0xC700] =	vst v1  }
0xa6: {  	v1 =	vld [tilespmem:s28+$0x7810];
	_ =	sdelay $0x4  }
0xa7: {  	[tilespmem:$0xC710] =	vst v1  }
0xa8: {  	v1 =	vld [tilespmem:s28+$0x7820];
	_ =	sdelay $0x4  }
0xa9: {  	[tilespmem:$0xC720] =	vst v1  }
0xaa: {  	v1 =	vld [tilespmem:s28+$0x7830];
	_ =	sdelay $0x4  }
0xab: {  	[tilespmem:$0xC730] =	vst v1  }
0xac: {  	v1 =	vld [tilespmem:s28+$0x7840];
	_ =	sdelay $0x4  }
0xad: {  	[tilespmem:$0xC740] =	vst v1  }
0xae: {  	v1 =	vld [tilespmem:s28+$0x7850];
	_ =	sdelay $0x4  }
0xaf: {  	[tilespmem:$0xC750] =	vst v1  }
0xb0: {  	v1 =	vld [tilespmem:s28+$0x7860];
	_ =	sdelay $0x4  }
0xb1: {  	[tilespmem:$0xC760] =	vst v1  }
0xb2: {  	v1 =	vld [tilespmem:s28+$0x7870];
	_ =	sdelay $0x4  }
0xb3: {  	[tilespmem:$0xC770] =	vst v1  }
0xb4: {  	v1 =	vld [tilespmem:s28+$0x7880];
	_ =	sdelay $0x4  }
0xb5: {  	[tilespmem:$0xC780] =	vst v1  }
0xb6: {  	v1 =	vld [tilespmem:s28+$0x7890];
	_ =	sdelay $0x4  }
0xb7: {  	[tilespmem:$0xC790] =	vst v1  }
0xb8: {  	v1 =	vld [tilespmem:s28+$0x78A0];
	_ =	sdelay $0x4  }
0xb9: {  	[tilespmem:$0xC7A0] =	vst v1  }
0xba: {  	v1 =	vld [tilespmem:s28+$0x78B0];
	_ =	sdelay $0x4  }
0xbb: {  	[tilespmem:$0xC7B0] =	vst v1  }
0xbc: {  	v1 =	vld [tilespmem:s28+$0x78C0];
	_ =	sdelay $0x4  }
0xbd: {  	[tilespmem:$0xC7C0] =	vst v1  }
0xbe: {  	v1 =	vld [tilespmem:s28+$0x78D0];
	_ =	sdelay $0x4  }
0xbf: {  	[tilespmem:$0xC7D0] =	vst v1  }
0xc0: {  	v1 =	vld [tilespmem:s28+$0x78E0];
	_ =	sdelay $0x4  }
0xc1: {  	[tilespmem:$0xC7E0] =	vst v1  }
0xc2: {  	v2 =	vld [tilespmem:s28+$0x78F0]  }
0xc3: {  	v1 =	vmov s26;
	_ =	sdelay $0x3  }
0xc4: {  	s31 =	simm.s32 $0x0;
	[tilespmem:$0xC7F0] =	vst v2  }
0xc5: {  	v2 =	vld.idx.msk [tilespmem:v1+s31+$0x0 ss:$0x1], $0xffff  }
0xc6: {  	s28 =	simm.s32 $0xD880  }
0xc7: {  	v3 =	vld [tilespmem:s28+$0xFFFFFF80]  }
0xc8: {  	v36 =	vld [tilespmem:s28+$0xFFFFFF90]  }
0xc9: {  	v37 =	vld [tilespmem:s28+$0xFFFFFFA0]  }
0xca: {  	v38 =	vld [tilespmem:s28+$0xFFFFFFB0];
	v39 =	vbroadcast v2, $0x0  }
0xcb: {  	v42 =	vld [tilespmem:s28+$0xFFFFFFD0];
	v40 =	vbroadcast v2, $0x1  }
0xcc: {  	v45 =	vld [tilespmem:s28+$0xFFFFFFE0];
	v43 =	vbroadcast v2, $0x2;
	v3 =	vmul.f32 v39, v3  }
0xcd: {  	v41 =	vld [tilespmem:s28+$0xFFFFFFC0];
	v44 =	vbroadcast v2, $0x3;
	v4 =	vmul.f32 v36, v40  }
0xce: {  	v49 =	vld [tilespmem:s28+$0x10];
	v47 =	vbroadcast v2, $0x5;
	v5 =	vmul.f32 v37, v43;
	[tilespmem:s28+$0xFFFFFF80] =	vst v3  }
0xcf: {  	v51 =	vld [tilespmem:s28+$0x20];
	v13 =	vbroadcast v2, $0x6;
	v6 =	vmul.f32 v38, v44;
	[tilespmem:s28+$0xFFFFFF90] =	vst v4  }
0xd0: {  	v59 =	vld [tilespmem:s28+$0x60];
	v7 =	vmul.f32 v42, v47;
	v3 =	vbroadcast v2, $0x4;
	[tilespmem:s28+$0xFFFFFFA0] =	vst v5  }
0xd1: {  	v48 =	vld [tilespmem:s28+$0x0];
	v53 =	vbroadcast v2, $0x9;
	v8 =	vmul.f32 v45, v13;
	[tilespmem:s28+$0xFFFFFFB0] =	vst v6  }
0xd2: {  	v46 =	vld [tilespmem:s28+$0xFFFFFFF0];
	v56 =	vbroadcast v2, $0xA;
	[tilespmem:s28+$0xFFFFFFD0] =	vst v7;
	v3 =	vmul.f32 v41, v3  }
0xd3: {  	v52 =	vld [tilespmem:s28+$0x30];
	v62 =	vbroadcast v2, $0xE;
	v58 =	vmul.f32 v49, v53;
	[tilespmem:s28+$0xFFFFFFE0] =	vst v8  }
0xd4: {  	v55 =	vld [tilespmem:s28+$0x50];
	v9 =	vmul.f32 v51, v56;
	[tilespmem:s28+$0xFFFFFFC0] =	vst v3;
	v3 =	vbroadcast v2, $0x8  }
0xd5: {  	v54 =	vld [tilespmem:s28+$0x40];
	v50 =	vbroadcast v2, $0x7;
	v63 =	vmul.f32 v59, v62;
	[tilespmem:s28+$0x10] =	vst v58  }
0xd6: {  	v60 =	vld [tilespmem:s28+$0x70];
	v57 =	vbroadcast v2, $0xB;
	[tilespmem:s28+$0x20] =	vst v9;
	v3 =	vmul.f32 v48, v3  }
0xd7: {  	v61 =	vbroadcast v2, $0xD;
	v5 =	vmul.f32 v46, v50;
	[tilespmem:s28+$0x60] =	vst v63  }
0xd8: {  	v4 =	vmul.f32 v52, v57;
	[tilespmem:s28+$0x0] =	vst v3;
	v3 =	vbroadcast v2, $0xC  }
0xd9: {  	v6 =	vmul.f32 v55, v61;
	[tilespmem:s28+$0xFFFFFFF0] =	vst v5;
	v2 =	vbroadcast v2, $0xF  }
0xda: {  	[tilespmem:s28+$0x30] =	vst v4;
	v3 =	vmul.f32 v54, v3  }
0xdb: {  	[tilespmem:s28+$0x50] =	vst v6;
	v2 =	vmul.f32 v60, v2  }
0xdc: {  	[tilespmem:s28+$0x40] =	vst v3  }
0xdd: {  	s0 =	simm.s32 $0x10;
	s29 =	simm.s32 $0x80;
	[tilespmem:s28+$0x70] =	vst v2  }
.LBB2_7:
0xde: {  	p0 =	sne.s32 s29, $0x3C0;
	v2 =	vld.idx.msk [tilespmem:v1+s0+$0x0 ss:$0x1], $0xffff;
	s28 =	sadd.s32 $0x100, s28  }
0xdf: {  	v3 =	vld [tilespmem:s28+$0xFFFFFFB0]  }
0xe0: {  	v4 =	vld [tilespmem:s28+$0xFFFFFF90]  }
0xe1: {  	v5 =	vld [tilespmem:s28+$0xFFFFFF80]  }
0xe2: {  	v6 =	vld [tilespmem:s28+$0xFFFFFFA0]  }
0xe3: {  	v7 =	vld [tilespmem:s28+$0xFFFFFFF0]  }
0xe4: {  	v8 =	vbroadcast v2, $0x0;
	v9 =	vbroadcast v2, $0x1;
	v10 =	vld [tilespmem:s28+$0xFFFFFFD0]  }
0xe5: {  	v11 =	vbroadcast v2, $0x2;
	v12 =	vbroadcast v2, $0x3;
	v13 =	vld [tilespmem:s28+$0xFFFFFFC0]  }
0xe6: {  	v4 =	vmul.f32 v4, v9;
	v5 =	vmul.f32 v8, v5;
	v8 =	vld [tilespmem:s28+$0xFFFFFFE0]  }
0xe7: {  	v3 =	vmul.f32 v3, v12;
	v6 =	vmul.f32 v6, v11;
	v9 =	vld [tilespmem:s28+$0x30]  }
0xe8: {  	v11 =	vbroadcast v2, $0x5;
	[tilespmem:s28+$0xFFFFFF80] =	vst v5;
	v5 =	vbroadcast v2, $0x4;
	v12 =	vld [tilespmem:s28+$0x10]  }
0xe9: {  	v14 =	vbroadcast v2, $0x7;
	[tilespmem:s28+$0xFFFFFF90] =	vst v4;
	v4 =	vbroadcast v2, $0x6;
	v15 =	vld [tilespmem:s28+$0x0]  }
0xea: {  	[tilespmem:s28+$0xFFFFFFA0] =	vst v6;
	v5 =	vmul.f32 v13, v5;
	v6 =	vmul.f32 v10, v11;
	v10 =	vld [tilespmem:s28+$0x20]  }
0xeb: {  	[tilespmem:s28+$0xFFFFFFB0] =	vst v3;
	v3 =	vmul.f32 v8, v4;
	v4 =	vmul.f32 v7, v14;
	v7 =	vld [tilespmem:s28+$0x70]  }
0xec: {  	v8 =	vbroadcast v2, $0x9;
	[tilespmem:s28+$0xFFFFFFC0] =	vst v5;
	v5 =	vbroadcast v2, $0x8;
	v11 =	vld [tilespmem:s28+$0x50]  }
0xed: {  	v13 =	vbroadcast v2, $0xB;
	[tilespmem:s28+$0xFFFFFFD0] =	vst v6;
	v6 =	vbroadcast v2, $0xA;
	v14 =	vld [tilespmem:s28+$0x40]  }
0xee: {  	[tilespmem:s28+$0xFFFFFFE0] =	vst v3;
	v3 =	vmul.f32 v15, v5;
	v5 =	vmul.f32 v12, v8;
	v8 =	vld [tilespmem:s28+$0x60]  }
0xef: {  	[tilespmem:s28+$0xFFFFFFF0] =	vst v4;
	v4 =	vmul.f32 v10, v6;
	v6 =	vmul.f32 v9, v13  }
0xf0: {  	v9 =	vbroadcast v2, $0xD;
	[tilespmem:s28+$0x0] =	vst v3;
	v3 =	vbroadcast v2, $0xC  }
0xf1: {  	[tilespmem:s28+$0x10] =	vst v5;
	v5 =	vbroadcast v2, $0xE;
	v2 =	vbroadcast v2, $0xF  }
0xf2: {  	[tilespmem:s28+$0x20] =	vst v4;
	v3 =	vmul.f32 v14, v3;
	v4 =	vmul.f32 v11, v9  }
.Ltmp2:
0xf3: {  	[tilespmem:s28+$0x30] =	vst v6;
	v5 =	vmul.f32 v8, v5;
	v2 =	vmul.f32 v7, v2;
	(pc) =	sbr.rel @p0 .LBB2_7-.Ltmp2, $4  }
0xf4: {  	[tilespmem:s28+$0x40] =	vst v3  }
0xf5: {  	[tilespmem:s28+$0x50] =	vst v4  }
0xf6: {  	[tilespmem:s28+$0x60] =	vst v5  }
0xf7: {  	s0 =	sshra.s32 s29, $0x2;
	s29 =	sadd.s32 $0x40, s29;
	[tilespmem:s28+$0x70] =	vst v2  }
0xf8: {  	_ =	sdelay $0x3  }
0xf9: {  	v1 =	vld.idx.msk [tilespmem:v1+s0+$0x0 ss:$0x1], $0xffff  }
0xfa: {  	s28 =	sadd.s32 $0x100, s28  }
0xfb: {  	v2 =	vld [tilespmem:s28+$0xFFFFFF80]  }
0xfc: {  	v3 =	vld [tilespmem:s28+$0xFFFFFF90]  }
0xfd: {  	v4 =	vld [tilespmem:s28+$0xFFFFFFA0]  }
0xfe: {  	v5 =	vld [tilespmem:s28+$0xFFFFFFB0];
	v6 =	vbroadcast v1, $0x0  }
0xff: {  	v9 =	vld [tilespmem:s28+$0xFFFFFFD0];
	v7 =	vbroadcast v1, $0x1  }
0x100: {  	v8 =	vld [tilespmem:s28+$0xFFFFFFC0];
	v10 =	vbroadcast v1, $0x2;
	v2 =	vmul.f32 v6, v2  }
0x101: {  	v49 =	vld [tilespmem:s28+$0xFFFFFFE0];
	v48 =	vbroadcast v1, $0x3;
	v3 =	vmul.f32 v3, v7  }
0x102: {  	v51 =	vld [tilespmem:s28+$0x10];
	v50 =	vbroadcast v1, $0x5;
	v4 =	vmul.f32 v4, v10;
	[tilespmem:s28+$0xFFFFFF80] =	vst v2  }
0x103: {  	v11 =	vld [tilespmem:s28+$0xFFFFFFF0];
	v5 =	vmul.f32 v5, v48;
	v2 =	vbroadcast v1, $0x4;
	[tilespmem:s28+$0xFFFFFF90] =	vst v3  }
0x104: {  	v12 =	vbroadcast v1, $0x6;
	v6 =	vmul.f32 v9, v50;
	v3 =	vld [tilespmem:s28+$0x0];
	[tilespmem:s28+$0xFFFFFFA0] =	vst v4  }
0x105: {  	v57 =	vld [tilespmem:s28+$0x50];
	v55 =	vbroadcast v1, $0x9;
	[tilespmem:s28+$0xFFFFFFB0] =	vst v5;
	v2 =	vmul.f32 v8, v2  }
0x106: {  	v53 =	vld [tilespmem:s28+$0x20];
	v52 =	vbroadcast v1, $0x7;
	v7 =	vmul.f32 v49, v12;
	[tilespmem:s28+$0xFFFFFFD0] =	vst v6  }
0x107: {  	v54 =	vld [tilespmem:s28+$0x30];
	v59 =	vmul.f32 v51, v55;
	[tilespmem:s28+$0xFFFFFFC0] =	vst v2;
	v2 =	vbroadcast v1, $0x8  }
0x108: {  	v56 =	vld [tilespmem:s28+$0x40];
	v62 =	vbroadcast v1, $0xD;
	v4 =	vmul.f32 v11, v52;
	[tilespmem:s28+$0xFFFFFFE0] =	vst v7  }
0x109: {  	v60 =	vld [tilespmem:s28+$0x60];
	v58 =	vbroadcast v1, $0xA;
	[tilespmem:s28+$0x10] =	vst v59;
	v2 =	vmul.f32 v3, v2  }
0x10a: {  	v61 =	vld [tilespmem:s28+$0x70];
	v5 =	vmul.f32 v57, v62;
	[tilespmem:s28+$0xFFFFFFF0] =	vst v4;
	v3 =	vbroadcast v1, $0xB  }
0x10b: {  	v8 =	vmul.f32 v53, v58;
	[tilespmem:s28+$0x0] =	vst v2;
	v2 =	vbroadcast v1, $0xC  }
0x10c: {  	v63 =	vbroadcast v1, $0xE;
	[tilespmem:s28+$0x50] =	vst v5;
	v3 =	vmul.f32 v54, v3  }
0x10d: {  	[tilespmem:s28+$0x20] =	vst v8;
	v1 =	vbroadcast v1, $0xF;
	v2 =	vmul.f32 v56, v2  }
0x10e: {  	[tilespmem:s28+$0x30] =	vst v3;
	v3 =	vmul.f32 v60, v63  }
0x10f: {  	s24 =	sadd.s32 $0x1, s24;
	v1 =	vmul.f32 v61, v1;
	[tilespmem:s28+$0x40] =	vst v2  }
0x110: {  	p0 =	sne.s32 s24, $0x14;
	[tilespmem:s28+$0x60] =	vst v3  }
.Ltmp3:
0x111: {  	[tilespmem:s28+$0x70] =	vst v1;
	(pc) =	sbr.rel @p0 .LBB2_4-.Ltmp3, $4  }
0x112: {  	[spmem:s2] =	stream.indirect.scatter.add.f32 [tilespmem:s19], [sflag:$0x4], $0x10, s21, s17, $0xb8;
	[tilespmem:$0xE800] =	vst v63  }
0x113: {  	_ =	swait.ge [sflag:s15], $0x1000  }
0x114: {  	[sflag:s15] =	ssyncset.done $0x0  }
0x115: {  	s25 =	sadd.s32 $0x200, s25;
	s26 =	sadd.s32 $0x200, s26;
	[sflag:s15] =	ssyncadd.s32 $0xFFFFF000  }
0x116: {  	_ =	swait.ge [sflag:s20], $0x1000  }
0x117: {  	[sflag:s20] =	ssyncset.done $0x0  }
0x118: {  	[sflag:s20] =	ssyncadd.s32 $0xFFFFF000  }
0x119: {  	[bflag:$0x0] =	sbarrier.arrive $0xFFFF  }
0x11a: {  	[tilespmem:s14], [sflag:$0x4] =	stream.linear.gather [spmem:s8], $0x2780, $0x38;
	[tilespmem:$0xE800] =	vst v63  }
0x11b: {  	s23 =	sadd.s32 $0x1, s23;
	_ =	swait.ge [sflag:s15], $0x2780  }
0x11c: {  	p0 =	sne.s32 s23, s10;
	[sflag:s15] =	ssyncset.done $0x0  }
.Ltmp4:
0x11d: {  	[sflag:s15] =	ssyncadd.s32 $0xFFFFD880;
	(pc) =	sbr.rel @p0 .LBB2_1-.Ltmp4, $4  }
0x11e: {  	[hbm4b:s9+s3] =	stream.linear.scatter [tilespmem:s14], [sflag:$0x4], $0x2780, $0x38;
	[tilespmem:$0xE800] =	vst v63  }
0x11f: {  	_ =	swait.ge [sflag:s15], $0x2780  }
0x120: {  	[sflag:s15] =	ssyncset.done $0x0  }
0x121: {  	[sflag:s15] =	ssyncadd.s32 $0xFFFFD880  }
0x122: {  	_ =	sfence.sel $0x180000  }
0x123: {  	[bflag:$0x0] =	sbarrier.arrive $0xFFFF  }
0x124: {  	_ =	strace $0x9000004D  }
0x125: {  	[bflag:$0x2] =	sbarrier.arrive $0xFFFF  }
0x126: {  	p0 =	sne.s32 s1, $0x0;
	s0 =	rddreg [dreg:$0x2]  }
0x127: {  	s0 =	sadd.s32 @!p0 $0x100000, s0  }
0x128: {  	[sflag:s0] =	ssyncadd.tile.s32 @!p0 $0x1;
	_ =	shalt  }
.Lfunc_end2:
_tile_overlayer_lowered:
.L_overlay_start_2:
0x129: {  	(tag) =	ssettag $0x2  }
0x12a: {  	s0 =	rddreg [dreg:$0x0];
	s2 =	stileid.u32  }
0x12b: {  	s1 =	rddreg [dreg:$0x1];
	p0 =	sne.s32 s2, $0x0  }
0x12c: {  	s3 =	rddreg [dreg:$0x2];
	[bflag:$0x3] =	sbarrier.arrive $0xFFFF;
	s2 =	simm.s32 @!p0 $0x1C04  }
0x12d: {  	[timem:s3], [sflag:s2] =	dma.local @!p0 [hbm:s0], s1  }
0x12e: {  	s0 =	simm.s32 @!p0 $0x4  }
0x12f: {  	_ =	swait.ge @!p0 [sflag:s0], s1  }
0x130: {  	s1 =	ssub.s32 @!p0 $0x0, s1;
	[sflag:s0] =	ssyncset.done @!p0 $0x0  }
0x131: {  	[sflag:s0] =	ssyncadd.s32 @!p0 s1  }
0x132: {  	[bflag:$0x3] =	sbarrier.arrive $0xFFFF  }
0x133: {  	_ =	shalt  }

// kernel: kernel.8.cloned.1.call-start
scs
__scs_entry_jumppad:
0x0: {  	(pc) =	sbr.rel $0x88, $3  }
0x1: {  	(tag) =	ssettag $0x0;
	lr =	simm.s32 $0x1  }
0x2: {  	[smem:$0x3F94] =	sst lr;
	_ =	strace $0xD0000000  }
0x3: {  	_ = 	snop  }
0x4: {  	_ = 	snop  }
0x5: {  	_ = 	snop  }
0x6: {  	_ = 	snop  }
0x7: {  	_ = 	snop  }
__scs_overlays_trampoline_lowered:
0x8: {  	[smem:$0x3FA3] =	sst s0  }
0x9: {  	[smem:$0x3FA4] =	sst s1  }
0xa: {  	[smem:$0x3FA5] =	sst s2  }
0xb: {  	[smem:$0x3FA6] =	sst s3  }
0xc: {  	[smem:$0x3FA7] =	sst s4  }
0xd: {  	[smem:$0x3FA8] =	sst s5  }
0xe: {  	[smem:$0x3FA9] =	sst s6  }
0xf: {  	[smem:$0x3FAA] =	sst s7  }
0x10: {  	[smem:$0x3FAB] =	sst s8  }
0x11: {  	[smem:$0x3FAC] =	sst s9;
	s0 =	simm.s32 @!p0 $0x0  }
0x12: {  	s1 =	sld [smem:$0x3F92];
	s0 =	simm.s32 @p0 $0x1  }
0x13: {  	[smem:$0x3FAD] =	sst s0;
	s0 =	simm.s32 @!p1 $0x0  }
0x14: {  	s2 =	sld [smem:$0x3F91];
	s0 =	simm.s32 @p1 $0x1  }
0x15: {  	[smem:$0x3FAE] =	sst s0;
	s0 =	simm.s32 @!p2 $0x0  }
0x16: {  	s3 =	sld [smem:$0x3FDB];
	s0 =	simm.s32 @p2 $0x1  }
0x17: {  	s4 =	simm.s32 $0x1BF5;
	[smem:$0x3FB0] =	sst s0  }
0x18: {  	s0 =	sld [smem:$0x3F93];
	_ =	swait.ge [sflag:s4], $0x0  }
0x19: {  	s7 =	sld [smem:$0x3F94]  }
0x1a: {  	s8 =	sadd.s32 $0xFFFFE003, lr  }
0x1b: {  	s9 =	sadd.s32 $0xFFFFFEF7, lr;
	s5 =	simm.s32 $0xFFFFFFFF;
	p2 =	slt.u32 s8, $0xFFFFF086  }
0x1c: {  	p1 =	slt.u32 s9, $0xF7A;
	s5 =	simm.s32 @!p2 $0x0  }
0x1d: {  	s5 =	simm.s32 @p1 $0x1;
	p0 =	seq.s32 s7, s2  }
0x1e: {  	s7 =	smul.u32 @!p0 $0xF7A, s2;
	p2 =	seq.s32 @!p0 s5, $0x0  }
0x1f: {  	s9 =	smul.u32 $0xF7A, s1;
	s8 =	simm.s32 @!p0 $0x1BF5;
	p2 =	por !p2, p0  }
0x20: {  	[sflag:s8] =	ssyncset.s32 @!p0 $0xFFFFF086;
	s6 =	sadd.s32 @!p0 s3, s7;
	s7 =	simm.s32 @!p0 $0x108  }
0x21: {  	s3 =	sadd.s32 s3, s9;
	s6 =	sadd.s32 @!p0 $0x88, s6;
	s7 =	simm.s32 @p2 $0x1082  }
0x22: {  	[simem:s7], [sflag:s8] =	dma.local @!p0 [hbm:s6], $0xF7A  }
0x23: {  	s9 =	sor.u32 $0xD0000000, s2;
	s6 =	simm.s32 $0x108;
	_ =	swait.ge @!p0 [sflag:s8], $0x0  }
0x24: {  	s3 =	sadd.s32 $0x88, s3;
	s6 =	simm.s32 @!p1 $0x1082;
	[sflag:s4] =	ssyncset.s32 $0xFFFFF086  }
0x25: {  	[simem:s6], [sflag:s4] =	dma.local [hbm:s3], $0xF7A  }
0x26: {  	[smem:$0x3F94] =	sst s1;
	(tag) =	ssettag s2;
	_ =	strace s9  }
0x27: {  	s1 =	sld [smem:$0x3FA4]  }
0x28: {  	s2 =	sld [smem:$0x3FA5]  }
0x29: {  	s4 =	sld [smem:$0x3FA7]  }
0x2a: {  	p0 =	seq.s32 s5, $0x0;
	s5 =	sld [smem:$0x3FA8]  }
0x2b: {  	s6 =	sld [smem:$0x3FA9]  }
0x2c: {  	s7 =	sld [smem:$0x3FAA]  }
0x2d: {  	s3 =	simm.s32 $0x108;
	s8 =	sld [smem:$0x3FAB]  }
0x2e: {  	s3 =	simm.s32 @!p0 $0x1082;
	s9 =	sld [smem:$0x3FAC]  }
0x2f: {  	lr =	sadd.s32 s0, s3;
	s0 =	sld [smem:$0x3FA3]  }
0x30: {  	s3 =	sld [smem:$0x3FA6]  }
0x31: {  	[smem:$0x3FAF] =	sst s10  }
0x32: {  	s10 =	sld [smem:$0x3FAD];
	_ =	sdelay $0x3  }
0x33: {  	p0 =	seq.s32 s10, $0x1;
	s10 =	sld [smem:$0x3FAF];
	_ =	sdelay $0x3  }
0x34: {  	[smem:$0x3FAF] =	sst s10  }
0x35: {  	s10 =	sld [smem:$0x3FAE];
	_ =	sdelay $0x3  }
0x36: {  	p1 =	seq.s32 s10, $0x1;
	s10 =	sld [smem:$0x3FAF];
	_ =	sdelay $0x3  }
0x37: {  	[smem:$0x3FAF] =	sst s10  }
0x38: {  	s10 =	sld [smem:$0x3FB0]  }
0x39: {  	_ = 	snop;
	(pc) =	sbr.ind lr, $3  }
0x3a: {  	_ = 	snop  }
0x3b: {  	_ = 	snop  }
0x3c: {  	p2 =	seq.s32 s10, $0x1;
	s10 =	sld [smem:$0x3FAF]  }
0x3d: {  	_ =	shalt  }
0x3e: {  	_ =	shalt  }
0x3f: {  	_ =	shalt  }
0x40: {  	_ =	shalt  }
0x41: {  	_ =	shalt  }
0x42: {  	_ =	shalt  }
0x43: {  	_ =	shalt  }
0x44: {  	_ =	shalt  }
0x45: {  	_ =	shalt  }
0x46: {  	_ =	shalt  }
0x47: {  	_ =	shalt  }
0x48: {  	_ =	shalt  }
0x49: {  	_ =	shalt  }
0x4a: {  	_ =	shalt  }
0x4b: {  	_ =	shalt  }
0x4c: {  	_ =	shalt  }
0x4d: {  	_ =	shalt  }
0x4e: {  	_ =	shalt  }
0x4f: {  	_ =	shalt  }
0x50: {  	_ =	shalt  }
0x51: {  	_ =	shalt  }
0x52: {  	_ =	shalt  }
0x53: {  	_ =	shalt  }
0x54: {  	_ =	shalt  }
0x55: {  	_ =	shalt  }
0x56: {  	_ =	shalt  }
0x57: {  	_ =	shalt  }
0x58: {  	_ =	shalt  }
0x59: {  	_ =	shalt  }
0x5a: {  	_ =	shalt  }
0x5b: {  	_ =	shalt  }
0x5c: {  	_ =	shalt  }
0x5d: {  	_ =	shalt  }
0x5e: {  	_ =	shalt  }
0x5f: {  	_ =	shalt  }
0x60: {  	_ =	shalt  }
0x61: {  	_ =	shalt  }
0x62: {  	_ =	shalt  }
0x63: {  	_ =	shalt  }
0x64: {  	_ =	shalt  }
0x65: {  	_ =	shalt  }
0x66: {  	_ =	shalt  }
0x67: {  	_ =	shalt  }
0x68: {  	_ =	shalt  }
0x69: {  	_ =	shalt  }
0x6a: {  	_ =	shalt  }
0x6b: {  	_ =	shalt  }
0x6c: {  	_ =	shalt  }
0x6d: {  	_ =	shalt  }
0x6e: {  	_ =	shalt  }
0x6f: {  	_ =	shalt  }
0x70: {  	_ =	shalt  }
0x71: {  	_ =	shalt  }
0x72: {  	_ =	shalt  }
0x73: {  	_ =	shalt  }
0x74: {  	_ =	shalt  }
0x75: {  	_ =	shalt  }
0x76: {  	_ =	shalt  }
0x77: {  	_ =	shalt  }
0x78: {  	_ =	shalt  }
0x79: {  	_ =	shalt  }
0x7a: {  	_ =	shalt  }
0x7b: {  	_ =	shalt  }
0x7c: {  	_ =	shalt  }
0x7d: {  	_ =	shalt  }
0x7e: {  	_ =	shalt  }
0x7f: {  	_ =	shalt  }
0x80: {  	_ =	shalt  }
0x81: {  	_ =	shalt  }
0x82: {  	_ =	shalt  }
0x83: {  	_ =	shalt  }
0x84: {  	_ =	shalt  }
0x85: {  	_ =	shalt  }
0x86: {  	_ =	shalt  }
0x87: {  	_ =	shalt  }
.Lfunc_end0:
.L_simem_size_0:
called_computation_lowered:
.L_overlay_start_0:
0x88: {  	s2 =	sld [smem:$0x3FD9]  }
0x89: {  	s3 =	sld [smem:$0x3FFE];
	_ =	sdelay $0x1  }
0x8a: {  	s1 =	srdreg.scid  }
0x8b: {  	s0 =	sand.u32 $0x1, s1  }
0x8c: {  	s17 =	sshll.u32 s0, $0xA;
	s2 =	sadd.s32 s3, s2  }
0x8d: {  	s2 =	sadd.s32 s2, s17  }
0x8e: {  	[smem:$0x3FBB] =	sst s2  }
0x8f: {  	_ = 	snop  }
0x90: {  	s2 =	sld [smem:$0x3FD0];
	(tm) =	ssettm $0x1  }
0x91: {  	s18 =	sld [smem:$0x3FFB];
	_ =	sdelay $0x3  }
0x92: {  	_ =	strace s18  }
0x93: {  	s3 =	sld [smem:$0x3FFC];
	_ =	sdelay $0x3  }
0x94: {  	_ =	strace s3  }
0x95: {  	s3 =	sld [smem:$0x3FFD];
	_ =	sdelay $0x3  }
0x96: {  	_ =	strace s3  }
0x97: {  	_ =	strace $0x8FFFFFFF  }
0x98: {  	s19 =	sld [smem:$0x3FDB];
	_ =	sdelay $0x1  }
0x99: {  	s4 =	simm.s32 $_scs_section_size  }
0x9a: {  	s5 =	simm.s32 $_size__tile_overlayer_lowered;
	s6 =	simm.s32 $_tile_overlayer_lowered  }
0x9b: {  	s22 =	simm.s32 $0x1BFF;
	s21 =	sshll.u32 s6, $0x1;
	s3 =	sadd.s32 s4, s19  }
0x9c: {  	s7 =	simm.s32 $0x0;
	s20 =	sshll.u32 s5, $0x1;
	s5 =	sadd.s32 s21, s3  }
0x9d: {  	[timem:s7], [sflag:s22] =	dma.local [hbm:s5], s20  }
0x9e: {  	_ =	swait.ge [sflag:s22], s20  }
0x9f: {  	s4 =	ssub.s32 $0x0, s20;
	[sflag:s22] =	ssyncset.done $0x0  }
0xa0: {  	[sflag:s22] =	ssyncadd.s32 s4;
	_ =	sdelay $0x1  }
0xa1: {  	s23 =	simm.s32 $0x1B8B  }
0xa2: {  	_ =	swait.ge [sflag:s23], $0x1  }
0xa3: {  	[sflag:s23] =	ssyncset.done $0x0  }
0xa4: {  	s25 =	simm.s32 $0x1B8E;
	s24 =	sld [smem:$0x3FFE];
	[sflag:s23] =	ssyncadd.s32 $0xFFFFFFFF  }
0xa5: {  	s26 =	simm.s32 $execute0_lowered;
	[smem:$0x3FD2] =	sst s25  }
0xa6: {  	s5 =	sshll.u32 s26, $0x1;
	_ =	strace $0x80000046;
	[dreg:$0x1] =	wrdreg $0xFFFFFFFF  }
0xa7: {  	s28 =	simm.s32 $_size_execute0_lowered;
	s3 =	sadd.s32 s3, s5;
	[dreg:$0x0] =	wrdreg $0x0  }
0xa8: {  	s5 =	sshll.u32 s28, $0x1;
	[dreg:$0x2] =	wrdreg s3  }
0xa9: {  	[dreg:$0x3] =	wrdreg s5  }
0xaa: {  	[dreg:$0x4] =	wrdreg $0xC0  }
0xab: {  	_ =	task [dreg:s7], $0x5FFFF  }
0xac: {  	[dreg:$0x1] =	wrdreg $0xFFFFFFFF  }
0xad: {  	[dreg:$0x0] =	wrdreg $0x60  }
0xae: {  	[dreg:$0x2] =	wrdreg s24  }
0xaf: {  	[dreg:$0x3] =	wrdreg s2  }
0xb0: {  	[dreg:$0x4] =	wrdreg $0x0  }
0xb1: {  	[dreg:$0x5] =	wrdreg $0x9  }
0xb2: {  	_ =	task.clear_ibuf [dreg:s7], $0x6FFFF;
	_ =	strace $0x90000046  }
0xb3: {  	s29 =	simm.s32 $0x9;
	_ =	strace $0x80000048  }
0xb4: {  	_ =	swait.ge [sflag:s29], $0x1  }
0xb5: {  	[sflag:s29] =	ssyncadd.s32 $0xFFFFFFFF  }
0xb6: {  	_ =	strace $0x90000048  }
0xb7: {  	_ =	sfence  }
0xb8: {  	s30 =	sld [smem:$0x0];
	_ =	sdelay $0x2  }
0xb9: {  	s31 =	sshll.u32 s1, $0xD;
	s1 =	sshrl.u32 s1, $0x2  }
0xba: {  	s3 =	sand.u32 $0x4000, s31;
	s1 =	sadd.s32 s1, s30  }
0xbb: {  	s0 =	sor.u32 s3, s0;
	s1 =	sshll.u32 s1, $0x11  }
0xbc: {  	s0 =	sor.u32 s1, s0  }
0xbd: {  	s0 =	sadd.s32 $0x8F2B, s0  }
0xbe: {  	[sflag:s0] =	ssyncadd.remote.s32 $0x1  }
0xbf: {  	_ =	sfence.sel $0xFFFF  }
0xc0: {  	[dreg:$0x0] =	wrdreg $0xFFFFFFFF;
	(pc) =	sbr.abs _section_cstart, $3  }
0xc1: {  	[dreg:$0x1] =	wrdreg $0xFFFFFFFF  }
0xc2: {  	_ =	task.clear_ibuf [dreg:s7], $0x2FFFF;
	_ =	strace $0x9FFFFFFF  }
0xc3: {  	(tm) =	ssettm $0x7FFFFFFF  }
tec
execute0_lowered:
.L_overlay_start_1:
0x0: {  	(tag) =	ssettag $0x1  }
0x1: {  	s4 =	rddreg [dreg:$0x0]  }
0x2: {  	s6 =	rddreg [dreg:$0x1]  }
0x3: {  	s2 =	rddreg [dreg:$0x2]  }
0x4: {  	s0 =	rddreg [dreg:$0x3]  }
0x5: {  	s1 =	stileid.u32;
	s5 =	srdreg.scid  }
0x6: {  	s3 =	simm.s32 $0x0;
	s10 =	simm.s32 $0x2;
	s11 =	simm.s32 $0x1  }
0x7: {  	s12 =	simm.s32 $0x100;
	s13 =	simm.s32 $0x7790;
	s14 =	simm.s32 $0x7890  }
0x8: {  	s7 =	smul.u32 $0xA00, s1;
	s15 =	sand.u32 $0x1, s5;
	[smem:$0x7FF] =	sst s3  }
0x9: {  	s8 =	smul.u32 $0x1390, s1;
	s5 =	ssub.s32 $0x2, s15;
	_ =	strace $0x80000047  }
0xa: {  	p0 =	sne.s32 s15, $0x0;
	s15 =	simm.s32 $0x0;
	s31 =	sshrl.u32 s5, $0x1  }
0xb: {  	s4 =	sadd.s32 s7, s4;
	s9 =	sshrl.u32 s8, $0x3;
	s7 =	ssub.s32 s5, s31  }
0xc: {  	s4 =	sadd.s32 $0x2C00, s4;
	s5 =	sadd.s32 s8, s2;
	s6 =	sadd.s32 s6, s9  }
0xd: {  	v0 =	vimm.f32 $0.0e+00;
	v1 =	vimm.f32 $1.000000000e+00;
	s8 =	simm.s32 $0x2790;
	s9 =	simm.s32 $0x1390;
	s7 =	smax.u32 s7, $0x1  }
.LBB2_1:
0xe: {  	[tilespmem:s8], [sflag:$0x1] =	stream.linear.gather [hbm4b:s4+s3], $0x5000, $0x38;
	[tilespmem:$0x7990] =	vst v63  }
0xf: {  	s16 =	simm.s32 $0x40;
	s17 =	simm.s32 $0x0  }
.LBB2_2:
0x10: {  	p1 =	sne.s32 s16, $0x4E00;
	[tilespmem:s17+$0x1390] =	vst v0;
	s17 =	smov.u32 s16;
	s16 =	sadd.s32 $0x40, s16  }
.Ltmp0:
0x11: {  	(pc) =	sbr.rel @p1 .LBB2_2-.Ltmp0, $2  }
0x12: {  	_ =	sdelay $0x2  }
0x13: {  	s17 =	sshra.s32 s17, $0x2  }
0x14: {  	[tilespmem:s17+$0x1390] =	vst v0  }
0x15: {  	[spmem:s5] =	stream.linear.scatter [tilespmem:s9], [sflag:$0x2], $0x1390, $0x38;
	[tilespmem:$0x7990] =	vst v63  }
0x16: {  	_ =	swait.ge [sflag:s10], $0x1390  }
0x17: {  	[sflag:s10] =	ssyncset.done $0x0  }
0x18: {  	[sflag:s10] =	ssyncadd.s32 $0xFFFFEC70  }
0x19: {  	[tilespmem:$0x7890] =	vst v1  }
0x1a: {  	[tilespmem:$0x78A0] =	vst v1  }
0x1b: {  	[tilespmem:$0x78B0] =	vst v1  }
0x1c: {  	[tilespmem:$0x78C0] =	vst v1  }
0x1d: {  	[tilespmem:$0x78D0] =	vst v1  }
0x1e: {  	[tilespmem:$0x78E0] =	vst v1  }
0x1f: {  	[tilespmem:$0x78F0] =	vst v1  }
0x20: {  	[tilespmem:$0x7900] =	vst v1  }
0x21: {  	[tilespmem:$0x7910] =	vst v1  }
0x22: {  	[tilespmem:$0x7920] =	vst v1  }
0x23: {  	[tilespmem:$0x7930] =	vst v1  }
0x24: {  	[tilespmem:$0x7940] =	vst v1  }
0x25: {  	[tilespmem:$0x7950] =	vst v1  }
0x26: {  	[tilespmem:$0x7960] =	vst v1  }
0x27: {  	[tilespmem:$0x7970] =	vst v1  }
0x28: {  	[tilespmem:$0x7980] =	vst v1  }
0x29: {  	_ =	swait.ge [sflag:s11], $0x5000  }
0x2a: {  	[sflag:s11] =	ssyncset.done $0x0  }
0x2b: {  	[sflag:s11] =	ssyncadd.s32 $0xFFFFB000  }
0x2c: {  	s16 =	simm.s32 $0x0;
	[bflag:$0x0] =	sbarrier.arrive $0xFFFF  }
0x2d: {  	v2 =	vld [tilespmem:s16+$0x2790];
	_ =	sdelay $0x4  }
0x2e: {  	[tilespmem:$0x7790] =	vst v2  }
0x2f: {  	v2 =	vld [tilespmem:s16+$0x27A0];
	_ =	sdelay $0x4  }
0x30: {  	[tilespmem:$0x77A0] =	vst v2  }
0x31: {  	v2 =	vld [tilespmem:s16+$0x27B0];
	_ =	sdelay $0x4  }
0x32: {  	[tilespmem:$0x77B0] =	vst v2  }
0x33: {  	v2 =	vld [tilespmem:s16+$0x27C0];
	_ =	sdelay $0x4  }
0x34: {  	[tilespmem:$0x77C0] =	vst v2  }
0x35: {  	v2 =	vld [tilespmem:s16+$0x27D0];
	_ =	sdelay $0x4  }
0x36: {  	[tilespmem:$0x77D0] =	vst v2  }
0x37: {  	v2 =	vld [tilespmem:s16+$0x27E0];
	_ =	sdelay $0x4  }
0x38: {  	[tilespmem:$0x77E0] =	vst v2  }
0x39: {  	v2 =	vld [tilespmem:s16+$0x27F0];
	_ =	sdelay $0x4  }
0x3a: {  	[tilespmem:$0x77F0] =	vst v2  }
0x3b: {  	v2 =	vld [tilespmem:s16+$0x2800];
	_ =	sdelay $0x4  }
0x3c: {  	[tilespmem:$0x7800] =	vst v2  }
0x3d: {  	v2 =	vld [tilespmem:s16+$0x2810];
	_ =	sdelay $0x4  }
0x3e: {  	[tilespmem:$0x7810] =	vst v2  }
0x3f: {  	v2 =	vld [tilespmem:s16+$0x2820];
	_ =	sdelay $0x4  }
0x40: {  	[tilespmem:$0x7820] =	vst v2  }
0x41: {  	v2 =	vld [tilespmem:s16+$0x2830];
	_ =	sdelay $0x4  }
0x42: {  	[tilespmem:$0x7830] =	vst v2  }
0x43: {  	v2 =	vld [tilespmem:s16+$0x2840];
	_ =	sdelay $0x4  }
0x44: {  	[tilespmem:$0x7840] =	vst v2  }
0x45: {  	v2 =	vld [tilespmem:s16+$0x2850];
	_ =	sdelay $0x4  }
0x46: {  	[tilespmem:$0x7850] =	vst v2  }
0x47: {  	v2 =	vld [tilespmem:s16+$0x2860];
	_ =	sdelay $0x4  }
0x48: {  	[tilespmem:$0x7860] =	vst v2  }
0x49: {  	v2 =	vld [tilespmem:s16+$0x2870];
	_ =	sdelay $0x4  }
0x4a: {  	[tilespmem:$0x7870] =	vst v2  }
0x4b: {  	v2 =	vld [tilespmem:s16+$0x2880];
	_ =	sdelay $0x4  }
0x4c: {  	[tilespmem:$0x7880] =	vst v2  }
0x4d: {  	[spmem:s2] =	stream.indirect.scatter.add.f32 [tilespmem:s14], [sflag:$0x2], $0x1, s13, s12, $0xb8;
	[tilespmem:$0x7990] =	vst v63  }
0x4e: {  	_ =	swait.ge [sflag:s10], $0x100  }
0x4f: {  	s19 =	simm.s32 $0x800;
	s16 =	simm.s32 $0x400;
	[sflag:s10] =	ssyncset.done $0x0  }
.LBB2_4:
0x50: {  	s18 =	sshra.s32 s16, $0x2  }
0x51: {  	[sflag:s10] =	ssyncadd.s32 $0xFFFFFF00;
	s16 =	smov.u32 s19;
	s17 =	sadd.s32 $0x400, s19  }
0x52: {  	p1 =	sne.s32 s19, $0x13C00;
	v2 =	vld [tilespmem:s18+$0x2790];
	_ =	sdelay $0x4  }
0x53: {  	[tilespmem:$0x7790] =	vst v2  }
0x54: {  	v2 =	vld [tilespmem:s18+$0x27A0];
	_ =	sdelay $0x4  }
0x55: {  	[tilespmem:$0x77A0] =	vst v2  }
0x56: {  	v2 =	vld [tilespmem:s18+$0x27B0];
	_ =	sdelay $0x4  }
0x57: {  	[tilespmem:$0x77B0] =	vst v2  }
0x58: {  	v2 =	vld [tilespmem:s18+$0x27C0];
	_ =	sdelay $0x4  }
0x59: {  	[tilespmem:$0x77C0] =	vst v2  }
0x5a: {  	v2 =	vld [tilespmem:s18+$0x27D0];
	_ =	sdelay $0x4  }
0x5b: {  	[tilespmem:$0x77D0] =	vst v2  }
0x5c: {  	v2 =	vld [tilespmem:s18+$0x27E0];
	_ =	sdelay $0x4  }
0x5d: {  	[tilespmem:$0x77E0] =	vst v2  }
0x5e: {  	v2 =	vld [tilespmem:s18+$0x27F0];
	_ =	sdelay $0x4  }
0x5f: {  	[tilespmem:$0x77F0] =	vst v2  }
0x60: {  	v2 =	vld [tilespmem:s18+$0x2800];
	_ =	sdelay $0x4  }
0x61: {  	[tilespmem:$0x7800] =	vst v2  }
0x62: {  	v2 =	vld [tilespmem:s18+$0x2810];
	_ =	sdelay $0x4  }
0x63: {  	[tilespmem:$0x7810] =	vst v2  }
0x64: {  	v2 =	vld [tilespmem:s18+$0x2820];
	_ =	sdelay $0x4  }
0x65: {  	[tilespmem:$0x7820] =	vst v2  }
0x66: {  	v2 =	vld [tilespmem:s18+$0x2830];
	_ =	sdelay $0x4  }
0x67: {  	[tilespmem:$0x7830] =	vst v2  }
0x68: {  	v2 =	vld [tilespmem:s18+$0x2840];
	_ =	sdelay $0x4  }
0x69: {  	[tilespmem:$0x7840] =	vst v2  }
0x6a: {  	v2 =	vld [tilespmem:s18+$0x2850];
	_ =	sdelay $0x4  }
0x6b: {  	[tilespmem:$0x7850] =	vst v2  }
0x6c: {  	v2 =	vld [tilespmem:s18+$0x2860];
	_ =	sdelay $0x4  }
0x6d: {  	[tilespmem:$0x7860] =	vst v2  }
0x6e: {  	v2 =	vld [tilespmem:s18+$0x2870];
	_ =	sdelay $0x4  }
0x6f: {  	[tilespmem:$0x7870] =	vst v2  }
0x70: {  	v2 =	vld [tilespmem:s18+$0x2880];
	_ =	sdelay $0x3  }
.Ltmp1:
0x71: {  	(pc) =	sbr.rel @p1 .LBB2_4-.Ltmp1, $4  }
0x72: {  	[tilespmem:$0x7880] =	vst v2  }
0x73: {  	[spmem:s2] =	stream.indirect.scatter.add.f32 [tilespmem:s14], [sflag:$0x2], $0x1, s13, s12, $0xb8;
	[tilespmem:$0x7990] =	vst v63  }
0x74: {  	_ =	swait.ge [sflag:s10], $0x100  }
0x75: {  	s19 =	smov.u32 s17;
	[sflag:s10] =	ssyncset.done $0x0  }
0x76: {  	s16 =	sshra.s32 s16, $0x2;
	[sflag:s10] =	ssyncadd.s32 $0xFFFFFF00  }
0x77: {  	v2 =	vld [tilespmem:s16+$0x2790];
	_ =	sdelay $0x4  }
0x78: {  	[tilespmem:$0x7790] =	vst v2  }
0x79: {  	v2 =	vld [tilespmem:s16+$0x27A0];
	_ =	sdelay $0x4  }
0x7a: {  	[tilespmem:$0x77A0] =	vst v2  }
0x7b: {  	v2 =	vld [tilespmem:s16+$0x27B0];
	_ =	sdelay $0x4  }
0x7c: {  	[tilespmem:$0x77B0] =	vst v2  }
0x7d: {  	v2 =	vld [tilespmem:s16+$0x27C0];
	_ =	sdelay $0x4  }
0x7e: {  	[tilespmem:$0x77C0] =	vst v2  }
0x7f: {  	v2 =	vld [tilespmem:s16+$0x27D0];
	_ =	sdelay $0x4  }
0x80: {  	[tilespmem:$0x77D0] =	vst v2  }
0x81: {  	v2 =	vld [tilespmem:s16+$0x27E0];
	_ =	sdelay $0x4  }
0x82: {  	[tilespmem:$0x77E0] =	vst v2  }
0x83: {  	v2 =	vld [tilespmem:s16+$0x27F0];
	_ =	sdelay $0x4  }
0x84: {  	[tilespmem:$0x77F0] =	vst v2  }
0x85: {  	v2 =	vld [tilespmem:s16+$0x2800];
	_ =	sdelay $0x4  }
0x86: {  	[tilespmem:$0x7800] =	vst v2  }
0x87: {  	v2 =	vld [tilespmem:s16+$0x2810];
	_ =	sdelay $0x4  }
0x88: {  	[tilespmem:$0x7810] =	vst v2  }
0x89: {  	v2 =	vld [tilespmem:s16+$0x2820];
	_ =	sdelay $0x4  }
0x8a: {  	[tilespmem:$0x7820] =	vst v2  }
0x8b: {  	v2 =	vld [tilespmem:s16+$0x2830];
	_ =	sdelay $0x4  }
0x8c: {  	[tilespmem:$0x7830] =	vst v2  }
0x8d: {  	v2 =	vld [tilespmem:s16+$0x2840];
	_ =	sdelay $0x4  }
0x8e: {  	[tilespmem:$0x7840] =	vst v2  }
0x8f: {  	v2 =	vld [tilespmem:s16+$0x2850];
	_ =	sdelay $0x4  }
0x90: {  	[tilespmem:$0x7850] =	vst v2  }
0x91: {  	v2 =	vld [tilespmem:s16+$0x2860];
	_ =	sdelay $0x4  }
0x92: {  	[tilespmem:$0x7860] =	vst v2  }
0x93: {  	v2 =	vld [tilespmem:s16+$0x2870];
	_ =	sdelay $0x4  }
0x94: {  	[tilespmem:$0x7870] =	vst v2  }
0x95: {  	v2 =	vld [tilespmem:s16+$0x2880];
	_ =	sdelay $0x4  }
0x96: {  	[tilespmem:$0x7880] =	vst v2  }
0x97: {  	[spmem:s2] =	stream.indirect.scatter.add.f32 [tilespmem:s14], [sflag:$0x2], $0x1, s13, s12, $0xb8;
	[tilespmem:$0x7990] =	vst v63  }
0x98: {  	_ =	swait.ge [sflag:s10], $0x100  }
0x99: {  	[sflag:s10] =	ssyncset.done $0x0  }
0x9a: {  	[sflag:s10] =	ssyncadd.s32 $0xFFFFFF00  }
0x9b: {  	s17 =	simm.s32 @!p0 $0x2;
	s16 =	simm.s32 @!p0 $0x1390;
	[bflag:$0x0] =	sbarrier.arrive $0xFFFF  }
0x9c: {  	[tilespmem:s16], [sflag:$0x2] =	stream.linear.gather @!p0 [spmem:s5], $0x1390, $0x38;
	[tilespmem:$0x7990] =	vst v63  }
0x9d: {  	s15 =	sadd.s32 $0x1, s15;
	_ =	swait.ge @!p0 [sflag:s17], $0x1390  }
0x9e: {  	p1 =	sne.s32 s15, s7;
	[sflag:s17] =	ssyncset.done @!p0 $0x0  }
.Ltmp2:
0x9f: {  	s18 =	simm.s32 @!p0 $0x0;
	[sflag:s17] =	ssyncadd.s32 @!p0 $0xFFFFEC70;
	(pc) =	sbr.rel @p1 .LBB2_1-.Ltmp2, $4  }
0xa0: {  	[hbm4b:s6+s18] =	stream.linear.scatter @!p0 [tilespmem:s16], [sflag:$0x2], $0x1390, $0x38;
	[tilespmem:$0x7990] =	vst v63  }
0xa1: {  	_ =	swait.ge @!p0 [sflag:s17], $0x1390  }
0xa2: {  	[sflag:s17] =	ssyncset.done @!p0 $0x0  }
0xa3: {  	[sflag:s17] =	ssyncadd.s32 @!p0 $0xFFFFEC70  }
0xa4: {  	_ =	sfence.sel $0x180000  }
0xa5: {  	[bflag:$0x0] =	sbarrier.arrive $0xFFFF  }
0xa6: {  	p0 =	sne.s32 s1, $0x0;
	_ =	strace $0x90000047  }
0xa7: {  	s0 =	sadd.s32 @!p0 $0x100000, s0;
	[bflag:$0x2] =	sbarrier.arrive $0xFFFF  }
0xa8: {  	[sflag:s0] =	ssyncadd.tile.s32 @!p0 $0x1;
	_ =	shalt  }
.Lfunc_end2:
_tile_overlayer_lowered:
.L_overlay_start_2:
0xa9: {  	(tag) =	ssettag $0x2  }
0xaa: {  	s0 =	rddreg [dreg:$0x0];
	s2 =	stileid.u32  }
0xab: {  	s1 =	rddreg [dreg:$0x1];
	p0 =	sne.s32 s2, $0x0  }
0xac: {  	s3 =	rddreg [dreg:$0x2];
	[bflag:$0x3] =	sbarrier.arrive $0xFFFF;
	s2 =	simm.s32 @!p0 $0x1C02  }
0xad: {  	[timem:s3], [sflag:s2] =	dma.local @!p0 [hbm:s0], s1  }
0xae: {  	s0 =	simm.s32 @!p0 $0x2  }
0xaf: {  	_ =	swait.ge @!p0 [sflag:s0], s1  }
0xb0: {  	s1 =	ssub.s32 @!p0 $0x0, s1;
	[sflag:s0] =	ssyncset.done @!p0 $0x0  }
0xb1: {  	[sflag:s0] =	ssyncadd.s32 @!p0 s1  }
0xb2: {  	[bflag:$0x3] =	sbarrier.arrive $0xFFFF  }
0xb3: {  	_ =	shalt  }

</sc_bundles>
